<compile_context>
chip_gen: v7x
topology: tpu7x:2x2x1
jax: 0.10.2.dev20260603
libtpu: 0.0.44.dev20260713+nightly
codegen_flags: <defaults>
</compile_context>

<pallas_src>
import functools
import jax
import jax.numpy as jnp
from jax import lax
from jax.experimental import pallas as pl
from jax.experimental.pallas import tpu as pltpu
from jax.experimental.pallas import tpu_sc as plsc

VOCAB = 1000
N_TOK = 1024 * 50
VPAD = 1024
LSE_PAD = 1024

_info = plsc.get_sparse_core_info()
NC, NS = _info.num_cores, _info.num_subcores
NW = NC * NS
TOK_W = N_TOK // NW
CHUNK = 32
NCHUNK = TOK_W // CHUNK


def _lse_body(tab_ref, out_ref):
    t = tab_ref[...]
    m = jnp.max(t, axis=1, keepdims=True)
    s = jnp.sum(jnp.exp(t - m), axis=1, keepdims=True)
    lse = m[:, 0] + jnp.log(s[:, 0])
    out_ref[...] = jnp.concatenate(
        [lse, jnp.zeros((LSE_PAD - VOCAB,), jnp.float32)])[:, None]


_lse_call = pl.pallas_call(
    _lse_body,
    out_shape=jax.ShapeDtypeStruct((LSE_PAD, 1), jnp.float32),
)


def _finalize_body(part_ref, out_ref):
    out_ref[...] = jnp.sum(part_ref[...]).reshape(1, 1) * (1.0 / N_TOK)


_finalize_call = pl.pallas_call(
    _finalize_body,
    out_shape=jax.ShapeDtypeStruct((1, 1), jnp.float32),
)


_sc_mesh = plsc.VectorSubcoreMesh(core_axis_name="c", subcore_axis_name="s")


@functools.partial(
    pl.kernel,
    mesh=_sc_mesh,
    compiler_params=pltpu.CompilerParams(use_tc_tiling_on_sc=True),
    out_type=[
        jax.ShapeDtypeStruct((N_TOK, 8, 128), jnp.float32),
        jax.ShapeDtypeStruct((NW, 16), jnp.float32),
    ],
    scratch_types=[
        pltpu.VMEM((NCHUNK, CHUNK), jnp.int32),
        pltpu.VMEM((NCHUNK, CHUNK), jnp.int32),
        pltpu.VMEM((LSE_PAD,), jnp.float32),
        pltpu.VMEM((CHUNK, 8, 128), jnp.float32),
        pltpu.VMEM((CHUNK, 8, 128), jnp.float32),
        pltpu.VMEM((16,), jnp.float32),
        pltpu.SemaphoreType.DMA,
        pltpu.SemaphoreType.DMA,
        pltpu.SemaphoreType.DMA,
        pltpu.SemaphoreType.DMA,
    ],
)
def _sc_gather(table_hbm, x3_hbm, y3_hbm, lse_hbm,
               logits_hbm, part_hbm,
               x_v, y_v, lse_v, rows_a, rows_b, acc_v,
               gsem_a, gsem_b, wsem_a, wsem_b):
    cid = lax.axis_index("c")
    sid = lax.axis_index("s")
    wid = sid * NC + cid
    base = wid * TOK_W

    pltpu.sync_copy(x3_hbm.at[wid], x_v)
    pltpu.sync_copy(y3_hbm.at[wid], y_v)
    pltpu.sync_copy(lse_hbm, lse_v)
    acc_v[...] = jnp.zeros((16,), jnp.float32)

    bufs = (rows_a, rows_b)
    gsems = (gsem_a, gsem_b)
    wsems = (wsem_a, wsem_b)
    iota = lax.iota(jnp.int32, 16)

    def drain_wb(p):
        pltpu.make_async_copy(bufs[p], logits_hbm.at[pl.ds(base, CHUNK)],
                              wsems[p]).wait()

    def drain_gather(p):
        pltpu.make_async_copy(table_hbm.at[pl.ds(0, CHUNK)], bufs[p],
                              gsems[p]).wait()

    pltpu.async_copy(table_hbm.at[x_v.at[0]], rows_a, gsem_a)

    def chunk_body(c, _):
        par = c % 2
        for p in range(2):
            @pl.when(par == p)
            def _():
                buf = bufs[p]
                @pl.when(c >= 1)
                def _():
                    drain_wb(1 - p)

                @pl.when(c + 1 < NCHUNK)
                def _():
                    pltpu.async_copy(table_hbm.at[x_v.at[c + 1]],
                                     bufs[1 - p], gsems[1 - p])

                drain_gather(p)
                zero = jnp.zeros((16,), jnp.float32)
                for g in range(CHUNK // 16):
                    xv = x_v[c, pl.ds(g * 16, 16)]
                    yv = y_v[c, pl.ds(g * 16, 16)]
                    for i in range(16):
                        xi = xv[i]
                        yi = yv[i]
                        tok = g * 16 + i
                        lse_sl = lse_v[pl.ds((xi >> 4) << 4, 16)]
                        tgt_sl = buf[tok, yi >> 7,
                                     pl.ds(((yi >> 4) & 7) << 4, 16)]
                        acc_v[...] = (
                            acc_v[...]
                            + jnp.where(iota == (xi & 15), lse_sl, zero)
                            - jnp.where(iota == (yi & 15), tgt_sl, zero))
                pltpu.async_copy(
                    buf, logits_hbm.at[pl.ds(base + c * CHUNK, CHUNK)],
                    wsems[p])
        return 0

    lax.fori_loop(0, NCHUNK, chunk_body, 0)
    drain_wb((NCHUNK - 1) % 2)

    pltpu.sync_copy(acc_v, part_hbm.at[wid])


def kernel(x, y, table):
    B, S = x.shape
    x3 = x.astype(jnp.int32).reshape(NW, NCHUNK, CHUNK)
    y3 = y.astype(jnp.int32).reshape(NW, NCHUNK, CHUNK)
    table3 = jnp.pad(table, ((0, 0), (0, VPAD - VOCAB))).reshape(VOCAB, 8, 128)
    lse = _lse_call(table).reshape(LSE_PAD)
    out3, partials = _sc_gather(table3, x3, y3, lse)
    loss = _finalize_call(partials)[0, 0]
    logits = out3.reshape(B, S, 8, 128).reshape(B, S, VPAD)[:, :, :VOCAB]
    return (logits, loss)

# --- scband reference (transcript-rebuilt; emitter-appended) ---
"""Pipeline reference for scband-bigram-language-model-65429531787786 (READ-ONLY COPY).

The authoritative reference and input builder live on the scoring server;
editing this copy changes nothing except your own understanding.
"""

import jax, jax.numpy as jnp
import numpy as np

VOCAB = 1000
BATCH = 1024
SEQ = 50

def setup_inputs(seed: int = 0) -> dict:
    key = jax.random.key(seed)
    k1, k2, k3 = jax.random.split(key, 3)
    x = jax.random.randint(k1, (BATCH, SEQ), 0, VOCAB)
    y = jax.random.randint(k2, (BATCH, SEQ), 0, VOCAB)
    # nn.Embedding default init: N(0, 1)
    table = jax.random.normal(k3, (VOCAB, VOCAB), dtype=jnp.float32)
    return {"x": x, "y": y, "table": table}

def reference(x, y, table):
    # logits = self.embedding(x)
    logits = jnp.take(table, x, axis=0)  # [B, S, V]
    B, S, V = logits.shape
    flat_logits = logits.reshape(B * S, V)
    flat_targets = y.reshape(B * S)
    # F.cross_entropy = mean over tokens of -log_softmax(logits)[target]
    logp = jax.nn.log_softmax(flat_logits, axis=-1)
    nll = -jnp.take_along_axis(logp, flat_targets[:, None], axis=1)[:, 0]
    loss = jnp.mean(nll)
    return (logits, loss)

if __name__ == "__main__":
    import jax
    _d = setup_inputs()
    print(jax.jit(kernel)(*tuple(_d.values())))

</pallas_src>

<mosaic_0001>
#map = affine_map<(d0, d1) -> (0, 0, 0)>
#map1 = affine_map<(d0, d1) -> (0)>
#map2 = affine_map<(d0, d1) -> (0, 0)>
module attributes {stable_mosaic.version = 14 : i64} {
  func.func @_sc_gather(%arg0: i32, %arg1: i32, %arg2: memref<1000x8x128xf32, #tpu.memory_space<hbm>>, %arg3: memref<32x50x32xi32, #tpu.memory_space<hbm>>, %arg4: memref<32x50x32xi32, #tpu.memory_space<hbm>>, %arg5: memref<1024xf32, #tpu.memory_space<hbm>>, %arg6: memref<51200x8x128xf32, #tpu.memory_space<hbm>>, %arg7: memref<32x16xf32, #tpu.memory_space<hbm>>, %arg8: memref<50x32xi32, #tpu.memory_space<vmem>>, %arg9: memref<50x32xi32, #tpu.memory_space<vmem>>, %arg10: memref<1024xf32, #tpu.memory_space<vmem>>, %arg11: memref<32x8x128xf32, #tpu.memory_space<vmem>>, %arg12: memref<32x8x128xf32, #tpu.memory_space<vmem>>, %arg13: memref<16xf32, #tpu.memory_space<vmem>>, %arg14: memref<!tpu.dma_semaphore, #tpu.memory_space<semaphore_mem>>, %arg15: memref<!tpu.dma_semaphore, #tpu.memory_space<semaphore_mem>>, %arg16: memref<!tpu.dma_semaphore, #tpu.memory_space<semaphore_mem>>, %arg17: memref<!tpu.dma_semaphore, #tpu.memory_space<semaphore_mem>>) attributes {dimension_semantics = [#tpu.dimension_semantics<core_parallel>, #tpu.dimension_semantics<subcore_parallel>], iteration_bounds = array<i64: 2, 16>, scalar_prefetch = 0 : i64, scratch_operands = 10 : i64, tpu.core_type = #tpu.core_type<sc_vector_subcore>, window_params = [{transform_indices = #map}, {transform_indices = #map}, {transform_indices = #map}, {transform_indices = #map1}, {transform_indices = #map}, {transform_indices = #map2}]} {
    %mul3A = arith.constant 2 : i32
    %mul3A_0 = arith.muli %arg1, %mul3A : i32
    %add3A = arith.addi %mul3A_0, %arg0 : i32
    %mul3A_1 = arith.constant 1600 : i32
    %mul3A_2 = arith.muli %add3A, %mul3A_1 : i32
    "tpu.region"() ({
      %run_scoped3A = tpu.sem_alloc : memref<!tpu.dma_semaphore, #tpu.memory_space<semaphore_mem>>
      %dma_start3A_25 = arith.constant 0 : i32
      %dma_start3A_26 = arith.constant 0 : i32
      %dma_start3A_27 = tpu.memref_slice %arg3[%add3A, %dma_start3A_25, %dma_start3A_26] : memref<32x50x32xi32, #tpu.memory_space<hbm>> -> memref<1x50x32xi32, #tpu.memory_space<hbm>>
      %dma_start3A_28 = tpu.memref_squeeze %dma_start3A_27 : memref<1x50x32xi32, #tpu.memory_space<hbm>> -> memref<50x32xi32, #tpu.memory_space<hbm>>
      %dma_start3A_29 = arith.constant 0 : i32
      %dma_start3A_30 = arith.constant 0 : i32
      %dma_start3A_31 = tpu.memref_slice %arg3[%add3A, %dma_start3A_29, %dma_start3A_30] : memref<32x50x32xi32, #tpu.memory_space<hbm>> -> memref<1x50x32xi32, #tpu.memory_space<hbm>>
      %dma_start3A_32 = tpu.memref_squeeze %dma_start3A_31 : memref<1x50x32xi32, #tpu.memory_space<hbm>> -> memref<50x32xi32, #tpu.memory_space<hbm>>
      tpu.enqueue_dma source(%dma_start3A_32 : memref<50x32xi32, #tpu.memory_space<hbm>>) target(%arg8 : memref<50x32xi32, #tpu.memory_space<vmem>>) target_semaphore(%run_scoped3A : memref<!tpu.dma_semaphore, #tpu.memory_space<semaphore_mem>>)
      %dma_wait3A_33 = arith.constant 0 : i32
      %dma_wait3A_34 = arith.constant 0 : i32
      %dma_wait3A_35 = tpu.memref_slice %arg3[%add3A, %dma_wait3A_33, %dma_wait3A_34] : memref<32x50x32xi32, #tpu.memory_space<hbm>> -> memref<1x50x32xi32, #tpu.memory_space<hbm>>
      %dma_wait3A_36 = tpu.memref_squeeze %dma_wait3A_35 : memref<1x50x32xi32, #tpu.memory_space<hbm>> -> memref<50x32xi32, #tpu.memory_space<hbm>>
      %dma_wait3A_37 = arith.constant 0 : i32
      %dma_wait3A_38 = arith.constant 0 : i32
      %dma_wait3A_39 = tpu.memref_slice %arg3[%add3A, %dma_wait3A_37, %dma_wait3A_38] : memref<32x50x32xi32, #tpu.memory_space<hbm>> -> memref<1x50x32xi32, #tpu.memory_space<hbm>>
      %dma_wait3A_40 = tpu.memref_squeeze %dma_wait3A_39 : memref<1x50x32xi32, #tpu.memory_space<hbm>> -> memref<50x32xi32, #tpu.memory_space<hbm>>
      tpu.wait_dma2 semaphore(%run_scoped3A : memref<!tpu.dma_semaphore, #tpu.memory_space<semaphore_mem>>) src(%dma_wait3A_40 : memref<50x32xi32, #tpu.memory_space<hbm>>) dst(%arg8 : memref<50x32xi32, #tpu.memory_space<vmem>>)
      tpu.yield
    }) : () -> ()
    "tpu.region"() ({
      %run_scoped3A = tpu.sem_alloc : memref<!tpu.dma_semaphore, #tpu.memory_space<semaphore_mem>>
      %dma_start3A_25 = arith.constant 0 : i32
      %dma_start3A_26 = arith.constant 0 : i32
      %dma_start3A_27 = tpu.memref_slice %arg4[%add3A, %dma_start3A_25, %dma_start3A_26] : memref<32x50x32xi32, #tpu.memory_space<hbm>> -> memref<1x50x32xi32, #tpu.memory_space<hbm>>
      %dma_start3A_28 = tpu.memref_squeeze %dma_start3A_27 : memref<1x50x32xi32, #tpu.memory_space<hbm>> -> memref<50x32xi32, #tpu.memory_space<hbm>>
      %dma_start3A_29 = arith.constant 0 : i32
      %dma_start3A_30 = arith.constant 0 : i32
      %dma_start3A_31 = tpu.memref_slice %arg4[%add3A, %dma_start3A_29, %dma_start3A_30] : memref<32x50x32xi32, #tpu.memory_space<hbm>> -> memref<1x50x32xi32, #tpu.memory_space<hbm>>
      %dma_start3A_32 = tpu.memref_squeeze %dma_start3A_31 : memref<1x50x32xi32, #tpu.memory_space<hbm>> -> memref<50x32xi32, #tpu.memory_space<hbm>>
      tpu.enqueue_dma source(%dma_start3A_32 : memref<50x32xi32, #tpu.memory_space<hbm>>) target(%arg9 : memref<50x32xi32, #tpu.memory_space<vmem>>) target_semaphore(%run_scoped3A : memref<!tpu.dma_semaphore, #tpu.memory_space<semaphore_mem>>)
      %dma_wait3A_33 = arith.constant 0 : i32
      %dma_wait3A_34 = arith.constant 0 : i32
      %dma_wait3A_35 = tpu.memref_slice %arg4[%add3A, %dma_wait3A_33, %dma_wait3A_34] : memref<32x50x32xi32, #tpu.memory_space<hbm>> -> memref<1x50x32xi32, #tpu.memory_space<hbm>>
      %dma_wait3A_36 = tpu.memref_squeeze %dma_wait3A_35 : memref<1x50x32xi32, #tpu.memory_space<hbm>> -> memref<50x32xi32, #tpu.memory_space<hbm>>
      %dma_wait3A_37 = arith.constant 0 : i32
      %dma_wait3A_38 = arith.constant 0 : i32
      %dma_wait3A_39 = tpu.memref_slice %arg4[%add3A, %dma_wait3A_37, %dma_wait3A_38] : memref<32x50x32xi32, #tpu.memory_space<hbm>> -> memref<1x50x32xi32, #tpu.memory_space<hbm>>
      %dma_wait3A_40 = tpu.memref_squeeze %dma_wait3A_39 : memref<1x50x32xi32, #tpu.memory_space<hbm>> -> memref<50x32xi32, #tpu.memory_space<hbm>>
      tpu.wait_dma2 semaphore(%run_scoped3A : memref<!tpu.dma_semaphore, #tpu.memory_space<semaphore_mem>>) src(%dma_wait3A_40 : memref<50x32xi32, #tpu.memory_space<hbm>>) dst(%arg9 : memref<50x32xi32, #tpu.memory_space<vmem>>)
      tpu.yield
    }) : () -> ()
    "tpu.region"() ({
      %run_scoped3A = tpu.sem_alloc : memref<!tpu.dma_semaphore, #tpu.memory_space<semaphore_mem>>
      tpu.enqueue_dma source(%arg5 : memref<1024xf32, #tpu.memory_space<hbm>>) target(%arg10 : memref<1024xf32, #tpu.memory_space<vmem>>) target_semaphore(%run_scoped3A : memref<!tpu.dma_semaphore, #tpu.memory_space<semaphore_mem>>)
      tpu.wait_dma2 semaphore(%run_scoped3A : memref<!tpu.dma_semaphore, #tpu.memory_space<semaphore_mem>>) src(%arg5 : memref<1024xf32, #tpu.memory_space<hbm>>) dst(%arg10 : memref<1024xf32, #tpu.memory_space<vmem>>)
      tpu.yield
    }) : () -> ()
    %broadcast_in_dim3A = arith.constant 0.000000e+00 : f32
    %broadcast_in_dim3A_3 = vector.broadcast %broadcast_in_dim3A : f32 to vector<16xf32>
    %swap3A = arith.constant 0 : index
    %swap3A_4 = tpu.vector_load %arg13[%swap3A] {strides = array<i32>} : memref<16xf32, #tpu.memory_space<vmem>>, vector<16xf32>,
    %swap3A_5 = vector.shape_cast %swap3A_4 : vector<16xf32> to vector<16xf32>
    %swap3A_6 = vector.shape_cast %broadcast_in_dim3A_3 : vector<16xf32> to vector<16xf32>
    tpu.vector_store %arg13[%swap3A], %swap3A_6 {strides = array<i32>} : memref<16xf32, #tpu.memory_space<vmem>>, vector<16xf32>,
    %iota3A = tpu.iota {dimensions = array<i32: 0>} : vector<16xi32>
    %dma_start3A = arith.constant 0 : i32
    %dma_start3A_7 = arith.constant 0 : i32
    %dma_start3A_8 = tpu.memref_slice %arg8[%dma_start3A, %dma_start3A_7] : memref<50x32xi32, #tpu.memory_space<vmem>> -> memref<1x32xi32, #tpu.memory_space<vmem>>
    %dma_start3A_9 = tpu.memref_squeeze %dma_start3A_8 : memref<1x32xi32, #tpu.memory_space<vmem>> -> memref<32xi32, #tpu.memory_space<vmem>>
    %dma_start3A_10 = arith.constant 0 : i32
    %dma_start3A_11 = arith.constant 0 : i32
    %dma_start3A_12 = arith.constant 0 : i32
    %dma_start3A_13 = tpu.memref_slice %arg2[%dma_start3A_10, %dma_start3A_11, %dma_start3A_12] : memref<1000x8x128xf32, #tpu.memory_space<hbm>> -> memref<1000x8x128xf32, #tpu.memory_space<hbm>>
    tpu.enqueue_indirect_dma source(%dma_start3A_13 : memref<1000x8x128xf32, #tpu.memory_space<hbm>>) target(%arg11 : memref<32x8x128xf32, #tpu.memory_space<vmem>>) offsets(%dma_start3A_9 : memref<32xi32, #tpu.memory_space<vmem>>) semaphore(%arg14 : memref<!tpu.dma_semaphore, #tpu.memory_space<semaphore_mem>>)
    %scan3A = arith.constant 0 : i32
    %scan3A_14 = arith.constant 0 : i32
    %scan3A_15 = arith.constant 50 : i32
    %scan3A_16 = arith.addi %scan3A_14, %scan3A_15 : i32
    %scan3A_17 = arith.constant 1 : i32
    %scan3A_18 = scf.for %scan3A_25 = %scan3A_14 to %scan3A_16 step %scan3A_17 iter_args(%scan3A_26 = %scan3A) -> (i32)  : i32 {
      %jit3A = arith.constant 2 : i32
      %eq3A = arith.constant 0 : i32
      %eq3A_27 = arith.cmpi eq, %jit3A, %eq3A : i32
      %jit3A_28 = arith.constant 1 : i32
      %select_n3A = arith.select %eq3A_27, %jit3A_28, %jit3A : i32
      %rem3A = arith.remsi %scan3A_25, %select_n3A : i32
      %ne3A = arith.constant 0 : i32
      %ne3A_29 = arith.cmpi ne, %rem3A, %ne3A : i32
      %lt3A = arith.constant 0 : i32
      %lt3A_30 = arith.cmpi slt, %rem3A, %lt3A : i32
      %lt3A_31 = arith.constant 0 : i32
      %lt3A_32 = arith.cmpi slt, %select_n3A, %lt3A_31 : i32
      %ne3A_33 = arith.xori %lt3A_30, %lt3A_32 : i1
      %and3A = arith.andi %ne3A_33, %ne3A_29 : i1
      %add3A_34 = arith.addi %rem3A, %select_n3A : i32
      %select_n3A_35 = arith.select %and3A, %add3A_34, %rem3A : i32
      %eq3A_36 = arith.constant 0 : i32
      %eq3A_37 = arith.cmpi eq, %select_n3A_35, %eq3A_36 : i32
      %convert_element_type3A = arith.extui %eq3A_37 : i1 to i32
      %cond3A = arith.constant 0 : i32
      %cond3A_38 = arith.cmpi ne, %convert_element_type3A, %cond3A : i32
      scf.if %cond3A_38 {
        %ge3A = arith.constant 1 : i32
        %ge3A_45 = arith.cmpi sge, %scan3A_25, %ge3A : i32
        %convert_element_type3A_46 = arith.extui %ge3A_45 : i1 to i32
        %cond3A_47 = arith.constant 0 : i32
        %cond3A_48 = arith.cmpi ne, %convert_element_type3A_46, %cond3A_47 : i32
        scf.if %cond3A_48 {
          %dma_wait3A_1493 = arith.constant 0 : i32
          %dma_wait3A_1494 = arith.constant 0 : i32
          %dma_wait3A_1495 = tpu.memref_slice %arg6[%mul3A_2, %dma_wait3A_1493, %dma_wait3A_1494] : memref<51200x8x128xf32, #tpu.memory_space<hbm>> -> memref<32x8x128xf32, #tpu.memory_space<hbm>>
          %dma_wait3A_1496 = arith.constant 0 : i32
          %dma_wait3A_1497 = arith.constant 0 : i32
          %dma_wait3A_1498 = tpu.memref_slice %arg6[%mul3A_2, %dma_wait3A_1496, %dma_wait3A_1497] : memref<51200x8x128xf32, #tpu.memory_space<hbm>> -> memref<32x8x128xf32, #tpu.memory_space<hbm>>
          tpu.wait_dma2 semaphore(%arg17 : memref<!tpu.dma_semaphore, #tpu.memory_space<semaphore_mem>>) src(%arg12 : memref<32x8x128xf32, #tpu.memory_space<vmem>>) dst(%dma_wait3A_1498 : memref<32x8x128xf32, #tpu.memory_space<hbm>>)
        } else {
        }
        %add3A_49 = arith.constant 1 : i32
        %add3A_50 = arith.addi %scan3A_25, %add3A_49 : i32
        %lt3A_51 = arith.constant 50 : i32
        %lt3A_52 = arith.cmpi slt, %add3A_50, %lt3A_51 : i32
        %convert_element_type3A_53 = arith.extui %lt3A_52 : i1 to i32
        %cond3A_54 = arith.constant 0 : i32
        %cond3A_55 = arith.cmpi ne, %convert_element_type3A_53, %cond3A_54 : i32
        scf.if %cond3A_55 {
          %add3A_1493 = arith.constant 1 : i32
          %add3A_1494 = arith.addi %scan3A_25, %add3A_1493 : i32
          %dma_start3A_1495 = arith.constant 0 : i32
          %dma_start3A_1496 = tpu.memref_slice %arg8[%add3A_1494, %dma_start3A_1495] : memref<50x32xi32, #tpu.memory_space<vmem>> -> memref<1x32xi32, #tpu.memory_space<vmem>>
          %dma_start3A_1497 = tpu.memref_squeeze %dma_start3A_1496 : memref<1x32xi32, #tpu.memory_space<vmem>> -> memref<32xi32, #tpu.memory_space<vmem>>
          %dma_start3A_1498 = arith.constant 0 : i32
          %dma_start3A_1499 = arith.constant 0 : i32
          %dma_start3A_1500 = arith.constant 0 : i32
          %dma_start3A_1501 = tpu.memref_slice %arg2[%dma_start3A_1498, %dma_start3A_1499, %dma_start3A_1500] : memref<1000x8x128xf32, #tpu.memory_space<hbm>> -> memref<1000x8x128xf32, #tpu.memory_space<hbm>>
          tpu.enqueue_indirect_dma source(%dma_start3A_1501 : memref<1000x8x128xf32, #tpu.memory_space<hbm>>) target(%arg12 : memref<32x8x128xf32, #tpu.memory_space<vmem>>) offsets(%dma_start3A_1497 : memref<32xi32, #tpu.memory_space<vmem>>) semaphore(%arg15 : memref<!tpu.dma_semaphore, #tpu.memory_space<semaphore_mem>>)
        } else {
        }
        %dma_wait3A_56 = arith.constant 0 : i32
        %dma_wait3A_57 = arith.constant 0 : i32
        %dma_wait3A_58 = arith.constant 0 : i32
        %dma_wait3A_59 = tpu.memref_slice %arg2[%dma_wait3A_56, %dma_wait3A_57, %dma_wait3A_58] : memref<1000x8x128xf32, #tpu.memory_space<hbm>> -> memref<32x8x128xf32, #tpu.memory_space<hbm>>
        %dma_wait3A_60 = arith.constant 0 : i32
        %dma_wait3A_61 = arith.constant 0 : i32
        %dma_wait3A_62 = arith.constant 0 : i32
        %dma_wait3A_63 = tpu.memref_slice %arg2[%dma_wait3A_60, %dma_wait3A_61, %dma_wait3A_62] : memref<1000x8x128xf32, #tpu.memory_space<hbm>> -> memref<32x8x128xf32, #tpu.memory_space<hbm>>
        tpu.wait_dma2 semaphore(%arg14 : memref<!tpu.dma_semaphore, #tpu.memory_space<semaphore_mem>>) src(%dma_wait3A_63 : memref<32x8x128xf32, #tpu.memory_space<hbm>>) dst(%arg11 : memref<32x8x128xf32, #tpu.memory_space<vmem>>)
        %broadcast_in_dim3A_64 = arith.constant 0.000000e+00 : f32
        %broadcast_in_dim3A_65 = vector.broadcast %broadcast_in_dim3A_64 : f32 to vector<16xf32>
        %get3A = arith.index_cast %scan3A_25 : i32 to index
        %get3A_66 = arith.constant 0 : index
        %get3A_67 = tpu.vector_load %arg8[%get3A, %get3A_66] {strides = array<i32>} : memref<50x32xi32, #tpu.memory_space<vmem>>, vector<1x16xi32>,
        %get3A_68 = vector.shape_cast %get3A_67 : vector<1x16xi32> to vector<16xi32>
        %get3A_69 = arith.index_cast %scan3A_25 : i32 to index
        %get3A_70 = arith.constant 0 : index
        %get3A_71 = tpu.vector_load %arg9[%get3A_69, %get3A_70] {strides = array<i32>} : memref<50x32xi32, #tpu.memory_space<vmem>>, vector<1x16xi32>,
        %get3A_72 = vector.shape_cast %get3A_71 : vector<1x16xi32> to vector<16xi32>
        %slice3A = vector.extract_strided_slice %get3A_68 {offsets = [0], sizes = [1], strides = [1]} : vector<16xi32> to vector<1xi32>
        %squeeze3A = vector.extract %slice3A[0] : i32 from vector<1xi32>
        %slice3A_73 = vector.extract_strided_slice %get3A_72 {offsets = [0], sizes = [1], strides = [1]} : vector<16xi32> to vector<1xi32>
        %squeeze3A_74 = vector.extract %slice3A_73[0] : i32 from vector<1xi32>
        %shift_right_arithmetic3A = arith.constant 4 : i32
        %shift_right_arithmetic3A_75 = arith.shrsi %squeeze3A, %shift_right_arithmetic3A : i32
        %shift_left3A = arith.constant 4 : i32
        %shift_left3A_76 = arith.shli %shift_right_arithmetic3A_75, %shift_left3A : i32
        %get3A_77 = arith.index_cast %shift_left3A_76 : i32 to index
        %get3A_78 = tpu.vector_load %arg10[%get3A_77] {strides = array<i32>} : memref<1024xf32, #tpu.memory_space<vmem>>, vector<16xf32>,
        %get3A_79 = vector.shape_cast %get3A_78 : vector<16xf32> to vector<16xf32>
        %shift_right_arithmetic3A_80 = arith.constant 7 : i32
        %shift_right_arithmetic3A_81 = arith.shrsi %squeeze3A_74, %shift_right_arithmetic3A_80 : i32
        %shift_right_arithmetic3A_82 = arith.constant 4 : i32
        %shift_right_arithmetic3A_83 = arith.shrsi %squeeze3A_74, %shift_right_arithmetic3A_82 : i32
        %and3A_84 = arith.constant 7 : i32
        %and3A_85 = arith.andi %shift_right_arithmetic3A_83, %and3A_84 : i32
        %shift_left3A_86 = arith.constant 4 : i32
        %shift_left3A_87 = arith.shli %and3A_85, %shift_left3A_86 : i32
        %get3A_88 = arith.constant 0 : i32
        %get3A_89 = arith.index_cast %get3A_88 : i32 to index
        %get3A_90 = arith.index_cast %shift_right_arithmetic3A_81 : i32 to index
        %get3A_91 = arith.index_cast %shift_left3A_87 : i32 to index
        %get3A_92 = tpu.vector_load %arg11[%get3A_89, %get3A_90, %get3A_91] {strides = array<i32>} : memref<32x8x128xf32, #tpu.memory_space<vmem>>, vector<1x1x16xf32>,
        %get3A_93 = vector.shape_cast %get3A_92 : vector<1x1x16xf32> to vector<16xf32>
        %get3A_94 = arith.constant 0 : index
        %get3A_95 = tpu.vector_load %arg13[%get3A_94] {strides = array<i32>} : memref<16xf32, #tpu.memory_space<vmem>>, vector<16xf32>,
        %get3A_96 = vector.shape_cast %get3A_95 : vector<16xf32> to vector<16xf32>
        %and3A_97 = arith.constant 15 : i32
        %and3A_98 = arith.andi %squeeze3A, %and3A_97 : i32
        %eq3A_99 = vector.broadcast %and3A_98 : i32 to vector<16xi32>
        %eq3A_100 = arith.cmpi eq, %iota3A, %eq3A_99 : vector<16xi32>
        %select_n3A_101 = arith.select %eq3A_100, %get3A_79, %broadcast_in_dim3A_65 : vector<16xi1>, vector<16xf32>
        %add3A_102 = arith.addf %get3A_96, %select_n3A_101 : vector<16xf32>
        %and3A_103 = arith.constant 15 : i32
        %and3A_104 = arith.andi %squeeze3A_74, %and3A_103 : i32
        %eq3A_105 = vector.broadcast %and3A_104 : i32 to vector<16xi32>
        %eq3A_106 = arith.cmpi eq, %iota3A, %eq3A_105 : vector<16xi32>
        %select_n3A_107 = arith.select %eq3A_106, %get3A_93, %broadcast_in_dim3A_65 : vector<16xi1>, vector<16xf32>
        %sub3A = arith.subf %add3A_102, %select_n3A_107 : vector<16xf32>
        %swap3A_108 = arith.constant 0 : index
        %swap3A_109 = tpu.vector_load %arg13[%swap3A_108] {strides = array<i32>} : memref<16xf32, #tpu.memory_space<vmem>>, vector<16xf32>,
        %swap3A_110 = vector.shape_cast %swap3A_109 : vector<16xf32> to vector<16xf32>
        %swap3A_111 = vector.shape_cast %sub3A : vector<16xf32> to vector<16xf32>
        tpu.vector_store %arg13[%swap3A_108], %swap3A_111 {strides = array<i32>} : memref<16xf32, #tpu.memory_space<vmem>>, vector<16xf32>,
        %slice3A_112 = vector.extract_strided_slice %get3A_68 {offsets = [1], sizes = [1], strides = [1]} : vector<16xi32> to vector<1xi32>
        %squeeze3A_113 = vector.extract %slice3A_112[0] : i32 from vector<1xi32>
        %slice3A_114 = vector.extract_strided_slice %get3A_72 {offsets = [1], sizes = [1], strides = [1]} : vector<16xi32> to vector<1xi32>
        %squeeze3A_115 = vector.extract %slice3A_114[0] : i32 from vector<1xi32>
        %shift_right_arithmetic3A_116 = arith.constant 4 : i32
        %shift_right_arithmetic3A_117 = arith.shrsi %squeeze3A_113, %shift_right_arithmetic3A_116 : i32
        %shift_left3A_118 = arith.constant 4 : i32
        %shift_left3A_119 = arith.shli %shift_right_arithmetic3A_117, %shift_left3A_118 : i32
        %get3A_120 = arith.index_cast %shift_left3A_119 : i32 to index
        %get3A_121 = tpu.vector_load %arg10[%get3A_120] {strides = array<i32>} : memref<1024xf32, #tpu.memory_space<vmem>>, vector<16xf32>,
        %get3A_122 = vector.shape_cast %get3A_121 : vector<16xf32> to vector<16xf32>
        %shift_right_arithmetic3A_123 = arith.constant 7 : i32
        %shift_right_arithmetic3A_124 = arith.shrsi %squeeze3A_115, %shift_right_arithmetic3A_123 : i32
        %shift_right_arithmetic3A_125 = arith.constant 4 : i32
        %shift_right_arithmetic3A_126 = arith.shrsi %squeeze3A_115, %shift_right_arithmetic3A_125 : i32
        %and3A_127 = arith.constant 7 : i32
        %and3A_128 = arith.andi %shift_right_arithmetic3A_126, %and3A_127 : i32
        %shift_left3A_129 = arith.constant 4 : i32
        %shift_left3A_130 = arith.shli %and3A_128, %shift_left3A_129 : i32
        %get3A_131 = arith.constant 1 : i32
        %get3A_132 = arith.index_cast %get3A_131 : i32 to index
        %get3A_133 = arith.index_cast %shift_right_arithmetic3A_124 : i32 to index
        %get3A_134 = arith.index_cast %shift_left3A_130 : i32 to index
        %get3A_135 = tpu.vector_load %arg11[%get3A_132, %get3A_133, %get3A_134] {strides = array<i32>} : memref<32x8x128xf32, #tpu.memory_space<vmem>>, vector<1x1x16xf32>,
        %get3A_136 = vector.shape_cast %get3A_135 : vector<1x1x16xf32> to vector<16xf32>
        %get3A_137 = arith.constant 0 : index
        %get3A_138 = tpu.vector_load %arg13[%get3A_137] {strides = array<i32>} : memref<16xf32, #tpu.memory_space<vmem>>, vector<16xf32>,
        %get3A_139 = vector.shape_cast %get3A_138 : vector<16xf32> to vector<16xf32>
        %and3A_140 = arith.constant 15 : i32
        %and3A_141 = arith.andi %squeeze3A_113, %and3A_140 : i32
        %eq3A_142 = vector.broadcast %and3A_141 : i32 to vector<16xi32>
        %eq3A_143 = arith.cmpi eq, %iota3A, %eq3A_142 : vector<16xi32>
        %select_n3A_144 = arith.select %eq3A_143, %get3A_122, %broadcast_in_dim3A_65 : vector<16xi1>, vector<16xf32>
        %add3A_145 = arith.addf %get3A_139, %select_n3A_144 : vector<16xf32>
        %and3A_146 = arith.constant 15 : i32
        %and3A_147 = arith.andi %squeeze3A_115, %and3A_146 : i32
        %eq3A_148 = vector.broadcast %and3A_147 : i32 to vector<16xi32>
        %eq3A_149 = arith.cmpi eq, %iota3A, %eq3A_148 : vector<16xi32>
        %select_n3A_150 = arith.select %eq3A_149, %get3A_136, %broadcast_in_dim3A_65 : vector<16xi1>, vector<16xf32>
        %sub3A_151 = arith.subf %add3A_145, %select_n3A_150 : vector<16xf32>
        %swap3A_152 = arith.constant 0 : index
        %swap3A_153 = tpu.vector_load %arg13[%swap3A_152] {strides = array<i32>} : memref<16xf32, #tpu.memory_space<vmem>>, vector<16xf32>,
        %swap3A_154 = vector.shape_cast %swap3A_153 : vector<16xf32> to vector<16xf32>
        %swap3A_155 = vector.shape_cast %sub3A_151 : vector<16xf32> to vector<16xf32>
        tpu.vector_store %arg13[%swap3A_152], %swap3A_155 {strides = array<i32>} : memref<16xf32, #tpu.memory_space<vmem>>, vector<16xf32>,
        %slice3A_156 = vector.extract_strided_slice %get3A_68 {offsets = [2], sizes = [1], strides = [1]} : vector<16xi32> to vector<1xi32>
        %squeeze3A_157 = vector.extract %slice3A_156[0] : i32 from vector<1xi32>
        %slice3A_158 = vector.extract_strided_slice %get3A_72 {offsets = [2], sizes = [1], strides = [1]} : vector<16xi32> to vector<1xi32>
        %squeeze3A_159 = vector.extract %slice3A_158[0] : i32 from vector<1xi32>
        %shift_right_arithmetic3A_160 = arith.constant 4 : i32
        %shift_right_arithmetic3A_161 = arith.shrsi %squeeze3A_157, %shift_right_arithmetic3A_160 : i32
        %shift_left3A_162 = arith.constant 4 : i32
        %shift_left3A_163 = arith.shli %shift_right_arithmetic3A_161, %shift_left3A_162 : i32
        %get3A_164 = arith.index_cast %shift_left3A_163 : i32 to index
        %get3A_165 = tpu.vector_load %arg10[%get3A_164] {strides = array<i32>} : memref<1024xf32, #tpu.memory_space<vmem>>, vector<16xf32>,
        %get3A_166 = vector.shape_cast %get3A_165 : vector<16xf32> to vector<16xf32>
        %shift_right_arithmetic3A_167 = arith.constant 7 : i32
        %shift_right_arithmetic3A_168 = arith.shrsi %squeeze3A_159, %shift_right_arithmetic3A_167 : i32
        %shift_right_arithmetic3A_169 = arith.constant 4 : i32
        %shift_right_arithmetic3A_170 = arith.shrsi %squeeze3A_159, %shift_right_arithmetic3A_169 : i32
        %and3A_171 = arith.constant 7 : i32
        %and3A_172 = arith.andi %shift_right_arithmetic3A_170, %and3A_171 : i32
        %shift_left3A_173 = arith.constant 4 : i32
        %shift_left3A_174 = arith.shli %and3A_172, %shift_left3A_173 : i32
        %get3A_175 = arith.constant 2 : i32
        %get3A_176 = arith.index_cast %get3A_175 : i32 to index
        %get3A_177 = arith.index_cast %shift_right_arithmetic3A_168 : i32 to index
        %get3A_178 = arith.index_cast %shift_left3A_174 : i32 to index
        %get3A_179 = tpu.vector_load %arg11[%get3A_176, %get3A_177, %get3A_178] {strides = array<i32>} : memref<32x8x128xf32, #tpu.memory_space<vmem>>, vector<1x1x16xf32>,
        %get3A_180 = vector.shape_cast %get3A_179 : vector<1x1x16xf32> to vector<16xf32>
        %get3A_181 = arith.constant 0 : index
        %get3A_182 = tpu.vector_load %arg13[%get3A_181] {strides = array<i32>} : memref<16xf32, #tpu.memory_space<vmem>>, vector<16xf32>,
        %get3A_183 = vector.shape_cast %get3A_182 : vector<16xf32> to vector<16xf32>
        %and3A_184 = arith.constant 15 : i32
        %and3A_185 = arith.andi %squeeze3A_157, %and3A_184 : i32
        %eq3A_186 = vector.broadcast %and3A_185 : i32 to vector<16xi32>
        %eq3A_187 = arith.cmpi eq, %iota3A, %eq3A_186 : vector<16xi32>
        %select_n3A_188 = arith.select %eq3A_187, %get3A_166, %broadcast_in_dim3A_65 : vector<16xi1>, vector<16xf32>
        %add3A_189 = arith.addf %get3A_183, %select_n3A_188 : vector<16xf32>
        %and3A_190 = arith.constant 15 : i32
        %and3A_191 = arith.andi %squeeze3A_159, %and3A_190 : i32
        %eq3A_192 = vector.broadcast %and3A_191 : i32 to vector<16xi32>
        %eq3A_193 = arith.cmpi eq, %iota3A, %eq3A_192 : vector<16xi32>
        %select_n3A_194 = arith.select %eq3A_193, %get3A_180, %broadcast_in_dim3A_65 : vector<16xi1>, vector<16xf32>
        %sub3A_195 = arith.subf %add3A_189, %select_n3A_194 : vector<16xf32>
        %swap3A_196 = arith.constant 0 : index
        %swap3A_197 = tpu.vector_load %arg13[%swap3A_196] {strides = array<i32>} : memref<16xf32, #tpu.memory_space<vmem>>, vector<16xf32>,
        %swap3A_198 = vector.shape_cast %swap3A_197 : vector<16xf32> to vector<16xf32>
        %swap3A_199 = vector.shape_cast %sub3A_195 : vector<16xf32> to vector<16xf32>
        tpu.vector_store %arg13[%swap3A_196], %swap3A_199 {strides = array<i32>} : memref<16xf32, #tpu.memory_space<vmem>>, vector<16xf32>,
        %slice3A_200 = vector.extract_strided_slice %get3A_68 {offsets = [3], sizes = [1], strides = [1]} : vector<16xi32> to vector<1xi32>
        %squeeze3A_201 = vector.extract %slice3A_200[0] : i32 from vector<1xi32>
        %slice3A_202 = vector.extract_strided_slice %get3A_72 {offsets = [3], sizes = [1], strides = [1]} : vector<16xi32> to vector<1xi32>
        %squeeze3A_203 = vector.extract %slice3A_202[0] : i32 from vector<1xi32>
        %shift_right_arithmetic3A_204 = arith.constant 4 : i32
        %shift_right_arithmetic3A_205 = arith.shrsi %squeeze3A_201, %shift_right_arithmetic3A_204 : i32
        %shift_left3A_206 = arith.constant 4 : i32
        %shift_left3A_207 = arith.shli %shift_right_arithmetic3A_205, %shift_left3A_206 : i32
        %get3A_208 = arith.index_cast %shift_left3A_207 : i32 to index
        %get3A_209 = tpu.vector_load %arg10[%get3A_208] {strides = array<i32>} : memref<1024xf32, #tpu.memory_space<vmem>>, vector<16xf32>,
        %get3A_210 = vector.shape_cast %get3A_209 : vector<16xf32> to vector<16xf32>
        %shift_right_arithmetic3A_211 = arith.constant 7 : i32
        %shift_right_arithmetic3A_212 = arith.shrsi %squeeze3A_203, %shift_right_arithmetic3A_211 : i32
        %shift_right_arithmetic3A_213 = arith.constant 4 : i32
        %shift_right_arithmetic3A_214 = arith.shrsi %squeeze3A_203, %shift_right_arithmetic3A_213 : i32
        %and3A_215 = arith.constant 7 : i32
        %and3A_216 = arith.andi %shift_right_arithmetic3A_214, %and3A_215 : i32
        %shift_left3A_217 = arith.constant 4 : i32
        %shift_left3A_218 = arith.shli %and3A_216, %shift_left3A_217 : i32
        %get3A_219 = arith.constant 3 : i32
        %get3A_220 = arith.index_cast %get3A_219 : i32 to index
        %get3A_221 = arith.index_cast %shift_right_arithmetic3A_212 : i32 to index
        %get3A_222 = arith.index_cast %shift_left3A_218 : i32 to index
        %get3A_223 = tpu.vector_load %arg11[%get3A_220, %get3A_221, %get3A_222] {strides = array<i32>} : memref<32x8x128xf32, #tpu.memory_space<vmem>>, vector<1x1x16xf32>,
        %get3A_224 = vector.shape_cast %get3A_223 : vector<1x1x16xf32> to vector<16xf32>
        %get3A_225 = arith.constant 0 : index
        %get3A_226 = tpu.vector_load %arg13[%get3A_225] {strides = array<i32>} : memref<16xf32, #tpu.memory_space<vmem>>, vector<16xf32>,
        %get3A_227 = vector.shape_cast %get3A_226 : vector<16xf32> to vector<16xf32>
        %and3A_228 = arith.constant 15 : i32
        %and3A_229 = arith.andi %squeeze3A_201, %and3A_228 : i32
        %eq3A_230 = vector.broadcast %and3A_229 : i32 to vector<16xi32>
        %eq3A_231 = arith.cmpi eq, %iota3A, %eq3A_230 : vector<16xi32>
        %select_n3A_232 = arith.select %eq3A_231, %get3A_210, %broadcast_in_dim3A_65 : vector<16xi1>, vector<16xf32>
        %add3A_233 = arith.addf %get3A_227, %select_n3A_232 : vector<16xf32>
        %and3A_234 = arith.constant 15 : i32
        %and3A_235 = arith.andi %squeeze3A_203, %and3A_234 : i32
        %eq3A_236 = vector.broadcast %and3A_235 : i32 to vector<16xi32>
        %eq3A_237 = arith.cmpi eq, %iota3A, %eq3A_236 : vector<16xi32>
        %select_n3A_238 = arith.select %eq3A_237, %get3A_224, %broadcast_in_dim3A_65 : vector<16xi1>, vector<16xf32>
        %sub3A_239 = arith.subf %add3A_233, %select_n3A_238 : vector<16xf32>
        %swap3A_240 = arith.constant 0 : index
        %swap3A_241 = tpu.vector_load %arg13[%swap3A_240] {strides = array<i32>} : memref<16xf32, #tpu.memory_space<vmem>>, vector<16xf32>,
        %swap3A_242 = vector.shape_cast %swap3A_241 : vector<16xf32> to vector<16xf32>
        %swap3A_243 = vector.shape_cast %sub3A_239 : vector<16xf32> to vector<16xf32>
        tpu.vector_store %arg13[%swap3A_240], %swap3A_243 {strides = array<i32>} : memref<16xf32, #tpu.memory_space<vmem>>, vector<16xf32>,
        %slice3A_244 = vector.extract_strided_slice %get3A_68 {offsets = [4], sizes = [1], strides = [1]} : vector<16xi32> to vector<1xi32>
        %squeeze3A_245 = vector.extract %slice3A_244[0] : i32 from vector<1xi32>
        %slice3A_246 = vector.extract_strided_slice %get3A_72 {offsets = [4], sizes = [1], strides = [1]} : vector<16xi32> to vector<1xi32>
        %squeeze3A_247 = vector.extract %slice3A_246[0] : i32 from vector<1xi32>
        %shift_right_arithmetic3A_248 = arith.constant 4 : i32
        %shift_right_arithmetic3A_249 = arith.shrsi %squeeze3A_245, %shift_right_arithmetic3A_248 : i32
        %shift_left3A_250 = arith.constant 4 : i32
        %shift_left3A_251 = arith.shli %shift_right_arithmetic3A_249, %shift_left3A_250 : i32
        %get3A_252 = arith.index_cast %shift_left3A_251 : i32 to index
        %get3A_253 = tpu.vector_load %arg10[%get3A_252] {strides = array<i32>} : memref<1024xf32, #tpu.memory_space<vmem>>, vector<16xf32>,
        %get3A_254 = vector.shape_cast %get3A_253 : vector<16xf32> to vector<16xf32>
        %shift_right_arithmetic3A_255 = arith.constant 7 : i32
        %shift_right_arithmetic3A_256 = arith.shrsi %squeeze3A_247, %shift_right_arithmetic3A_255 : i32
        %shift_right_arithmetic3A_257 = arith.constant 4 : i32
        %shift_right_arithmetic3A_258 = arith.shrsi %squeeze3A_247, %shift_right_arithmetic3A_257 : i32
        %and3A_259 = arith.constant 7 : i32
        %and3A_260 = arith.andi %shift_right_arithmetic3A_258, %and3A_259 : i32
        %shift_left3A_261 = arith.constant 4 : i32
        %shift_left3A_262 = arith.shli %and3A_260, %shift_left3A_261 : i32
        %get3A_263 = arith.constant 4 : i32
        %get3A_264 = arith.index_cast %get3A_263 : i32 to index
        %get3A_265 = arith.index_cast %shift_right_arithmetic3A_256 : i32 to index
        %get3A_266 = arith.index_cast %shift_left3A_262 : i32 to index
        %get3A_267 = tpu.vector_load %arg11[%get3A_264, %get3A_265, %get3A_266] {strides = array<i32>} : memref<32x8x128xf32, #tpu.memory_space<vmem>>, vector<1x1x16xf32>,
        %get3A_268 = vector.shape_cast %get3A_267 : vector<1x1x16xf32> to vector<16xf32>
        %get3A_269 = arith.constant 0 : index
        %get3A_270 = tpu.vector_load %arg13[%get3A_269] {strides = array<i32>} : memref<16xf32, #tpu.memory_space<vmem>>, vector<16xf32>,
        %get3A_271 = vector.shape_cast %get3A_270 : vector<16xf32> to vector<16xf32>
        %and3A_272 = arith.constant 15 : i32
        %and3A_273 = arith.andi %squeeze3A_245, %and3A_272 : i32
        %eq3A_274 = vector.broadcast %and3A_273 : i32 to vector<16xi32>
        %eq3A_275 = arith.cmpi eq, %iota3A, %eq3A_274 : vector<16xi32>
        %select_n3A_276 = arith.select %eq3A_275, %get3A_254, %broadcast_in_dim3A_65 : vector<16xi1>, vector<16xf32>
        %add3A_277 = arith.addf %get3A_271, %select_n3A_276 : vector<16xf32>
        %and3A_278 = arith.constant 15 : i32
        %and3A_279 = arith.andi %squeeze3A_247, %and3A_278 : i32
        %eq3A_280 = vector.broadcast %and3A_279 : i32 to vector<16xi32>
        %eq3A_281 = arith.cmpi eq, %iota3A, %eq3A_280 : vector<16xi32>
        %select_n3A_282 = arith.select %eq3A_281, %get3A_268, %broadcast_in_dim3A_65 : vector<16xi1>, vector<16xf32>
        %sub3A_283 = arith.subf %add3A_277, %select_n3A_282 : vector<16xf32>
        %swap3A_284 = arith.constant 0 : index
        %swap3A_285 = tpu.vector_load %arg13[%swap3A_284] {strides = array<i32>} : memref<16xf32, #tpu.memory_space<vmem>>, vector<16xf32>,
        %swap3A_286 = vector.shape_cast %swap3A_285 : vector<16xf32> to vector<16xf32>
        %swap3A_287 = vector.shape_cast %sub3A_283 : vector<16xf32> to vector<16xf32>
        tpu.vector_store %arg13[%swap3A_284], %swap3A_287 {strides = array<i32>} : memref<16xf32, #tpu.memory_space<vmem>>, vector<16xf32>,
        %slice3A_288 = vector.extract_strided_slice %get3A_68 {offsets = [5], sizes = [1], strides = [1]} : vector<16xi32> to vector<1xi32>
        %squeeze3A_289 = vector.extract %slice3A_288[0] : i32 from vector<1xi32>
        %slice3A_290 = vector.extract_strided_slice %get3A_72 {offsets = [5], sizes = [1], strides = [1]} : vector<16xi32> to vector<1xi32>
        %squeeze3A_291 = vector.extract %slice3A_290[0] : i32 from vector<1xi32>
        %shift_right_arithmetic3A_292 = arith.constant 4 : i32
        %shift_right_arithmetic3A_293 = arith.shrsi %squeeze3A_289, %shift_right_arithmetic3A_292 : i32
        %shift_left3A_294 = arith.constant 4 : i32
        %shift_left3A_295 = arith.shli %shift_right_arithmetic3A_293, %shift_left3A_294 : i32
        %get3A_296 = arith.index_cast %shift_left3A_295 : i32 to index
        %get3A_297 = tpu.vector_load %arg10[%get3A_296] {strides = array<i32>} : memref<1024xf32, #tpu.memory_space<vmem>>, vector<16xf32>,
        %get3A_298 = vector.shape_cast %get3A_297 : vector<16xf32> to vector<16xf32>
        %shift_right_arithmetic3A_299 = arith.constant 7 : i32
        %shift_right_arithmetic3A_300 = arith.shrsi %squeeze3A_291, %shift_right_arithmetic3A_299 : i32
        %shift_right_arithmetic3A_301 = arith.constant 4 : i32
        %shift_right_arithmetic3A_302 = arith.shrsi %squeeze3A_291, %shift_right_arithmetic3A_301 : i32
        %and3A_303 = arith.constant 7 : i32
        %and3A_304 = arith.andi %shift_right_arithmetic3A_302, %and3A_303 : i32
        %shift_left3A_305 = arith.constant 4 : i32
        %shift_left3A_306 = arith.shli %and3A_304, %shift_left3A_305 : i32
        %get3A_307 = arith.constant 5 : i32
        %get3A_308 = arith.index_cast %get3A_307 : i32 to index
        %get3A_309 = arith.index_cast %shift_right_arithmetic3A_300 : i32 to index
        %get3A_310 = arith.index_cast %shift_left3A_306 : i32 to index
        %get3A_311 = tpu.vector_load %arg11[%get3A_308, %get3A_309, %get3A_310] {strides = array<i32>} : memref<32x8x128xf32, #tpu.memory_space<vmem>>, vector<1x1x16xf32>,
        %get3A_312 = vector.shape_cast %get3A_311 : vector<1x1x16xf32> to vector<16xf32>
        %get3A_313 = arith.constant 0 : index
        %get3A_314 = tpu.vector_load %arg13[%get3A_313] {strides = array<i32>} : memref<16xf32, #tpu.memory_space<vmem>>, vector<16xf32>,
        %get3A_315 = vector.shape_cast %get3A_314 : vector<16xf32> to vector<16xf32>
        %and3A_316 = arith.constant 15 : i32
        %and3A_317 = arith.andi %squeeze3A_289, %and3A_316 : i32
        %eq3A_318 = vector.broadcast %and3A_317 : i32 to vector<16xi32>
        %eq3A_319 = arith.cmpi eq, %iota3A, %eq3A_318 : vector<16xi32>
        %select_n3A_320 = arith.select %eq3A_319, %get3A_298, %broadcast_in_dim3A_65 : vector<16xi1>, vector<16xf32>
        %add3A_321 = arith.addf %get3A_315, %select_n3A_320 : vector<16xf32>
        %and3A_322 = arith.constant 15 : i32
        %and3A_323 = arith.andi %squeeze3A_291, %and3A_322 : i32
        %eq3A_324 = vector.broadcast %and3A_323 : i32 to vector<16xi32>
        %eq3A_325 = arith.cmpi eq, %iota3A, %eq3A_324 : vector<16xi32>
        %select_n3A_326 = arith.select %eq3A_325, %get3A_312, %broadcast_in_dim3A_65 : vector<16xi1>, vector<16xf32>
        %sub3A_327 = arith.subf %add3A_321, %select_n3A_326 : vector<16xf32>
        %swap3A_328 = arith.constant 0 : index
        %swap3A_329 = tpu.vector_load %arg13[%swap3A_328] {strides = array<i32>} : memref<16xf32, #tpu.memory_space<vmem>>, vector<16xf32>,
        %swap3A_330 = vector.shape_cast %swap3A_329 : vector<16xf32> to vector<16xf32>
        %swap3A_331 = vector.shape_cast %sub3A_327 : vector<16xf32> to vector<16xf32>
        tpu.vector_store %arg13[%swap3A_328], %swap3A_331 {strides = array<i32>} : memref<16xf32, #tpu.memory_space<vmem>>, vector<16xf32>,
        %slice3A_332 = vector.extract_strided_slice %get3A_68 {offsets = [6], sizes = [1], strides = [1]} : vector<16xi32> to vector<1xi32>
        %squeeze3A_333 = vector.extract %slice3A_332[0] : i32 from vector<1xi32>
        %slice3A_334 = vector.extract_strided_slice %get3A_72 {offsets = [6], sizes = [1], strides = [1]} : vector<16xi32> to vector<1xi32>
        %squeeze3A_335 = vector.extract %slice3A_334[0] : i32 from vector<1xi32>
        %shift_right_arithmetic3A_336 = arith.constant 4 : i32
        %shift_right_arithmetic3A_337 = arith.shrsi %squeeze3A_333, %shift_right_arithmetic3A_336 : i32
        %shift_left3A_338 = arith.constant 4 : i32
        %shift_left3A_339 = arith.shli %shift_right_arithmetic3A_337, %shift_left3A_338 : i32
        %get3A_340 = arith.index_cast %shift_left3A_339 : i32 to index
        %get3A_341 = tpu.vector_load %arg10[%get3A_340] {strides = array<i32>} : memref<1024xf32, #tpu.memory_space<vmem>>, vector<16xf32>,
        %get3A_342 = vector.shape_cast %get3A_341 : vector<16xf32> to vector<16xf32>
        %shift_right_arithmetic3A_343 = arith.constant 7 : i32
        %shift_right_arithmetic3A_344 = arith.shrsi %squeeze3A_335, %shift_right_arithmetic3A_343 : i32
        %shift_right_arithmetic3A_345 = arith.constant 4 : i32
        %shift_right_arithmetic3A_346 = arith.shrsi %squeeze3A_335, %shift_right_arithmetic3A_345 : i32
        %and3A_347 = arith.constant 7 : i32
        %and3A_348 = arith.andi %shift_right_arithmetic3A_346, %and3A_347 : i32
        %shift_left3A_349 = arith.constant 4 : i32
        %shift_left3A_350 = arith.shli %and3A_348, %shift_left3A_349 : i32
        %get3A_351 = arith.constant 6 : i32
        %get3A_352 = arith.index_cast %get3A_351 : i32 to index
        %get3A_353 = arith.index_cast %shift_right_arithmetic3A_344 : i32 to index
        %get3A_354 = arith.index_cast %shift_left3A_350 : i32 to index
        %get3A_355 = tpu.vector_load %arg11[%get3A_352, %get3A_353, %get3A_354] {strides = array<i32>} : memref<32x8x128xf32, #tpu.memory_space<vmem>>, vector<1x1x16xf32>,
        %get3A_356 = vector.shape_cast %get3A_355 : vector<1x1x16xf32> to vector<16xf32>
        %get3A_357 = arith.constant 0 : index
        %get3A_358 = tpu.vector_load %arg13[%get3A_357] {strides = array<i32>} : memref<16xf32, #tpu.memory_space<vmem>>, vector<16xf32>,
        %get3A_359 = vector.shape_cast %get3A_358 : vector<16xf32> to vector<16xf32>
        %and3A_360 = arith.constant 15 : i32
        %and3A_361 = arith.andi %squeeze3A_333, %and3A_360 : i32
        %eq3A_362 = vector.broadcast %and3A_361 : i32 to vector<16xi32>
        %eq3A_363 = arith.cmpi eq, %iota3A, %eq3A_362 : vector<16xi32>
        %select_n3A_364 = arith.select %eq3A_363, %get3A_342, %broadcast_in_dim3A_65 : vector<16xi1>, vector<16xf32>
        %add3A_365 = arith.addf %get3A_359, %select_n3A_364 : vector<16xf32>
        %and3A_366 = arith.constant 15 : i32
        %and3A_367 = arith.andi %squeeze3A_335, %and3A_366 : i32
        %eq3A_368 = vector.broadcast %and3A_367 : i32 to vector<16xi32>
        %eq3A_369 = arith.cmpi eq, %iota3A, %eq3A_368 : vector<16xi32>
        %select_n3A_370 = arith.select %eq3A_369, %get3A_356, %broadcast_in_dim3A_65 : vector<16xi1>, vector<16xf32>
        %sub3A_371 = arith.subf %add3A_365, %select_n3A_370 : vector<16xf32>
        %swap3A_372 = arith.constant 0 : index
        %swap3A_373 = tpu.vector_load %arg13[%swap3A_372] {strides = array<i32>} : memref<16xf32, #tpu.memory_space<vmem>>, vector<16xf32>,
        %swap3A_374 = vector.shape_cast %swap3A_373 : vector<16xf32> to vector<16xf32>
        %swap3A_375 = vector.shape_cast %sub3A_371 : vector<16xf32> to vector<16xf32>
        tpu.vector_store %arg13[%swap3A_372], %swap3A_375 {strides = array<i32>} : memref<16xf32, #tpu.memory_space<vmem>>, vector<16xf32>,
        %slice3A_376 = vector.extract_strided_slice %get3A_68 {offsets = [7], sizes = [1], strides = [1]} : vector<16xi32> to vector<1xi32>
        %squeeze3A_377 = vector.extract %slice3A_376[0] : i32 from vector<1xi32>
        %slice3A_378 = vector.extract_strided_slice %get3A_72 {offsets = [7], sizes = [1], strides = [1]} : vector<16xi32> to vector<1xi32>
        %squeeze3A_379 = vector.extract %slice3A_378[0] : i32 from vector<1xi32>
        %shift_right_arithmetic3A_380 = arith.constant 4 : i32
        %shift_right_arithmetic3A_381 = arith.shrsi %squeeze3A_377, %shift_right_arithmetic3A_380 : i32
        %shift_left3A_382 = arith.constant 4 : i32
        %shift_left3A_383 = arith.shli %shift_right_arithmetic3A_381, %shift_left3A_382 : i32
        %get3A_384 = arith.index_cast %shift_left3A_383 : i32 to index
        %get3A_385 = tpu.vector_load %arg10[%get3A_384] {strides = array<i32>} : memref<1024xf32, #tpu.memory_space<vmem>>, vector<16xf32>,
        %get3A_386 = vector.shape_cast %get3A_385 : vector<16xf32> to vector<16xf32>
        %shift_right_arithmetic3A_387 = arith.constant 7 : i32
        %shift_right_arithmetic3A_388 = arith.shrsi %squeeze3A_379, %shift_right_arithmetic3A_387 : i32
        %shift_right_arithmetic3A_389 = arith.constant 4 : i32
        %shift_right_arithmetic3A_390 = arith.shrsi %squeeze3A_379, %shift_right_arithmetic3A_389 : i32
        %and3A_391 = arith.constant 7 : i32
        %and3A_392 = arith.andi %shift_right_arithmetic3A_390, %and3A_391 : i32
        %shift_left3A_393 = arith.constant 4 : i32
        %shift_left3A_394 = arith.shli %and3A_392, %shift_left3A_393 : i32
        %get3A_395 = arith.constant 7 : i32
        %get3A_396 = arith.index_cast %get3A_395 : i32 to index
        %get3A_397 = arith.index_cast %shift_right_arithmetic3A_388 : i32 to index
        %get3A_398 = arith.index_cast %shift_left3A_394 : i32 to index
        %get3A_399 = tpu.vector_load %arg11[%get3A_396, %get3A_397, %get3A_398] {strides = array<i32>} : memref<32x8x128xf32, #tpu.memory_space<vmem>>, vector<1x1x16xf32>,
        %get3A_400 = vector.shape_cast %get3A_399 : vector<1x1x16xf32> to vector<16xf32>
        %get3A_401 = arith.constant 0 : index
        %get3A_402 = tpu.vector_load %arg13[%get3A_401] {strides = array<i32>} : memref<16xf32, #tpu.memory_space<vmem>>, vector<16xf32>,
        %get3A_403 = vector.shape_cast %get3A_402 : vector<16xf32> to vector<16xf32>
        %and3A_404 = arith.constant 15 : i32
        %and3A_405 = arith.andi %squeeze3A_377, %and3A_404 : i32
        %eq3A_406 = vector.broadcast %and3A_405 : i32 to vector<16xi32>
        %eq3A_407 = arith.cmpi eq, %iota3A, %eq3A_406 : vector<16xi32>
        %select_n3A_408 = arith.select %eq3A_407, %get3A_386, %broadcast_in_dim3A_65 : vector<16xi1>, vector<16xf32>
        %add3A_409 = arith.addf %get3A_403, %select_n3A_408 : vector<16xf32>
        %and3A_410 = arith.constant 15 : i32
        %and3A_411 = arith.andi %squeeze3A_379, %and3A_410 : i32
        %eq3A_412 = vector.broadcast %and3A_411 : i32 to vector<16xi32>
        %eq3A_413 = arith.cmpi eq, %iota3A, %eq3A_412 : vector<16xi32>
        %select_n3A_414 = arith.select %eq3A_413, %get3A_400, %broadcast_in_dim3A_65 : vector<16xi1>, vector<16xf32>
        %sub3A_415 = arith.subf %add3A_409, %select_n3A_414 : vector<16xf32>
        %swap3A_416 = arith.constant 0 : index
        %swap3A_417 = tpu.vector_load %arg13[%swap3A_416] {strides = array<i32>} : memref<16xf32, #tpu.memory_space<vmem>>, vector<16xf32>,
        %swap3A_418 = vector.shape_cast %swap3A_417 : vector<16xf32> to vector<16xf32>
        %swap3A_419 = vector.shape_cast %sub3A_415 : vector<16xf32> to vector<16xf32>
        tpu.vector_store %arg13[%swap3A_416], %swap3A_419 {strides = array<i32>} : memref<16xf32, #tpu.memory_space<vmem>>, vector<16xf32>,
        %slice3A_420 = vector.extract_strided_slice %get3A_68 {offsets = [8], sizes = [1], strides = [1]} : vector<16xi32> to vector<1xi32>
        %squeeze3A_421 = vector.extract %slice3A_420[0] : i32 from vector<1xi32>
        %slice3A_422 = vector.extract_strided_slice %get3A_72 {offsets = [8], sizes = [1], strides = [1]} : vector<16xi32> to vector<1xi32>
        %squeeze3A_423 = vector.extract %slice3A_422[0] : i32 from vector<1xi32>
        %shift_right_arithmetic3A_424 = arith.constant 4 : i32
        %shift_right_arithmetic3A_425 = arith.shrsi %squeeze3A_421, %shift_right_arithmetic3A_424 : i32
        %shift_left3A_426 = arith.constant 4 : i32
        %shift_left3A_427 = arith.shli %shift_right_arithmetic3A_425, %shift_left3A_426 : i32
        %get3A_428 = arith.index_cast %shift_left3A_427 : i32 to index
        %get3A_429 = tpu.vector_load %arg10[%get3A_428] {strides = array<i32>} : memref<1024xf32, #tpu.memory_space<vmem>>, vector<16xf32>,
        %get3A_430 = vector.shape_cast %get3A_429 : vector<16xf32> to vector<16xf32>
        %shift_right_arithmetic3A_431 = arith.constant 7 : i32
        %shift_right_arithmetic3A_432 = arith.shrsi %squeeze3A_423, %shift_right_arithmetic3A_431 : i32
        %shift_right_arithmetic3A_433 = arith.constant 4 : i32
        %shift_right_arithmetic3A_434 = arith.shrsi %squeeze3A_423, %shift_right_arithmetic3A_433 : i32
        %and3A_435 = arith.constant 7 : i32
        %and3A_436 = arith.andi %shift_right_arithmetic3A_434, %and3A_435 : i32
        %shift_left3A_437 = arith.constant 4 : i32
        %shift_left3A_438 = arith.shli %and3A_436, %shift_left3A_437 : i32
        %get3A_439 = arith.constant 8 : i32
        %get3A_440 = arith.index_cast %get3A_439 : i32 to index
        %get3A_441 = arith.index_cast %shift_right_arithmetic3A_432 : i32 to index
        %get3A_442 = arith.index_cast %shift_left3A_438 : i32 to index
        %get3A_443 = tpu.vector_load %arg11[%get3A_440, %get3A_441, %get3A_442] {strides = array<i32>} : memref<32x8x128xf32, #tpu.memory_space<vmem>>, vector<1x1x16xf32>,
        %get3A_444 = vector.shape_cast %get3A_443 : vector<1x1x16xf32> to vector<16xf32>
        %get3A_445 = arith.constant 0 : index
        %get3A_446 = tpu.vector_load %arg13[%get3A_445] {strides = array<i32>} : memref<16xf32, #tpu.memory_space<vmem>>, vector<16xf32>,
        %get3A_447 = vector.shape_cast %get3A_446 : vector<16xf32> to vector<16xf32>
        %and3A_448 = arith.constant 15 : i32
        %and3A_449 = arith.andi %squeeze3A_421, %and3A_448 : i32
        %eq3A_450 = vector.broadcast %and3A_449 : i32 to vector<16xi32>
        %eq3A_451 = arith.cmpi eq, %iota3A, %eq3A_450 : vector<16xi32>
        %select_n3A_452 = arith.select %eq3A_451, %get3A_430, %broadcast_in_dim3A_65 : vector<16xi1>, vector<16xf32>
        %add3A_453 = arith.addf %get3A_447, %select_n3A_452 : vector<16xf32>
        %and3A_454 = arith.constant 15 : i32
        %and3A_455 = arith.andi %squeeze3A_423, %and3A_454 : i32
        %eq3A_456 = vector.broadcast %and3A_455 : i32 to vector<16xi32>
        %eq3A_457 = arith.cmpi eq, %iota3A, %eq3A_456 : vector<16xi32>
        %select_n3A_458 = arith.select %eq3A_457, %get3A_444, %broadcast_in_dim3A_65 : vector<16xi1>, vector<16xf32>
        %sub3A_459 = arith.subf %add3A_453, %select_n3A_458 : vector<16xf32>
        %swap3A_460 = arith.constant 0 : index
        %swap3A_461 = tpu.vector_load %arg13[%swap3A_460] {strides = array<i32>} : memref<16xf32, #tpu.memory_space<vmem>>, vector<16xf32>,
        %swap3A_462 = vector.shape_cast %swap3A_461 : vector<16xf32> to vector<16xf32>
        %swap3A_463 = vector.shape_cast %sub3A_459 : vector<16xf32> to vector<16xf32>
        tpu.vector_store %arg13[%swap3A_460], %swap3A_463 {strides = array<i32>} : memref<16xf32, #tpu.memory_space<vmem>>, vector<16xf32>,
        %slice3A_464 = vector.extract_strided_slice %get3A_68 {offsets = [9], sizes = [1], strides = [1]} : vector<16xi32> to vector<1xi32>
        %squeeze3A_465 = vector.extract %slice3A_464[0] : i32 from vector<1xi32>
        %slice3A_466 = vector.extract_strided_slice %get3A_72 {offsets = [9], sizes = [1], strides = [1]} : vector<16xi32> to vector<1xi32>
        %squeeze3A_467 = vector.extract %slice3A_466[0] : i32 from vector<1xi32>
        %shift_right_arithmetic3A_468 = arith.constant 4 : i32
        %shift_right_arithmetic3A_469 = arith.shrsi %squeeze3A_465, %shift_right_arithmetic3A_468 : i32
        %shift_left3A_470 = arith.constant 4 : i32
        %shift_left3A_471 = arith.shli %shift_right_arithmetic3A_469, %shift_left3A_470 : i32
        %get3A_472 = arith.index_cast %shift_left3A_471 : i32 to index
        %get3A_473 = tpu.vector_load %arg10[%get3A_472] {strides = array<i32>} : memref<1024xf32, #tpu.memory_space<vmem>>, vector<16xf32>,
        %get3A_474 = vector.shape_cast %get3A_473 : vector<16xf32> to vector<16xf32>
        %shift_right_arithmetic3A_475 = arith.constant 7 : i32
        %shift_right_arithmetic3A_476 = arith.shrsi %squeeze3A_467, %shift_right_arithmetic3A_475 : i32
        %shift_right_arithmetic3A_477 = arith.constant 4 : i32
        %shift_right_arithmetic3A_478 = arith.shrsi %squeeze3A_467, %shift_right_arithmetic3A_477 : i32
        %and3A_479 = arith.constant 7 : i32
        %and3A_480 = arith.andi %shift_right_arithmetic3A_478, %and3A_479 : i32
        %shift_left3A_481 = arith.constant 4 : i32
        %shift_left3A_482 = arith.shli %and3A_480, %shift_left3A_481 : i32
        %get3A_483 = arith.constant 9 : i32
        %get3A_484 = arith.index_cast %get3A_483 : i32 to index
        %get3A_485 = arith.index_cast %shift_right_arithmetic3A_476 : i32 to index
        %get3A_486 = arith.index_cast %shift_left3A_482 : i32 to index
        %get3A_487 = tpu.vector_load %arg11[%get3A_484, %get3A_485, %get3A_486] {strides = array<i32>} : memref<32x8x128xf32, #tpu.memory_space<vmem>>, vector<1x1x16xf32>,
        %get3A_488 = vector.shape_cast %get3A_487 : vector<1x1x16xf32> to vector<16xf32>
        %get3A_489 = arith.constant 0 : index
        %get3A_490 = tpu.vector_load %arg13[%get3A_489] {strides = array<i32>} : memref<16xf32, #tpu.memory_space<vmem>>, vector<16xf32>,
        %get3A_491 = vector.shape_cast %get3A_490 : vector<16xf32> to vector<16xf32>
        %and3A_492 = arith.constant 15 : i32
        %and3A_493 = arith.andi %squeeze3A_465, %and3A_492 : i32
        %eq3A_494 = vector.broadcast %and3A_493 : i32 to vector<16xi32>
        %eq3A_495 = arith.cmpi eq, %iota3A, %eq3A_494 : vector<16xi32>
        %select_n3A_496 = arith.select %eq3A_495, %get3A_474, %broadcast_in_dim3A_65 : vector<16xi1>, vector<16xf32>
        %add3A_497 = arith.addf %get3A_491, %select_n3A_496 : vector<16xf32>
        %and3A_498 = arith.constant 15 : i32
        %and3A_499 = arith.andi %squeeze3A_467, %and3A_498 : i32
        %eq3A_500 = vector.broadcast %and3A_499 : i32 to vector<16xi32>
        %eq3A_501 = arith.cmpi eq, %iota3A, %eq3A_500 : vector<16xi32>
        %select_n3A_502 = arith.select %eq3A_501, %get3A_488, %broadcast_in_dim3A_65 : vector<16xi1>, vector<16xf32>
        %sub3A_503 = arith.subf %add3A_497, %select_n3A_502 : vector<16xf32>
        %swap3A_504 = arith.constant 0 : index
        %swap3A_505 = tpu.vector_load %arg13[%swap3A_504] {strides = array<i32>} : memref<16xf32, #tpu.memory_space<vmem>>, vector<16xf32>,
        %swap3A_506 = vector.shape_cast %swap3A_505 : vector<16xf32> to vector<16xf32>
        %swap3A_507 = vector.shape_cast %sub3A_503 : vector<16xf32> to vector<16xf32>
        tpu.vector_store %arg13[%swap3A_504], %swap3A_507 {strides = array<i32>} : memref<16xf32, #tpu.memory_space<vmem>>, vector<16xf32>,
        %slice3A_508 = vector.extract_strided_slice %get3A_68 {offsets = [10], sizes = [1], strides = [1]} : vector<16xi32> to vector<1xi32>
        %squeeze3A_509 = vector.extract %slice3A_508[0] : i32 from vector<1xi32>
        %slice3A_510 = vector.extract_strided_slice %get3A_72 {offsets = [10], sizes = [1], strides = [1]} : vector<16xi32> to vector<1xi32>
        %squeeze3A_511 = vector.extract %slice3A_510[0] : i32 from vector<1xi32>
        %shift_right_arithmetic3A_512 = arith.constant 4 : i32
        %shift_right_arithmetic3A_513 = arith.shrsi %squeeze3A_509, %shift_right_arithmetic3A_512 : i32
        %shift_left3A_514 = arith.constant 4 : i32
        %shift_left3A_515 = arith.shli %shift_right_arithmetic3A_513, %shift_left3A_514 : i32
        %get3A_516 = arith.index_cast %shift_left3A_515 : i32 to index
        %get3A_517 = tpu.vector_load %arg10[%get3A_516] {strides = array<i32>} : memref<1024xf32, #tpu.memory_space<vmem>>, vector<16xf32>,
        %get3A_518 = vector.shape_cast %get3A_517 : vector<16xf32> to vector<16xf32>
        %shift_right_arithmetic3A_519 = arith.constant 7 : i32
        %shift_right_arithmetic3A_520 = arith.shrsi %squeeze3A_511, %shift_right_arithmetic3A_519 : i32
        %shift_right_arithmetic3A_521 = arith.constant 4 : i32
        %shift_right_arithmetic3A_522 = arith.shrsi %squeeze3A_511, %shift_right_arithmetic3A_521 : i32
        %and3A_523 = arith.constant 7 : i32
        %and3A_524 = arith.andi %shift_right_arithmetic3A_522, %and3A_523 : i32
        %shift_left3A_525 = arith.constant 4 : i32
        %shift_left3A_526 = arith.shli %and3A_524, %shift_left3A_525 : i32
        %get3A_527 = arith.constant 10 : i32
        %get3A_528 = arith.index_cast %get3A_527 : i32 to index
        %get3A_529 = arith.index_cast %shift_right_arithmetic3A_520 : i32 to index
        %get3A_530 = arith.index_cast %shift_left3A_526 : i32 to index
        %get3A_531 = tpu.vector_load %arg11[%get3A_528, %get3A_529, %get3A_530] {strides = array<i32>} : memref<32x8x128xf32, #tpu.memory_space<vmem>>, vector<1x1x16xf32>,
        %get3A_532 = vector.shape_cast %get3A_531 : vector<1x1x16xf32> to vector<16xf32>
        %get3A_533 = arith.constant 0 : index
        %get3A_534 = tpu.vector_load %arg13[%get3A_533] {strides = array<i32>} : memref<16xf32, #tpu.memory_space<vmem>>, vector<16xf32>,
        %get3A_535 = vector.shape_cast %get3A_534 : vector<16xf32> to vector<16xf32>
        %and3A_536 = arith.constant 15 : i32
        %and3A_537 = arith.andi %squeeze3A_509, %and3A_536 : i32
        %eq3A_538 = vector.broadcast %and3A_537 : i32 to vector<16xi32>
        %eq3A_539 = arith.cmpi eq, %iota3A, %eq3A_538 : vector<16xi32>
        %select_n3A_540 = arith.select %eq3A_539, %get3A_518, %broadcast_in_dim3A_65 : vector<16xi1>, vector<16xf32>
        %add3A_541 = arith.addf %get3A_535, %select_n3A_540 : vector<16xf32>
        %and3A_542 = arith.constant 15 : i32
        %and3A_543 = arith.andi %squeeze3A_511, %and3A_542 : i32
        %eq3A_544 = vector.broadcast %and3A_543 : i32 to vector<16xi32>
        %eq3A_545 = arith.cmpi eq, %iota3A, %eq3A_544 : vector<16xi32>
        %select_n3A_546 = arith.select %eq3A_545, %get3A_532, %broadcast_in_dim3A_65 : vector<16xi1>, vector<16xf32>
        %sub3A_547 = arith.subf %add3A_541, %select_n3A_546 : vector<16xf32>
        %swap3A_548 = arith.constant 0 : index
        %swap3A_549 = tpu.vector_load %arg13[%swap3A_548] {strides = array<i32>} : memref<16xf32, #tpu.memory_space<vmem>>, vector<16xf32>,
        %swap3A_550 = vector.shape_cast %swap3A_549 : vector<16xf32> to vector<16xf32>
        %swap3A_551 = vector.shape_cast %sub3A_547 : vector<16xf32> to vector<16xf32>
        tpu.vector_store %arg13[%swap3A_548], %swap3A_551 {strides = array<i32>} : memref<16xf32, #tpu.memory_space<vmem>>, vector<16xf32>,
        %slice3A_552 = vector.extract_strided_slice %get3A_68 {offsets = [11], sizes = [1], strides = [1]} : vector<16xi32> to vector<1xi32>
        %squeeze3A_553 = vector.extract %slice3A_552[0] : i32 from vector<1xi32>
        %slice3A_554 = vector.extract_strided_slice %get3A_72 {offsets = [11], sizes = [1], strides = [1]} : vector<16xi32> to vector<1xi32>
        %squeeze3A_555 = vector.extract %slice3A_554[0] : i32 from vector<1xi32>
        %shift_right_arithmetic3A_556 = arith.constant 4 : i32
        %shift_right_arithmetic3A_557 = arith.shrsi %squeeze3A_553, %shift_right_arithmetic3A_556 : i32
        %shift_left3A_558 = arith.constant 4 : i32
        %shift_left3A_559 = arith.shli %shift_right_arithmetic3A_557, %shift_left3A_558 : i32
        %get3A_560 = arith.index_cast %shift_left3A_559 : i32 to index
        %get3A_561 = tpu.vector_load %arg10[%get3A_560] {strides = array<i32>} : memref<1024xf32, #tpu.memory_space<vmem>>, vector<16xf32>,
        %get3A_562 = vector.shape_cast %get3A_561 : vector<16xf32> to vector<16xf32>
        %shift_right_arithmetic3A_563 = arith.constant 7 : i32
        %shift_right_arithmetic3A_564 = arith.shrsi %squeeze3A_555, %shift_right_arithmetic3A_563 : i32
        %shift_right_arithmetic3A_565 = arith.constant 4 : i32
        %shift_right_arithmetic3A_566 = arith.shrsi %squeeze3A_555, %shift_right_arithmetic3A_565 : i32
        %and3A_567 = arith.constant 7 : i32
        %and3A_568 = arith.andi %shift_right_arithmetic3A_566, %and3A_567 : i32
        %shift_left3A_569 = arith.constant 4 : i32
        %shift_left3A_570 = arith.shli %and3A_568, %shift_left3A_569 : i32
        %get3A_571 = arith.constant 11 : i32
        %get3A_572 = arith.index_cast %get3A_571 : i32 to index
        %get3A_573 = arith.index_cast %shift_right_arithmetic3A_564 : i32 to index
        %get3A_574 = arith.index_cast %shift_left3A_570 : i32 to index
        %get3A_575 = tpu.vector_load %arg11[%get3A_572, %get3A_573, %get3A_574] {strides = array<i32>} : memref<32x8x128xf32, #tpu.memory_space<vmem>>, vector<1x1x16xf32>,
        %get3A_576 = vector.shape_cast %get3A_575 : vector<1x1x16xf32> to vector<16xf32>
        %get3A_577 = arith.constant 0 : index
        %get3A_578 = tpu.vector_load %arg13[%get3A_577] {strides = array<i32>} : memref<16xf32, #tpu.memory_space<vmem>>, vector<16xf32>,
        %get3A_579 = vector.shape_cast %get3A_578 : vector<16xf32> to vector<16xf32>
        %and3A_580 = arith.constant 15 : i32
        %and3A_581 = arith.andi %squeeze3A_553, %and3A_580 : i32
        %eq3A_582 = vector.broadcast %and3A_581 : i32 to vector<16xi32>
        %eq3A_583 = arith.cmpi eq, %iota3A, %eq3A_582 : vector<16xi32>
        %select_n3A_584 = arith.select %eq3A_583, %get3A_562, %broadcast_in_dim3A_65 : vector<16xi1>, vector<16xf32>
        %add3A_585 = arith.addf %get3A_579, %select_n3A_584 : vector<16xf32>
        %and3A_586 = arith.constant 15 : i32
        %and3A_587 = arith.andi %squeeze3A_555, %and3A_586 : i32
        %eq3A_588 = vector.broadcast %and3A_587 : i32 to vector<16xi32>
        %eq3A_589 = arith.cmpi eq, %iota3A, %eq3A_588 : vector<16xi32>
        %select_n3A_590 = arith.select %eq3A_589, %get3A_576, %broadcast_in_dim3A_65 : vector<16xi1>, vector<16xf32>
        %sub3A_591 = arith.subf %add3A_585, %select_n3A_590 : vector<16xf32>
        %swap3A_592 = arith.constant 0 : index
        %swap3A_593 = tpu.vector_load %arg13[%swap3A_592] {strides = array<i32>} : memref<16xf32, #tpu.memory_space<vmem>>, vector<16xf32>,
        %swap3A_594 = vector.shape_cast %swap3A_593 : vector<16xf32> to vector<16xf32>
        %swap3A_595 = vector.shape_cast %sub3A_591 : vector<16xf32> to vector<16xf32>
        tpu.vector_store %arg13[%swap3A_592], %swap3A_595 {strides = array<i32>} : memref<16xf32, #tpu.memory_space<vmem>>, vector<16xf32>,
        %slice3A_596 = vector.extract_strided_slice %get3A_68 {offsets = [12], sizes = [1], strides = [1]} : vector<16xi32> to vector<1xi32>
        %squeeze3A_597 = vector.extract %slice3A_596[0] : i32 from vector<1xi32>
        %slice3A_598 = vector.extract_strided_slice %get3A_72 {offsets = [12], sizes = [1], strides = [1]} : vector<16xi32> to vector<1xi32>
        %squeeze3A_599 = vector.extract %slice3A_598[0] : i32 from vector<1xi32>
        %shift_right_arithmetic3A_600 = arith.constant 4 : i32
        %shift_right_arithmetic3A_601 = arith.shrsi %squeeze3A_597, %shift_right_arithmetic3A_600 : i32
        %shift_left3A_602 = arith.constant 4 : i32
        %shift_left3A_603 = arith.shli %shift_right_arithmetic3A_601, %shift_left3A_602 : i32
        %get3A_604 = arith.index_cast %shift_left3A_603 : i32 to index
        %get3A_605 = tpu.vector_load %arg10[%get3A_604] {strides = array<i32>} : memref<1024xf32, #tpu.memory_space<vmem>>, vector<16xf32>,
        %get3A_606 = vector.shape_cast %get3A_605 : vector<16xf32> to vector<16xf32>
        %shift_right_arithmetic3A_607 = arith.constant 7 : i32
        %shift_right_arithmetic3A_608 = arith.shrsi %squeeze3A_599, %shift_right_arithmetic3A_607 : i32
        %shift_right_arithmetic3A_609 = arith.constant 4 : i32
        %shift_right_arithmetic3A_610 = arith.shrsi %squeeze3A_599, %shift_right_arithmetic3A_609 : i32
        %and3A_611 = arith.constant 7 : i32
        %and3A_612 = arith.andi %shift_right_arithmetic3A_610, %and3A_611 : i32
        %shift_left3A_613 = arith.constant 4 : i32
        %shift_left3A_614 = arith.shli %and3A_612, %shift_left3A_613 : i32
        %get3A_615 = arith.constant 12 : i32
        %get3A_616 = arith.index_cast %get3A_615 : i32 to index
        %get3A_617 = arith.index_cast %shift_right_arithmetic3A_608 : i32 to index
        %get3A_618 = arith.index_cast %shift_left3A_614 : i32 to index
        %get3A_619 = tpu.vector_load %arg11[%get3A_616, %get3A_617, %get3A_618] {strides = array<i32>} : memref<32x8x128xf32, #tpu.memory_space<vmem>>, vector<1x1x16xf32>,
        %get3A_620 = vector.shape_cast %get3A_619 : vector<1x1x16xf32> to vector<16xf32>
        %get3A_621 = arith.constant 0 : index
        %get3A_622 = tpu.vector_load %arg13[%get3A_621] {strides = array<i32>} : memref<16xf32, #tpu.memory_space<vmem>>, vector<16xf32>,
        %get3A_623 = vector.shape_cast %get3A_622 : vector<16xf32> to vector<16xf32>
        %and3A_624 = arith.constant 15 : i32
        %and3A_625 = arith.andi %squeeze3A_597, %and3A_624 : i32
        %eq3A_626 = vector.broadcast %and3A_625 : i32 to vector<16xi32>
        %eq3A_627 = arith.cmpi eq, %iota3A, %eq3A_626 : vector<16xi32>
        %select_n3A_628 = arith.select %eq3A_627, %get3A_606, %broadcast_in_dim3A_65 : vector<16xi1>, vector<16xf32>
        %add3A_629 = arith.addf %get3A_623, %select_n3A_628 : vector<16xf32>
        %and3A_630 = arith.constant 15 : i32
        %and3A_631 = arith.andi %squeeze3A_599, %and3A_630 : i32
        %eq3A_632 = vector.broadcast %and3A_631 : i32 to vector<16xi32>
        %eq3A_633 = arith.cmpi eq, %iota3A, %eq3A_632 : vector<16xi32>
        %select_n3A_634 = arith.select %eq3A_633, %get3A_620, %broadcast_in_dim3A_65 : vector<16xi1>, vector<16xf32>
        %sub3A_635 = arith.subf %add3A_629, %select_n3A_634 : vector<16xf32>
        %swap3A_636 = arith.constant 0 : index
        %swap3A_637 = tpu.vector_load %arg13[%swap3A_636] {strides = array<i32>} : memref<16xf32, #tpu.memory_space<vmem>>, vector<16xf32>,
        %swap3A_638 = vector.shape_cast %swap3A_637 : vector<16xf32> to vector<16xf32>
        %swap3A_639 = vector.shape_cast %sub3A_635 : vector<16xf32> to vector<16xf32>
        tpu.vector_store %arg13[%swap3A_636], %swap3A_639 {strides = array<i32>} : memref<16xf32, #tpu.memory_space<vmem>>, vector<16xf32>,
        %slice3A_640 = vector.extract_strided_slice %get3A_68 {offsets = [13], sizes = [1], strides = [1]} : vector<16xi32> to vector<1xi32>
        %squeeze3A_641 = vector.extract %slice3A_640[0] : i32 from vector<1xi32>
        %slice3A_642 = vector.extract_strided_slice %get3A_72 {offsets = [13], sizes = [1], strides = [1]} : vector<16xi32> to vector<1xi32>
        %squeeze3A_643 = vector.extract %slice3A_642[0] : i32 from vector<1xi32>
        %shift_right_arithmetic3A_644 = arith.constant 4 : i32
        %shift_right_arithmetic3A_645 = arith.shrsi %squeeze3A_641, %shift_right_arithmetic3A_644 : i32
        %shift_left3A_646 = arith.constant 4 : i32
        %shift_left3A_647 = arith.shli %shift_right_arithmetic3A_645, %shift_left3A_646 : i32
        %get3A_648 = arith.index_cast %shift_left3A_647 : i32 to index
        %get3A_649 = tpu.vector_load %arg10[%get3A_648] {strides = array<i32>} : memref<1024xf32, #tpu.memory_space<vmem>>, vector<16xf32>,
        %get3A_650 = vector.shape_cast %get3A_649 : vector<16xf32> to vector<16xf32>
        %shift_right_arithmetic3A_651 = arith.constant 7 : i32
        %shift_right_arithmetic3A_652 = arith.shrsi %squeeze3A_643, %shift_right_arithmetic3A_651 : i32
        %shift_right_arithmetic3A_653 = arith.constant 4 : i32
        %shift_right_arithmetic3A_654 = arith.shrsi %squeeze3A_643, %shift_right_arithmetic3A_653 : i32
        %and3A_655 = arith.constant 7 : i32
        %and3A_656 = arith.andi %shift_right_arithmetic3A_654, %and3A_655 : i32
        %shift_left3A_657 = arith.constant 4 : i32
        %shift_left3A_658 = arith.shli %and3A_656, %shift_left3A_657 : i32
        %get3A_659 = arith.constant 13 : i32
        %get3A_660 = arith.index_cast %get3A_659 : i32 to index
        %get3A_661 = arith.index_cast %shift_right_arithmetic3A_652 : i32 to index
        %get3A_662 = arith.index_cast %shift_left3A_658 : i32 to index
        %get3A_663 = tpu.vector_load %arg11[%get3A_660, %get3A_661, %get3A_662] {strides = array<i32>} : memref<32x8x128xf32, #tpu.memory_space<vmem>>, vector<1x1x16xf32>,
        %get3A_664 = vector.shape_cast %get3A_663 : vector<1x1x16xf32> to vector<16xf32>
        %get3A_665 = arith.constant 0 : index
        %get3A_666 = tpu.vector_load %arg13[%get3A_665] {strides = array<i32>} : memref<16xf32, #tpu.memory_space<vmem>>, vector<16xf32>,
        %get3A_667 = vector.shape_cast %get3A_666 : vector<16xf32> to vector<16xf32>
        %and3A_668 = arith.constant 15 : i32
        %and3A_669 = arith.andi %squeeze3A_641, %and3A_668 : i32
        %eq3A_670 = vector.broadcast %and3A_669 : i32 to vector<16xi32>
        %eq3A_671 = arith.cmpi eq, %iota3A, %eq3A_670 : vector<16xi32>
        %select_n3A_672 = arith.select %eq3A_671, %get3A_650, %broadcast_in_dim3A_65 : vector<16xi1>, vector<16xf32>
        %add3A_673 = arith.addf %get3A_667, %select_n3A_672 : vector<16xf32>
        %and3A_674 = arith.constant 15 : i32
        %and3A_675 = arith.andi %squeeze3A_643, %and3A_674 : i32
        %eq3A_676 = vector.broadcast %and3A_675 : i32 to vector<16xi32>
        %eq3A_677 = arith.cmpi eq, %iota3A, %eq3A_676 : vector<16xi32>
        %select_n3A_678 = arith.select %eq3A_677, %get3A_664, %broadcast_in_dim3A_65 : vector<16xi1>, vector<16xf32>
        %sub3A_679 = arith.subf %add3A_673, %select_n3A_678 : vector<16xf32>
        %swap3A_680 = arith.constant 0 : index
        %swap3A_681 = tpu.vector_load %arg13[%swap3A_680] {strides = array<i32>} : memref<16xf32, #tpu.memory_space<vmem>>, vector<16xf32>,
        %swap3A_682 = vector.shape_cast %swap3A_681 : vector<16xf32> to vector<16xf32>
        %swap3A_683 = vector.shape_cast %sub3A_679 : vector<16xf32> to vector<16xf32>
        tpu.vector_store %arg13[%swap3A_680], %swap3A_683 {strides = array<i32>} : memref<16xf32, #tpu.memory_space<vmem>>, vector<16xf32>,
        %slice3A_684 = vector.extract_strided_slice %get3A_68 {offsets = [14], sizes = [1], strides = [1]} : vector<16xi32> to vector<1xi32>
        %squeeze3A_685 = vector.extract %slice3A_684[0] : i32 from vector<1xi32>
        %slice3A_686 = vector.extract_strided_slice %get3A_72 {offsets = [14], sizes = [1], strides = [1]} : vector<16xi32> to vector<1xi32>
        %squeeze3A_687 = vector.extract %slice3A_686[0] : i32 from vector<1xi32>
        %shift_right_arithmetic3A_688 = arith.constant 4 : i32
        %shift_right_arithmetic3A_689 = arith.shrsi %squeeze3A_685, %shift_right_arithmetic3A_688 : i32
        %shift_left3A_690 = arith.constant 4 : i32
        %shift_left3A_691 = arith.shli %shift_right_arithmetic3A_689, %shift_left3A_690 : i32
        %get3A_692 = arith.index_cast %shift_left3A_691 : i32 to index
        %get3A_693 = tpu.vector_load %arg10[%get3A_692] {strides = array<i32>} : memref<1024xf32, #tpu.memory_space<vmem>>, vector<16xf32>,
        %get3A_694 = vector.shape_cast %get3A_693 : vector<16xf32> to vector<16xf32>
        %shift_right_arithmetic3A_695 = arith.constant 7 : i32
        %shift_right_arithmetic3A_696 = arith.shrsi %squeeze3A_687, %shift_right_arithmetic3A_695 : i32
        %shift_right_arithmetic3A_697 = arith.constant 4 : i32
        %shift_right_arithmetic3A_698 = arith.shrsi %squeeze3A_687, %shift_right_arithmetic3A_697 : i32
        %and3A_699 = arith.constant 7 : i32
        %and3A_700 = arith.andi %shift_right_arithmetic3A_698, %and3A_699 : i32
        %shift_left3A_701 = arith.constant 4 : i32
        %shift_left3A_702 = arith.shli %and3A_700, %shift_left3A_701 : i32
        %get3A_703 = arith.constant 14 : i32
        %get3A_704 = arith.index_cast %get3A_703 : i32 to index
        %get3A_705 = arith.index_cast %shift_right_arithmetic3A_696 : i32 to index
        %get3A_706 = arith.index_cast %shift_left3A_702 : i32 to index
        %get3A_707 = tpu.vector_load %arg11[%get3A_704, %get3A_705, %get3A_706] {strides = array<i32>} : memref<32x8x128xf32, #tpu.memory_space<vmem>>, vector<1x1x16xf32>,
        %get3A_708 = vector.shape_cast %get3A_707 : vector<1x1x16xf32> to vector<16xf32>
        %get3A_709 = arith.constant 0 : index
        %get3A_710 = tpu.vector_load %arg13[%get3A_709] {strides = array<i32>} : memref<16xf32, #tpu.memory_space<vmem>>, vector<16xf32>,
        %get3A_711 = vector.shape_cast %get3A_710 : vector<16xf32> to vector<16xf32>
        %and3A_712 = arith.constant 15 : i32
        %and3A_713 = arith.andi %squeeze3A_685, %and3A_712 : i32
        %eq3A_714 = vector.broadcast %and3A_713 : i32 to vector<16xi32>
        %eq3A_715 = arith.cmpi eq, %iota3A, %eq3A_714 : vector<16xi32>
        %select_n3A_716 = arith.select %eq3A_715, %get3A_694, %broadcast_in_dim3A_65 : vector<16xi1>, vector<16xf32>
        %add3A_717 = arith.addf %get3A_711, %select_n3A_716 : vector<16xf32>
        %and3A_718 = arith.constant 15 : i32
        %and3A_719 = arith.andi %squeeze3A_687, %and3A_718 : i32
        %eq3A_720 = vector.broadcast %and3A_719 : i32 to vector<16xi32>
        %eq3A_721 = arith.cmpi eq, %iota3A, %eq3A_720 : vector<16xi32>
        %select_n3A_722 = arith.select %eq3A_721, %get3A_708, %broadcast_in_dim3A_65 : vector<16xi1>, vector<16xf32>
        %sub3A_723 = arith.subf %add3A_717, %select_n3A_722 : vector<16xf32>
        %swap3A_724 = arith.constant 0 : index
        %swap3A_725 = tpu.vector_load %arg13[%swap3A_724] {strides = array<i32>} : memref<16xf32, #tpu.memory_space<vmem>>, vector<16xf32>,
        %swap3A_726 = vector.shape_cast %swap3A_725 : vector<16xf32> to vector<16xf32>
        %swap3A_727 = vector.shape_cast %sub3A_723 : vector<16xf32> to vector<16xf32>
        tpu.vector_store %arg13[%swap3A_724], %swap3A_727 {strides = array<i32>} : memref<16xf32, #tpu.memory_space<vmem>>, vector<16xf32>,
        %slice3A_728 = vector.extract_strided_slice %get3A_68 {offsets = [15], sizes = [1], strides = [1]} : vector<16xi32> to vector<1xi32>
        %squeeze3A_729 = vector.extract %slice3A_728[0] : i32 from vector<1xi32>
        %slice3A_730 = vector.extract_strided_slice %get3A_72 {offsets = [15], sizes = [1], strides = [1]} : vector<16xi32> to vector<1xi32>
        %squeeze3A_731 = vector.extract %slice3A_730[0] : i32 from vector<1xi32>
        %shift_right_arithmetic3A_732 = arith.constant 4 : i32
        %shift_right_arithmetic3A_733 = arith.shrsi %squeeze3A_729, %shift_right_arithmetic3A_732 : i32
        %shift_left3A_734 = arith.constant 4 : i32
        %shift_left3A_735 = arith.shli %shift_right_arithmetic3A_733, %shift_left3A_734 : i32
        %get3A_736 = arith.index_cast %shift_left3A_735 : i32 to index
        %get3A_737 = tpu.vector_load %arg10[%get3A_736] {strides = array<i32>} : memref<1024xf32, #tpu.memory_space<vmem>>, vector<16xf32>,
        %get3A_738 = vector.shape_cast %get3A_737 : vector<16xf32> to vector<16xf32>
        %shift_right_arithmetic3A_739 = arith.constant 7 : i32
        %shift_right_arithmetic3A_740 = arith.shrsi %squeeze3A_731, %shift_right_arithmetic3A_739 : i32
        %shift_right_arithmetic3A_741 = arith.constant 4 : i32
        %shift_right_arithmetic3A_742 = arith.shrsi %squeeze3A_731, %shift_right_arithmetic3A_741 : i32
        %and3A_743 = arith.constant 7 : i32
        %and3A_744 = arith.andi %shift_right_arithmetic3A_742, %and3A_743 : i32
        %shift_left3A_745 = arith.constant 4 : i32
        %shift_left3A_746 = arith.shli %and3A_744, %shift_left3A_745 : i32
        %get3A_747 = arith.constant 15 : i32
        %get3A_748 = arith.index_cast %get3A_747 : i32 to index
        %get3A_749 = arith.index_cast %shift_right_arithmetic3A_740 : i32 to index
        %get3A_750 = arith.index_cast %shift_left3A_746 : i32 to index
        %get3A_751 = tpu.vector_load %arg11[%get3A_748, %get3A_749, %get3A_750] {strides = array<i32>} : memref<32x8x128xf32, #tpu.memory_space<vmem>>, vector<1x1x16xf32>,
        %get3A_752 = vector.shape_cast %get3A_751 : vector<1x1x16xf32> to vector<16xf32>
        %get3A_753 = arith.constant 0 : index
        %get3A_754 = tpu.vector_load %arg13[%get3A_753] {strides = array<i32>} : memref<16xf32, #tpu.memory_space<vmem>>, vector<16xf32>,
        %get3A_755 = vector.shape_cast %get3A_754 : vector<16xf32> to vector<16xf32>
        %and3A_756 = arith.constant 15 : i32
        %and3A_757 = arith.andi %squeeze3A_729, %and3A_756 : i32
        %eq3A_758 = vector.broadcast %and3A_757 : i32 to vector<16xi32>
        %eq3A_759 = arith.cmpi eq, %iota3A, %eq3A_758 : vector<16xi32>
        %select_n3A_760 = arith.select %eq3A_759, %get3A_738, %broadcast_in_dim3A_65 : vector<16xi1>, vector<16xf32>
        %add3A_761 = arith.addf %get3A_755, %select_n3A_760 : vector<16xf32>
        %and3A_762 = arith.constant 15 : i32
        %and3A_763 = arith.andi %squeeze3A_731, %and3A_762 : i32
        %eq3A_764 = vector.broadcast %and3A_763 : i32 to vector<16xi32>
        %eq3A_765 = arith.cmpi eq, %iota3A, %eq3A_764 : vector<16xi32>
        %select_n3A_766 = arith.select %eq3A_765, %get3A_752, %broadcast_in_dim3A_65 : vector<16xi1>, vector<16xf32>
        %sub3A_767 = arith.subf %add3A_761, %select_n3A_766 : vector<16xf32>
        %swap3A_768 = arith.constant 0 : index
        %swap3A_769 = tpu.vector_load %arg13[%swap3A_768] {strides = array<i32>} : memref<16xf32, #tpu.memory_space<vmem>>, vector<16xf32>,
        %swap3A_770 = vector.shape_cast %swap3A_769 : vector<16xf32> to vector<16xf32>
        %swap3A_771 = vector.shape_cast %sub3A_767 : vector<16xf32> to vector<16xf32>
        tpu.vector_store %arg13[%swap3A_768], %swap3A_771 {strides = array<i32>} : memref<16xf32, #tpu.memory_space<vmem>>, vector<16xf32>,
        %get3A_772 = arith.index_cast %scan3A_25 : i32 to index
        %get3A_773 = arith.constant 16 : index
        %get3A_774 = tpu.vector_load %arg8[%get3A_772, %get3A_773] {strides = array<i32>} : memref<50x32xi32, #tpu.memory_space<vmem>>, vector<1x16xi32>,
        %get3A_775 = vector.shape_cast %get3A_774 : vector<1x16xi32> to vector<16xi32>
        %get3A_776 = arith.index_cast %scan3A_25 : i32 to index
        %get3A_777 = arith.constant 16 : index
        %get3A_778 = tpu.vector_load %arg9[%get3A_776, %get3A_777] {strides = array<i32>} : memref<50x32xi32, #tpu.memory_space<vmem>>, vector<1x16xi32>,
        %get3A_779 = vector.shape_cast %get3A_778 : vector<1x16xi32> to vector<16xi32>
        %slice3A_780 = vector.extract_strided_slice %get3A_775 {offsets = [0], sizes = [1], strides = [1]} : vector<16xi32> to vector<1xi32>
        %squeeze3A_781 = vector.extract %slice3A_780[0] : i32 from vector<1xi32>
        %slice3A_782 = vector.extract_strided_slice %get3A_779 {offsets = [0], sizes = [1], strides = [1]} : vector<16xi32> to vector<1xi32>
        %squeeze3A_783 = vector.extract %slice3A_782[0] : i32 from vector<1xi32>
        %shift_right_arithmetic3A_784 = arith.constant 4 : i32
        %shift_right_arithmetic3A_785 = arith.shrsi %squeeze3A_781, %shift_right_arithmetic3A_784 : i32
        %shift_left3A_786 = arith.constant 4 : i32
        %shift_left3A_787 = arith.shli %shift_right_arithmetic3A_785, %shift_left3A_786 : i32
        %get3A_788 = arith.index_cast %shift_left3A_787 : i32 to index
        %get3A_789 = tpu.vector_load %arg10[%get3A_788] {strides = array<i32>} : memref<1024xf32, #tpu.memory_space<vmem>>, vector<16xf32>,
        %get3A_790 = vector.shape_cast %get3A_789 : vector<16xf32> to vector<16xf32>
        %shift_right_arithmetic3A_791 = arith.constant 7 : i32
        %shift_right_arithmetic3A_792 = arith.shrsi %squeeze3A_783, %shift_right_arithmetic3A_791 : i32
        %shift_right_arithmetic3A_793 = arith.constant 4 : i32
        %shift_right_arithmetic3A_794 = arith.shrsi %squeeze3A_783, %shift_right_arithmetic3A_793 : i32
        %and3A_795 = arith.constant 7 : i32
        %and3A_796 = arith.andi %shift_right_arithmetic3A_794, %and3A_795 : i32
        %shift_left3A_797 = arith.constant 4 : i32
        %shift_left3A_798 = arith.shli %and3A_796, %shift_left3A_797 : i32
        %get3A_799 = arith.constant 16 : i32
        %get3A_800 = arith.index_cast %get3A_799 : i32 to index
        %get3A_801 = arith.index_cast %shift_right_arithmetic3A_792 : i32 to index
        %get3A_802 = arith.index_cast %shift_left3A_798 : i32 to index
        %get3A_803 = tpu.vector_load %arg11[%get3A_800, %get3A_801, %get3A_802] {strides = array<i32>} : memref<32x8x128xf32, #tpu.memory_space<vmem>>, vector<1x1x16xf32>,
        %get3A_804 = vector.shape_cast %get3A_803 : vector<1x1x16xf32> to vector<16xf32>
        %get3A_805 = arith.constant 0 : index
        %get3A_806 = tpu.vector_load %arg13[%get3A_805] {strides = array<i32>} : memref<16xf32, #tpu.memory_space<vmem>>, vector<16xf32>,
        %get3A_807 = vector.shape_cast %get3A_806 : vector<16xf32> to vector<16xf32>
        %and3A_808 = arith.constant 15 : i32
        %and3A_809 = arith.andi %squeeze3A_781, %and3A_808 : i32
        %eq3A_810 = vector.broadcast %and3A_809 : i32 to vector<16xi32>
        %eq3A_811 = arith.cmpi eq, %iota3A, %eq3A_810 : vector<16xi32>
        %select_n3A_812 = arith.select %eq3A_811, %get3A_790, %broadcast_in_dim3A_65 : vector<16xi1>, vector<16xf32>
        %add3A_813 = arith.addf %get3A_807, %select_n3A_812 : vector<16xf32>
        %and3A_814 = arith.constant 15 : i32
        %and3A_815 = arith.andi %squeeze3A_783, %and3A_814 : i32
        %eq3A_816 = vector.broadcast %and3A_815 : i32 to vector<16xi32>
        %eq3A_817 = arith.cmpi eq, %iota3A, %eq3A_816 : vector<16xi32>
        %select_n3A_818 = arith.select %eq3A_817, %get3A_804, %broadcast_in_dim3A_65 : vector<16xi1>, vector<16xf32>
        %sub3A_819 = arith.subf %add3A_813, %select_n3A_818 : vector<16xf32>
        %swap3A_820 = arith.constant 0 : index
        %swap3A_821 = tpu.vector_load %arg13[%swap3A_820] {strides = array<i32>} : memref<16xf32, #tpu.memory_space<vmem>>, vector<16xf32>,
        %swap3A_822 = vector.shape_cast %swap3A_821 : vector<16xf32> to vector<16xf32>
        %swap3A_823 = vector.shape_cast %sub3A_819 : vector<16xf32> to vector<16xf32>
        tpu.vector_store %arg13[%swap3A_820], %swap3A_823 {strides = array<i32>} : memref<16xf32, #tpu.memory_space<vmem>>, vector<16xf32>,
        %slice3A_824 = vector.extract_strided_slice %get3A_775 {offsets = [1], sizes = [1], strides = [1]} : vector<16xi32> to vector<1xi32>
        %squeeze3A_825 = vector.extract %slice3A_824[0] : i32 from vector<1xi32>
        %slice3A_826 = vector.extract_strided_slice %get3A_779 {offsets = [1], sizes = [1], strides = [1]} : vector<16xi32> to vector<1xi32>
        %squeeze3A_827 = vector.extract %slice3A_826[0] : i32 from vector<1xi32>
        %shift_right_arithmetic3A_828 = arith.constant 4 : i32
        %shift_right_arithmetic3A_829 = arith.shrsi %squeeze3A_825, %shift_right_arithmetic3A_828 : i32
        %shift_left3A_830 = arith.constant 4 : i32
        %shift_left3A_831 = arith.shli %shift_right_arithmetic3A_829, %shift_left3A_830 : i32
        %get3A_832 = arith.index_cast %shift_left3A_831 : i32 to index
        %get3A_833 = tpu.vector_load %arg10[%get3A_832] {strides = array<i32>} : memref<1024xf32, #tpu.memory_space<vmem>>, vector<16xf32>,
        %get3A_834 = vector.shape_cast %get3A_833 : vector<16xf32> to vector<16xf32>
        %shift_right_arithmetic3A_835 = arith.constant 7 : i32
        %shift_right_arithmetic3A_836 = arith.shrsi %squeeze3A_827, %shift_right_arithmetic3A_835 : i32
        %shift_right_arithmetic3A_837 = arith.constant 4 : i32
        %shift_right_arithmetic3A_838 = arith.shrsi %squeeze3A_827, %shift_right_arithmetic3A_837 : i32
        %and3A_839 = arith.constant 7 : i32
        %and3A_840 = arith.andi %shift_right_arithmetic3A_838, %and3A_839 : i32
        %shift_left3A_841 = arith.constant 4 : i32
        %shift_left3A_842 = arith.shli %and3A_840, %shift_left3A_841 : i32
        %get3A_843 = arith.constant 17 : i32
        %get3A_844 = arith.index_cast %get3A_843 : i32 to index
        %get3A_845 = arith.index_cast %shift_right_arithmetic3A_836 : i32 to index
        %get3A_846 = arith.index_cast %shift_left3A_842 : i32 to index
        %get3A_847 = tpu.vector_load %arg11[%get3A_844, %get3A_845, %get3A_846] {strides = array<i32>} : memref<32x8x128xf32, #tpu.memory_space<vmem>>, vector<1x1x16xf32>,
        %get3A_848 = vector.shape_cast %get3A_847 : vector<1x1x16xf32> to vector<16xf32>
        %get3A_849 = arith.constant 0 : index
        %get3A_850 = tpu.vector_load %arg13[%get3A_849] {strides = array<i32>} : memref<16xf32, #tpu.memory_space<vmem>>, vector<16xf32>,
        %get3A_851 = vector.shape_cast %get3A_850 : vector<16xf32> to vector<16xf32>
        %and3A_852 = arith.constant 15 : i32
        %and3A_853 = arith.andi %squeeze3A_825, %and3A_852 : i32
        %eq3A_854 = vector.broadcast %and3A_853 : i32 to vector<16xi32>
        %eq3A_855 = arith.cmpi eq, %iota3A, %eq3A_854 : vector<16xi32>
        %select_n3A_856 = arith.select %eq3A_855, %get3A_834, %broadcast_in_dim3A_65 : vector<16xi1>, vector<16xf32>
        %add3A_857 = arith.addf %get3A_851, %select_n3A_856 : vector<16xf32>
        %and3A_858 = arith.constant 15 : i32
        %and3A_859 = arith.andi %squeeze3A_827, %and3A_858 : i32
        %eq3A_860 = vector.broadcast %and3A_859 : i32 to vector<16xi32>
        %eq3A_861 = arith.cmpi eq, %iota3A, %eq3A_860 : vector<16xi32>
        %select_n3A_862 = arith.select %eq3A_861, %get3A_848, %broadcast_in_dim3A_65 : vector<16xi1>, vector<16xf32>
        %sub3A_863 = arith.subf %add3A_857, %select_n3A_862 : vector<16xf32>
        %swap3A_864 = arith.constant 0 : index
        %swap3A_865 = tpu.vector_load %arg13[%swap3A_864] {strides = array<i32>} : memref<16xf32, #tpu.memory_space<vmem>>, vector<16xf32>,
        %swap3A_866 = vector.shape_cast %swap3A_865 : vector<16xf32> to vector<16xf32>
        %swap3A_867 = vector.shape_cast %sub3A_863 : vector<16xf32> to vector<16xf32>
        tpu.vector_store %arg13[%swap3A_864], %swap3A_867 {strides = array<i32>} : memref<16xf32, #tpu.memory_space<vmem>>, vector<16xf32>,
        %slice3A_868 = vector.extract_strided_slice %get3A_775 {offsets = [2], sizes = [1], strides = [1]} : vector<16xi32> to vector<1xi32>
        %squeeze3A_869 = vector.extract %slice3A_868[0] : i32 from vector<1xi32>
        %slice3A_870 = vector.extract_strided_slice %get3A_779 {offsets = [2], sizes = [1], strides = [1]} : vector<16xi32> to vector<1xi32>
        %squeeze3A_871 = vector.extract %slice3A_870[0] : i32 from vector<1xi32>
        %shift_right_arithmetic3A_872 = arith.constant 4 : i32
        %shift_right_arithmetic3A_873 = arith.shrsi %squeeze3A_869, %shift_right_arithmetic3A_872 : i32
        %shift_left3A_874 = arith.constant 4 : i32
        %shift_left3A_875 = arith.shli %shift_right_arithmetic3A_873, %shift_left3A_874 : i32
        %get3A_876 = arith.index_cast %shift_left3A_875 : i32 to index
        %get3A_877 = tpu.vector_load %arg10[%get3A_876] {strides = array<i32>} : memref<1024xf32, #tpu.memory_space<vmem>>, vector<16xf32>,
        %get3A_878 = vector.shape_cast %get3A_877 : vector<16xf32> to vector<16xf32>
        %shift_right_arithmetic3A_879 = arith.constant 7 : i32
        %shift_right_arithmetic3A_880 = arith.shrsi %squeeze3A_871, %shift_right_arithmetic3A_879 : i32
        %shift_right_arithmetic3A_881 = arith.constant 4 : i32
        %shift_right_arithmetic3A_882 = arith.shrsi %squeeze3A_871, %shift_right_arithmetic3A_881 : i32
        %and3A_883 = arith.constant 7 : i32
        %and3A_884 = arith.andi %shift_right_arithmetic3A_882, %and3A_883 : i32
        %shift_left3A_885 = arith.constant 4 : i32
        %shift_left3A_886 = arith.shli %and3A_884, %shift_left3A_885 : i32
        %get3A_887 = arith.constant 18 : i32
        %get3A_888 = arith.index_cast %get3A_887 : i32 to index
        %get3A_889 = arith.index_cast %shift_right_arithmetic3A_880 : i32 to index
        %get3A_890 = arith.index_cast %shift_left3A_886 : i32 to index
        %get3A_891 = tpu.vector_load %arg11[%get3A_888, %get3A_889, %get3A_890] {strides = array<i32>} : memref<32x8x128xf32, #tpu.memory_space<vmem>>, vector<1x1x16xf32>,
        %get3A_892 = vector.shape_cast %get3A_891 : vector<1x1x16xf32> to vector<16xf32>
        %get3A_893 = arith.constant 0 : index
        %get3A_894 = tpu.vector_load %arg13[%get3A_893] {strides = array<i32>} : memref<16xf32, #tpu.memory_space<vmem>>, vector<16xf32>,
        %get3A_895 = vector.shape_cast %get3A_894 : vector<16xf32> to vector<16xf32>
        %and3A_896 = arith.constant 15 : i32
        %and3A_897 = arith.andi %squeeze3A_869, %and3A_896 : i32
        %eq3A_898 = vector.broadcast %and3A_897 : i32 to vector<16xi32>
        %eq3A_899 = arith.cmpi eq, %iota3A, %eq3A_898 : vector<16xi32>
        %select_n3A_900 = arith.select %eq3A_899, %get3A_878, %broadcast_in_dim3A_65 : vector<16xi1>, vector<16xf32>
        %add3A_901 = arith.addf %get3A_895, %select_n3A_900 : vector<16xf32>
        %and3A_902 = arith.constant 15 : i32
        %and3A_903 = arith.andi %squeeze3A_871, %and3A_902 : i32
        %eq3A_904 = vector.broadcast %and3A_903 : i32 to vector<16xi32>
        %eq3A_905 = arith.cmpi eq, %iota3A, %eq3A_904 : vector<16xi32>
        %select_n3A_906 = arith.select %eq3A_905, %get3A_892, %broadcast_in_dim3A_65 : vector<16xi1>, vector<16xf32>
        %sub3A_907 = arith.subf %add3A_901, %select_n3A_906 : vector<16xf32>
        %swap3A_908 = arith.constant 0 : index
        %swap3A_909 = tpu.vector_load %arg13[%swap3A_908] {strides = array<i32>} : memref<16xf32, #tpu.memory_space<vmem>>, vector<16xf32>,
        %swap3A_910 = vector.shape_cast %swap3A_909 : vector<16xf32> to vector<16xf32>
        %swap3A_911 = vector.shape_cast %sub3A_907 : vector<16xf32> to vector<16xf32>
        tpu.vector_store %arg13[%swap3A_908], %swap3A_911 {strides = array<i32>} : memref<16xf32, #tpu.memory_space<vmem>>, vector<16xf32>,
        %slice3A_912 = vector.extract_strided_slice %get3A_775 {offsets = [3], sizes = [1], strides = [1]} : vector<16xi32> to vector<1xi32>
        %squeeze3A_913 = vector.extract %slice3A_912[0] : i32 from vector<1xi32>
        %slice3A_914 = vector.extract_strided_slice %get3A_779 {offsets = [3], sizes = [1], strides = [1]} : vector<16xi32> to vector<1xi32>
        %squeeze3A_915 = vector.extract %slice3A_914[0] : i32 from vector<1xi32>
        %shift_right_arithmetic3A_916 = arith.constant 4 : i32
        %shift_right_arithmetic3A_917 = arith.shrsi %squeeze3A_913, %shift_right_arithmetic3A_916 : i32
        %shift_left3A_918 = arith.constant 4 : i32
        %shift_left3A_919 = arith.shli %shift_right_arithmetic3A_917, %shift_left3A_918 : i32
        %get3A_920 = arith.index_cast %shift_left3A_919 : i32 to index
        %get3A_921 = tpu.vector_load %arg10[%get3A_920] {strides = array<i32>} : memref<1024xf32, #tpu.memory_space<vmem>>, vector<16xf32>,
        %get3A_922 = vector.shape_cast %get3A_921 : vector<16xf32> to vector<16xf32>
        %shift_right_arithmetic3A_923 = arith.constant 7 : i32
        %shift_right_arithmetic3A_924 = arith.shrsi %squeeze3A_915, %shift_right_arithmetic3A_923 : i32
        %shift_right_arithmetic3A_925 = arith.constant 4 : i32
        %shift_right_arithmetic3A_926 = arith.shrsi %squeeze3A_915, %shift_right_arithmetic3A_925 : i32
        %and3A_927 = arith.constant 7 : i32
        %and3A_928 = arith.andi %shift_right_arithmetic3A_926, %and3A_927 : i32
        %shift_left3A_929 = arith.constant 4 : i32
        %shift_left3A_930 = arith.shli %and3A_928, %shift_left3A_929 : i32
        %get3A_931 = arith.constant 19 : i32
        %get3A_932 = arith.index_cast %get3A_931 : i32 to index
        %get3A_933 = arith.index_cast %shift_right_arithmetic3A_924 : i32 to index
        %get3A_934 = arith.index_cast %shift_left3A_930 : i32 to index
        %get3A_935 = tpu.vector_load %arg11[%get3A_932, %get3A_933, %get3A_934] {strides = array<i32>} : memref<32x8x128xf32, #tpu.memory_space<vmem>>, vector<1x1x16xf32>,
        %get3A_936 = vector.shape_cast %get3A_935 : vector<1x1x16xf32> to vector<16xf32>
        %get3A_937 = arith.constant 0 : index
        %get3A_938 = tpu.vector_load %arg13[%get3A_937] {strides = array<i32>} : memref<16xf32, #tpu.memory_space<vmem>>, vector<16xf32>,
        %get3A_939 = vector.shape_cast %get3A_938 : vector<16xf32> to vector<16xf32>
        %and3A_940 = arith.constant 15 : i32
        %and3A_941 = arith.andi %squeeze3A_913, %and3A_940 : i32
        %eq3A_942 = vector.broadcast %and3A_941 : i32 to vector<16xi32>
        %eq3A_943 = arith.cmpi eq, %iota3A, %eq3A_942 : vector<16xi32>
        %select_n3A_944 = arith.select %eq3A_943, %get3A_922, %broadcast_in_dim3A_65 : vector<16xi1>, vector<16xf32>
        %add3A_945 = arith.addf %get3A_939, %select_n3A_944 : vector<16xf32>
        %and3A_946 = arith.constant 15 : i32
        %and3A_947 = arith.andi %squeeze3A_915, %and3A_946 : i32
        %eq3A_948 = vector.broadcast %and3A_947 : i32 to vector<16xi32>
        %eq3A_949 = arith.cmpi eq, %iota3A, %eq3A_948 : vector<16xi32>
        %select_n3A_950 = arith.select %eq3A_949, %get3A_936, %broadcast_in_dim3A_65 : vector<16xi1>, vector<16xf32>
        %sub3A_951 = arith.subf %add3A_945, %select_n3A_950 : vector<16xf32>
        %swap3A_952 = arith.constant 0 : index
        %swap3A_953 = tpu.vector_load %arg13[%swap3A_952] {strides = array<i32>} : memref<16xf32, #tpu.memory_space<vmem>>, vector<16xf32>,
        %swap3A_954 = vector.shape_cast %swap3A_953 : vector<16xf32> to vector<16xf32>
        %swap3A_955 = vector.shape_cast %sub3A_951 : vector<16xf32> to vector<16xf32>
        tpu.vector_store %arg13[%swap3A_952], %swap3A_955 {strides = array<i32>} : memref<16xf32, #tpu.memory_space<vmem>>, vector<16xf32>,
        %slice3A_956 = vector.extract_strided_slice %get3A_775 {offsets = [4], sizes = [1], strides = [1]} : vector<16xi32> to vector<1xi32>
        %squeeze3A_957 = vector.extract %slice3A_956[0] : i32 from vector<1xi32>
        %slice3A_958 = vector.extract_strided_slice %get3A_779 {offsets = [4], sizes = [1], strides = [1]} : vector<16xi32> to vector<1xi32>
        %squeeze3A_959 = vector.extract %slice3A_958[0] : i32 from vector<1xi32>
        %shift_right_arithmetic3A_960 = arith.constant 4 : i32
        %shift_right_arithmetic3A_961 = arith.shrsi %squeeze3A_957, %shift_right_arithmetic3A_960 : i32
        %shift_left3A_962 = arith.constant 4 : i32
        %shift_left3A_963 = arith.shli %shift_right_arithmetic3A_961, %shift_left3A_962 : i32
        %get3A_964 = arith.index_cast %shift_left3A_963 : i32 to index
        %get3A_965 = tpu.vector_load %arg10[%get3A_964] {strides = array<i32>} : memref<1024xf32, #tpu.memory_space<vmem>>, vector<16xf32>,
        %get3A_966 = vector.shape_cast %get3A_965 : vector<16xf32> to vector<16xf32>
        %shift_right_arithmetic3A_967 = arith.constant 7 : i32
        %shift_right_arithmetic3A_968 = arith.shrsi %squeeze3A_959, %shift_right_arithmetic3A_967 : i32
        %shift_right_arithmetic3A_969 = arith.constant 4 : i32
        %shift_right_arithmetic3A_970 = arith.shrsi %squeeze3A_959, %shift_right_arithmetic3A_969 : i32
        %and3A_971 = arith.constant 7 : i32
        %and3A_972 = arith.andi %shift_right_arithmetic3A_970, %and3A_971 : i32
        %shift_left3A_973 = arith.constant 4 : i32
        %shift_left3A_974 = arith.shli %and3A_972, %shift_left3A_973 : i32
        %get3A_975 = arith.constant 20 : i32
        %get3A_976 = arith.index_cast %get3A_975 : i32 to index
        %get3A_977 = arith.index_cast %shift_right_arithmetic3A_968 : i32 to index
        %get3A_978 = arith.index_cast %shift_left3A_974 : i32 to index
        %get3A_979 = tpu.vector_load %arg11[%get3A_976, %get3A_977, %get3A_978] {strides = array<i32>} : memref<32x8x128xf32, #tpu.memory_space<vmem>>, vector<1x1x16xf32>,
        %get3A_980 = vector.shape_cast %get3A_979 : vector<1x1x16xf32> to vector<16xf32>
        %get3A_981 = arith.constant 0 : index
        %get3A_982 = tpu.vector_load %arg13[%get3A_981] {strides = array<i32>} : memref<16xf32, #tpu.memory_space<vmem>>, vector<16xf32>,
        %get3A_983 = vector.shape_cast %get3A_982 : vector<16xf32> to vector<16xf32>
        %and3A_984 = arith.constant 15 : i32
        %and3A_985 = arith.andi %squeeze3A_957, %and3A_984 : i32
        %eq3A_986 = vector.broadcast %and3A_985 : i32 to vector<16xi32>
        %eq3A_987 = arith.cmpi eq, %iota3A, %eq3A_986 : vector<16xi32>
        %select_n3A_988 = arith.select %eq3A_987, %get3A_966, %broadcast_in_dim3A_65 : vector<16xi1>, vector<16xf32>
        %add3A_989 = arith.addf %get3A_983, %select_n3A_988 : vector<16xf32>
        %and3A_990 = arith.constant 15 : i32
        %and3A_991 = arith.andi %squeeze3A_959, %and3A_990 : i32
        %eq3A_992 = vector.broadcast %and3A_991 : i32 to vector<16xi32>
        %eq3A_993 = arith.cmpi eq, %iota3A, %eq3A_992 : vector<16xi32>
        %select_n3A_994 = arith.select %eq3A_993, %get3A_980, %broadcast_in_dim3A_65 : vector<16xi1>, vector<16xf32>
        %sub3A_995 = arith.subf %add3A_989, %select_n3A_994 : vector<16xf32>
        %swap3A_996 = arith.constant 0 : index
        %swap3A_997 = tpu.vector_load %arg13[%swap3A_996] {strides = array<i32>} : memref<16xf32, #tpu.memory_space<vmem>>, vector<16xf32>,
        %swap3A_998 = vector.shape_cast %swap3A_997 : vector<16xf32> to vector<16xf32>
        %swap3A_999 = vector.shape_cast %sub3A_995 : vector<16xf32> to vector<16xf32>
        tpu.vector_store %arg13[%swap3A_996], %swap3A_999 {strides = array<i32>} : memref<16xf32, #tpu.memory_space<vmem>>, vector<16xf32>,
        %slice3A_1000 = vector.extract_strided_slice %get3A_775 {offsets = [5], sizes = [1], strides = [1]} : vector<16xi32> to vector<1xi32>
        %squeeze3A_1001 = vector.extract %slice3A_1000[0] : i32 from vector<1xi32>
        %slice3A_1002 = vector.extract_strided_slice %get3A_779 {offsets = [5], sizes = [1], strides = [1]} : vector<16xi32> to vector<1xi32>
        %squeeze3A_1003 = vector.extract %slice3A_1002[0] : i32 from vector<1xi32>
        %shift_right_arithmetic3A_1004 = arith.constant 4 : i32
        %shift_right_arithmetic3A_1005 = arith.shrsi %squeeze3A_1001, %shift_right_arithmetic3A_1004 : i32
        %shift_left3A_1006 = arith.constant 4 : i32
        %shift_left3A_1007 = arith.shli %shift_right_arithmetic3A_1005, %shift_left3A_1006 : i32
        %get3A_1008 = arith.index_cast %shift_left3A_1007 : i32 to index
        %get3A_1009 = tpu.vector_load %arg10[%get3A_1008] {strides = array<i32>} : memref<1024xf32, #tpu.memory_space<vmem>>, vector<16xf32>,
        %get3A_1010 = vector.shape_cast %get3A_1009 : vector<16xf32> to vector<16xf32>
        %shift_right_arithmetic3A_1011 = arith.constant 7 : i32
        %shift_right_arithmetic3A_1012 = arith.shrsi %squeeze3A_1003, %shift_right_arithmetic3A_1011 : i32
        %shift_right_arithmetic3A_1013 = arith.constant 4 : i32
        %shift_right_arithmetic3A_1014 = arith.shrsi %squeeze3A_1003, %shift_right_arithmetic3A_1013 : i32
        %and3A_1015 = arith.constant 7 : i32
        %and3A_1016 = arith.andi %shift_right_arithmetic3A_1014, %and3A_1015 : i32
        %shift_left3A_1017 = arith.constant 4 : i32
        %shift_left3A_1018 = arith.shli %and3A_1016, %shift_left3A_1017 : i32
        %get3A_1019 = arith.constant 21 : i32
        %get3A_1020 = arith.index_cast %get3A_1019 : i32 to index
        %get3A_1021 = arith.index_cast %shift_right_arithmetic3A_1012 : i32 to index
        %get3A_1022 = arith.index_cast %shift_left3A_1018 : i32 to index
        %get3A_1023 = tpu.vector_load %arg11[%get3A_1020, %get3A_1021, %get3A_1022] {strides = array<i32>} : memref<32x8x128xf32, #tpu.memory_space<vmem>>, vector<1x1x16xf32>,
        %get3A_1024 = vector.shape_cast %get3A_1023 : vector<1x1x16xf32> to vector<16xf32>
        %get3A_1025 = arith.constant 0 : index
        %get3A_1026 = tpu.vector_load %arg13[%get3A_1025] {strides = array<i32>} : memref<16xf32, #tpu.memory_space<vmem>>, vector<16xf32>,
        %get3A_1027 = vector.shape_cast %get3A_1026 : vector<16xf32> to vector<16xf32>
        %and3A_1028 = arith.constant 15 : i32
        %and3A_1029 = arith.andi %squeeze3A_1001, %and3A_1028 : i32
        %eq3A_1030 = vector.broadcast %and3A_1029 : i32 to vector<16xi32>
        %eq3A_1031 = arith.cmpi eq, %iota3A, %eq3A_1030 : vector<16xi32>
        %select_n3A_1032 = arith.select %eq3A_1031, %get3A_1010, %broadcast_in_dim3A_65 : vector<16xi1>, vector<16xf32>
        %add3A_1033 = arith.addf %get3A_1027, %select_n3A_1032 : vector<16xf32>
        %and3A_1034 = arith.constant 15 : i32
        %and3A_1035 = arith.andi %squeeze3A_1003, %and3A_1034 : i32
        %eq3A_1036 = vector.broadcast %and3A_1035 : i32 to vector<16xi32>
        %eq3A_1037 = arith.cmpi eq, %iota3A, %eq3A_1036 : vector<16xi32>
        %select_n3A_1038 = arith.select %eq3A_1037, %get3A_1024, %broadcast_in_dim3A_65 : vector<16xi1>, vector<16xf32>
        %sub3A_1039 = arith.subf %add3A_1033, %select_n3A_1038 : vector<16xf32>
        %swap3A_1040 = arith.constant 0 : index
        %swap3A_1041 = tpu.vector_load %arg13[%swap3A_1040] {strides = array<i32>} : memref<16xf32, #tpu.memory_space<vmem>>, vector<16xf32>,
        %swap3A_1042 = vector.shape_cast %swap3A_1041 : vector<16xf32> to vector<16xf32>
        %swap3A_1043 = vector.shape_cast %sub3A_1039 : vector<16xf32> to vector<16xf32>
        tpu.vector_store %arg13[%swap3A_1040], %swap3A_1043 {strides = array<i32>} : memref<16xf32, #tpu.memory_space<vmem>>, vector<16xf32>,
        %slice3A_1044 = vector.extract_strided_slice %get3A_775 {offsets = [6], sizes = [1], strides = [1]} : vector<16xi32> to vector<1xi32>
        %squeeze3A_1045 = vector.extract %slice3A_1044[0] : i32 from vector<1xi32>
        %slice3A_1046 = vector.extract_strided_slice %get3A_779 {offsets = [6], sizes = [1], strides = [1]} : vector<16xi32> to vector<1xi32>
        %squeeze3A_1047 = vector.extract %slice3A_1046[0] : i32 from vector<1xi32>
        %shift_right_arithmetic3A_1048 = arith.constant 4 : i32
        %shift_right_arithmetic3A_1049 = arith.shrsi %squeeze3A_1045, %shift_right_arithmetic3A_1048 : i32
        %shift_left3A_1050 = arith.constant 4 : i32
        %shift_left3A_1051 = arith.shli %shift_right_arithmetic3A_1049, %shift_left3A_1050 : i32
        %get3A_1052 = arith.index_cast %shift_left3A_1051 : i32 to index
        %get3A_1053 = tpu.vector_load %arg10[%get3A_1052] {strides = array<i32>} : memref<1024xf32, #tpu.memory_space<vmem>>, vector<16xf32>,
        %get3A_1054 = vector.shape_cast %get3A_1053 : vector<16xf32> to vector<16xf32>
        %shift_right_arithmetic3A_1055 = arith.constant 7 : i32
        %shift_right_arithmetic3A_1056 = arith.shrsi %squeeze3A_1047, %shift_right_arithmetic3A_1055 : i32
        %shift_right_arithmetic3A_1057 = arith.constant 4 : i32
        %shift_right_arithmetic3A_1058 = arith.shrsi %squeeze3A_1047, %shift_right_arithmetic3A_1057 : i32
        %and3A_1059 = arith.constant 7 : i32
        %and3A_1060 = arith.andi %shift_right_arithmetic3A_1058, %and3A_1059 : i32
        %shift_left3A_1061 = arith.constant 4 : i32
        %shift_left3A_1062 = arith.shli %and3A_1060, %shift_left3A_1061 : i32
        %get3A_1063 = arith.constant 22 : i32
        %get3A_1064 = arith.index_cast %get3A_1063 : i32 to index
        %get3A_1065 = arith.index_cast %shift_right_arithmetic3A_1056 : i32 to index
        %get3A_1066 = arith.index_cast %shift_left3A_1062 : i32 to index
        %get3A_1067 = tpu.vector_load %arg11[%get3A_1064, %get3A_1065, %get3A_1066] {strides = array<i32>} : memref<32x8x128xf32, #tpu.memory_space<vmem>>, vector<1x1x16xf32>,
        %get3A_1068 = vector.shape_cast %get3A_1067 : vector<1x1x16xf32> to vector<16xf32>
        %get3A_1069 = arith.constant 0 : index
        %get3A_1070 = tpu.vector_load %arg13[%get3A_1069] {strides = array<i32>} : memref<16xf32, #tpu.memory_space<vmem>>, vector<16xf32>,
        %get3A_1071 = vector.shape_cast %get3A_1070 : vector<16xf32> to vector<16xf32>
        %and3A_1072 = arith.constant 15 : i32
        %and3A_1073 = arith.andi %squeeze3A_1045, %and3A_1072 : i32
        %eq3A_1074 = vector.broadcast %and3A_1073 : i32 to vector<16xi32>
        %eq3A_1075 = arith.cmpi eq, %iota3A, %eq3A_1074 : vector<16xi32>
        %select_n3A_1076 = arith.select %eq3A_1075, %get3A_1054, %broadcast_in_dim3A_65 : vector<16xi1>, vector<16xf32>
        %add3A_1077 = arith.addf %get3A_1071, %select_n3A_1076 : vector<16xf32>
        %and3A_1078 = arith.constant 15 : i32
        %and3A_1079 = arith.andi %squeeze3A_1047, %and3A_1078 : i32
        %eq3A_1080 = vector.broadcast %and3A_1079 : i32 to vector<16xi32>
        %eq3A_1081 = arith.cmpi eq, %iota3A, %eq3A_1080 : vector<16xi32>
        %select_n3A_1082 = arith.select %eq3A_1081, %get3A_1068, %broadcast_in_dim3A_65 : vector<16xi1>, vector<16xf32>
        %sub3A_1083 = arith.subf %add3A_1077, %select_n3A_1082 : vector<16xf32>
        %swap3A_1084 = arith.constant 0 : index
        %swap3A_1085 = tpu.vector_load %arg13[%swap3A_1084] {strides = array<i32>} : memref<16xf32, #tpu.memory_space<vmem>>, vector<16xf32>,
        %swap3A_1086 = vector.shape_cast %swap3A_1085 : vector<16xf32> to vector<16xf32>
        %swap3A_1087 = vector.shape_cast %sub3A_1083 : vector<16xf32> to vector<16xf32>
        tpu.vector_store %arg13[%swap3A_1084], %swap3A_1087 {strides = array<i32>} : memref<16xf32, #tpu.memory_space<vmem>>, vector<16xf32>,
        %slice3A_1088 = vector.extract_strided_slice %get3A_775 {offsets = [7], sizes = [1], strides = [1]} : vector<16xi32> to vector<1xi32>
        %squeeze3A_1089 = vector.extract %slice3A_1088[0] : i32 from vector<1xi32>
        %slice3A_1090 = vector.extract_strided_slice %get3A_779 {offsets = [7], sizes = [1], strides = [1]} : vector<16xi32> to vector<1xi32>
        %squeeze3A_1091 = vector.extract %slice3A_1090[0] : i32 from vector<1xi32>
        %shift_right_arithmetic3A_1092 = arith.constant 4 : i32
        %shift_right_arithmetic3A_1093 = arith.shrsi %squeeze3A_1089, %shift_right_arithmetic3A_1092 : i32
        %shift_left3A_1094 = arith.constant 4 : i32
        %shift_left3A_1095 = arith.shli %shift_right_arithmetic3A_1093, %shift_left3A_1094 : i32
        %get3A_1096 = arith.index_cast %shift_left3A_1095 : i32 to index
        %get3A_1097 = tpu.vector_load %arg10[%get3A_1096] {strides = array<i32>} : memref<1024xf32, #tpu.memory_space<vmem>>, vector<16xf32>,
        %get3A_1098 = vector.shape_cast %get3A_1097 : vector<16xf32> to vector<16xf32>
        %shift_right_arithmetic3A_1099 = arith.constant 7 : i32
        %shift_right_arithmetic3A_1100 = arith.shrsi %squeeze3A_1091, %shift_right_arithmetic3A_1099 : i32
        %shift_right_arithmetic3A_1101 = arith.constant 4 : i32
        %shift_right_arithmetic3A_1102 = arith.shrsi %squeeze3A_1091, %shift_right_arithmetic3A_1101 : i32
        %and3A_1103 = arith.constant 7 : i32
        %and3A_1104 = arith.andi %shift_right_arithmetic3A_1102, %and3A_1103 : i32
        %shift_left3A_1105 = arith.constant 4 : i32
        %shift_left3A_1106 = arith.shli %and3A_1104, %shift_left3A_1105 : i32
        %get3A_1107 = arith.constant 23 : i32
        %get3A_1108 = arith.index_cast %get3A_1107 : i32 to index
        %get3A_1109 = arith.index_cast %shift_right_arithmetic3A_1100 : i32 to index
        %get3A_1110 = arith.index_cast %shift_left3A_1106 : i32 to index
        %get3A_1111 = tpu.vector_load %arg11[%get3A_1108, %get3A_1109, %get3A_1110] {strides = array<i32>} : memref<32x8x128xf32, #tpu.memory_space<vmem>>, vector<1x1x16xf32>,
        %get3A_1112 = vector.shape_cast %get3A_1111 : vector<1x1x16xf32> to vector<16xf32>
        %get3A_1113 = arith.constant 0 : index
        %get3A_1114 = tpu.vector_load %arg13[%get3A_1113] {strides = array<i32>} : memref<16xf32, #tpu.memory_space<vmem>>, vector<16xf32>,
        %get3A_1115 = vector.shape_cast %get3A_1114 : vector<16xf32> to vector<16xf32>
        %and3A_1116 = arith.constant 15 : i32
        %and3A_1117 = arith.andi %squeeze3A_1089, %and3A_1116 : i32
        %eq3A_1118 = vector.broadcast %and3A_1117 : i32 to vector<16xi32>
        %eq3A_1119 = arith.cmpi eq, %iota3A, %eq3A_1118 : vector<16xi32>
        %select_n3A_1120 = arith.select %eq3A_1119, %get3A_1098, %broadcast_in_dim3A_65 : vector<16xi1>, vector<16xf32>
        %add3A_1121 = arith.addf %get3A_1115, %select_n3A_1120 : vector<16xf32>
        %and3A_1122 = arith.constant 15 : i32
        %and3A_1123 = arith.andi %squeeze3A_1091, %and3A_1122 : i32
        %eq3A_1124 = vector.broadcast %and3A_1123 : i32 to vector<16xi32>
        %eq3A_1125 = arith.cmpi eq, %iota3A, %eq3A_1124 : vector<16xi32>
        %select_n3A_1126 = arith.select %eq3A_1125, %get3A_1112, %broadcast_in_dim3A_65 : vector<16xi1>, vector<16xf32>
        %sub3A_1127 = arith.subf %add3A_1121, %select_n3A_1126 : vector<16xf32>
        %swap3A_1128 = arith.constant 0 : index
        %swap3A_1129 = tpu.vector_load %arg13[%swap3A_1128] {strides = array<i32>} : memref<16xf32, #tpu.memory_space<vmem>>, vector<16xf32>,
        %swap3A_1130 = vector.shape_cast %swap3A_1129 : vector<16xf32> to vector<16xf32>
        %swap3A_1131 = vector.shape_cast %sub3A_1127 : vector<16xf32> to vector<16xf32>
        tpu.vector_store %arg13[%swap3A_1128], %swap3A_1131 {strides = array<i32>} : memref<16xf32, #tpu.memory_space<vmem>>, vector<16xf32>,
        %slice3A_1132 = vector.extract_strided_slice %get3A_775 {offsets = [8], sizes = [1], strides = [1]} : vector<16xi32> to vector<1xi32>
        %squeeze3A_1133 = vector.extract %slice3A_1132[0] : i32 from vector<1xi32>
        %slice3A_1134 = vector.extract_strided_slice %get3A_779 {offsets = [8], sizes = [1], strides = [1]} : vector<16xi32> to vector<1xi32>
        %squeeze3A_1135 = vector.extract %slice3A_1134[0] : i32 from vector<1xi32>
        %shift_right_arithmetic3A_1136 = arith.constant 4 : i32
        %shift_right_arithmetic3A_1137 = arith.shrsi %squeeze3A_1133, %shift_right_arithmetic3A_1136 : i32
        %shift_left3A_1138 = arith.constant 4 : i32
        %shift_left3A_1139 = arith.shli %shift_right_arithmetic3A_1137, %shift_left3A_1138 : i32
        %get3A_1140 = arith.index_cast %shift_left3A_1139 : i32 to index
        %get3A_1141 = tpu.vector_load %arg10[%get3A_1140] {strides = array<i32>} : memref<1024xf32, #tpu.memory_space<vmem>>, vector<16xf32>,
        %get3A_1142 = vector.shape_cast %get3A_1141 : vector<16xf32> to vector<16xf32>
        %shift_right_arithmetic3A_1143 = arith.constant 7 : i32
        %shift_right_arithmetic3A_1144 = arith.shrsi %squeeze3A_1135, %shift_right_arithmetic3A_1143 : i32
        %shift_right_arithmetic3A_1145 = arith.constant 4 : i32
        %shift_right_arithmetic3A_1146 = arith.shrsi %squeeze3A_1135, %shift_right_arithmetic3A_1145 : i32
        %and3A_1147 = arith.constant 7 : i32
        %and3A_1148 = arith.andi %shift_right_arithmetic3A_1146, %and3A_1147 : i32
        %shift_left3A_1149 = arith.constant 4 : i32
        %shift_left3A_1150 = arith.shli %and3A_1148, %shift_left3A_1149 : i32
        %get3A_1151 = arith.constant 24 : i32
        %get3A_1152 = arith.index_cast %get3A_1151 : i32 to index
        %get3A_1153 = arith.index_cast %shift_right_arithmetic3A_1144 : i32 to index
        %get3A_1154 = arith.index_cast %shift_left3A_1150 : i32 to index
        %get3A_1155 = tpu.vector_load %arg11[%get3A_1152, %get3A_1153, %get3A_1154] {strides = array<i32>} : memref<32x8x128xf32, #tpu.memory_space<vmem>>, vector<1x1x16xf32>,
        %get3A_1156 = vector.shape_cast %get3A_1155 : vector<1x1x16xf32> to vector<16xf32>
        %get3A_1157 = arith.constant 0 : index
        %get3A_1158 = tpu.vector_load %arg13[%get3A_1157] {strides = array<i32>} : memref<16xf32, #tpu.memory_space<vmem>>, vector<16xf32>,
        %get3A_1159 = vector.shape_cast %get3A_1158 : vector<16xf32> to vector<16xf32>
        %and3A_1160 = arith.constant 15 : i32
        %and3A_1161 = arith.andi %squeeze3A_1133, %and3A_1160 : i32
        %eq3A_1162 = vector.broadcast %and3A_1161 : i32 to vector<16xi32>
        %eq3A_1163 = arith.cmpi eq, %iota3A, %eq3A_1162 : vector<16xi32>
        %select_n3A_1164 = arith.select %eq3A_1163, %get3A_1142, %broadcast_in_dim3A_65 : vector<16xi1>, vector<16xf32>
        %add3A_1165 = arith.addf %get3A_1159, %select_n3A_1164 : vector<16xf32>
        %and3A_1166 = arith.constant 15 : i32
        %and3A_1167 = arith.andi %squeeze3A_1135, %and3A_1166 : i32
        %eq3A_1168 = vector.broadcast %and3A_1167 : i32 to vector<16xi32>
        %eq3A_1169 = arith.cmpi eq, %iota3A, %eq3A_1168 : vector<16xi32>
        %select_n3A_1170 = arith.select %eq3A_1169, %get3A_1156, %broadcast_in_dim3A_65 : vector<16xi1>, vector<16xf32>
        %sub3A_1171 = arith.subf %add3A_1165, %select_n3A_1170 : vector<16xf32>
        %swap3A_1172 = arith.constant 0 : index
        %swap3A_1173 = tpu.vector_load %arg13[%swap3A_1172] {strides = array<i32>} : memref<16xf32, #tpu.memory_space<vmem>>, vector<16xf32>,
        %swap3A_1174 = vector.shape_cast %swap3A_1173 : vector<16xf32> to vector<16xf32>
        %swap3A_1175 = vector.shape_cast %sub3A_1171 : vector<16xf32> to vector<16xf32>
        tpu.vector_store %arg13[%swap3A_1172], %swap3A_1175 {strides = array<i32>} : memref<16xf32, #tpu.memory_space<vmem>>, vector<16xf32>,
        %slice3A_1176 = vector.extract_strided_slice %get3A_775 {offsets = [9], sizes = [1], strides = [1]} : vector<16xi32> to vector<1xi32>
        %squeeze3A_1177 = vector.extract %slice3A_1176[0] : i32 from vector<1xi32>
        %slice3A_1178 = vector.extract_strided_slice %get3A_779 {offsets = [9], sizes = [1], strides = [1]} : vector<16xi32> to vector<1xi32>
        %squeeze3A_1179 = vector.extract %slice3A_1178[0] : i32 from vector<1xi32>
        %shift_right_arithmetic3A_1180 = arith.constant 4 : i32
        %shift_right_arithmetic3A_1181 = arith.shrsi %squeeze3A_1177, %shift_right_arithmetic3A_1180 : i32
        %shift_left3A_1182 = arith.constant 4 : i32
        %shift_left3A_1183 = arith.shli %shift_right_arithmetic3A_1181, %shift_left3A_1182 : i32
        %get3A_1184 = arith.index_cast %shift_left3A_1183 : i32 to index
        %get3A_1185 = tpu.vector_load %arg10[%get3A_1184] {strides = array<i32>} : memref<1024xf32, #tpu.memory_space<vmem>>, vector<16xf32>,
        %get3A_1186 = vector.shape_cast %get3A_1185 : vector<16xf32> to vector<16xf32>
        %shift_right_arithmetic3A_1187 = arith.constant 7 : i32
        %shift_right_arithmetic3A_1188 = arith.shrsi %squeeze3A_1179, %shift_right_arithmetic3A_1187 : i32
        %shift_right_arithmetic3A_1189 = arith.constant 4 : i32
        %shift_right_arithmetic3A_1190 = arith.shrsi %squeeze3A_1179, %shift_right_arithmetic3A_1189 : i32
        %and3A_1191 = arith.constant 7 : i32
        %and3A_1192 = arith.andi %shift_right_arithmetic3A_1190, %and3A_1191 : i32
        %shift_left3A_1193 = arith.constant 4 : i32
        %shift_left3A_1194 = arith.shli %and3A_1192, %shift_left3A_1193 : i32
        %get3A_1195 = arith.constant 25 : i32
        %get3A_1196 = arith.index_cast %get3A_1195 : i32 to index
        %get3A_1197 = arith.index_cast %shift_right_arithmetic3A_1188 : i32 to index
        %get3A_1198 = arith.index_cast %shift_left3A_1194 : i32 to index
        %get3A_1199 = tpu.vector_load %arg11[%get3A_1196, %get3A_1197, %get3A_1198] {strides = array<i32>} : memref<32x8x128xf32, #tpu.memory_space<vmem>>, vector<1x1x16xf32>,
        %get3A_1200 = vector.shape_cast %get3A_1199 : vector<1x1x16xf32> to vector<16xf32>
        %get3A_1201 = arith.constant 0 : index
        %get3A_1202 = tpu.vector_load %arg13[%get3A_1201] {strides = array<i32>} : memref<16xf32, #tpu.memory_space<vmem>>, vector<16xf32>,
        %get3A_1203 = vector.shape_cast %get3A_1202 : vector<16xf32> to vector<16xf32>
        %and3A_1204 = arith.constant 15 : i32
        %and3A_1205 = arith.andi %squeeze3A_1177, %and3A_1204 : i32
        %eq3A_1206 = vector.broadcast %and3A_1205 : i32 to vector<16xi32>
        %eq3A_1207 = arith.cmpi eq, %iota3A, %eq3A_1206 : vector<16xi32>
        %select_n3A_1208 = arith.select %eq3A_1207, %get3A_1186, %broadcast_in_dim3A_65 : vector<16xi1>, vector<16xf32>
        %add3A_1209 = arith.addf %get3A_1203, %select_n3A_1208 : vector<16xf32>
        %and3A_1210 = arith.constant 15 : i32
        %and3A_1211 = arith.andi %squeeze3A_1179, %and3A_1210 : i32
        %eq3A_1212 = vector.broadcast %and3A_1211 : i32 to vector<16xi32>
        %eq3A_1213 = arith.cmpi eq, %iota3A, %eq3A_1212 : vector<16xi32>
        %select_n3A_1214 = arith.select %eq3A_1213, %get3A_1200, %broadcast_in_dim3A_65 : vector<16xi1>, vector<16xf32>
        %sub3A_1215 = arith.subf %add3A_1209, %select_n3A_1214 : vector<16xf32>
        %swap3A_1216 = arith.constant 0 : index
        %swap3A_1217 = tpu.vector_load %arg13[%swap3A_1216] {strides = array<i32>} : memref<16xf32, #tpu.memory_space<vmem>>, vector<16xf32>,
        %swap3A_1218 = vector.shape_cast %swap3A_1217 : vector<16xf32> to vector<16xf32>
        %swap3A_1219 = vector.shape_cast %sub3A_1215 : vector<16xf32> to vector<16xf32>
        tpu.vector_store %arg13[%swap3A_1216], %swap3A_1219 {strides = array<i32>} : memref<16xf32, #tpu.memory_space<vmem>>, vector<16xf32>,
        %slice3A_1220 = vector.extract_strided_slice %get3A_775 {offsets = [10], sizes = [1], strides = [1]} : vector<16xi32> to vector<1xi32>
        %squeeze3A_1221 = vector.extract %slice3A_1220[0] : i32 from vector<1xi32>
        %slice3A_1222 = vector.extract_strided_slice %get3A_779 {offsets = [10], sizes = [1], strides = [1]} : vector<16xi32> to vector<1xi32>
        %squeeze3A_1223 = vector.extract %slice3A_1222[0] : i32 from vector<1xi32>
        %shift_right_arithmetic3A_1224 = arith.constant 4 : i32
        %shift_right_arithmetic3A_1225 = arith.shrsi %squeeze3A_1221, %shift_right_arithmetic3A_1224 : i32
        %shift_left3A_1226 = arith.constant 4 : i32
        %shift_left3A_1227 = arith.shli %shift_right_arithmetic3A_1225, %shift_left3A_1226 : i32
        %get3A_1228 = arith.index_cast %shift_left3A_1227 : i32 to index
        %get3A_1229 = tpu.vector_load %arg10[%get3A_1228] {strides = array<i32>} : memref<1024xf32, #tpu.memory_space<vmem>>, vector<16xf32>,
        %get3A_1230 = vector.shape_cast %get3A_1229 : vector<16xf32> to vector<16xf32>
        %shift_right_arithmetic3A_1231 = arith.constant 7 : i32
        %shift_right_arithmetic3A_1232 = arith.shrsi %squeeze3A_1223, %shift_right_arithmetic3A_1231 : i32
        %shift_right_arithmetic3A_1233 = arith.constant 4 : i32
        %shift_right_arithmetic3A_1234 = arith.shrsi %squeeze3A_1223, %shift_right_arithmetic3A_1233 : i32
        %and3A_1235 = arith.constant 7 : i32
        %and3A_1236 = arith.andi %shift_right_arithmetic3A_1234, %and3A_1235 : i32
        %shift_left3A_1237 = arith.constant 4 : i32
        %shift_left3A_1238 = arith.shli %and3A_1236, %shift_left3A_1237 : i32
        %get3A_1239 = arith.constant 26 : i32
        %get3A_1240 = arith.index_cast %get3A_1239 : i32 to index
        %get3A_1241 = arith.index_cast %shift_right_arithmetic3A_1232 : i32 to index
        %get3A_1242 = arith.index_cast %shift_left3A_1238 : i32 to index
        %get3A_1243 = tpu.vector_load %arg11[%get3A_1240, %get3A_1241, %get3A_1242] {strides = array<i32>} : memref<32x8x128xf32, #tpu.memory_space<vmem>>, vector<1x1x16xf32>,
        %get3A_1244 = vector.shape_cast %get3A_1243 : vector<1x1x16xf32> to vector<16xf32>
        %get3A_1245 = arith.constant 0 : index
        %get3A_1246 = tpu.vector_load %arg13[%get3A_1245] {strides = array<i32>} : memref<16xf32, #tpu.memory_space<vmem>>, vector<16xf32>,
        %get3A_1247 = vector.shape_cast %get3A_1246 : vector<16xf32> to vector<16xf32>
        %and3A_1248 = arith.constant 15 : i32
        %and3A_1249 = arith.andi %squeeze3A_1221, %and3A_1248 : i32
        %eq3A_1250 = vector.broadcast %and3A_1249 : i32 to vector<16xi32>
        %eq3A_1251 = arith.cmpi eq, %iota3A, %eq3A_1250 : vector<16xi32>
        %select_n3A_1252 = arith.select %eq3A_1251, %get3A_1230, %broadcast_in_dim3A_65 : vector<16xi1>, vector<16xf32>
        %add3A_1253 = arith.addf %get3A_1247, %select_n3A_1252 : vector<16xf32>
        %and3A_1254 = arith.constant 15 : i32
        %and3A_1255 = arith.andi %squeeze3A_1223, %and3A_1254 : i32
        %eq3A_1256 = vector.broadcast %and3A_1255 : i32 to vector<16xi32>
        %eq3A_1257 = arith.cmpi eq, %iota3A, %eq3A_1256 : vector<16xi32>
        %select_n3A_1258 = arith.select %eq3A_1257, %get3A_1244, %broadcast_in_dim3A_65 : vector<16xi1>, vector<16xf32>
        %sub3A_1259 = arith.subf %add3A_1253, %select_n3A_1258 : vector<16xf32>
        %swap3A_1260 = arith.constant 0 : index
        %swap3A_1261 = tpu.vector_load %arg13[%swap3A_1260] {strides = array<i32>} : memref<16xf32, #tpu.memory_space<vmem>>, vector<16xf32>,
        %swap3A_1262 = vector.shape_cast %swap3A_1261 : vector<16xf32> to vector<16xf32>
        %swap3A_1263 = vector.shape_cast %sub3A_1259 : vector<16xf32> to vector<16xf32>
        tpu.vector_store %arg13[%swap3A_1260], %swap3A_1263 {strides = array<i32>} : memref<16xf32, #tpu.memory_space<vmem>>, vector<16xf32>,
        %slice3A_1264 = vector.extract_strided_slice %get3A_775 {offsets = [11], sizes = [1], strides = [1]} : vector<16xi32> to vector<1xi32>
        %squeeze3A_1265 = vector.extract %slice3A_1264[0] : i32 from vector<1xi32>
        %slice3A_1266 = vector.extract_strided_slice %get3A_779 {offsets = [11], sizes = [1], strides = [1]} : vector<16xi32> to vector<1xi32>
        %squeeze3A_1267 = vector.extract %slice3A_1266[0] : i32 from vector<1xi32>
        %shift_right_arithmetic3A_1268 = arith.constant 4 : i32
        %shift_right_arithmetic3A_1269 = arith.shrsi %squeeze3A_1265, %shift_right_arithmetic3A_1268 : i32
        %shift_left3A_1270 = arith.constant 4 : i32
        %shift_left3A_1271 = arith.shli %shift_right_arithmetic3A_1269, %shift_left3A_1270 : i32
        %get3A_1272 = arith.index_cast %shift_left3A_1271 : i32 to index
        %get3A_1273 = tpu.vector_load %arg10[%get3A_1272] {strides = array<i32>} : memref<1024xf32, #tpu.memory_space<vmem>>, vector<16xf32>,
        %get3A_1274 = vector.shape_cast %get3A_1273 : vector<16xf32> to vector<16xf32>
        %shift_right_arithmetic3A_1275 = arith.constant 7 : i32
        %shift_right_arithmetic3A_1276 = arith.shrsi %squeeze3A_1267, %shift_right_arithmetic3A_1275 : i32
        %shift_right_arithmetic3A_1277 = arith.constant 4 : i32
        %shift_right_arithmetic3A_1278 = arith.shrsi %squeeze3A_1267, %shift_right_arithmetic3A_1277 : i32
        %and3A_1279 = arith.constant 7 : i32
        %and3A_1280 = arith.andi %shift_right_arithmetic3A_1278, %and3A_1279 : i32
        %shift_left3A_1281 = arith.constant 4 : i32
        %shift_left3A_1282 = arith.shli %and3A_1280, %shift_left3A_1281 : i32
        %get3A_1283 = arith.constant 27 : i32
        %get3A_1284 = arith.index_cast %get3A_1283 : i32 to index
        %get3A_1285 = arith.index_cast %shift_right_arithmetic3A_1276 : i32 to index
        %get3A_1286 = arith.index_cast %shift_left3A_1282 : i32 to index
        %get3A_1287 = tpu.vector_load %arg11[%get3A_1284, %get3A_1285, %get3A_1286] {strides = array<i32>} : memref<32x8x128xf32, #tpu.memory_space<vmem>>, vector<1x1x16xf32>,
        %get3A_1288 = vector.shape_cast %get3A_1287 : vector<1x1x16xf32> to vector<16xf32>
        %get3A_1289 = arith.constant 0 : index
        %get3A_1290 = tpu.vector_load %arg13[%get3A_1289] {strides = array<i32>} : memref<16xf32, #tpu.memory_space<vmem>>, vector<16xf32>,
        %get3A_1291 = vector.shape_cast %get3A_1290 : vector<16xf32> to vector<16xf32>
        %and3A_1292 = arith.constant 15 : i32
        %and3A_1293 = arith.andi %squeeze3A_1265, %and3A_1292 : i32
        %eq3A_1294 = vector.broadcast %and3A_1293 : i32 to vector<16xi32>
        %eq3A_1295 = arith.cmpi eq, %iota3A, %eq3A_1294 : vector<16xi32>
        %select_n3A_1296 = arith.select %eq3A_1295, %get3A_1274, %broadcast_in_dim3A_65 : vector<16xi1>, vector<16xf32>
        %add3A_1297 = arith.addf %get3A_1291, %select_n3A_1296 : vector<16xf32>
        %and3A_1298 = arith.constant 15 : i32
        %and3A_1299 = arith.andi %squeeze3A_1267, %and3A_1298 : i32
        %eq3A_1300 = vector.broadcast %and3A_1299 : i32 to vector<16xi32>
        %eq3A_1301 = arith.cmpi eq, %iota3A, %eq3A_1300 : vector<16xi32>
        %select_n3A_1302 = arith.select %eq3A_1301, %get3A_1288, %broadcast_in_dim3A_65 : vector<16xi1>, vector<16xf32>
        %sub3A_1303 = arith.subf %add3A_1297, %select_n3A_1302 : vector<16xf32>
        %swap3A_1304 = arith.constant 0 : index
        %swap3A_1305 = tpu.vector_load %arg13[%swap3A_1304] {strides = array<i32>} : memref<16xf32, #tpu.memory_space<vmem>>, vector<16xf32>,
        %swap3A_1306 = vector.shape_cast %swap3A_1305 : vector<16xf32> to vector<16xf32>
        %swap3A_1307 = vector.shape_cast %sub3A_1303 : vector<16xf32> to vector<16xf32>
        tpu.vector_store %arg13[%swap3A_1304], %swap3A_1307 {strides = array<i32>} : memref<16xf32, #tpu.memory_space<vmem>>, vector<16xf32>,
        %slice3A_1308 = vector.extract_strided_slice %get3A_775 {offsets = [12], sizes = [1], strides = [1]} : vector<16xi32> to vector<1xi32>
        %squeeze3A_1309 = vector.extract %slice3A_1308[0] : i32 from vector<1xi32>
        %slice3A_1310 = vector.extract_strided_slice %get3A_779 {offsets = [12], sizes = [1], strides = [1]} : vector<16xi32> to vector<1xi32>
        %squeeze3A_1311 = vector.extract %slice3A_1310[0] : i32 from vector<1xi32>
        %shift_right_arithmetic3A_1312 = arith.constant 4 : i32
        %shift_right_arithmetic3A_1313 = arith.shrsi %squeeze3A_1309, %shift_right_arithmetic3A_1312 : i32
        %shift_left3A_1314 = arith.constant 4 : i32
        %shift_left3A_1315 = arith.shli %shift_right_arithmetic3A_1313, %shift_left3A_1314 : i32
        %get3A_1316 = arith.index_cast %shift_left3A_1315 : i32 to index
        %get3A_1317 = tpu.vector_load %arg10[%get3A_1316] {strides = array<i32>} : memref<1024xf32, #tpu.memory_space<vmem>>, vector<16xf32>,
        %get3A_1318 = vector.shape_cast %get3A_1317 : vector<16xf32> to vector<16xf32>
        %shift_right_arithmetic3A_1319 = arith.constant 7 : i32
        %shift_right_arithmetic3A_1320 = arith.shrsi %squeeze3A_1311, %shift_right_arithmetic3A_1319 : i32
        %shift_right_arithmetic3A_1321 = arith.constant 4 : i32
        %shift_right_arithmetic3A_1322 = arith.shrsi %squeeze3A_1311, %shift_right_arithmetic3A_1321 : i32
        %and3A_1323 = arith.constant 7 : i32
        %and3A_1324 = arith.andi %shift_right_arithmetic3A_1322, %and3A_1323 : i32
        %shift_left3A_1325 = arith.constant 4 : i32
        %shift_left3A_1326 = arith.shli %and3A_1324, %shift_left3A_1325 : i32
        %get3A_1327 = arith.constant 28 : i32
        %get3A_1328 = arith.index_cast %get3A_1327 : i32 to index
        %get3A_1329 = arith.index_cast %shift_right_arithmetic3A_1320 : i32 to index
        %get3A_1330 = arith.index_cast %shift_left3A_1326 : i32 to index
        %get3A_1331 = tpu.vector_load %arg11[%get3A_1328, %get3A_1329, %get3A_1330] {strides = array<i32>} : memref<32x8x128xf32, #tpu.memory_space<vmem>>, vector<1x1x16xf32>,
        %get3A_1332 = vector.shape_cast %get3A_1331 : vector<1x1x16xf32> to vector<16xf32>
        %get3A_1333 = arith.constant 0 : index
        %get3A_1334 = tpu.vector_load %arg13[%get3A_1333] {strides = array<i32>} : memref<16xf32, #tpu.memory_space<vmem>>, vector<16xf32>,
        %get3A_1335 = vector.shape_cast %get3A_1334 : vector<16xf32> to vector<16xf32>
        %and3A_1336 = arith.constant 15 : i32
        %and3A_1337 = arith.andi %squeeze3A_1309, %and3A_1336 : i32
        %eq3A_1338 = vector.broadcast %and3A_1337 : i32 to vector<16xi32>
        %eq3A_1339 = arith.cmpi eq, %iota3A, %eq3A_1338 : vector<16xi32>
        %select_n3A_1340 = arith.select %eq3A_1339, %get3A_1318, %broadcast_in_dim3A_65 : vector<16xi1>, vector<16xf32>
        %add3A_1341 = arith.addf %get3A_1335, %select_n3A_1340 : vector<16xf32>
        %and3A_1342 = arith.constant 15 : i32
        %and3A_1343 = arith.andi %squeeze3A_1311, %and3A_1342 : i32
        %eq3A_1344 = vector.broadcast %and3A_1343 : i32 to vector<16xi32>
        %eq3A_1345 = arith.cmpi eq, %iota3A, %eq3A_1344 : vector<16xi32>
        %select_n3A_1346 = arith.select %eq3A_1345, %get3A_1332, %broadcast_in_dim3A_65 : vector<16xi1>, vector<16xf32>
        %sub3A_1347 = arith.subf %add3A_1341, %select_n3A_1346 : vector<16xf32>
        %swap3A_1348 = arith.constant 0 : index
        %swap3A_1349 = tpu.vector_load %arg13[%swap3A_1348] {strides = array<i32>} : memref<16xf32, #tpu.memory_space<vmem>>, vector<16xf32>,
        %swap3A_1350 = vector.shape_cast %swap3A_1349 : vector<16xf32> to vector<16xf32>
        %swap3A_1351 = vector.shape_cast %sub3A_1347 : vector<16xf32> to vector<16xf32>
        tpu.vector_store %arg13[%swap3A_1348], %swap3A_1351 {strides = array<i32>} : memref<16xf32, #tpu.memory_space<vmem>>, vector<16xf32>,
        %slice3A_1352 = vector.extract_strided_slice %get3A_775 {offsets = [13], sizes = [1], strides = [1]} : vector<16xi32> to vector<1xi32>
        %squeeze3A_1353 = vector.extract %slice3A_1352[0] : i32 from vector<1xi32>
        %slice3A_1354 = vector.extract_strided_slice %get3A_779 {offsets = [13], sizes = [1], strides = [1]} : vector<16xi32> to vector<1xi32>
        %squeeze3A_1355 = vector.extract %slice3A_1354[0] : i32 from vector<1xi32>
        %shift_right_arithmetic3A_1356 = arith.constant 4 : i32
        %shift_right_arithmetic3A_1357 = arith.shrsi %squeeze3A_1353, %shift_right_arithmetic3A_1356 : i32
        %shift_left3A_1358 = arith.constant 4 : i32
        %shift_left3A_1359 = arith.shli %shift_right_arithmetic3A_1357, %shift_left3A_1358 : i32
        %get3A_1360 = arith.index_cast %shift_left3A_1359 : i32 to index
        %get3A_1361 = tpu.vector_load %arg10[%get3A_1360] {strides = array<i32>} : memref<1024xf32, #tpu.memory_space<vmem>>, vector<16xf32>,
        %get3A_1362 = vector.shape_cast %get3A_1361 : vector<16xf32> to vector<16xf32>
        %shift_right_arithmetic3A_1363 = arith.constant 7 : i32
        %shift_right_arithmetic3A_1364 = arith.shrsi %squeeze3A_1355, %shift_right_arithmetic3A_1363 : i32
        %shift_right_arithmetic3A_1365 = arith.constant 4 : i32
        %shift_right_arithmetic3A_1366 = arith.shrsi %squeeze3A_1355, %shift_right_arithmetic3A_1365 : i32
        %and3A_1367 = arith.constant 7 : i32
        %and3A_1368 = arith.andi %shift_right_arithmetic3A_1366, %and3A_1367 : i32
        %shift_left3A_1369 = arith.constant 4 : i32
        %shift_left3A_1370 = arith.shli %and3A_1368, %shift_left3A_1369 : i32
        %get3A_1371 = arith.constant 29 : i32
        %get3A_1372 = arith.index_cast %get3A_1371 : i32 to index
        %get3A_1373 = arith.index_cast %shift_right_arithmetic3A_1364 : i32 to index
        %get3A_1374 = arith.index_cast %shift_left3A_1370 : i32 to index
        %get3A_1375 = tpu.vector_load %arg11[%get3A_1372, %get3A_1373, %get3A_1374] {strides = array<i32>} : memref<32x8x128xf32, #tpu.memory_space<vmem>>, vector<1x1x16xf32>,
        %get3A_1376 = vector.shape_cast %get3A_1375 : vector<1x1x16xf32> to vector<16xf32>
        %get3A_1377 = arith.constant 0 : index
        %get3A_1378 = tpu.vector_load %arg13[%get3A_1377] {strides = array<i32>} : memref<16xf32, #tpu.memory_space<vmem>>, vector<16xf32>,
        %get3A_1379 = vector.shape_cast %get3A_1378 : vector<16xf32> to vector<16xf32>
        %and3A_1380 = arith.constant 15 : i32
        %and3A_1381 = arith.andi %squeeze3A_1353, %and3A_1380 : i32
        %eq3A_1382 = vector.broadcast %and3A_1381 : i32 to vector<16xi32>
        %eq3A_1383 = arith.cmpi eq, %iota3A, %eq3A_1382 : vector<16xi32>
        %select_n3A_1384 = arith.select %eq3A_1383, %get3A_1362, %broadcast_in_dim3A_65 : vector<16xi1>, vector<16xf32>
        %add3A_1385 = arith.addf %get3A_1379, %select_n3A_1384 : vector<16xf32>
        %and3A_1386 = arith.constant 15 : i32
        %and3A_1387 = arith.andi %squeeze3A_1355, %and3A_1386 : i32
        %eq3A_1388 = vector.broadcast %and3A_1387 : i32 to vector<16xi32>
        %eq3A_1389 = arith.cmpi eq, %iota3A, %eq3A_1388 : vector<16xi32>
        %select_n3A_1390 = arith.select %eq3A_1389, %get3A_1376, %broadcast_in_dim3A_65 : vector<16xi1>, vector<16xf32>
        %sub3A_1391 = arith.subf %add3A_1385, %select_n3A_1390 : vector<16xf32>
        %swap3A_1392 = arith.constant 0 : index
        %swap3A_1393 = tpu.vector_load %arg13[%swap3A_1392] {strides = array<i32>} : memref<16xf32, #tpu.memory_space<vmem>>, vector<16xf32>,
        %swap3A_1394 = vector.shape_cast %swap3A_1393 : vector<16xf32> to vector<16xf32>
        %swap3A_1395 = vector.shape_cast %sub3A_1391 : vector<16xf32> to vector<16xf32>
        tpu.vector_store %arg13[%swap3A_1392], %swap3A_1395 {strides = array<i32>} : memref<16xf32, #tpu.memory_space<vmem>>, vector<16xf32>,
        %slice3A_1396 = vector.extract_strided_slice %get3A_775 {offsets = [14], sizes = [1], strides = [1]} : vector<16xi32> to vector<1xi32>
        %squeeze3A_1397 = vector.extract %slice3A_1396[0] : i32 from vector<1xi32>
        %slice3A_1398 = vector.extract_strided_slice %get3A_779 {offsets = [14], sizes = [1], strides = [1]} : vector<16xi32> to vector<1xi32>
        %squeeze3A_1399 = vector.extract %slice3A_1398[0] : i32 from vector<1xi32>
        %shift_right_arithmetic3A_1400 = arith.constant 4 : i32
        %shift_right_arithmetic3A_1401 = arith.shrsi %squeeze3A_1397, %shift_right_arithmetic3A_1400 : i32
        %shift_left3A_1402 = arith.constant 4 : i32
        %shift_left3A_1403 = arith.shli %shift_right_arithmetic3A_1401, %shift_left3A_1402 : i32
        %get3A_1404 = arith.index_cast %shift_left3A_1403 : i32 to index
        %get3A_1405 = tpu.vector_load %arg10[%get3A_1404] {strides = array<i32>} : memref<1024xf32, #tpu.memory_space<vmem>>, vector<16xf32>,
        %get3A_1406 = vector.shape_cast %get3A_1405 : vector<16xf32> to vector<16xf32>
        %shift_right_arithmetic3A_1407 = arith.constant 7 : i32
        %shift_right_arithmetic3A_1408 = arith.shrsi %squeeze3A_1399, %shift_right_arithmetic3A_1407 : i32
        %shift_right_arithmetic3A_1409 = arith.constant 4 : i32
        %shift_right_arithmetic3A_1410 = arith.shrsi %squeeze3A_1399, %shift_right_arithmetic3A_1409 : i32
        %and3A_1411 = arith.constant 7 : i32
        %and3A_1412 = arith.andi %shift_right_arithmetic3A_1410, %and3A_1411 : i32
        %shift_left3A_1413 = arith.constant 4 : i32
        %shift_left3A_1414 = arith.shli %and3A_1412, %shift_left3A_1413 : i32
        %get3A_1415 = arith.constant 30 : i32
        %get3A_1416 = arith.index_cast %get3A_1415 : i32 to index
        %get3A_1417 = arith.index_cast %shift_right_arithmetic3A_1408 : i32 to index
        %get3A_1418 = arith.index_cast %shift_left3A_1414 : i32 to index
        %get3A_1419 = tpu.vector_load %arg11[%get3A_1416, %get3A_1417, %get3A_1418] {strides = array<i32>} : memref<32x8x128xf32, #tpu.memory_space<vmem>>, vector<1x1x16xf32>,
        %get3A_1420 = vector.shape_cast %get3A_1419 : vector<1x1x16xf32> to vector<16xf32>
        %get3A_1421 = arith.constant 0 : index
        %get3A_1422 = tpu.vector_load %arg13[%get3A_1421] {strides = array<i32>} : memref<16xf32, #tpu.memory_space<vmem>>, vector<16xf32>,
        %get3A_1423 = vector.shape_cast %get3A_1422 : vector<16xf32> to vector<16xf32>
        %and3A_1424 = arith.constant 15 : i32
        %and3A_1425 = arith.andi %squeeze3A_1397, %and3A_1424 : i32
        %eq3A_1426 = vector.broadcast %and3A_1425 : i32 to vector<16xi32>
        %eq3A_1427 = arith.cmpi eq, %iota3A, %eq3A_1426 : vector<16xi32>
        %select_n3A_1428 = arith.select %eq3A_1427, %get3A_1406, %broadcast_in_dim3A_65 : vector<16xi1>, vector<16xf32>
        %add3A_1429 = arith.addf %get3A_1423, %select_n3A_1428 : vector<16xf32>
        %and3A_1430 = arith.constant 15 : i32
        %and3A_1431 = arith.andi %squeeze3A_1399, %and3A_1430 : i32
        %eq3A_1432 = vector.broadcast %and3A_1431 : i32 to vector<16xi32>
        %eq3A_1433 = arith.cmpi eq, %iota3A, %eq3A_1432 : vector<16xi32>
        %select_n3A_1434 = arith.select %eq3A_1433, %get3A_1420, %broadcast_in_dim3A_65 : vector<16xi1>, vector<16xf32>
        %sub3A_1435 = arith.subf %add3A_1429, %select_n3A_1434 : vector<16xf32>
        %swap3A_1436 = arith.constant 0 : index
        %swap3A_1437 = tpu.vector_load %arg13[%swap3A_1436] {strides = array<i32>} : memref<16xf32, #tpu.memory_space<vmem>>, vector<16xf32>,
        %swap3A_1438 = vector.shape_cast %swap3A_1437 : vector<16xf32> to vector<16xf32>
        %swap3A_1439 = vector.shape_cast %sub3A_1435 : vector<16xf32> to vector<16xf32>
        tpu.vector_store %arg13[%swap3A_1436], %swap3A_1439 {strides = array<i32>} : memref<16xf32, #tpu.memory_space<vmem>>, vector<16xf32>,
        %slice3A_1440 = vector.extract_strided_slice %get3A_775 {offsets = [15], sizes = [1], strides = [1]} : vector<16xi32> to vector<1xi32>
        %squeeze3A_1441 = vector.extract %slice3A_1440[0] : i32 from vector<1xi32>
        %slice3A_1442 = vector.extract_strided_slice %get3A_779 {offsets = [15], sizes = [1], strides = [1]} : vector<16xi32> to vector<1xi32>
        %squeeze3A_1443 = vector.extract %slice3A_1442[0] : i32 from vector<1xi32>
        %shift_right_arithmetic3A_1444 = arith.constant 4 : i32
        %shift_right_arithmetic3A_1445 = arith.shrsi %squeeze3A_1441, %shift_right_arithmetic3A_1444 : i32
        %shift_left3A_1446 = arith.constant 4 : i32
        %shift_left3A_1447 = arith.shli %shift_right_arithmetic3A_1445, %shift_left3A_1446 : i32
        %get3A_1448 = arith.index_cast %shift_left3A_1447 : i32 to index
        %get3A_1449 = tpu.vector_load %arg10[%get3A_1448] {strides = array<i32>} : memref<1024xf32, #tpu.memory_space<vmem>>, vector<16xf32>,
        %get3A_1450 = vector.shape_cast %get3A_1449 : vector<16xf32> to vector<16xf32>
        %shift_right_arithmetic3A_1451 = arith.constant 7 : i32
        %shift_right_arithmetic3A_1452 = arith.shrsi %squeeze3A_1443, %shift_right_arithmetic3A_1451 : i32
        %shift_right_arithmetic3A_1453 = arith.constant 4 : i32
        %shift_right_arithmetic3A_1454 = arith.shrsi %squeeze3A_1443, %shift_right_arithmetic3A_1453 : i32
        %and3A_1455 = arith.constant 7 : i32
        %and3A_1456 = arith.andi %shift_right_arithmetic3A_1454, %and3A_1455 : i32
        %shift_left3A_1457 = arith.constant 4 : i32
        %shift_left3A_1458 = arith.shli %and3A_1456, %shift_left3A_1457 : i32
        %get3A_1459 = arith.constant 31 : i32
        %get3A_1460 = arith.index_cast %get3A_1459 : i32 to index
        %get3A_1461 = arith.index_cast %shift_right_arithmetic3A_1452 : i32 to index
        %get3A_1462 = arith.index_cast %shift_left3A_1458 : i32 to index
        %get3A_1463 = tpu.vector_load %arg11[%get3A_1460, %get3A_1461, %get3A_1462] {strides = array<i32>} : memref<32x8x128xf32, #tpu.memory_space<vmem>>, vector<1x1x16xf32>,
        %get3A_1464 = vector.shape_cast %get3A_1463 : vector<1x1x16xf32> to vector<16xf32>
        %get3A_1465 = arith.constant 0 : index
        %get3A_1466 = tpu.vector_load %arg13[%get3A_1465] {strides = array<i32>} : memref<16xf32, #tpu.memory_space<vmem>>, vector<16xf32>,
        %get3A_1467 = vector.shape_cast %get3A_1466 : vector<16xf32> to vector<16xf32>
        %and3A_1468 = arith.constant 15 : i32
        %and3A_1469 = arith.andi %squeeze3A_1441, %and3A_1468 : i32
        %eq3A_1470 = vector.broadcast %and3A_1469 : i32 to vector<16xi32>
        %eq3A_1471 = arith.cmpi eq, %iota3A, %eq3A_1470 : vector<16xi32>
        %select_n3A_1472 = arith.select %eq3A_1471, %get3A_1450, %broadcast_in_dim3A_65 : vector<16xi1>, vector<16xf32>
        %add3A_1473 = arith.addf %get3A_1467, %select_n3A_1472 : vector<16xf32>
        %and3A_1474 = arith.constant 15 : i32
        %and3A_1475 = arith.andi %squeeze3A_1443, %and3A_1474 : i32
        %eq3A_1476 = vector.broadcast %and3A_1475 : i32 to vector<16xi32>
        %eq3A_1477 = arith.cmpi eq, %iota3A, %eq3A_1476 : vector<16xi32>
        %select_n3A_1478 = arith.select %eq3A_1477, %get3A_1464, %broadcast_in_dim3A_65 : vector<16xi1>, vector<16xf32>
        %sub3A_1479 = arith.subf %add3A_1473, %select_n3A_1478 : vector<16xf32>
        %swap3A_1480 = arith.constant 0 : index
        %swap3A_1481 = tpu.vector_load %arg13[%swap3A_1480] {strides = array<i32>} : memref<16xf32, #tpu.memory_space<vmem>>, vector<16xf32>,
        %swap3A_1482 = vector.shape_cast %swap3A_1481 : vector<16xf32> to vector<16xf32>
        %swap3A_1483 = vector.shape_cast %sub3A_1479 : vector<16xf32> to vector<16xf32>
        tpu.vector_store %arg13[%swap3A_1480], %swap3A_1483 {strides = array<i32>} : memref<16xf32, #tpu.memory_space<vmem>>, vector<16xf32>,
        %mul3A_1484 = arith.constant 32 : i32
        %mul3A_1485 = arith.muli %scan3A_25, %mul3A_1484 : i32
        %add3A_1486 = arith.addi %mul3A_2, %mul3A_1485 : i32
        %dma_start3A_1487 = arith.constant 0 : i32
        %dma_start3A_1488 = arith.constant 0 : i32
        %dma_start3A_1489 = tpu.memref_slice %arg6[%add3A_1486, %dma_start3A_1487, %dma_start3A_1488] : memref<51200x8x128xf32, #tpu.memory_space<hbm>> -> memref<32x8x128xf32, #tpu.memory_space<hbm>>
        %dma_start3A_1490 = arith.constant 0 : i32
        %dma_start3A_1491 = arith.constant 0 : i32
        %dma_start3A_1492 = tpu.memref_slice %arg6[%add3A_1486, %dma_start3A_1490, %dma_start3A_1491] : memref<51200x8x128xf32, #tpu.memory_space<hbm>> -> memref<32x8x128xf32, #tpu.memory_space<hbm>>
        tpu.enqueue_dma source(%arg11 : memref<32x8x128xf32, #tpu.memory_space<vmem>>) target(%dma_start3A_1492 : memref<32x8x128xf32, #tpu.memory_space<hbm>>) target_semaphore(%arg16 : memref<!tpu.dma_semaphore, #tpu.memory_space<semaphore_mem>>)
      } else {
      }
      %eq3A_39 = arith.constant 1 : i32
      %eq3A_40 = arith.cmpi eq, %select_n3A_35, %eq3A_39 : i32
      %convert_element_type3A_41 = arith.extui %eq3A_40 : i1 to i32
      %cond3A_42 = arith.constant 0 : i32
      %cond3A_43 = arith.cmpi ne, %convert_element_type3A_41, %cond3A_42 : i32
      scf.if %cond3A_43 {
        %ge3A = arith.constant 1 : i32
        %ge3A_45 = arith.cmpi sge, %scan3A_25, %ge3A : i32
        %convert_element_type3A_46 = arith.extui %ge3A_45 : i1 to i32
        %cond3A_47 = arith.constant 0 : i32
        %cond3A_48 = arith.cmpi ne, %convert_element_type3A_46, %cond3A_47 : i32
        scf.if %cond3A_48 {
          %dma_wait3A_1493 = arith.constant 0 : i32
          %dma_wait3A_1494 = arith.constant 0 : i32
          %dma_wait3A_1495 = tpu.memref_slice %arg6[%mul3A_2, %dma_wait3A_1493, %dma_wait3A_1494] : memref<51200x8x128xf32, #tpu.memory_space<hbm>> -> memref<32x8x128xf32, #tpu.memory_space<hbm>>
          %dma_wait3A_1496 = arith.constant 0 : i32
          %dma_wait3A_1497 = arith.constant 0 : i32
          %dma_wait3A_1498 = tpu.memref_slice %arg6[%mul3A_2, %dma_wait3A_1496, %dma_wait3A_1497] : memref<51200x8x128xf32, #tpu.memory_space<hbm>> -> memref<32x8x128xf32, #tpu.memory_space<hbm>>
          tpu.wait_dma2 semaphore(%arg16 : memref<!tpu.dma_semaphore, #tpu.memory_space<semaphore_mem>>) src(%arg11 : memref<32x8x128xf32, #tpu.memory_space<vmem>>) dst(%dma_wait3A_1498 : memref<32x8x128xf32, #tpu.memory_space<hbm>>)
        } else {
        }
        %add3A_49 = arith.constant 1 : i32
        %add3A_50 = arith.addi %scan3A_25, %add3A_49 : i32
        %lt3A_51 = arith.constant 50 : i32
        %lt3A_52 = arith.cmpi slt, %add3A_50, %lt3A_51 : i32
        %convert_element_type3A_53 = arith.extui %lt3A_52 : i1 to i32
        %cond3A_54 = arith.constant 0 : i32
        %cond3A_55 = arith.cmpi ne, %convert_element_type3A_53, %cond3A_54 : i32
        scf.if %cond3A_55 {
          %add3A_1493 = arith.constant 1 : i32
          %add3A_1494 = arith.addi %scan3A_25, %add3A_1493 : i32
          %dma_start3A_1495 = arith.constant 0 : i32
          %dma_start3A_1496 = tpu.memref_slice %arg8[%add3A_1494, %dma_start3A_1495] : memref<50x32xi32, #tpu.memory_space<vmem>> -> memref<1x32xi32, #tpu.memory_space<vmem>>
          %dma_start3A_1497 = tpu.memref_squeeze %dma_start3A_1496 : memref<1x32xi32, #tpu.memory_space<vmem>> -> memref<32xi32, #tpu.memory_space<vmem>>
          %dma_start3A_1498 = arith.constant 0 : i32
          %dma_start3A_1499 = arith.constant 0 : i32
          %dma_start3A_1500 = arith.constant 0 : i32
          %dma_start3A_1501 = tpu.memref_slice %arg2[%dma_start3A_1498, %dma_start3A_1499, %dma_start3A_1500] : memref<1000x8x128xf32, #tpu.memory_space<hbm>> -> memref<1000x8x128xf32, #tpu.memory_space<hbm>>
          tpu.enqueue_indirect_dma source(%dma_start3A_1501 : memref<1000x8x128xf32, #tpu.memory_space<hbm>>) target(%arg11 : memref<32x8x128xf32, #tpu.memory_space<vmem>>) offsets(%dma_start3A_1497 : memref<32xi32, #tpu.memory_space<vmem>>) semaphore(%arg14 : memref<!tpu.dma_semaphore, #tpu.memory_space<semaphore_mem>>)
        } else {
        }
        %dma_wait3A_56 = arith.constant 0 : i32
        %dma_wait3A_57 = arith.constant 0 : i32
        %dma_wait3A_58 = arith.constant 0 : i32
        %dma_wait3A_59 = tpu.memref_slice %arg2[%dma_wait3A_56, %dma_wait3A_57, %dma_wait3A_58] : memref<1000x8x128xf32, #tpu.memory_space<hbm>> -> memref<32x8x128xf32, #tpu.memory_space<hbm>>
        %dma_wait3A_60 = arith.constant 0 : i32
        %dma_wait3A_61 = arith.constant 0 : i32
        %dma_wait3A_62 = arith.constant 0 : i32
        %dma_wait3A_63 = tpu.memref_slice %arg2[%dma_wait3A_60, %dma_wait3A_61, %dma_wait3A_62] : memref<1000x8x128xf32, #tpu.memory_space<hbm>> -> memref<32x8x128xf32, #tpu.memory_space<hbm>>
        tpu.wait_dma2 semaphore(%arg15 : memref<!tpu.dma_semaphore, #tpu.memory_space<semaphore_mem>>) src(%dma_wait3A_63 : memref<32x8x128xf32, #tpu.memory_space<hbm>>) dst(%arg12 : memref<32x8x128xf32, #tpu.memory_space<vmem>>)
        %broadcast_in_dim3A_64 = arith.constant 0.000000e+00 : f32
        %broadcast_in_dim3A_65 = vector.broadcast %broadcast_in_dim3A_64 : f32 to vector<16xf32>
        %get3A = arith.index_cast %scan3A_25 : i32 to index
        %get3A_66 = arith.constant 0 : index
        %get3A_67 = tpu.vector_load %arg8[%get3A, %get3A_66] {strides = array<i32>} : memref<50x32xi32, #tpu.memory_space<vmem>>, vector<1x16xi32>,
        %get3A_68 = vector.shape_cast %get3A_67 : vector<1x16xi32> to vector<16xi32>
        %get3A_69 = arith.index_cast %scan3A_25 : i32 to index
        %get3A_70 = arith.constant 0 : index
        %get3A_71 = tpu.vector_load %arg9[%get3A_69, %get3A_70] {strides = array<i32>} : memref<50x32xi32, #tpu.memory_space<vmem>>, vector<1x16xi32>,
        %get3A_72 = vector.shape_cast %get3A_71 : vector<1x16xi32> to vector<16xi32>
        %slice3A = vector.extract_strided_slice %get3A_68 {offsets = [0], sizes = [1], strides = [1]} : vector<16xi32> to vector<1xi32>
        %squeeze3A = vector.extract %slice3A[0] : i32 from vector<1xi32>
        %slice3A_73 = vector.extract_strided_slice %get3A_72 {offsets = [0], sizes = [1], strides = [1]} : vector<16xi32> to vector<1xi32>
        %squeeze3A_74 = vector.extract %slice3A_73[0] : i32 from vector<1xi32>
        %shift_right_arithmetic3A = arith.constant 4 : i32
        %shift_right_arithmetic3A_75 = arith.shrsi %squeeze3A, %shift_right_arithmetic3A : i32
        %shift_left3A = arith.constant 4 : i32
        %shift_left3A_76 = arith.shli %shift_right_arithmetic3A_75, %shift_left3A : i32
        %get3A_77 = arith.index_cast %shift_left3A_76 : i32 to index
        %get3A_78 = tpu.vector_load %arg10[%get3A_77] {strides = array<i32>} : memref<1024xf32, #tpu.memory_space<vmem>>, vector<16xf32>,
        %get3A_79 = vector.shape_cast %get3A_78 : vector<16xf32> to vector<16xf32>
        %shift_right_arithmetic3A_80 = arith.constant 7 : i32
        %shift_right_arithmetic3A_81 = arith.shrsi %squeeze3A_74, %shift_right_arithmetic3A_80 : i32
        %shift_right_arithmetic3A_82 = arith.constant 4 : i32
        %shift_right_arithmetic3A_83 = arith.shrsi %squeeze3A_74, %shift_right_arithmetic3A_82 : i32
        %and3A_84 = arith.constant 7 : i32
        %and3A_85 = arith.andi %shift_right_arithmetic3A_83, %and3A_84 : i32
        %shift_left3A_86 = arith.constant 4 : i32
        %shift_left3A_87 = arith.shli %and3A_85, %shift_left3A_86 : i32
        %get3A_88 = arith.constant 0 : i32
        %get3A_89 = arith.index_cast %get3A_88 : i32 to index
        %get3A_90 = arith.index_cast %shift_right_arithmetic3A_81 : i32 to index
        %get3A_91 = arith.index_cast %shift_left3A_87 : i32 to index
        %get3A_92 = tpu.vector_load %arg12[%get3A_89, %get3A_90, %get3A_91] {strides = array<i32>} : memref<32x8x128xf32, #tpu.memory_space<vmem>>, vector<1x1x16xf32>,
        %get3A_93 = vector.shape_cast %get3A_92 : vector<1x1x16xf32> to vector<16xf32>
        %get3A_94 = arith.constant 0 : index
        %get3A_95 = tpu.vector_load %arg13[%get3A_94] {strides = array<i32>} : memref<16xf32, #tpu.memory_space<vmem>>, vector<16xf32>,
        %get3A_96 = vector.shape_cast %get3A_95 : vector<16xf32> to vector<16xf32>
        %and3A_97 = arith.constant 15 : i32
        %and3A_98 = arith.andi %squeeze3A, %and3A_97 : i32
        %eq3A_99 = vector.broadcast %and3A_98 : i32 to vector<16xi32>
        %eq3A_100 = arith.cmpi eq, %iota3A, %eq3A_99 : vector<16xi32>
        %select_n3A_101 = arith.select %eq3A_100, %get3A_79, %broadcast_in_dim3A_65 : vector<16xi1>, vector<16xf32>
        %add3A_102 = arith.addf %get3A_96, %select_n3A_101 : vector<16xf32>
        %and3A_103 = arith.constant 15 : i32
        %and3A_104 = arith.andi %squeeze3A_74, %and3A_103 : i32
        %eq3A_105 = vector.broadcast %and3A_104 : i32 to vector<16xi32>
        %eq3A_106 = arith.cmpi eq, %iota3A, %eq3A_105 : vector<16xi32>
        %select_n3A_107 = arith.select %eq3A_106, %get3A_93, %broadcast_in_dim3A_65 : vector<16xi1>, vector<16xf32>
        %sub3A = arith.subf %add3A_102, %select_n3A_107 : vector<16xf32>
        %swap3A_108 = arith.constant 0 : index
        %swap3A_109 = tpu.vector_load %arg13[%swap3A_108] {strides = array<i32>} : memref<16xf32, #tpu.memory_space<vmem>>, vector<16xf32>,
        %swap3A_110 = vector.shape_cast %swap3A_109 : vector<16xf32> to vector<16xf32>
        %swap3A_111 = vector.shape_cast %sub3A : vector<16xf32> to vector<16xf32>
        tpu.vector_store %arg13[%swap3A_108], %swap3A_111 {strides = array<i32>} : memref<16xf32, #tpu.memory_space<vmem>>, vector<16xf32>,
        %slice3A_112 = vector.extract_strided_slice %get3A_68 {offsets = [1], sizes = [1], strides = [1]} : vector<16xi32> to vector<1xi32>
        %squeeze3A_113 = vector.extract %slice3A_112[0] : i32 from vector<1xi32>
        %slice3A_114 = vector.extract_strided_slice %get3A_72 {offsets = [1], sizes = [1], strides = [1]} : vector<16xi32> to vector<1xi32>
        %squeeze3A_115 = vector.extract %slice3A_114[0] : i32 from vector<1xi32>
        %shift_right_arithmetic3A_116 = arith.constant 4 : i32
        %shift_right_arithmetic3A_117 = arith.shrsi %squeeze3A_113, %shift_right_arithmetic3A_116 : i32
        %shift_left3A_118 = arith.constant 4 : i32
        %shift_left3A_119 = arith.shli %shift_right_arithmetic3A_117, %shift_left3A_118 : i32
        %get3A_120 = arith.index_cast %shift_left3A_119 : i32 to index
        %get3A_121 = tpu.vector_load %arg10[%get3A_120] {strides = array<i32>} : memref<1024xf32, #tpu.memory_space<vmem>>, vector<16xf32>,
        %get3A_122 = vector.shape_cast %get3A_121 : vector<16xf32> to vector<16xf32>
        %shift_right_arithmetic3A_123 = arith.constant 7 : i32
        %shift_right_arithmetic3A_124 = arith.shrsi %squeeze3A_115, %shift_right_arithmetic3A_123 : i32
        %shift_right_arithmetic3A_125 = arith.constant 4 : i32
        %shift_right_arithmetic3A_126 = arith.shrsi %squeeze3A_115, %shift_right_arithmetic3A_125 : i32
        %and3A_127 = arith.constant 7 : i32
        %and3A_128 = arith.andi %shift_right_arithmetic3A_126, %and3A_127 : i32
        %shift_left3A_129 = arith.constant 4 : i32
        %shift_left3A_130 = arith.shli %and3A_128, %shift_left3A_129 : i32
        %get3A_131 = arith.constant 1 : i32
        %get3A_132 = arith.index_cast %get3A_131 : i32 to index
        %get3A_133 = arith.index_cast %shift_right_arithmetic3A_124 : i32 to index
        %get3A_134 = arith.index_cast %shift_left3A_130 : i32 to index
        %get3A_135 = tpu.vector_load %arg12[%get3A_132, %get3A_133, %get3A_134] {strides = array<i32>} : memref<32x8x128xf32, #tpu.memory_space<vmem>>, vector<1x1x16xf32>,
        %get3A_136 = vector.shape_cast %get3A_135 : vector<1x1x16xf32> to vector<16xf32>
        %get3A_137 = arith.constant 0 : index
        %get3A_138 = tpu.vector_load %arg13[%get3A_137] {strides = array<i32>} : memref<16xf32, #tpu.memory_space<vmem>>, vector<16xf32>,
        %get3A_139 = vector.shape_cast %get3A_138 : vector<16xf32> to vector<16xf32>
        %and3A_140 = arith.constant 15 : i32
        %and3A_141 = arith.andi %squeeze3A_113, %and3A_140 : i32
        %eq3A_142 = vector.broadcast %and3A_141 : i32 to vector<16xi32>
        %eq3A_143 = arith.cmpi eq, %iota3A, %eq3A_142 : vector<16xi32>
        %select_n3A_144 = arith.select %eq3A_143, %get3A_122, %broadcast_in_dim3A_65 : vector<16xi1>, vector<16xf32>
        %add3A_145 = arith.addf %get3A_139, %select_n3A_144 : vector<16xf32>
        %and3A_146 = arith.constant 15 : i32
        %and3A_147 = arith.andi %squeeze3A_115, %and3A_146 : i32
        %eq3A_148 = vector.broadcast %and3A_147 : i32 to vector<16xi32>
        %eq3A_149 = arith.cmpi eq, %iota3A, %eq3A_148 : vector<16xi32>
        %select_n3A_150 = arith.select %eq3A_149, %get3A_136, %broadcast_in_dim3A_65 : vector<16xi1>, vector<16xf32>
        %sub3A_151 = arith.subf %add3A_145, %select_n3A_150 : vector<16xf32>
        %swap3A_152 = arith.constant 0 : index
        %swap3A_153 = tpu.vector_load %arg13[%swap3A_152] {strides = array<i32>} : memref<16xf32, #tpu.memory_space<vmem>>, vector<16xf32>,
        %swap3A_154 = vector.shape_cast %swap3A_153 : vector<16xf32> to vector<16xf32>
        %swap3A_155 = vector.shape_cast %sub3A_151 : vector<16xf32> to vector<16xf32>
        tpu.vector_store %arg13[%swap3A_152], %swap3A_155 {strides = array<i32>} : memref<16xf32, #tpu.memory_space<vmem>>, vector<16xf32>,
        %slice3A_156 = vector.extract_strided_slice %get3A_68 {offsets = [2], sizes = [1], strides = [1]} : vector<16xi32> to vector<1xi32>
        %squeeze3A_157 = vector.extract %slice3A_156[0] : i32 from vector<1xi32>
        %slice3A_158 = vector.extract_strided_slice %get3A_72 {offsets = [2], sizes = [1], strides = [1]} : vector<16xi32> to vector<1xi32>
        %squeeze3A_159 = vector.extract %slice3A_158[0] : i32 from vector<1xi32>
        %shift_right_arithmetic3A_160 = arith.constant 4 : i32
        %shift_right_arithmetic3A_161 = arith.shrsi %squeeze3A_157, %shift_right_arithmetic3A_160 : i32
        %shift_left3A_162 = arith.constant 4 : i32
        %shift_left3A_163 = arith.shli %shift_right_arithmetic3A_161, %shift_left3A_162 : i32
        %get3A_164 = arith.index_cast %shift_left3A_163 : i32 to index
        %get3A_165 = tpu.vector_load %arg10[%get3A_164] {strides = array<i32>} : memref<1024xf32, #tpu.memory_space<vmem>>, vector<16xf32>,
        %get3A_166 = vector.shape_cast %get3A_165 : vector<16xf32> to vector<16xf32>
        %shift_right_arithmetic3A_167 = arith.constant 7 : i32
        %shift_right_arithmetic3A_168 = arith.shrsi %squeeze3A_159, %shift_right_arithmetic3A_167 : i32
        %shift_right_arithmetic3A_169 = arith.constant 4 : i32
        %shift_right_arithmetic3A_170 = arith.shrsi %squeeze3A_159, %shift_right_arithmetic3A_169 : i32
        %and3A_171 = arith.constant 7 : i32
        %and3A_172 = arith.andi %shift_right_arithmetic3A_170, %and3A_171 : i32
        %shift_left3A_173 = arith.constant 4 : i32
        %shift_left3A_174 = arith.shli %and3A_172, %shift_left3A_173 : i32
        %get3A_175 = arith.constant 2 : i32
        %get3A_176 = arith.index_cast %get3A_175 : i32 to index
        %get3A_177 = arith.index_cast %shift_right_arithmetic3A_168 : i32 to index
        %get3A_178 = arith.index_cast %shift_left3A_174 : i32 to index
        %get3A_179 = tpu.vector_load %arg12[%get3A_176, %get3A_177, %get3A_178] {strides = array<i32>} : memref<32x8x128xf32, #tpu.memory_space<vmem>>, vector<1x1x16xf32>,
        %get3A_180 = vector.shape_cast %get3A_179 : vector<1x1x16xf32> to vector<16xf32>
        %get3A_181 = arith.constant 0 : index
        %get3A_182 = tpu.vector_load %arg13[%get3A_181] {strides = array<i32>} : memref<16xf32, #tpu.memory_space<vmem>>, vector<16xf32>,
        %get3A_183 = vector.shape_cast %get3A_182 : vector<16xf32> to vector<16xf32>
        %and3A_184 = arith.constant 15 : i32
        %and3A_185 = arith.andi %squeeze3A_157, %and3A_184 : i32
        %eq3A_186 = vector.broadcast %and3A_185 : i32 to vector<16xi32>
        %eq3A_187 = arith.cmpi eq, %iota3A, %eq3A_186 : vector<16xi32>
        %select_n3A_188 = arith.select %eq3A_187, %get3A_166, %broadcast_in_dim3A_65 : vector<16xi1>, vector<16xf32>
        %add3A_189 = arith.addf %get3A_183, %select_n3A_188 : vector<16xf32>
        %and3A_190 = arith.constant 15 : i32
        %and3A_191 = arith.andi %squeeze3A_159, %and3A_190 : i32
        %eq3A_192 = vector.broadcast %and3A_191 : i32 to vector<16xi32>
        %eq3A_193 = arith.cmpi eq, %iota3A, %eq3A_192 : vector<16xi32>
        %select_n3A_194 = arith.select %eq3A_193, %get3A_180, %broadcast_in_dim3A_65 : vector<16xi1>, vector<16xf32>
        %sub3A_195 = arith.subf %add3A_189, %select_n3A_194 : vector<16xf32>
        %swap3A_196 = arith.constant 0 : index
        %swap3A_197 = tpu.vector_load %arg13[%swap3A_196] {strides = array<i32>} : memref<16xf32, #tpu.memory_space<vmem>>, vector<16xf32>,
        %swap3A_198 = vector.shape_cast %swap3A_197 : vector<16xf32> to vector<16xf32>
        %swap3A_199 = vector.shape_cast %sub3A_195 : vector<16xf32> to vector<16xf32>
        tpu.vector_store %arg13[%swap3A_196], %swap3A_199 {strides = array<i32>} : memref<16xf32, #tpu.memory_space<vmem>>, vector<16xf32>,
        %slice3A_200 = vector.extract_strided_slice %get3A_68 {offsets = [3], sizes = [1], strides = [1]} : vector<16xi32> to vector<1xi32>
        %squeeze3A_201 = vector.extract %slice3A_200[0] : i32 from vector<1xi32>
        %slice3A_202 = vector.extract_strided_slice %get3A_72 {offsets = [3], sizes = [1], strides = [1]} : vector<16xi32> to vector<1xi32>
        %squeeze3A_203 = vector.extract %slice3A_202[0] : i32 from vector<1xi32>
        %shift_right_arithmetic3A_204 = arith.constant 4 : i32
        %shift_right_arithmetic3A_205 = arith.shrsi %squeeze3A_201, %shift_right_arithmetic3A_204 : i32
        %shift_left3A_206 = arith.constant 4 : i32
        %shift_left3A_207 = arith.shli %shift_right_arithmetic3A_205, %shift_left3A_206 : i32
        %get3A_208 = arith.index_cast %shift_left3A_207 : i32 to index
        %get3A_209 = tpu.vector_load %arg10[%get3A_208] {strides = array<i32>} : memref<1024xf32, #tpu.memory_space<vmem>>, vector<16xf32>,
        %get3A_210 = vector.shape_cast %get3A_209 : vector<16xf32> to vector<16xf32>
        %shift_right_arithmetic3A_211 = arith.constant 7 : i32
        %shift_right_arithmetic3A_212 = arith.shrsi %squeeze3A_203, %shift_right_arithmetic3A_211 : i32
        %shift_right_arithmetic3A_213 = arith.constant 4 : i32
        %shift_right_arithmetic3A_214 = arith.shrsi %squeeze3A_203, %shift_right_arithmetic3A_213 : i32
        %and3A_215 = arith.constant 7 : i32
        %and3A_216 = arith.andi %shift_right_arithmetic3A_214, %and3A_215 : i32
        %shift_left3A_217 = arith.constant 4 : i32
        %shift_left3A_218 = arith.shli %and3A_216, %shift_left3A_217 : i32
        %get3A_219 = arith.constant 3 : i32
        %get3A_220 = arith.index_cast %get3A_219 : i32 to index
        %get3A_221 = arith.index_cast %shift_right_arithmetic3A_212 : i32 to index
        %get3A_222 = arith.index_cast %shift_left3A_218 : i32 to index
        %get3A_223 = tpu.vector_load %arg12[%get3A_220, %get3A_221, %get3A_222] {strides = array<i32>} : memref<32x8x128xf32, #tpu.memory_space<vmem>>, vector<1x1x16xf32>,
        %get3A_224 = vector.shape_cast %get3A_223 : vector<1x1x16xf32> to vector<16xf32>
        %get3A_225 = arith.constant 0 : index
        %get3A_226 = tpu.vector_load %arg13[%get3A_225] {strides = array<i32>} : memref<16xf32, #tpu.memory_space<vmem>>, vector<16xf32>,
        %get3A_227 = vector.shape_cast %get3A_226 : vector<16xf32> to vector<16xf32>
        %and3A_228 = arith.constant 15 : i32
        %and3A_229 = arith.andi %squeeze3A_201, %and3A_228 : i32
        %eq3A_230 = vector.broadcast %and3A_229 : i32 to vector<16xi32>
        %eq3A_231 = arith.cmpi eq, %iota3A, %eq3A_230 : vector<16xi32>
        %select_n3A_232 = arith.select %eq3A_231, %get3A_210, %broadcast_in_dim3A_65 : vector<16xi1>, vector<16xf32>
        %add3A_233 = arith.addf %get3A_227, %select_n3A_232 : vector<16xf32>
        %and3A_234 = arith.constant 15 : i32
        %and3A_235 = arith.andi %squeeze3A_203, %and3A_234 : i32
        %eq3A_236 = vector.broadcast %and3A_235 : i32 to vector<16xi32>
        %eq3A_237 = arith.cmpi eq, %iota3A, %eq3A_236 : vector<16xi32>
        %select_n3A_238 = arith.select %eq3A_237, %get3A_224, %broadcast_in_dim3A_65 : vector<16xi1>, vector<16xf32>
        %sub3A_239 = arith.subf %add3A_233, %select_n3A_238 : vector<16xf32>
        %swap3A_240 = arith.constant 0 : index
        %swap3A_241 = tpu.vector_load %arg13[%swap3A_240] {strides = array<i32>} : memref<16xf32, #tpu.memory_space<vmem>>, vector<16xf32>,
        %swap3A_242 = vector.shape_cast %swap3A_241 : vector<16xf32> to vector<16xf32>
        %swap3A_243 = vector.shape_cast %sub3A_239 : vector<16xf32> to vector<16xf32>
        tpu.vector_store %arg13[%swap3A_240], %swap3A_243 {strides = array<i32>} : memref<16xf32, #tpu.memory_space<vmem>>, vector<16xf32>,
        %slice3A_244 = vector.extract_strided_slice %get3A_68 {offsets = [4], sizes = [1], strides = [1]} : vector<16xi32> to vector<1xi32>
        %squeeze3A_245 = vector.extract %slice3A_244[0] : i32 from vector<1xi32>
        %slice3A_246 = vector.extract_strided_slice %get3A_72 {offsets = [4], sizes = [1], strides = [1]} : vector<16xi32> to vector<1xi32>
        %squeeze3A_247 = vector.extract %slice3A_246[0] : i32 from vector<1xi32>
        %shift_right_arithmetic3A_248 = arith.constant 4 : i32
        %shift_right_arithmetic3A_249 = arith.shrsi %squeeze3A_245, %shift_right_arithmetic3A_248 : i32
        %shift_left3A_250 = arith.constant 4 : i32
        %shift_left3A_251 = arith.shli %shift_right_arithmetic3A_249, %shift_left3A_250 : i32
        %get3A_252 = arith.index_cast %shift_left3A_251 : i32 to index
        %get3A_253 = tpu.vector_load %arg10[%get3A_252] {strides = array<i32>} : memref<1024xf32, #tpu.memory_space<vmem>>, vector<16xf32>,
        %get3A_254 = vector.shape_cast %get3A_253 : vector<16xf32> to vector<16xf32>
        %shift_right_arithmetic3A_255 = arith.constant 7 : i32
        %shift_right_arithmetic3A_256 = arith.shrsi %squeeze3A_247, %shift_right_arithmetic3A_255 : i32
        %shift_right_arithmetic3A_257 = arith.constant 4 : i32
        %shift_right_arithmetic3A_258 = arith.shrsi %squeeze3A_247, %shift_right_arithmetic3A_257 : i32
        %and3A_259 = arith.constant 7 : i32
        %and3A_260 = arith.andi %shift_right_arithmetic3A_258, %and3A_259 : i32
        %shift_left3A_261 = arith.constant 4 : i32
        %shift_left3A_262 = arith.shli %and3A_260, %shift_left3A_261 : i32
        %get3A_263 = arith.constant 4 : i32
        %get3A_264 = arith.index_cast %get3A_263 : i32 to index
        %get3A_265 = arith.index_cast %shift_right_arithmetic3A_256 : i32 to index
        %get3A_266 = arith.index_cast %shift_left3A_262 : i32 to index
        %get3A_267 = tpu.vector_load %arg12[%get3A_264, %get3A_265, %get3A_266] {strides = array<i32>} : memref<32x8x128xf32, #tpu.memory_space<vmem>>, vector<1x1x16xf32>,
        %get3A_268 = vector.shape_cast %get3A_267 : vector<1x1x16xf32> to vector<16xf32>
        %get3A_269 = arith.constant 0 : index
        %get3A_270 = tpu.vector_load %arg13[%get3A_269] {strides = array<i32>} : memref<16xf32, #tpu.memory_space<vmem>>, vector<16xf32>,
        %get3A_271 = vector.shape_cast %get3A_270 : vector<16xf32> to vector<16xf32>
        %and3A_272 = arith.constant 15 : i32
        %and3A_273 = arith.andi %squeeze3A_245, %and3A_272 : i32
        %eq3A_274 = vector.broadcast %and3A_273 : i32 to vector<16xi32>
        %eq3A_275 = arith.cmpi eq, %iota3A, %eq3A_274 : vector<16xi32>
        %select_n3A_276 = arith.select %eq3A_275, %get3A_254, %broadcast_in_dim3A_65 : vector<16xi1>, vector<16xf32>
        %add3A_277 = arith.addf %get3A_271, %select_n3A_276 : vector<16xf32>
        %and3A_278 = arith.constant 15 : i32
        %and3A_279 = arith.andi %squeeze3A_247, %and3A_278 : i32
        %eq3A_280 = vector.broadcast %and3A_279 : i32 to vector<16xi32>
        %eq3A_281 = arith.cmpi eq, %iota3A, %eq3A_280 : vector<16xi32>
        %select_n3A_282 = arith.select %eq3A_281, %get3A_268, %broadcast_in_dim3A_65 : vector<16xi1>, vector<16xf32>
        %sub3A_283 = arith.subf %add3A_277, %select_n3A_282 : vector<16xf32>
        %swap3A_284 = arith.constant 0 : index
        %swap3A_285 = tpu.vector_load %arg13[%swap3A_284] {strides = array<i32>} : memref<16xf32, #tpu.memory_space<vmem>>, vector<16xf32>,
        %swap3A_286 = vector.shape_cast %swap3A_285 : vector<16xf32> to vector<16xf32>
        %swap3A_287 = vector.shape_cast %sub3A_283 : vector<16xf32> to vector<16xf32>
        tpu.vector_store %arg13[%swap3A_284], %swap3A_287 {strides = array<i32>} : memref<16xf32, #tpu.memory_space<vmem>>, vector<16xf32>,
        %slice3A_288 = vector.extract_strided_slice %get3A_68 {offsets = [5], sizes = [1], strides = [1]} : vector<16xi32> to vector<1xi32>
        %squeeze3A_289 = vector.extract %slice3A_288[0] : i32 from vector<1xi32>
        %slice3A_290 = vector.extract_strided_slice %get3A_72 {offsets = [5], sizes = [1], strides = [1]} : vector<16xi32> to vector<1xi32>
        %squeeze3A_291 = vector.extract %slice3A_290[0] : i32 from vector<1xi32>
        %shift_right_arithmetic3A_292 = arith.constant 4 : i32
        %shift_right_arithmetic3A_293 = arith.shrsi %squeeze3A_289, %shift_right_arithmetic3A_292 : i32
        %shift_left3A_294 = arith.constant 4 : i32
        %shift_left3A_295 = arith.shli %shift_right_arithmetic3A_293, %shift_left3A_294 : i32
        %get3A_296 = arith.index_cast %shift_left3A_295 : i32 to index
        %get3A_297 = tpu.vector_load %arg10[%get3A_296] {strides = array<i32>} : memref<1024xf32, #tpu.memory_space<vmem>>, vector<16xf32>,
        %get3A_298 = vector.shape_cast %get3A_297 : vector<16xf32> to vector<16xf32>
        %shift_right_arithmetic3A_299 = arith.constant 7 : i32
        %shift_right_arithmetic3A_300 = arith.shrsi %squeeze3A_291, %shift_right_arithmetic3A_299 : i32
        %shift_right_arithmetic3A_301 = arith.constant 4 : i32
        %shift_right_arithmetic3A_302 = arith.shrsi %squeeze3A_291, %shift_right_arithmetic3A_301 : i32
        %and3A_303 = arith.constant 7 : i32
        %and3A_304 = arith.andi %shift_right_arithmetic3A_302, %and3A_303 : i32
        %shift_left3A_305 = arith.constant 4 : i32
        %shift_left3A_306 = arith.shli %and3A_304, %shift_left3A_305 : i32
        %get3A_307 = arith.constant 5 : i32
        %get3A_308 = arith.index_cast %get3A_307 : i32 to index
        %get3A_309 = arith.index_cast %shift_right_arithmetic3A_300 : i32 to index
        %get3A_310 = arith.index_cast %shift_left3A_306 : i32 to index
        %get3A_311 = tpu.vector_load %arg12[%get3A_308, %get3A_309, %get3A_310] {strides = array<i32>} : memref<32x8x128xf32, #tpu.memory_space<vmem>>, vector<1x1x16xf32>,
        %get3A_312 = vector.shape_cast %get3A_311 : vector<1x1x16xf32> to vector<16xf32>
        %get3A_313 = arith.constant 0 : index
        %get3A_314 = tpu.vector_load %arg13[%get3A_313] {strides = array<i32>} : memref<16xf32, #tpu.memory_space<vmem>>, vector<16xf32>,
        %get3A_315 = vector.shape_cast %get3A_314 : vector<16xf32> to vector<16xf32>
        %and3A_316 = arith.constant 15 : i32
        %and3A_317 = arith.andi %squeeze3A_289, %and3A_316 : i32
        %eq3A_318 = vector.broadcast %and3A_317 : i32 to vector<16xi32>
        %eq3A_319 = arith.cmpi eq, %iota3A, %eq3A_318 : vector<16xi32>
        %select_n3A_320 = arith.select %eq3A_319, %get3A_298, %broadcast_in_dim3A_65 : vector<16xi1>, vector<16xf32>
        %add3A_321 = arith.addf %get3A_315, %select_n3A_320 : vector<16xf32>
        %and3A_322 = arith.constant 15 : i32
        %and3A_323 = arith.andi %squeeze3A_291, %and3A_322 : i32
        %eq3A_324 = vector.broadcast %and3A_323 : i32 to vector<16xi32>
        %eq3A_325 = arith.cmpi eq, %iota3A, %eq3A_324 : vector<16xi32>
        %select_n3A_326 = arith.select %eq3A_325, %get3A_312, %broadcast_in_dim3A_65 : vector<16xi1>, vector<16xf32>
        %sub3A_327 = arith.subf %add3A_321, %select_n3A_326 : vector<16xf32>
        %swap3A_328 = arith.constant 0 : index
        %swap3A_329 = tpu.vector_load %arg13[%swap3A_328] {strides = array<i32>} : memref<16xf32, #tpu.memory_space<vmem>>, vector<16xf32>,
        %swap3A_330 = vector.shape_cast %swap3A_329 : vector<16xf32> to vector<16xf32>
        %swap3A_331 = vector.shape_cast %sub3A_327 : vector<16xf32> to vector<16xf32>
        tpu.vector_store %arg13[%swap3A_328], %swap3A_331 {strides = array<i32>} : memref<16xf32, #tpu.memory_space<vmem>>, vector<16xf32>,
        %slice3A_332 = vector.extract_strided_slice %get3A_68 {offsets = [6], sizes = [1], strides = [1]} : vector<16xi32> to vector<1xi32>
        %squeeze3A_333 = vector.extract %slice3A_332[0] : i32 from vector<1xi32>
        %slice3A_334 = vector.extract_strided_slice %get3A_72 {offsets = [6], sizes = [1], strides = [1]} : vector<16xi32> to vector<1xi32>
        %squeeze3A_335 = vector.extract %slice3A_334[0] : i32 from vector<1xi32>
        %shift_right_arithmetic3A_336 = arith.constant 4 : i32
        %shift_right_arithmetic3A_337 = arith.shrsi %squeeze3A_333, %shift_right_arithmetic3A_336 : i32
        %shift_left3A_338 = arith.constant 4 : i32
        %shift_left3A_339 = arith.shli %shift_right_arithmetic3A_337, %shift_left3A_338 : i32
        %get3A_340 = arith.index_cast %shift_left3A_339 : i32 to index
        %get3A_341 = tpu.vector_load %arg10[%get3A_340] {strides = array<i32>} : memref<1024xf32, #tpu.memory_space<vmem>>, vector<16xf32>,
        %get3A_342 = vector.shape_cast %get3A_341 : vector<16xf32> to vector<16xf32>
        %shift_right_arithmetic3A_343 = arith.constant 7 : i32
        %shift_right_arithmetic3A_344 = arith.shrsi %squeeze3A_335, %shift_right_arithmetic3A_343 : i32
        %shift_right_arithmetic3A_345 = arith.constant 4 : i32
        %shift_right_arithmetic3A_346 = arith.shrsi %squeeze3A_335, %shift_right_arithmetic3A_345 : i32
        %and3A_347 = arith.constant 7 : i32
        %and3A_348 = arith.andi %shift_right_arithmetic3A_346, %and3A_347 : i32
        %shift_left3A_349 = arith.constant 4 : i32
        %shift_left3A_350 = arith.shli %and3A_348, %shift_left3A_349 : i32
        %get3A_351 = arith.constant 6 : i32
        %get3A_352 = arith.index_cast %get3A_351 : i32 to index
        %get3A_353 = arith.index_cast %shift_right_arithmetic3A_344 : i32 to index
        %get3A_354 = arith.index_cast %shift_left3A_350 : i32 to index
        %get3A_355 = tpu.vector_load %arg12[%get3A_352, %get3A_353, %get3A_354] {strides = array<i32>} : memref<32x8x128xf32, #tpu.memory_space<vmem>>, vector<1x1x16xf32>,
        %get3A_356 = vector.shape_cast %get3A_355 : vector<1x1x16xf32> to vector<16xf32>
        %get3A_357 = arith.constant 0 : index
        %get3A_358 = tpu.vector_load %arg13[%get3A_357] {strides = array<i32>} : memref<16xf32, #tpu.memory_space<vmem>>, vector<16xf32>,
        %get3A_359 = vector.shape_cast %get3A_358 : vector<16xf32> to vector<16xf32>
        %and3A_360 = arith.constant 15 : i32
        %and3A_361 = arith.andi %squeeze3A_333, %and3A_360 : i32
        %eq3A_362 = vector.broadcast %and3A_361 : i32 to vector<16xi32>
        %eq3A_363 = arith.cmpi eq, %iota3A, %eq3A_362 : vector<16xi32>
        %select_n3A_364 = arith.select %eq3A_363, %get3A_342, %broadcast_in_dim3A_65 : vector<16xi1>, vector<16xf32>
        %add3A_365 = arith.addf %get3A_359, %select_n3A_364 : vector<16xf32>
        %and3A_366 = arith.constant 15 : i32
        %and3A_367 = arith.andi %squeeze3A_335, %and3A_366 : i32
        %eq3A_368 = vector.broadcast %and3A_367 : i32 to vector<16xi32>
        %eq3A_369 = arith.cmpi eq, %iota3A, %eq3A_368 : vector<16xi32>
        %select_n3A_370 = arith.select %eq3A_369, %get3A_356, %broadcast_in_dim3A_65 : vector<16xi1>, vector<16xf32>
        %sub3A_371 = arith.subf %add3A_365, %select_n3A_370 : vector<16xf32>
        %swap3A_372 = arith.constant 0 : index
        %swap3A_373 = tpu.vector_load %arg13[%swap3A_372] {strides = array<i32>} : memref<16xf32, #tpu.memory_space<vmem>>, vector<16xf32>,
        %swap3A_374 = vector.shape_cast %swap3A_373 : vector<16xf32> to vector<16xf32>
        %swap3A_375 = vector.shape_cast %sub3A_371 : vector<16xf32> to vector<16xf32>
        tpu.vector_store %arg13[%swap3A_372], %swap3A_375 {strides = array<i32>} : memref<16xf32, #tpu.memory_space<vmem>>, vector<16xf32>,
        %slice3A_376 = vector.extract_strided_slice %get3A_68 {offsets = [7], sizes = [1], strides = [1]} : vector<16xi32> to vector<1xi32>
        %squeeze3A_377 = vector.extract %slice3A_376[0] : i32 from vector<1xi32>
        %slice3A_378 = vector.extract_strided_slice %get3A_72 {offsets = [7], sizes = [1], strides = [1]} : vector<16xi32> to vector<1xi32>
        %squeeze3A_379 = vector.extract %slice3A_378[0] : i32 from vector<1xi32>
        %shift_right_arithmetic3A_380 = arith.constant 4 : i32
        %shift_right_arithmetic3A_381 = arith.shrsi %squeeze3A_377, %shift_right_arithmetic3A_380 : i32
        %shift_left3A_382 = arith.constant 4 : i32
        %shift_left3A_383 = arith.shli %shift_right_arithmetic3A_381, %shift_left3A_382 : i32
        %get3A_384 = arith.index_cast %shift_left3A_383 : i32 to index
        %get3A_385 = tpu.vector_load %arg10[%get3A_384] {strides = array<i32>} : memref<1024xf32, #tpu.memory_space<vmem>>, vector<16xf32>,
        %get3A_386 = vector.shape_cast %get3A_385 : vector<16xf32> to vector<16xf32>
        %shift_right_arithmetic3A_387 = arith.constant 7 : i32
        %shift_right_arithmetic3A_388 = arith.shrsi %squeeze3A_379, %shift_right_arithmetic3A_387 : i32
        %shift_right_arithmetic3A_389 = arith.constant 4 : i32
        %shift_right_arithmetic3A_390 = arith.shrsi %squeeze3A_379, %shift_right_arithmetic3A_389 : i32
        %and3A_391 = arith.constant 7 : i32
        %and3A_392 = arith.andi %shift_right_arithmetic3A_390, %and3A_391 : i32
        %shift_left3A_393 = arith.constant 4 : i32
        %shift_left3A_394 = arith.shli %and3A_392, %shift_left3A_393 : i32
        %get3A_395 = arith.constant 7 : i32
        %get3A_396 = arith.index_cast %get3A_395 : i32 to index
        %get3A_397 = arith.index_cast %shift_right_arithmetic3A_388 : i32 to index
        %get3A_398 = arith.index_cast %shift_left3A_394 : i32 to index
        %get3A_399 = tpu.vector_load %arg12[%get3A_396, %get3A_397, %get3A_398] {strides = array<i32>} : memref<32x8x128xf32, #tpu.memory_space<vmem>>, vector<1x1x16xf32>,
        %get3A_400 = vector.shape_cast %get3A_399 : vector<1x1x16xf32> to vector<16xf32>
        %get3A_401 = arith.constant 0 : index
        %get3A_402 = tpu.vector_load %arg13[%get3A_401] {strides = array<i32>} : memref<16xf32, #tpu.memory_space<vmem>>, vector<16xf32>,
        %get3A_403 = vector.shape_cast %get3A_402 : vector<16xf32> to vector<16xf32>
        %and3A_404 = arith.constant 15 : i32
        %and3A_405 = arith.andi %squeeze3A_377, %and3A_404 : i32
        %eq3A_406 = vector.broadcast %and3A_405 : i32 to vector<16xi32>
        %eq3A_407 = arith.cmpi eq, %iota3A, %eq3A_406 : vector<16xi32>
        %select_n3A_408 = arith.select %eq3A_407, %get3A_386, %broadcast_in_dim3A_65 : vector<16xi1>, vector<16xf32>
        %add3A_409 = arith.addf %get3A_403, %select_n3A_408 : vector<16xf32>
        %and3A_410 = arith.constant 15 : i32
        %and3A_411 = arith.andi %squeeze3A_379, %and3A_410 : i32
        %eq3A_412 = vector.broadcast %and3A_411 : i32 to vector<16xi32>
        %eq3A_413 = arith.cmpi eq, %iota3A, %eq3A_412 : vector<16xi32>
        %select_n3A_414 = arith.select %eq3A_413, %get3A_400, %broadcast_in_dim3A_65 : vector<16xi1>, vector<16xf32>
        %sub3A_415 = arith.subf %add3A_409, %select_n3A_414 : vector<16xf32>
        %swap3A_416 = arith.constant 0 : index
        %swap3A_417 = tpu.vector_load %arg13[%swap3A_416] {strides = array<i32>} : memref<16xf32, #tpu.memory_space<vmem>>, vector<16xf32>,
        %swap3A_418 = vector.shape_cast %swap3A_417 : vector<16xf32> to vector<16xf32>
        %swap3A_419 = vector.shape_cast %sub3A_415 : vector<16xf32> to vector<16xf32>
        tpu.vector_store %arg13[%swap3A_416], %swap3A_419 {strides = array<i32>} : memref<16xf32, #tpu.memory_space<vmem>>, vector<16xf32>,
        %slice3A_420 = vector.extract_strided_slice %get3A_68 {offsets = [8], sizes = [1], strides = [1]} : vector<16xi32> to vector<1xi32>
        %squeeze3A_421 = vector.extract %slice3A_420[0] : i32 from vector<1xi32>
        %slice3A_422 = vector.extract_strided_slice %get3A_72 {offsets = [8], sizes = [1], strides = [1]} : vector<16xi32> to vector<1xi32>
        %squeeze3A_423 = vector.extract %slice3A_422[0] : i32 from vector<1xi32>
        %shift_right_arithmetic3A_424 = arith.constant 4 : i32
        %shift_right_arithmetic3A_425 = arith.shrsi %squeeze3A_421, %shift_right_arithmetic3A_424 : i32
        %shift_left3A_426 = arith.constant 4 : i32
        %shift_left3A_427 = arith.shli %shift_right_arithmetic3A_425, %shift_left3A_426 : i32
        %get3A_428 = arith.index_cast %shift_left3A_427 : i32 to index
        %get3A_429 = tpu.vector_load %arg10[%get3A_428] {strides = array<i32>} : memref<1024xf32, #tpu.memory_space<vmem>>, vector<16xf32>,
        %get3A_430 = vector.shape_cast %get3A_429 : vector<16xf32> to vector<16xf32>
        %shift_right_arithmetic3A_431 = arith.constant 7 : i32
        %shift_right_arithmetic3A_432 = arith.shrsi %squeeze3A_423, %shift_right_arithmetic3A_431 : i32
        %shift_right_arithmetic3A_433 = arith.constant 4 : i32
        %shift_right_arithmetic3A_434 = arith.shrsi %squeeze3A_423, %shift_right_arithmetic3A_433 : i32
        %and3A_435 = arith.constant 7 : i32
        %and3A_436 = arith.andi %shift_right_arithmetic3A_434, %and3A_435 : i32
        %shift_left3A_437 = arith.constant 4 : i32
        %shift_left3A_438 = arith.shli %and3A_436, %shift_left3A_437 : i32
        %get3A_439 = arith.constant 8 : i32
        %get3A_440 = arith.index_cast %get3A_439 : i32 to index
        %get3A_441 = arith.index_cast %shift_right_arithmetic3A_432 : i32 to index
        %get3A_442 = arith.index_cast %shift_left3A_438 : i32 to index
        %get3A_443 = tpu.vector_load %arg12[%get3A_440, %get3A_441, %get3A_442] {strides = array<i32>} : memref<32x8x128xf32, #tpu.memory_space<vmem>>, vector<1x1x16xf32>,
        %get3A_444 = vector.shape_cast %get3A_443 : vector<1x1x16xf32> to vector<16xf32>
        %get3A_445 = arith.constant 0 : index
        %get3A_446 = tpu.vector_load %arg13[%get3A_445] {strides = array<i32>} : memref<16xf32, #tpu.memory_space<vmem>>, vector<16xf32>,
        %get3A_447 = vector.shape_cast %get3A_446 : vector<16xf32> to vector<16xf32>
        %and3A_448 = arith.constant 15 : i32
        %and3A_449 = arith.andi %squeeze3A_421, %and3A_448 : i32
        %eq3A_450 = vector.broadcast %and3A_449 : i32 to vector<16xi32>
        %eq3A_451 = arith.cmpi eq, %iota3A, %eq3A_450 : vector<16xi32>
        %select_n3A_452 = arith.select %eq3A_451, %get3A_430, %broadcast_in_dim3A_65 : vector<16xi1>, vector<16xf32>
        %add3A_453 = arith.addf %get3A_447, %select_n3A_452 : vector<16xf32>
        %and3A_454 = arith.constant 15 : i32
        %and3A_455 = arith.andi %squeeze3A_423, %and3A_454 : i32
        %eq3A_456 = vector.broadcast %and3A_455 : i32 to vector<16xi32>
        %eq3A_457 = arith.cmpi eq, %iota3A, %eq3A_456 : vector<16xi32>
        %select_n3A_458 = arith.select %eq3A_457, %get3A_444, %broadcast_in_dim3A_65 : vector<16xi1>, vector<16xf32>
        %sub3A_459 = arith.subf %add3A_453, %select_n3A_458 : vector<16xf32>
        %swap3A_460 = arith.constant 0 : index
        %swap3A_461 = tpu.vector_load %arg13[%swap3A_460] {strides = array<i32>} : memref<16xf32, #tpu.memory_space<vmem>>, vector<16xf32>,
        %swap3A_462 = vector.shape_cast %swap3A_461 : vector<16xf32> to vector<16xf32>
        %swap3A_463 = vector.shape_cast %sub3A_459 : vector<16xf32> to vector<16xf32>
        tpu.vector_store %arg13[%swap3A_460], %swap3A_463 {strides = array<i32>} : memref<16xf32, #tpu.memory_space<vmem>>, vector<16xf32>,
        %slice3A_464 = vector.extract_strided_slice %get3A_68 {offsets = [9], sizes = [1], strides = [1]} : vector<16xi32> to vector<1xi32>
        %squeeze3A_465 = vector.extract %slice3A_464[0] : i32 from vector<1xi32>
        %slice3A_466 = vector.extract_strided_slice %get3A_72 {offsets = [9], sizes = [1], strides = [1]} : vector<16xi32> to vector<1xi32>
        %squeeze3A_467 = vector.extract %slice3A_466[0] : i32 from vector<1xi32>
        %shift_right_arithmetic3A_468 = arith.constant 4 : i32
        %shift_right_arithmetic3A_469 = arith.shrsi %squeeze3A_465, %shift_right_arithmetic3A_468 : i32
        %shift_left3A_470 = arith.constant 4 : i32
        %shift_left3A_471 = arith.shli %shift_right_arithmetic3A_469, %shift_left3A_470 : i32
        %get3A_472 = arith.index_cast %shift_left3A_471 : i32 to index
        %get3A_473 = tpu.vector_load %arg10[%get3A_472] {strides = array<i32>} : memref<1024xf32, #tpu.memory_space<vmem>>, vector<16xf32>,
        %get3A_474 = vector.shape_cast %get3A_473 : vector<16xf32> to vector<16xf32>
        %shift_right_arithmetic3A_475 = arith.constant 7 : i32
        %shift_right_arithmetic3A_476 = arith.shrsi %squeeze3A_467, %shift_right_arithmetic3A_475 : i32
        %shift_right_arithmetic3A_477 = arith.constant 4 : i32
        %shift_right_arithmetic3A_478 = arith.shrsi %squeeze3A_467, %shift_right_arithmetic3A_477 : i32
        %and3A_479 = arith.constant 7 : i32
        %and3A_480 = arith.andi %shift_right_arithmetic3A_478, %and3A_479 : i32
        %shift_left3A_481 = arith.constant 4 : i32
        %shift_left3A_482 = arith.shli %and3A_480, %shift_left3A_481 : i32
        %get3A_483 = arith.constant 9 : i32
        %get3A_484 = arith.index_cast %get3A_483 : i32 to index
        %get3A_485 = arith.index_cast %shift_right_arithmetic3A_476 : i32 to index
        %get3A_486 = arith.index_cast %shift_left3A_482 : i32 to index
        %get3A_487 = tpu.vector_load %arg12[%get3A_484, %get3A_485, %get3A_486] {strides = array<i32>} : memref<32x8x128xf32, #tpu.memory_space<vmem>>, vector<1x1x16xf32>,
        %get3A_488 = vector.shape_cast %get3A_487 : vector<1x1x16xf32> to vector<16xf32>
        %get3A_489 = arith.constant 0 : index
        %get3A_490 = tpu.vector_load %arg13[%get3A_489] {strides = array<i32>} : memref<16xf32, #tpu.memory_space<vmem>>, vector<16xf32>,
        %get3A_491 = vector.shape_cast %get3A_490 : vector<16xf32> to vector<16xf32>
        %and3A_492 = arith.constant 15 : i32
        %and3A_493 = arith.andi %squeeze3A_465, %and3A_492 : i32
        %eq3A_494 = vector.broadcast %and3A_493 : i32 to vector<16xi32>
        %eq3A_495 = arith.cmpi eq, %iota3A, %eq3A_494 : vector<16xi32>
        %select_n3A_496 = arith.select %eq3A_495, %get3A_474, %broadcast_in_dim3A_65 : vector<16xi1>, vector<16xf32>
        %add3A_497 = arith.addf %get3A_491, %select_n3A_496 : vector<16xf32>
        %and3A_498 = arith.constant 15 : i32
        %and3A_499 = arith.andi %squeeze3A_467, %and3A_498 : i32
        %eq3A_500 = vector.broadcast %and3A_499 : i32 to vector<16xi32>
        %eq3A_501 = arith.cmpi eq, %iota3A, %eq3A_500 : vector<16xi32>
        %select_n3A_502 = arith.select %eq3A_501, %get3A_488, %broadcast_in_dim3A_65 : vector<16xi1>, vector<16xf32>
        %sub3A_503 = arith.subf %add3A_497, %select_n3A_502 : vector<16xf32>
        %swap3A_504 = arith.constant 0 : index
        %swap3A_505 = tpu.vector_load %arg13[%swap3A_504] {strides = array<i32>} : memref<16xf32, #tpu.memory_space<vmem>>, vector<16xf32>,
        %swap3A_506 = vector.shape_cast %swap3A_505 : vector<16xf32> to vector<16xf32>
        %swap3A_507 = vector.shape_cast %sub3A_503 : vector<16xf32> to vector<16xf32>
        tpu.vector_store %arg13[%swap3A_504], %swap3A_507 {strides = array<i32>} : memref<16xf32, #tpu.memory_space<vmem>>, vector<16xf32>,
        %slice3A_508 = vector.extract_strided_slice %get3A_68 {offsets = [10], sizes = [1], strides = [1]} : vector<16xi32> to vector<1xi32>
        %squeeze3A_509 = vector.extract %slice3A_508[0] : i32 from vector<1xi32>
        %slice3A_510 = vector.extract_strided_slice %get3A_72 {offsets = [10], sizes = [1], strides = [1]} : vector<16xi32> to vector<1xi32>
        %squeeze3A_511 = vector.extract %slice3A_510[0] : i32 from vector<1xi32>
        %shift_right_arithmetic3A_512 = arith.constant 4 : i32
        %shift_right_arithmetic3A_513 = arith.shrsi %squeeze3A_509, %shift_right_arithmetic3A_512 : i32
        %shift_left3A_514 = arith.constant 4 : i32
        %shift_left3A_515 = arith.shli %shift_right_arithmetic3A_513, %shift_left3A_514 : i32
        %get3A_516 = arith.index_cast %shift_left3A_515 : i32 to index
        %get3A_517 = tpu.vector_load %arg10[%get3A_516] {strides = array<i32>} : memref<1024xf32, #tpu.memory_space<vmem>>, vector<16xf32>,
        %get3A_518 = vector.shape_cast %get3A_517 : vector<16xf32> to vector<16xf32>
        %shift_right_arithmetic3A_519 = arith.constant 7 : i32
        %shift_right_arithmetic3A_520 = arith.shrsi %squeeze3A_511, %shift_right_arithmetic3A_519 : i32
        %shift_right_arithmetic3A_521 = arith.constant 4 : i32
        %shift_right_arithmetic3A_522 = arith.shrsi %squeeze3A_511, %shift_right_arithmetic3A_521 : i32
        %and3A_523 = arith.constant 7 : i32
        %and3A_524 = arith.andi %shift_right_arithmetic3A_522, %and3A_523 : i32
        %shift_left3A_525 = arith.constant 4 : i32
        %shift_left3A_526 = arith.shli %and3A_524, %shift_left3A_525 : i32
        %get3A_527 = arith.constant 10 : i32
        %get3A_528 = arith.index_cast %get3A_527 : i32 to index
        %get3A_529 = arith.index_cast %shift_right_arithmetic3A_520 : i32 to index
        %get3A_530 = arith.index_cast %shift_left3A_526 : i32 to index
        %get3A_531 = tpu.vector_load %arg12[%get3A_528, %get3A_529, %get3A_530] {strides = array<i32>} : memref<32x8x128xf32, #tpu.memory_space<vmem>>, vector<1x1x16xf32>,
        %get3A_532 = vector.shape_cast %get3A_531 : vector<1x1x16xf32> to vector<16xf32>
        %get3A_533 = arith.constant 0 : index
        %get3A_534 = tpu.vector_load %arg13[%get3A_533] {strides = array<i32>} : memref<16xf32, #tpu.memory_space<vmem>>, vector<16xf32>,
        %get3A_535 = vector.shape_cast %get3A_534 : vector<16xf32> to vector<16xf32>
        %and3A_536 = arith.constant 15 : i32
        %and3A_537 = arith.andi %squeeze3A_509, %and3A_536 : i32
        %eq3A_538 = vector.broadcast %and3A_537 : i32 to vector<16xi32>
        %eq3A_539 = arith.cmpi eq, %iota3A, %eq3A_538 : vector<16xi32>
        %select_n3A_540 = arith.select %eq3A_539, %get3A_518, %broadcast_in_dim3A_65 : vector<16xi1>, vector<16xf32>
        %add3A_541 = arith.addf %get3A_535, %select_n3A_540 : vector<16xf32>
        %and3A_542 = arith.constant 15 : i32
        %and3A_543 = arith.andi %squeeze3A_511, %and3A_542 : i32
        %eq3A_544 = vector.broadcast %and3A_543 : i32 to vector<16xi32>
        %eq3A_545 = arith.cmpi eq, %iota3A, %eq3A_544 : vector<16xi32>
        %select_n3A_546 = arith.select %eq3A_545, %get3A_532, %broadcast_in_dim3A_65 : vector<16xi1>, vector<16xf32>
        %sub3A_547 = arith.subf %add3A_541, %select_n3A_546 : vector<16xf32>
        %swap3A_548 = arith.constant 0 : index
        %swap3A_549 = tpu.vector_load %arg13[%swap3A_548] {strides = array<i32>} : memref<16xf32, #tpu.memory_space<vmem>>, vector<16xf32>,
        %swap3A_550 = vector.shape_cast %swap3A_549 : vector<16xf32> to vector<16xf32>
        %swap3A_551 = vector.shape_cast %sub3A_547 : vector<16xf32> to vector<16xf32>
        tpu.vector_store %arg13[%swap3A_548], %swap3A_551 {strides = array<i32>} : memref<16xf32, #tpu.memory_space<vmem>>, vector<16xf32>,
        %slice3A_552 = vector.extract_strided_slice %get3A_68 {offsets = [11], sizes = [1], strides = [1]} : vector<16xi32> to vector<1xi32>
        %squeeze3A_553 = vector.extract %slice3A_552[0] : i32 from vector<1xi32>
        %slice3A_554 = vector.extract_strided_slice %get3A_72 {offsets = [11], sizes = [1], strides = [1]} : vector<16xi32> to vector<1xi32>
        %squeeze3A_555 = vector.extract %slice3A_554[0] : i32 from vector<1xi32>
        %shift_right_arithmetic3A_556 = arith.constant 4 : i32
        %shift_right_arithmetic3A_557 = arith.shrsi %squeeze3A_553, %shift_right_arithmetic3A_556 : i32
        %shift_left3A_558 = arith.constant 4 : i32
        %shift_left3A_559 = arith.shli %shift_right_arithmetic3A_557, %shift_left3A_558 : i32
        %get3A_560 = arith.index_cast %shift_left3A_559 : i32 to index
        %get3A_561 = tpu.vector_load %arg10[%get3A_560] {strides = array<i32>} : memref<1024xf32, #tpu.memory_space<vmem>>, vector<16xf32>,
        %get3A_562 = vector.shape_cast %get3A_561 : vector<16xf32> to vector<16xf32>
        %shift_right_arithmetic3A_563 = arith.constant 7 : i32
        %shift_right_arithmetic3A_564 = arith.shrsi %squeeze3A_555, %shift_right_arithmetic3A_563 : i32
        %shift_right_arithmetic3A_565 = arith.constant 4 : i32
        %shift_right_arithmetic3A_566 = arith.shrsi %squeeze3A_555, %shift_right_arithmetic3A_565 : i32
        %and3A_567 = arith.constant 7 : i32
        %and3A_568 = arith.andi %shift_right_arithmetic3A_566, %and3A_567 : i32
        %shift_left3A_569 = arith.constant 4 : i32
        %shift_left3A_570 = arith.shli %and3A_568, %shift_left3A_569 : i32
        %get3A_571 = arith.constant 11 : i32
        %get3A_572 = arith.index_cast %get3A_571 : i32 to index
        %get3A_573 = arith.index_cast %shift_right_arithmetic3A_564 : i32 to index
        %get3A_574 = arith.index_cast %shift_left3A_570 : i32 to index
        %get3A_575 = tpu.vector_load %arg12[%get3A_572, %get3A_573, %get3A_574] {strides = array<i32>} : memref<32x8x128xf32, #tpu.memory_space<vmem>>, vector<1x1x16xf32>,
        %get3A_576 = vector.shape_cast %get3A_575 : vector<1x1x16xf32> to vector<16xf32>
        %get3A_577 = arith.constant 0 : index
        %get3A_578 = tpu.vector_load %arg13[%get3A_577] {strides = array<i32>} : memref<16xf32, #tpu.memory_space<vmem>>, vector<16xf32>,
        %get3A_579 = vector.shape_cast %get3A_578 : vector<16xf32> to vector<16xf32>
        %and3A_580 = arith.constant 15 : i32
        %and3A_581 = arith.andi %squeeze3A_553, %and3A_580 : i32
        %eq3A_582 = vector.broadcast %and3A_581 : i32 to vector<16xi32>
        %eq3A_583 = arith.cmpi eq, %iota3A, %eq3A_582 : vector<16xi32>
        %select_n3A_584 = arith.select %eq3A_583, %get3A_562, %broadcast_in_dim3A_65 : vector<16xi1>, vector<16xf32>
        %add3A_585 = arith.addf %get3A_579, %select_n3A_584 : vector<16xf32>
        %and3A_586 = arith.constant 15 : i32
        %and3A_587 = arith.andi %squeeze3A_555, %and3A_586 : i32
        %eq3A_588 = vector.broadcast %and3A_587 : i32 to vector<16xi32>
        %eq3A_589 = arith.cmpi eq, %iota3A, %eq3A_588 : vector<16xi32>
        %select_n3A_590 = arith.select %eq3A_589, %get3A_576, %broadcast_in_dim3A_65 : vector<16xi1>, vector<16xf32>
        %sub3A_591 = arith.subf %add3A_585, %select_n3A_590 : vector<16xf32>
        %swap3A_592 = arith.constant 0 : index
        %swap3A_593 = tpu.vector_load %arg13[%swap3A_592] {strides = array<i32>} : memref<16xf32, #tpu.memory_space<vmem>>, vector<16xf32>,
        %swap3A_594 = vector.shape_cast %swap3A_593 : vector<16xf32> to vector<16xf32>
        %swap3A_595 = vector.shape_cast %sub3A_591 : vector<16xf32> to vector<16xf32>
        tpu.vector_store %arg13[%swap3A_592], %swap3A_595 {strides = array<i32>} : memref<16xf32, #tpu.memory_space<vmem>>, vector<16xf32>,
        %slice3A_596 = vector.extract_strided_slice %get3A_68 {offsets = [12], sizes = [1], strides = [1]} : vector<16xi32> to vector<1xi32>
        %squeeze3A_597 = vector.extract %slice3A_596[0] : i32 from vector<1xi32>
        %slice3A_598 = vector.extract_strided_slice %get3A_72 {offsets = [12], sizes = [1], strides = [1]} : vector<16xi32> to vector<1xi32>
        %squeeze3A_599 = vector.extract %slice3A_598[0] : i32 from vector<1xi32>
        %shift_right_arithmetic3A_600 = arith.constant 4 : i32
        %shift_right_arithmetic3A_601 = arith.shrsi %squeeze3A_597, %shift_right_arithmetic3A_600 : i32
        %shift_left3A_602 = arith.constant 4 : i32
        %shift_left3A_603 = arith.shli %shift_right_arithmetic3A_601, %shift_left3A_602 : i32
        %get3A_604 = arith.index_cast %shift_left3A_603 : i32 to index
        %get3A_605 = tpu.vector_load %arg10[%get3A_604] {strides = array<i32>} : memref<1024xf32, #tpu.memory_space<vmem>>, vector<16xf32>,
        %get3A_606 = vector.shape_cast %get3A_605 : vector<16xf32> to vector<16xf32>
        %shift_right_arithmetic3A_607 = arith.constant 7 : i32
        %shift_right_arithmetic3A_608 = arith.shrsi %squeeze3A_599, %shift_right_arithmetic3A_607 : i32
        %shift_right_arithmetic3A_609 = arith.constant 4 : i32
        %shift_right_arithmetic3A_610 = arith.shrsi %squeeze3A_599, %shift_right_arithmetic3A_609 : i32
        %and3A_611 = arith.constant 7 : i32
        %and3A_612 = arith.andi %shift_right_arithmetic3A_610, %and3A_611 : i32
        %shift_left3A_613 = arith.constant 4 : i32
        %shift_left3A_614 = arith.shli %and3A_612, %shift_left3A_613 : i32
        %get3A_615 = arith.constant 12 : i32
        %get3A_616 = arith.index_cast %get3A_615 : i32 to index
        %get3A_617 = arith.index_cast %shift_right_arithmetic3A_608 : i32 to index
        %get3A_618 = arith.index_cast %shift_left3A_614 : i32 to index
        %get3A_619 = tpu.vector_load %arg12[%get3A_616, %get3A_617, %get3A_618] {strides = array<i32>} : memref<32x8x128xf32, #tpu.memory_space<vmem>>, vector<1x1x16xf32>,
        %get3A_620 = vector.shape_cast %get3A_619 : vector<1x1x16xf32> to vector<16xf32>
        %get3A_621 = arith.constant 0 : index
        %get3A_622 = tpu.vector_load %arg13[%get3A_621] {strides = array<i32>} : memref<16xf32, #tpu.memory_space<vmem>>, vector<16xf32>,
        %get3A_623 = vector.shape_cast %get3A_622 : vector<16xf32> to vector<16xf32>
        %and3A_624 = arith.constant 15 : i32
        %and3A_625 = arith.andi %squeeze3A_597, %and3A_624 : i32
        %eq3A_626 = vector.broadcast %and3A_625 : i32 to vector<16xi32>
        %eq3A_627 = arith.cmpi eq, %iota3A, %eq3A_626 : vector<16xi32>
        %select_n3A_628 = arith.select %eq3A_627, %get3A_606, %broadcast_in_dim3A_65 : vector<16xi1>, vector<16xf32>
        %add3A_629 = arith.addf %get3A_623, %select_n3A_628 : vector<16xf32>
        %and3A_630 = arith.constant 15 : i32
        %and3A_631 = arith.andi %squeeze3A_599, %and3A_630 : i32
        %eq3A_632 = vector.broadcast %and3A_631 : i32 to vector<16xi32>
        %eq3A_633 = arith.cmpi eq, %iota3A, %eq3A_632 : vector<16xi32>
        %select_n3A_634 = arith.select %eq3A_633, %get3A_620, %broadcast_in_dim3A_65 : vector<16xi1>, vector<16xf32>
        %sub3A_635 = arith.subf %add3A_629, %select_n3A_634 : vector<16xf32>
        %swap3A_636 = arith.constant 0 : index
        %swap3A_637 = tpu.vector_load %arg13[%swap3A_636] {strides = array<i32>} : memref<16xf32, #tpu.memory_space<vmem>>, vector<16xf32>,
        %swap3A_638 = vector.shape_cast %swap3A_637 : vector<16xf32> to vector<16xf32>
        %swap3A_639 = vector.shape_cast %sub3A_635 : vector<16xf32> to vector<16xf32>
        tpu.vector_store %arg13[%swap3A_636], %swap3A_639 {strides = array<i32>} : memref<16xf32, #tpu.memory_space<vmem>>, vector<16xf32>,
        %slice3A_640 = vector.extract_strided_slice %get3A_68 {offsets = [13], sizes = [1], strides = [1]} : vector<16xi32> to vector<1xi32>
        %squeeze3A_641 = vector.extract %slice3A_640[0] : i32 from vector<1xi32>
        %slice3A_642 = vector.extract_strided_slice %get3A_72 {offsets = [13], sizes = [1], strides = [1]} : vector<16xi32> to vector<1xi32>
        %squeeze3A_643 = vector.extract %slice3A_642[0] : i32 from vector<1xi32>
        %shift_right_arithmetic3A_644 = arith.constant 4 : i32
        %shift_right_arithmetic3A_645 = arith.shrsi %squeeze3A_641, %shift_right_arithmetic3A_644 : i32
        %shift_left3A_646 = arith.constant 4 : i32
        %shift_left3A_647 = arith.shli %shift_right_arithmetic3A_645, %shift_left3A_646 : i32
        %get3A_648 = arith.index_cast %shift_left3A_647 : i32 to index
        %get3A_649 = tpu.vector_load %arg10[%get3A_648] {strides = array<i32>} : memref<1024xf32, #tpu.memory_space<vmem>>, vector<16xf32>,
        %get3A_650 = vector.shape_cast %get3A_649 : vector<16xf32> to vector<16xf32>
        %shift_right_arithmetic3A_651 = arith.constant 7 : i32
        %shift_right_arithmetic3A_652 = arith.shrsi %squeeze3A_643, %shift_right_arithmetic3A_651 : i32
        %shift_right_arithmetic3A_653 = arith.constant 4 : i32
        %shift_right_arithmetic3A_654 = arith.shrsi %squeeze3A_643, %shift_right_arithmetic3A_653 : i32
        %and3A_655 = arith.constant 7 : i32
        %and3A_656 = arith.andi %shift_right_arithmetic3A_654, %and3A_655 : i32
        %shift_left3A_657 = arith.constant 4 : i32
        %shift_left3A_658 = arith.shli %and3A_656, %shift_left3A_657 : i32
        %get3A_659 = arith.constant 13 : i32
        %get3A_660 = arith.index_cast %get3A_659 : i32 to index
        %get3A_661 = arith.index_cast %shift_right_arithmetic3A_652 : i32 to index
        %get3A_662 = arith.index_cast %shift_left3A_658 : i32 to index
        %get3A_663 = tpu.vector_load %arg12[%get3A_660, %get3A_661, %get3A_662] {strides = array<i32>} : memref<32x8x128xf32, #tpu.memory_space<vmem>>, vector<1x1x16xf32>,
        %get3A_664 = vector.shape_cast %get3A_663 : vector<1x1x16xf32> to vector<16xf32>
        %get3A_665 = arith.constant 0 : index
        %get3A_666 = tpu.vector_load %arg13[%get3A_665] {strides = array<i32>} : memref<16xf32, #tpu.memory_space<vmem>>, vector<16xf32>,
        %get3A_667 = vector.shape_cast %get3A_666 : vector<16xf32> to vector<16xf32>
        %and3A_668 = arith.constant 15 : i32
        %and3A_669 = arith.andi %squeeze3A_641, %and3A_668 : i32
        %eq3A_670 = vector.broadcast %and3A_669 : i32 to vector<16xi32>
        %eq3A_671 = arith.cmpi eq, %iota3A, %eq3A_670 : vector<16xi32>
        %select_n3A_672 = arith.select %eq3A_671, %get3A_650, %broadcast_in_dim3A_65 : vector<16xi1>, vector<16xf32>
        %add3A_673 = arith.addf %get3A_667, %select_n3A_672 : vector<16xf32>
        %and3A_674 = arith.constant 15 : i32
        %and3A_675 = arith.andi %squeeze3A_643, %and3A_674 : i32
        %eq3A_676 = vector.broadcast %and3A_675 : i32 to vector<16xi32>
        %eq3A_677 = arith.cmpi eq, %iota3A, %eq3A_676 : vector<16xi32>
        %select_n3A_678 = arith.select %eq3A_677, %get3A_664, %broadcast_in_dim3A_65 : vector<16xi1>, vector<16xf32>
        %sub3A_679 = arith.subf %add3A_673, %select_n3A_678 : vector<16xf32>
        %swap3A_680 = arith.constant 0 : index
        %swap3A_681 = tpu.vector_load %arg13[%swap3A_680] {strides = array<i32>} : memref<16xf32, #tpu.memory_space<vmem>>, vector<16xf32>,
        %swap3A_682 = vector.shape_cast %swap3A_681 : vector<16xf32> to vector<16xf32>
        %swap3A_683 = vector.shape_cast %sub3A_679 : vector<16xf32> to vector<16xf32>
        tpu.vector_store %arg13[%swap3A_680], %swap3A_683 {strides = array<i32>} : memref<16xf32, #tpu.memory_space<vmem>>, vector<16xf32>,
        %slice3A_684 = vector.extract_strided_slice %get3A_68 {offsets = [14], sizes = [1], strides = [1]} : vector<16xi32> to vector<1xi32>
        %squeeze3A_685 = vector.extract %slice3A_684[0] : i32 from vector<1xi32>
        %slice3A_686 = vector.extract_strided_slice %get3A_72 {offsets = [14], sizes = [1], strides = [1]} : vector<16xi32> to vector<1xi32>
        %squeeze3A_687 = vector.extract %slice3A_686[0] : i32 from vector<1xi32>
        %shift_right_arithmetic3A_688 = arith.constant 4 : i32
        %shift_right_arithmetic3A_689 = arith.shrsi %squeeze3A_685, %shift_right_arithmetic3A_688 : i32
        %shift_left3A_690 = arith.constant 4 : i32
        %shift_left3A_691 = arith.shli %shift_right_arithmetic3A_689, %shift_left3A_690 : i32
        %get3A_692 = arith.index_cast %shift_left3A_691 : i32 to index
        %get3A_693 = tpu.vector_load %arg10[%get3A_692] {strides = array<i32>} : memref<1024xf32, #tpu.memory_space<vmem>>, vector<16xf32>,
        %get3A_694 = vector.shape_cast %get3A_693 : vector<16xf32> to vector<16xf32>
        %shift_right_arithmetic3A_695 = arith.constant 7 : i32
        %shift_right_arithmetic3A_696 = arith.shrsi %squeeze3A_687, %shift_right_arithmetic3A_695 : i32
        %shift_right_arithmetic3A_697 = arith.constant 4 : i32
        %shift_right_arithmetic3A_698 = arith.shrsi %squeeze3A_687, %shift_right_arithmetic3A_697 : i32
        %and3A_699 = arith.constant 7 : i32
        %and3A_700 = arith.andi %shift_right_arithmetic3A_698, %and3A_699 : i32
        %shift_left3A_701 = arith.constant 4 : i32
        %shift_left3A_702 = arith.shli %and3A_700, %shift_left3A_701 : i32
        %get3A_703 = arith.constant 14 : i32
        %get3A_704 = arith.index_cast %get3A_703 : i32 to index
        %get3A_705 = arith.index_cast %shift_right_arithmetic3A_696 : i32 to index
        %get3A_706 = arith.index_cast %shift_left3A_702 : i32 to index
        %get3A_707 = tpu.vector_load %arg12[%get3A_704, %get3A_705, %get3A_706] {strides = array<i32>} : memref<32x8x128xf32, #tpu.memory_space<vmem>>, vector<1x1x16xf32>,
        %get3A_708 = vector.shape_cast %get3A_707 : vector<1x1x16xf32> to vector<16xf32>
        %get3A_709 = arith.constant 0 : index
        %get3A_710 = tpu.vector_load %arg13[%get3A_709] {strides = array<i32>} : memref<16xf32, #tpu.memory_space<vmem>>, vector<16xf32>,
        %get3A_711 = vector.shape_cast %get3A_710 : vector<16xf32> to vector<16xf32>
        %and3A_712 = arith.constant 15 : i32
        %and3A_713 = arith.andi %squeeze3A_685, %and3A_712 : i32
        %eq3A_714 = vector.broadcast %and3A_713 : i32 to vector<16xi32>
        %eq3A_715 = arith.cmpi eq, %iota3A, %eq3A_714 : vector<16xi32>
        %select_n3A_716 = arith.select %eq3A_715, %get3A_694, %broadcast_in_dim3A_65 : vector<16xi1>, vector<16xf32>
        %add3A_717 = arith.addf %get3A_711, %select_n3A_716 : vector<16xf32>
        %and3A_718 = arith.constant 15 : i32
        %and3A_719 = arith.andi %squeeze3A_687, %and3A_718 : i32
        %eq3A_720 = vector.broadcast %and3A_719 : i32 to vector<16xi32>
        %eq3A_721 = arith.cmpi eq, %iota3A, %eq3A_720 : vector<16xi32>
        %select_n3A_722 = arith.select %eq3A_721, %get3A_708, %broadcast_in_dim3A_65 : vector<16xi1>, vector<16xf32>
        %sub3A_723 = arith.subf %add3A_717, %select_n3A_722 : vector<16xf32>
        %swap3A_724 = arith.constant 0 : index
        %swap3A_725 = tpu.vector_load %arg13[%swap3A_724] {strides = array<i32>} : memref<16xf32, #tpu.memory_space<vmem>>, vector<16xf32>,
        %swap3A_726 = vector.shape_cast %swap3A_725 : vector<16xf32> to vector<16xf32>
        %swap3A_727 = vector.shape_cast %sub3A_723 : vector<16xf32> to vector<16xf32>
        tpu.vector_store %arg13[%swap3A_724], %swap3A_727 {strides = array<i32>} : memref<16xf32, #tpu.memory_space<vmem>>, vector<16xf32>,
        %slice3A_728 = vector.extract_strided_slice %get3A_68 {offsets = [15], sizes = [1], strides = [1]} : vector<16xi32> to vector<1xi32>
        %squeeze3A_729 = vector.extract %slice3A_728[0] : i32 from vector<1xi32>
        %slice3A_730 = vector.extract_strided_slice %get3A_72 {offsets = [15], sizes = [1], strides = [1]} : vector<16xi32> to vector<1xi32>
        %squeeze3A_731 = vector.extract %slice3A_730[0] : i32 from vector<1xi32>
        %shift_right_arithmetic3A_732 = arith.constant 4 : i32
        %shift_right_arithmetic3A_733 = arith.shrsi %squeeze3A_729, %shift_right_arithmetic3A_732 : i32
        %shift_left3A_734 = arith.constant 4 : i32
        %shift_left3A_735 = arith.shli %shift_right_arithmetic3A_733, %shift_left3A_734 : i32
        %get3A_736 = arith.index_cast %shift_left3A_735 : i32 to index
        %get3A_737 = tpu.vector_load %arg10[%get3A_736] {strides = array<i32>} : memref<1024xf32, #tpu.memory_space<vmem>>, vector<16xf32>,
        %get3A_738 = vector.shape_cast %get3A_737 : vector<16xf32> to vector<16xf32>
        %shift_right_arithmetic3A_739 = arith.constant 7 : i32
        %shift_right_arithmetic3A_740 = arith.shrsi %squeeze3A_731, %shift_right_arithmetic3A_739 : i32
        %shift_right_arithmetic3A_741 = arith.constant 4 : i32
        %shift_right_arithmetic3A_742 = arith.shrsi %squeeze3A_731, %shift_right_arithmetic3A_741 : i32
        %and3A_743 = arith.constant 7 : i32
        %and3A_744 = arith.andi %shift_right_arithmetic3A_742, %and3A_743 : i32
        %shift_left3A_745 = arith.constant 4 : i32
        %shift_left3A_746 = arith.shli %and3A_744, %shift_left3A_745 : i32
        %get3A_747 = arith.constant 15 : i32
        %get3A_748 = arith.index_cast %get3A_747 : i32 to index
        %get3A_749 = arith.index_cast %shift_right_arithmetic3A_740 : i32 to index
        %get3A_750 = arith.index_cast %shift_left3A_746 : i32 to index
        %get3A_751 = tpu.vector_load %arg12[%get3A_748, %get3A_749, %get3A_750] {strides = array<i32>} : memref<32x8x128xf32, #tpu.memory_space<vmem>>, vector<1x1x16xf32>,
        %get3A_752 = vector.shape_cast %get3A_751 : vector<1x1x16xf32> to vector<16xf32>
        %get3A_753 = arith.constant 0 : index
        %get3A_754 = tpu.vector_load %arg13[%get3A_753] {strides = array<i32>} : memref<16xf32, #tpu.memory_space<vmem>>, vector<16xf32>,
        %get3A_755 = vector.shape_cast %get3A_754 : vector<16xf32> to vector<16xf32>
        %and3A_756 = arith.constant 15 : i32
        %and3A_757 = arith.andi %squeeze3A_729, %and3A_756 : i32
        %eq3A_758 = vector.broadcast %and3A_757 : i32 to vector<16xi32>
        %eq3A_759 = arith.cmpi eq, %iota3A, %eq3A_758 : vector<16xi32>
        %select_n3A_760 = arith.select %eq3A_759, %get3A_738, %broadcast_in_dim3A_65 : vector<16xi1>, vector<16xf32>
        %add3A_761 = arith.addf %get3A_755, %select_n3A_760 : vector<16xf32>
        %and3A_762 = arith.constant 15 : i32
        %and3A_763 = arith.andi %squeeze3A_731, %and3A_762 : i32
        %eq3A_764 = vector.broadcast %and3A_763 : i32 to vector<16xi32>
        %eq3A_765 = arith.cmpi eq, %iota3A, %eq3A_764 : vector<16xi32>
        %select_n3A_766 = arith.select %eq3A_765, %get3A_752, %broadcast_in_dim3A_65 : vector<16xi1>, vector<16xf32>
        %sub3A_767 = arith.subf %add3A_761, %select_n3A_766 : vector<16xf32>
        %swap3A_768 = arith.constant 0 : index
        %swap3A_769 = tpu.vector_load %arg13[%swap3A_768] {strides = array<i32>} : memref<16xf32, #tpu.memory_space<vmem>>, vector<16xf32>,
        %swap3A_770 = vector.shape_cast %swap3A_769 : vector<16xf32> to vector<16xf32>
        %swap3A_771 = vector.shape_cast %sub3A_767 : vector<16xf32> to vector<16xf32>
        tpu.vector_store %arg13[%swap3A_768], %swap3A_771 {strides = array<i32>} : memref<16xf32, #tpu.memory_space<vmem>>, vector<16xf32>,
        %get3A_772 = arith.index_cast %scan3A_25 : i32 to index
        %get3A_773 = arith.constant 16 : index
        %get3A_774 = tpu.vector_load %arg8[%get3A_772, %get3A_773] {strides = array<i32>} : memref<50x32xi32, #tpu.memory_space<vmem>>, vector<1x16xi32>,
        %get3A_775 = vector.shape_cast %get3A_774 : vector<1x16xi32> to vector<16xi32>
        %get3A_776 = arith.index_cast %scan3A_25 : i32 to index
        %get3A_777 = arith.constant 16 : index
        %get3A_778 = tpu.vector_load %arg9[%get3A_776, %get3A_777] {strides = array<i32>} : memref<50x32xi32, #tpu.memory_space<vmem>>, vector<1x16xi32>,
        %get3A_779 = vector.shape_cast %get3A_778 : vector<1x16xi32> to vector<16xi32>
        %slice3A_780 = vector.extract_strided_slice %get3A_775 {offsets = [0], sizes = [1], strides = [1]} : vector<16xi32> to vector<1xi32>
        %squeeze3A_781 = vector.extract %slice3A_780[0] : i32 from vector<1xi32>
        %slice3A_782 = vector.extract_strided_slice %get3A_779 {offsets = [0], sizes = [1], strides = [1]} : vector<16xi32> to vector<1xi32>
        %squeeze3A_783 = vector.extract %slice3A_782[0] : i32 from vector<1xi32>
        %shift_right_arithmetic3A_784 = arith.constant 4 : i32
        %shift_right_arithmetic3A_785 = arith.shrsi %squeeze3A_781, %shift_right_arithmetic3A_784 : i32
        %shift_left3A_786 = arith.constant 4 : i32
        %shift_left3A_787 = arith.shli %shift_right_arithmetic3A_785, %shift_left3A_786 : i32
        %get3A_788 = arith.index_cast %shift_left3A_787 : i32 to index
        %get3A_789 = tpu.vector_load %arg10[%get3A_788] {strides = array<i32>} : memref<1024xf32, #tpu.memory_space<vmem>>, vector<16xf32>,
        %get3A_790 = vector.shape_cast %get3A_789 : vector<16xf32> to vector<16xf32>
        %shift_right_arithmetic3A_791 = arith.constant 7 : i32
        %shift_right_arithmetic3A_792 = arith.shrsi %squeeze3A_783, %shift_right_arithmetic3A_791 : i32
        %shift_right_arithmetic3A_793 = arith.constant 4 : i32
        %shift_right_arithmetic3A_794 = arith.shrsi %squeeze3A_783, %shift_right_arithmetic3A_793 : i32
        %and3A_795 = arith.constant 7 : i32
        %and3A_796 = arith.andi %shift_right_arithmetic3A_794, %and3A_795 : i32
        %shift_left3A_797 = arith.constant 4 : i32
        %shift_left3A_798 = arith.shli %and3A_796, %shift_left3A_797 : i32
        %get3A_799 = arith.constant 16 : i32
        %get3A_800 = arith.index_cast %get3A_799 : i32 to index
        %get3A_801 = arith.index_cast %shift_right_arithmetic3A_792 : i32 to index
        %get3A_802 = arith.index_cast %shift_left3A_798 : i32 to index
        %get3A_803 = tpu.vector_load %arg12[%get3A_800, %get3A_801, %get3A_802] {strides = array<i32>} : memref<32x8x128xf32, #tpu.memory_space<vmem>>, vector<1x1x16xf32>,
        %get3A_804 = vector.shape_cast %get3A_803 : vector<1x1x16xf32> to vector<16xf32>
        %get3A_805 = arith.constant 0 : index
        %get3A_806 = tpu.vector_load %arg13[%get3A_805] {strides = array<i32>} : memref<16xf32, #tpu.memory_space<vmem>>, vector<16xf32>,
        %get3A_807 = vector.shape_cast %get3A_806 : vector<16xf32> to vector<16xf32>
        %and3A_808 = arith.constant 15 : i32
        %and3A_809 = arith.andi %squeeze3A_781, %and3A_808 : i32
        %eq3A_810 = vector.broadcast %and3A_809 : i32 to vector<16xi32>
        %eq3A_811 = arith.cmpi eq, %iota3A, %eq3A_810 : vector<16xi32>
        %select_n3A_812 = arith.select %eq3A_811, %get3A_790, %broadcast_in_dim3A_65 : vector<16xi1>, vector<16xf32>
        %add3A_813 = arith.addf %get3A_807, %select_n3A_812 : vector<16xf32>
        %and3A_814 = arith.constant 15 : i32
        %and3A_815 = arith.andi %squeeze3A_783, %and3A_814 : i32
        %eq3A_816 = vector.broadcast %and3A_815 : i32 to vector<16xi32>
        %eq3A_817 = arith.cmpi eq, %iota3A, %eq3A_816 : vector<16xi32>
        %select_n3A_818 = arith.select %eq3A_817, %get3A_804, %broadcast_in_dim3A_65 : vector<16xi1>, vector<16xf32>
        %sub3A_819 = arith.subf %add3A_813, %select_n3A_818 : vector<16xf32>
        %swap3A_820 = arith.constant 0 : index
        %swap3A_821 = tpu.vector_load %arg13[%swap3A_820] {strides = array<i32>} : memref<16xf32, #tpu.memory_space<vmem>>, vector<16xf32>,
        %swap3A_822 = vector.shape_cast %swap3A_821 : vector<16xf32> to vector<16xf32>
        %swap3A_823 = vector.shape_cast %sub3A_819 : vector<16xf32> to vector<16xf32>
        tpu.vector_store %arg13[%swap3A_820], %swap3A_823 {strides = array<i32>} : memref<16xf32, #tpu.memory_space<vmem>>, vector<16xf32>,
        %slice3A_824 = vector.extract_strided_slice %get3A_775 {offsets = [1], sizes = [1], strides = [1]} : vector<16xi32> to vector<1xi32>
        %squeeze3A_825 = vector.extract %slice3A_824[0] : i32 from vector<1xi32>
        %slice3A_826 = vector.extract_strided_slice %get3A_779 {offsets = [1], sizes = [1], strides = [1]} : vector<16xi32> to vector<1xi32>
        %squeeze3A_827 = vector.extract %slice3A_826[0] : i32 from vector<1xi32>
        %shift_right_arithmetic3A_828 = arith.constant 4 : i32
        %shift_right_arithmetic3A_829 = arith.shrsi %squeeze3A_825, %shift_right_arithmetic3A_828 : i32
        %shift_left3A_830 = arith.constant 4 : i32
        %shift_left3A_831 = arith.shli %shift_right_arithmetic3A_829, %shift_left3A_830 : i32
        %get3A_832 = arith.index_cast %shift_left3A_831 : i32 to index
        %get3A_833 = tpu.vector_load %arg10[%get3A_832] {strides = array<i32>} : memref<1024xf32, #tpu.memory_space<vmem>>, vector<16xf32>,
        %get3A_834 = vector.shape_cast %get3A_833 : vector<16xf32> to vector<16xf32>
        %shift_right_arithmetic3A_835 = arith.constant 7 : i32
        %shift_right_arithmetic3A_836 = arith.shrsi %squeeze3A_827, %shift_right_arithmetic3A_835 : i32
        %shift_right_arithmetic3A_837 = arith.constant 4 : i32
        %shift_right_arithmetic3A_838 = arith.shrsi %squeeze3A_827, %shift_right_arithmetic3A_837 : i32
        %and3A_839 = arith.constant 7 : i32
        %and3A_840 = arith.andi %shift_right_arithmetic3A_838, %and3A_839 : i32
        %shift_left3A_841 = arith.constant 4 : i32
        %shift_left3A_842 = arith.shli %and3A_840, %shift_left3A_841 : i32
        %get3A_843 = arith.constant 17 : i32
        %get3A_844 = arith.index_cast %get3A_843 : i32 to index
        %get3A_845 = arith.index_cast %shift_right_arithmetic3A_836 : i32 to index
        %get3A_846 = arith.index_cast %shift_left3A_842 : i32 to index
        %get3A_847 = tpu.vector_load %arg12[%get3A_844, %get3A_845, %get3A_846] {strides = array<i32>} : memref<32x8x128xf32, #tpu.memory_space<vmem>>, vector<1x1x16xf32>,
        %get3A_848 = vector.shape_cast %get3A_847 : vector<1x1x16xf32> to vector<16xf32>
        %get3A_849 = arith.constant 0 : index
        %get3A_850 = tpu.vector_load %arg13[%get3A_849] {strides = array<i32>} : memref<16xf32, #tpu.memory_space<vmem>>, vector<16xf32>,
        %get3A_851 = vector.shape_cast %get3A_850 : vector<16xf32> to vector<16xf32>
        %and3A_852 = arith.constant 15 : i32
        %and3A_853 = arith.andi %squeeze3A_825, %and3A_852 : i32
        %eq3A_854 = vector.broadcast %and3A_853 : i32 to vector<16xi32>
        %eq3A_855 = arith.cmpi eq, %iota3A, %eq3A_854 : vector<16xi32>
        %select_n3A_856 = arith.select %eq3A_855, %get3A_834, %broadcast_in_dim3A_65 : vector<16xi1>, vector<16xf32>
        %add3A_857 = arith.addf %get3A_851, %select_n3A_856 : vector<16xf32>
        %and3A_858 = arith.constant 15 : i32
        %and3A_859 = arith.andi %squeeze3A_827, %and3A_858 : i32
        %eq3A_860 = vector.broadcast %and3A_859 : i32 to vector<16xi32>
        %eq3A_861 = arith.cmpi eq, %iota3A, %eq3A_860 : vector<16xi32>
        %select_n3A_862 = arith.select %eq3A_861, %get3A_848, %broadcast_in_dim3A_65 : vector<16xi1>, vector<16xf32>
        %sub3A_863 = arith.subf %add3A_857, %select_n3A_862 : vector<16xf32>
        %swap3A_864 = arith.constant 0 : index
        %swap3A_865 = tpu.vector_load %arg13[%swap3A_864] {strides = array<i32>} : memref<16xf32, #tpu.memory_space<vmem>>, vector<16xf32>,
        %swap3A_866 = vector.shape_cast %swap3A_865 : vector<16xf32> to vector<16xf32>
        %swap3A_867 = vector.shape_cast %sub3A_863 : vector<16xf32> to vector<16xf32>
        tpu.vector_store %arg13[%swap3A_864], %swap3A_867 {strides = array<i32>} : memref<16xf32, #tpu.memory_space<vmem>>, vector<16xf32>,
        %slice3A_868 = vector.extract_strided_slice %get3A_775 {offsets = [2], sizes = [1], strides = [1]} : vector<16xi32> to vector<1xi32>
        %squeeze3A_869 = vector.extract %slice3A_868[0] : i32 from vector<1xi32>
        %slice3A_870 = vector.extract_strided_slice %get3A_779 {offsets = [2], sizes = [1], strides = [1]} : vector<16xi32> to vector<1xi32>
        %squeeze3A_871 = vector.extract %slice3A_870[0] : i32 from vector<1xi32>
        %shift_right_arithmetic3A_872 = arith.constant 4 : i32
        %shift_right_arithmetic3A_873 = arith.shrsi %squeeze3A_869, %shift_right_arithmetic3A_872 : i32
        %shift_left3A_874 = arith.constant 4 : i32
        %shift_left3A_875 = arith.shli %shift_right_arithmetic3A_873, %shift_left3A_874 : i32
        %get3A_876 = arith.index_cast %shift_left3A_875 : i32 to index
        %get3A_877 = tpu.vector_load %arg10[%get3A_876] {strides = array<i32>} : memref<1024xf32, #tpu.memory_space<vmem>>, vector<16xf32>,
        %get3A_878 = vector.shape_cast %get3A_877 : vector<16xf32> to vector<16xf32>
        %shift_right_arithmetic3A_879 = arith.constant 7 : i32
        %shift_right_arithmetic3A_880 = arith.shrsi %squeeze3A_871, %shift_right_arithmetic3A_879 : i32
        %shift_right_arithmetic3A_881 = arith.constant 4 : i32
        %shift_right_arithmetic3A_882 = arith.shrsi %squeeze3A_871, %shift_right_arithmetic3A_881 : i32
        %and3A_883 = arith.constant 7 : i32
        %and3A_884 = arith.andi %shift_right_arithmetic3A_882, %and3A_883 : i32
        %shift_left3A_885 = arith.constant 4 : i32
        %shift_left3A_886 = arith.shli %and3A_884, %shift_left3A_885 : i32
        %get3A_887 = arith.constant 18 : i32
        %get3A_888 = arith.index_cast %get3A_887 : i32 to index
        %get3A_889 = arith.index_cast %shift_right_arithmetic3A_880 : i32 to index
        %get3A_890 = arith.index_cast %shift_left3A_886 : i32 to index
        %get3A_891 = tpu.vector_load %arg12[%get3A_888, %get3A_889, %get3A_890] {strides = array<i32>} : memref<32x8x128xf32, #tpu.memory_space<vmem>>, vector<1x1x16xf32>,
        %get3A_892 = vector.shape_cast %get3A_891 : vector<1x1x16xf32> to vector<16xf32>
        %get3A_893 = arith.constant 0 : index
        %get3A_894 = tpu.vector_load %arg13[%get3A_893] {strides = array<i32>} : memref<16xf32, #tpu.memory_space<vmem>>, vector<16xf32>,
        %get3A_895 = vector.shape_cast %get3A_894 : vector<16xf32> to vector<16xf32>
        %and3A_896 = arith.constant 15 : i32
        %and3A_897 = arith.andi %squeeze3A_869, %and3A_896 : i32
        %eq3A_898 = vector.broadcast %and3A_897 : i32 to vector<16xi32>
        %eq3A_899 = arith.cmpi eq, %iota3A, %eq3A_898 : vector<16xi32>
        %select_n3A_900 = arith.select %eq3A_899, %get3A_878, %broadcast_in_dim3A_65 : vector<16xi1>, vector<16xf32>
        %add3A_901 = arith.addf %get3A_895, %select_n3A_900 : vector<16xf32>
        %and3A_902 = arith.constant 15 : i32
        %and3A_903 = arith.andi %squeeze3A_871, %and3A_902 : i32
        %eq3A_904 = vector.broadcast %and3A_903 : i32 to vector<16xi32>
        %eq3A_905 = arith.cmpi eq, %iota3A, %eq3A_904 : vector<16xi32>
        %select_n3A_906 = arith.select %eq3A_905, %get3A_892, %broadcast_in_dim3A_65 : vector<16xi1>, vector<16xf32>
        %sub3A_907 = arith.subf %add3A_901, %select_n3A_906 : vector<16xf32>
        %swap3A_908 = arith.constant 0 : index
        %swap3A_909 = tpu.vector_load %arg13[%swap3A_908] {strides = array<i32>} : memref<16xf32, #tpu.memory_space<vmem>>, vector<16xf32>,
        %swap3A_910 = vector.shape_cast %swap3A_909 : vector<16xf32> to vector<16xf32>
        %swap3A_911 = vector.shape_cast %sub3A_907 : vector<16xf32> to vector<16xf32>
        tpu.vector_store %arg13[%swap3A_908], %swap3A_911 {strides = array<i32>} : memref<16xf32, #tpu.memory_space<vmem>>, vector<16xf32>,
        %slice3A_912 = vector.extract_strided_slice %get3A_775 {offsets = [3], sizes = [1], strides = [1]} : vector<16xi32> to vector<1xi32>
        %squeeze3A_913 = vector.extract %slice3A_912[0] : i32 from vector<1xi32>
        %slice3A_914 = vector.extract_strided_slice %get3A_779 {offsets = [3], sizes = [1], strides = [1]} : vector<16xi32> to vector<1xi32>
        %squeeze3A_915 = vector.extract %slice3A_914[0] : i32 from vector<1xi32>
        %shift_right_arithmetic3A_916 = arith.constant 4 : i32
        %shift_right_arithmetic3A_917 = arith.shrsi %squeeze3A_913, %shift_right_arithmetic3A_916 : i32
        %shift_left3A_918 = arith.constant 4 : i32
        %shift_left3A_919 = arith.shli %shift_right_arithmetic3A_917, %shift_left3A_918 : i32
        %get3A_920 = arith.index_cast %shift_left3A_919 : i32 to index
        %get3A_921 = tpu.vector_load %arg10[%get3A_920] {strides = array<i32>} : memref<1024xf32, #tpu.memory_space<vmem>>, vector<16xf32>,
        %get3A_922 = vector.shape_cast %get3A_921 : vector<16xf32> to vector<16xf32>
        %shift_right_arithmetic3A_923 = arith.constant 7 : i32
        %shift_right_arithmetic3A_924 = arith.shrsi %squeeze3A_915, %shift_right_arithmetic3A_923 : i32
        %shift_right_arithmetic3A_925 = arith.constant 4 : i32
        %shift_right_arithmetic3A_926 = arith.shrsi %squeeze3A_915, %shift_right_arithmetic3A_925 : i32
        %and3A_927 = arith.constant 7 : i32
        %and3A_928 = arith.andi %shift_right_arithmetic3A_926, %and3A_927 : i32
        %shift_left3A_929 = arith.constant 4 : i32
        %shift_left3A_930 = arith.shli %and3A_928, %shift_left3A_929 : i32
        %get3A_931 = arith.constant 19 : i32
        %get3A_932 = arith.index_cast %get3A_931 : i32 to index
        %get3A_933 = arith.index_cast %shift_right_arithmetic3A_924 : i32 to index
        %get3A_934 = arith.index_cast %shift_left3A_930 : i32 to index
        %get3A_935 = tpu.vector_load %arg12[%get3A_932, %get3A_933, %get3A_934] {strides = array<i32>} : memref<32x8x128xf32, #tpu.memory_space<vmem>>, vector<1x1x16xf32>,
        %get3A_936 = vector.shape_cast %get3A_935 : vector<1x1x16xf32> to vector<16xf32>
        %get3A_937 = arith.constant 0 : index
        %get3A_938 = tpu.vector_load %arg13[%get3A_937] {strides = array<i32>} : memref<16xf32, #tpu.memory_space<vmem>>, vector<16xf32>,
        %get3A_939 = vector.shape_cast %get3A_938 : vector<16xf32> to vector<16xf32>
        %and3A_940 = arith.constant 15 : i32
        %and3A_941 = arith.andi %squeeze3A_913, %and3A_940 : i32
        %eq3A_942 = vector.broadcast %and3A_941 : i32 to vector<16xi32>
        %eq3A_943 = arith.cmpi eq, %iota3A, %eq3A_942 : vector<16xi32>
        %select_n3A_944 = arith.select %eq3A_943, %get3A_922, %broadcast_in_dim3A_65 : vector<16xi1>, vector<16xf32>
        %add3A_945 = arith.addf %get3A_939, %select_n3A_944 : vector<16xf32>
        %and3A_946 = arith.constant 15 : i32
        %and3A_947 = arith.andi %squeeze3A_915, %and3A_946 : i32
        %eq3A_948 = vector.broadcast %and3A_947 : i32 to vector<16xi32>
        %eq3A_949 = arith.cmpi eq, %iota3A, %eq3A_948 : vector<16xi32>
        %select_n3A_950 = arith.select %eq3A_949, %get3A_936, %broadcast_in_dim3A_65 : vector<16xi1>, vector<16xf32>
        %sub3A_951 = arith.subf %add3A_945, %select_n3A_950 : vector<16xf32>
        %swap3A_952 = arith.constant 0 : index
        %swap3A_953 = tpu.vector_load %arg13[%swap3A_952] {strides = array<i32>} : memref<16xf32, #tpu.memory_space<vmem>>, vector<16xf32>,
        %swap3A_954 = vector.shape_cast %swap3A_953 : vector<16xf32> to vector<16xf32>
        %swap3A_955 = vector.shape_cast %sub3A_951 : vector<16xf32> to vector<16xf32>
        tpu.vector_store %arg13[%swap3A_952], %swap3A_955 {strides = array<i32>} : memref<16xf32, #tpu.memory_space<vmem>>, vector<16xf32>,
        %slice3A_956 = vector.extract_strided_slice %get3A_775 {offsets = [4], sizes = [1], strides = [1]} : vector<16xi32> to vector<1xi32>
        %squeeze3A_957 = vector.extract %slice3A_956[0] : i32 from vector<1xi32>
        %slice3A_958 = vector.extract_strided_slice %get3A_779 {offsets = [4], sizes = [1], strides = [1]} : vector<16xi32> to vector<1xi32>
        %squeeze3A_959 = vector.extract %slice3A_958[0] : i32 from vector<1xi32>
        %shift_right_arithmetic3A_960 = arith.constant 4 : i32
        %shift_right_arithmetic3A_961 = arith.shrsi %squeeze3A_957, %shift_right_arithmetic3A_960 : i32
        %shift_left3A_962 = arith.constant 4 : i32
        %shift_left3A_963 = arith.shli %shift_right_arithmetic3A_961, %shift_left3A_962 : i32
        %get3A_964 = arith.index_cast %shift_left3A_963 : i32 to index
        %get3A_965 = tpu.vector_load %arg10[%get3A_964] {strides = array<i32>} : memref<1024xf32, #tpu.memory_space<vmem>>, vector<16xf32>,
        %get3A_966 = vector.shape_cast %get3A_965 : vector<16xf32> to vector<16xf32>
        %shift_right_arithmetic3A_967 = arith.constant 7 : i32
        %shift_right_arithmetic3A_968 = arith.shrsi %squeeze3A_959, %shift_right_arithmetic3A_967 : i32
        %shift_right_arithmetic3A_969 = arith.constant 4 : i32
        %shift_right_arithmetic3A_970 = arith.shrsi %squeeze3A_959, %shift_right_arithmetic3A_969 : i32
        %and3A_971 = arith.constant 7 : i32
        %and3A_972 = arith.andi %shift_right_arithmetic3A_970, %and3A_971 : i32
        %shift_left3A_973 = arith.constant 4 : i32
        %shift_left3A_974 = arith.shli %and3A_972, %shift_left3A_973 : i32
        %get3A_975 = arith.constant 20 : i32
        %get3A_976 = arith.index_cast %get3A_975 : i32 to index
        %get3A_977 = arith.index_cast %shift_right_arithmetic3A_968 : i32 to index
        %get3A_978 = arith.index_cast %shift_left3A_974 : i32 to index
        %get3A_979 = tpu.vector_load %arg12[%get3A_976, %get3A_977, %get3A_978] {strides = array<i32>} : memref<32x8x128xf32, #tpu.memory_space<vmem>>, vector<1x1x16xf32>,
        %get3A_980 = vector.shape_cast %get3A_979 : vector<1x1x16xf32> to vector<16xf32>
        %get3A_981 = arith.constant 0 : index
        %get3A_982 = tpu.vector_load %arg13[%get3A_981] {strides = array<i32>} : memref<16xf32, #tpu.memory_space<vmem>>, vector<16xf32>,
        %get3A_983 = vector.shape_cast %get3A_982 : vector<16xf32> to vector<16xf32>
        %and3A_984 = arith.constant 15 : i32
        %and3A_985 = arith.andi %squeeze3A_957, %and3A_984 : i32
        %eq3A_986 = vector.broadcast %and3A_985 : i32 to vector<16xi32>
        %eq3A_987 = arith.cmpi eq, %iota3A, %eq3A_986 : vector<16xi32>
        %select_n3A_988 = arith.select %eq3A_987, %get3A_966, %broadcast_in_dim3A_65 : vector<16xi1>, vector<16xf32>
        %add3A_989 = arith.addf %get3A_983, %select_n3A_988 : vector<16xf32>
        %and3A_990 = arith.constant 15 : i32
        %and3A_991 = arith.andi %squeeze3A_959, %and3A_990 : i32
        %eq3A_992 = vector.broadcast %and3A_991 : i32 to vector<16xi32>
        %eq3A_993 = arith.cmpi eq, %iota3A, %eq3A_992 : vector<16xi32>
        %select_n3A_994 = arith.select %eq3A_993, %get3A_980, %broadcast_in_dim3A_65 : vector<16xi1>, vector<16xf32>
        %sub3A_995 = arith.subf %add3A_989, %select_n3A_994 : vector<16xf32>
        %swap3A_996 = arith.constant 0 : index
        %swap3A_997 = tpu.vector_load %arg13[%swap3A_996] {strides = array<i32>} : memref<16xf32, #tpu.memory_space<vmem>>, vector<16xf32>,
        %swap3A_998 = vector.shape_cast %swap3A_997 : vector<16xf32> to vector<16xf32>
        %swap3A_999 = vector.shape_cast %sub3A_995 : vector<16xf32> to vector<16xf32>
        tpu.vector_store %arg13[%swap3A_996], %swap3A_999 {strides = array<i32>} : memref<16xf32, #tpu.memory_space<vmem>>, vector<16xf32>,
        %slice3A_1000 = vector.extract_strided_slice %get3A_775 {offsets = [5], sizes = [1], strides = [1]} : vector<16xi32> to vector<1xi32>
        %squeeze3A_1001 = vector.extract %slice3A_1000[0] : i32 from vector<1xi32>
        %slice3A_1002 = vector.extract_strided_slice %get3A_779 {offsets = [5], sizes = [1], strides = [1]} : vector<16xi32> to vector<1xi32>
        %squeeze3A_1003 = vector.extract %slice3A_1002[0] : i32 from vector<1xi32>
        %shift_right_arithmetic3A_1004 = arith.constant 4 : i32
        %shift_right_arithmetic3A_1005 = arith.shrsi %squeeze3A_1001, %shift_right_arithmetic3A_1004 : i32
        %shift_left3A_1006 = arith.constant 4 : i32
        %shift_left3A_1007 = arith.shli %shift_right_arithmetic3A_1005, %shift_left3A_1006 : i32
        %get3A_1008 = arith.index_cast %shift_left3A_1007 : i32 to index
        %get3A_1009 = tpu.vector_load %arg10[%get3A_1008] {strides = array<i32>} : memref<1024xf32, #tpu.memory_space<vmem>>, vector<16xf32>,
        %get3A_1010 = vector.shape_cast %get3A_1009 : vector<16xf32> to vector<16xf32>
        %shift_right_arithmetic3A_1011 = arith.constant 7 : i32
        %shift_right_arithmetic3A_1012 = arith.shrsi %squeeze3A_1003, %shift_right_arithmetic3A_1011 : i32
        %shift_right_arithmetic3A_1013 = arith.constant 4 : i32
        %shift_right_arithmetic3A_1014 = arith.shrsi %squeeze3A_1003, %shift_right_arithmetic3A_1013 : i32
        %and3A_1015 = arith.constant 7 : i32
        %and3A_1016 = arith.andi %shift_right_arithmetic3A_1014, %and3A_1015 : i32
        %shift_left3A_1017 = arith.constant 4 : i32
        %shift_left3A_1018 = arith.shli %and3A_1016, %shift_left3A_1017 : i32
        %get3A_1019 = arith.constant 21 : i32
        %get3A_1020 = arith.index_cast %get3A_1019 : i32 to index
        %get3A_1021 = arith.index_cast %shift_right_arithmetic3A_1012 : i32 to index
        %get3A_1022 = arith.index_cast %shift_left3A_1018 : i32 to index
        %get3A_1023 = tpu.vector_load %arg12[%get3A_1020, %get3A_1021, %get3A_1022] {strides = array<i32>} : memref<32x8x128xf32, #tpu.memory_space<vmem>>, vector<1x1x16xf32>,
        %get3A_1024 = vector.shape_cast %get3A_1023 : vector<1x1x16xf32> to vector<16xf32>
        %get3A_1025 = arith.constant 0 : index
        %get3A_1026 = tpu.vector_load %arg13[%get3A_1025] {strides = array<i32>} : memref<16xf32, #tpu.memory_space<vmem>>, vector<16xf32>,
        %get3A_1027 = vector.shape_cast %get3A_1026 : vector<16xf32> to vector<16xf32>
        %and3A_1028 = arith.constant 15 : i32
        %and3A_1029 = arith.andi %squeeze3A_1001, %and3A_1028 : i32
        %eq3A_1030 = vector.broadcast %and3A_1029 : i32 to vector<16xi32>
        %eq3A_1031 = arith.cmpi eq, %iota3A, %eq3A_1030 : vector<16xi32>
        %select_n3A_1032 = arith.select %eq3A_1031, %get3A_1010, %broadcast_in_dim3A_65 : vector<16xi1>, vector<16xf32>
        %add3A_1033 = arith.addf %get3A_1027, %select_n3A_1032 : vector<16xf32>
        %and3A_1034 = arith.constant 15 : i32
        %and3A_1035 = arith.andi %squeeze3A_1003, %and3A_1034 : i32
        %eq3A_1036 = vector.broadcast %and3A_1035 : i32 to vector<16xi32>
        %eq3A_1037 = arith.cmpi eq, %iota3A, %eq3A_1036 : vector<16xi32>
        %select_n3A_1038 = arith.select %eq3A_1037, %get3A_1024, %broadcast_in_dim3A_65 : vector<16xi1>, vector<16xf32>
        %sub3A_1039 = arith.subf %add3A_1033, %select_n3A_1038 : vector<16xf32>
        %swap3A_1040 = arith.constant 0 : index
        %swap3A_1041 = tpu.vector_load %arg13[%swap3A_1040] {strides = array<i32>} : memref<16xf32, #tpu.memory_space<vmem>>, vector<16xf32>,
        %swap3A_1042 = vector.shape_cast %swap3A_1041 : vector<16xf32> to vector<16xf32>
        %swap3A_1043 = vector.shape_cast %sub3A_1039 : vector<16xf32> to vector<16xf32>
        tpu.vector_store %arg13[%swap3A_1040], %swap3A_1043 {strides = array<i32>} : memref<16xf32, #tpu.memory_space<vmem>>, vector<16xf32>,
        %slice3A_1044 = vector.extract_strided_slice %get3A_775 {offsets = [6], sizes = [1], strides = [1]} : vector<16xi32> to vector<1xi32>
        %squeeze3A_1045 = vector.extract %slice3A_1044[0] : i32 from vector<1xi32>
        %slice3A_1046 = vector.extract_strided_slice %get3A_779 {offsets = [6], sizes = [1], strides = [1]} : vector<16xi32> to vector<1xi32>
        %squeeze3A_1047 = vector.extract %slice3A_1046[0] : i32 from vector<1xi32>
        %shift_right_arithmetic3A_1048 = arith.constant 4 : i32
        %shift_right_arithmetic3A_1049 = arith.shrsi %squeeze3A_1045, %shift_right_arithmetic3A_1048 : i32
        %shift_left3A_1050 = arith.constant 4 : i32
        %shift_left3A_1051 = arith.shli %shift_right_arithmetic3A_1049, %shift_left3A_1050 : i32
        %get3A_1052 = arith.index_cast %shift_left3A_1051 : i32 to index
        %get3A_1053 = tpu.vector_load %arg10[%get3A_1052] {strides = array<i32>} : memref<1024xf32, #tpu.memory_space<vmem>>, vector<16xf32>,
        %get3A_1054 = vector.shape_cast %get3A_1053 : vector<16xf32> to vector<16xf32>
        %shift_right_arithmetic3A_1055 = arith.constant 7 : i32
        %shift_right_arithmetic3A_1056 = arith.shrsi %squeeze3A_1047, %shift_right_arithmetic3A_1055 : i32
        %shift_right_arithmetic3A_1057 = arith.constant 4 : i32
        %shift_right_arithmetic3A_1058 = arith.shrsi %squeeze3A_1047, %shift_right_arithmetic3A_1057 : i32
        %and3A_1059 = arith.constant 7 : i32
        %and3A_1060 = arith.andi %shift_right_arithmetic3A_1058, %and3A_1059 : i32
        %shift_left3A_1061 = arith.constant 4 : i32
        %shift_left3A_1062 = arith.shli %and3A_1060, %shift_left3A_1061 : i32
        %get3A_1063 = arith.constant 22 : i32
        %get3A_1064 = arith.index_cast %get3A_1063 : i32 to index
        %get3A_1065 = arith.index_cast %shift_right_arithmetic3A_1056 : i32 to index
        %get3A_1066 = arith.index_cast %shift_left3A_1062 : i32 to index
        %get3A_1067 = tpu.vector_load %arg12[%get3A_1064, %get3A_1065, %get3A_1066] {strides = array<i32>} : memref<32x8x128xf32, #tpu.memory_space<vmem>>, vector<1x1x16xf32>,
        %get3A_1068 = vector.shape_cast %get3A_1067 : vector<1x1x16xf32> to vector<16xf32>
        %get3A_1069 = arith.constant 0 : index
        %get3A_1070 = tpu.vector_load %arg13[%get3A_1069] {strides = array<i32>} : memref<16xf32, #tpu.memory_space<vmem>>, vector<16xf32>,
        %get3A_1071 = vector.shape_cast %get3A_1070 : vector<16xf32> to vector<16xf32>
        %and3A_1072 = arith.constant 15 : i32
        %and3A_1073 = arith.andi %squeeze3A_1045, %and3A_1072 : i32
        %eq3A_1074 = vector.broadcast %and3A_1073 : i32 to vector<16xi32>
        %eq3A_1075 = arith.cmpi eq, %iota3A, %eq3A_1074 : vector<16xi32>
        %select_n3A_1076 = arith.select %eq3A_1075, %get3A_1054, %broadcast_in_dim3A_65 : vector<16xi1>, vector<16xf32>
        %add3A_1077 = arith.addf %get3A_1071, %select_n3A_1076 : vector<16xf32>
        %and3A_1078 = arith.constant 15 : i32
        %and3A_1079 = arith.andi %squeeze3A_1047, %and3A_1078 : i32
        %eq3A_1080 = vector.broadcast %and3A_1079 : i32 to vector<16xi32>
        %eq3A_1081 = arith.cmpi eq, %iota3A, %eq3A_1080 : vector<16xi32>
        %select_n3A_1082 = arith.select %eq3A_1081, %get3A_1068, %broadcast_in_dim3A_65 : vector<16xi1>, vector<16xf32>
        %sub3A_1083 = arith.subf %add3A_1077, %select_n3A_1082 : vector<16xf32>
        %swap3A_1084 = arith.constant 0 : index
        %swap3A_1085 = tpu.vector_load %arg13[%swap3A_1084] {strides = array<i32>} : memref<16xf32, #tpu.memory_space<vmem>>, vector<16xf32>,
        %swap3A_1086 = vector.shape_cast %swap3A_1085 : vector<16xf32> to vector<16xf32>
        %swap3A_1087 = vector.shape_cast %sub3A_1083 : vector<16xf32> to vector<16xf32>
        tpu.vector_store %arg13[%swap3A_1084], %swap3A_1087 {strides = array<i32>} : memref<16xf32, #tpu.memory_space<vmem>>, vector<16xf32>,
        %slice3A_1088 = vector.extract_strided_slice %get3A_775 {offsets = [7], sizes = [1], strides = [1]} : vector<16xi32> to vector<1xi32>
        %squeeze3A_1089 = vector.extract %slice3A_1088[0] : i32 from vector<1xi32>
        %slice3A_1090 = vector.extract_strided_slice %get3A_779 {offsets = [7], sizes = [1], strides = [1]} : vector<16xi32> to vector<1xi32>
        %squeeze3A_1091 = vector.extract %slice3A_1090[0] : i32 from vector<1xi32>
        %shift_right_arithmetic3A_1092 = arith.constant 4 : i32
        %shift_right_arithmetic3A_1093 = arith.shrsi %squeeze3A_1089, %shift_right_arithmetic3A_1092 : i32
        %shift_left3A_1094 = arith.constant 4 : i32
        %shift_left3A_1095 = arith.shli %shift_right_arithmetic3A_1093, %shift_left3A_1094 : i32
        %get3A_1096 = arith.index_cast %shift_left3A_1095 : i32 to index
        %get3A_1097 = tpu.vector_load %arg10[%get3A_1096] {strides = array<i32>} : memref<1024xf32, #tpu.memory_space<vmem>>, vector<16xf32>,
        %get3A_1098 = vector.shape_cast %get3A_1097 : vector<16xf32> to vector<16xf32>
        %shift_right_arithmetic3A_1099 = arith.constant 7 : i32
        %shift_right_arithmetic3A_1100 = arith.shrsi %squeeze3A_1091, %shift_right_arithmetic3A_1099 : i32
        %shift_right_arithmetic3A_1101 = arith.constant 4 : i32
        %shift_right_arithmetic3A_1102 = arith.shrsi %squeeze3A_1091, %shift_right_arithmetic3A_1101 : i32
        %and3A_1103 = arith.constant 7 : i32
        %and3A_1104 = arith.andi %shift_right_arithmetic3A_1102, %and3A_1103 : i32
        %shift_left3A_1105 = arith.constant 4 : i32
        %shift_left3A_1106 = arith.shli %and3A_1104, %shift_left3A_1105 : i32
        %get3A_1107 = arith.constant 23 : i32
        %get3A_1108 = arith.index_cast %get3A_1107 : i32 to index
        %get3A_1109 = arith.index_cast %shift_right_arithmetic3A_1100 : i32 to index
        %get3A_1110 = arith.index_cast %shift_left3A_1106 : i32 to index
        %get3A_1111 = tpu.vector_load %arg12[%get3A_1108, %get3A_1109, %get3A_1110] {strides = array<i32>} : memref<32x8x128xf32, #tpu.memory_space<vmem>>, vector<1x1x16xf32>,
        %get3A_1112 = vector.shape_cast %get3A_1111 : vector<1x1x16xf32> to vector<16xf32>
        %get3A_1113 = arith.constant 0 : index
        %get3A_1114 = tpu.vector_load %arg13[%get3A_1113] {strides = array<i32>} : memref<16xf32, #tpu.memory_space<vmem>>, vector<16xf32>,
        %get3A_1115 = vector.shape_cast %get3A_1114 : vector<16xf32> to vector<16xf32>
        %and3A_1116 = arith.constant 15 : i32
        %and3A_1117 = arith.andi %squeeze3A_1089, %and3A_1116 : i32
        %eq3A_1118 = vector.broadcast %and3A_1117 : i32 to vector<16xi32>
        %eq3A_1119 = arith.cmpi eq, %iota3A, %eq3A_1118 : vector<16xi32>
        %select_n3A_1120 = arith.select %eq3A_1119, %get3A_1098, %broadcast_in_dim3A_65 : vector<16xi1>, vector<16xf32>
        %add3A_1121 = arith.addf %get3A_1115, %select_n3A_1120 : vector<16xf32>
        %and3A_1122 = arith.constant 15 : i32
        %and3A_1123 = arith.andi %squeeze3A_1091, %and3A_1122 : i32
        %eq3A_1124 = vector.broadcast %and3A_1123 : i32 to vector<16xi32>
        %eq3A_1125 = arith.cmpi eq, %iota3A, %eq3A_1124 : vector<16xi32>
        %select_n3A_1126 = arith.select %eq3A_1125, %get3A_1112, %broadcast_in_dim3A_65 : vector<16xi1>, vector<16xf32>
        %sub3A_1127 = arith.subf %add3A_1121, %select_n3A_1126 : vector<16xf32>
        %swap3A_1128 = arith.constant 0 : index
        %swap3A_1129 = tpu.vector_load %arg13[%swap3A_1128] {strides = array<i32>} : memref<16xf32, #tpu.memory_space<vmem>>, vector<16xf32>,
        %swap3A_1130 = vector.shape_cast %swap3A_1129 : vector<16xf32> to vector<16xf32>
        %swap3A_1131 = vector.shape_cast %sub3A_1127 : vector<16xf32> to vector<16xf32>
        tpu.vector_store %arg13[%swap3A_1128], %swap3A_1131 {strides = array<i32>} : memref<16xf32, #tpu.memory_space<vmem>>, vector<16xf32>,
        %slice3A_1132 = vector.extract_strided_slice %get3A_775 {offsets = [8], sizes = [1], strides = [1]} : vector<16xi32> to vector<1xi32>
        %squeeze3A_1133 = vector.extract %slice3A_1132[0] : i32 from vector<1xi32>
        %slice3A_1134 = vector.extract_strided_slice %get3A_779 {offsets = [8], sizes = [1], strides = [1]} : vector<16xi32> to vector<1xi32>
        %squeeze3A_1135 = vector.extract %slice3A_1134[0] : i32 from vector<1xi32>
        %shift_right_arithmetic3A_1136 = arith.constant 4 : i32
        %shift_right_arithmetic3A_1137 = arith.shrsi %squeeze3A_1133, %shift_right_arithmetic3A_1136 : i32
        %shift_left3A_1138 = arith.constant 4 : i32
        %shift_left3A_1139 = arith.shli %shift_right_arithmetic3A_1137, %shift_left3A_1138 : i32
        %get3A_1140 = arith.index_cast %shift_left3A_1139 : i32 to index
        %get3A_1141 = tpu.vector_load %arg10[%get3A_1140] {strides = array<i32>} : memref<1024xf32, #tpu.memory_space<vmem>>, vector<16xf32>,
        %get3A_1142 = vector.shape_cast %get3A_1141 : vector<16xf32> to vector<16xf32>
        %shift_right_arithmetic3A_1143 = arith.constant 7 : i32
        %shift_right_arithmetic3A_1144 = arith.shrsi %squeeze3A_1135, %shift_right_arithmetic3A_1143 : i32
        %shift_right_arithmetic3A_1145 = arith.constant 4 : i32
        %shift_right_arithmetic3A_1146 = arith.shrsi %squeeze3A_1135, %shift_right_arithmetic3A_1145 : i32
        %and3A_1147 = arith.constant 7 : i32
        %and3A_1148 = arith.andi %shift_right_arithmetic3A_1146, %and3A_1147 : i32
        %shift_left3A_1149 = arith.constant 4 : i32
        %shift_left3A_1150 = arith.shli %and3A_1148, %shift_left3A_1149 : i32
        %get3A_1151 = arith.constant 24 : i32
        %get3A_1152 = arith.index_cast %get3A_1151 : i32 to index
        %get3A_1153 = arith.index_cast %shift_right_arithmetic3A_1144 : i32 to index
        %get3A_1154 = arith.index_cast %shift_left3A_1150 : i32 to index
        %get3A_1155 = tpu.vector_load %arg12[%get3A_1152, %get3A_1153, %get3A_1154] {strides = array<i32>} : memref<32x8x128xf32, #tpu.memory_space<vmem>>, vector<1x1x16xf32>,
        %get3A_1156 = vector.shape_cast %get3A_1155 : vector<1x1x16xf32> to vector<16xf32>
        %get3A_1157 = arith.constant 0 : index
        %get3A_1158 = tpu.vector_load %arg13[%get3A_1157] {strides = array<i32>} : memref<16xf32, #tpu.memory_space<vmem>>, vector<16xf32>,
        %get3A_1159 = vector.shape_cast %get3A_1158 : vector<16xf32> to vector<16xf32>
        %and3A_1160 = arith.constant 15 : i32
        %and3A_1161 = arith.andi %squeeze3A_1133, %and3A_1160 : i32
        %eq3A_1162 = vector.broadcast %and3A_1161 : i32 to vector<16xi32>
        %eq3A_1163 = arith.cmpi eq, %iota3A, %eq3A_1162 : vector<16xi32>
        %select_n3A_1164 = arith.select %eq3A_1163, %get3A_1142, %broadcast_in_dim3A_65 : vector<16xi1>, vector<16xf32>
        %add3A_1165 = arith.addf %get3A_1159, %select_n3A_1164 : vector<16xf32>
        %and3A_1166 = arith.constant 15 : i32
        %and3A_1167 = arith.andi %squeeze3A_1135, %and3A_1166 : i32
        %eq3A_1168 = vector.broadcast %and3A_1167 : i32 to vector<16xi32>
        %eq3A_1169 = arith.cmpi eq, %iota3A, %eq3A_1168 : vector<16xi32>
        %select_n3A_1170 = arith.select %eq3A_1169, %get3A_1156, %broadcast_in_dim3A_65 : vector<16xi1>, vector<16xf32>
        %sub3A_1171 = arith.subf %add3A_1165, %select_n3A_1170 : vector<16xf32>
        %swap3A_1172 = arith.constant 0 : index
        %swap3A_1173 = tpu.vector_load %arg13[%swap3A_1172] {strides = array<i32>} : memref<16xf32, #tpu.memory_space<vmem>>, vector<16xf32>,
        %swap3A_1174 = vector.shape_cast %swap3A_1173 : vector<16xf32> to vector<16xf32>
        %swap3A_1175 = vector.shape_cast %sub3A_1171 : vector<16xf32> to vector<16xf32>
        tpu.vector_store %arg13[%swap3A_1172], %swap3A_1175 {strides = array<i32>} : memref<16xf32, #tpu.memory_space<vmem>>, vector<16xf32>,
        %slice3A_1176 = vector.extract_strided_slice %get3A_775 {offsets = [9], sizes = [1], strides = [1]} : vector<16xi32> to vector<1xi32>
        %squeeze3A_1177 = vector.extract %slice3A_1176[0] : i32 from vector<1xi32>
        %slice3A_1178 = vector.extract_strided_slice %get3A_779 {offsets = [9], sizes = [1], strides = [1]} : vector<16xi32> to vector<1xi32>
        %squeeze3A_1179 = vector.extract %slice3A_1178[0] : i32 from vector<1xi32>
        %shift_right_arithmetic3A_1180 = arith.constant 4 : i32
        %shift_right_arithmetic3A_1181 = arith.shrsi %squeeze3A_1177, %shift_right_arithmetic3A_1180 : i32
        %shift_left3A_1182 = arith.constant 4 : i32
        %shift_left3A_1183 = arith.shli %shift_right_arithmetic3A_1181, %shift_left3A_1182 : i32
        %get3A_1184 = arith.index_cast %shift_left3A_1183 : i32 to index
        %get3A_1185 = tpu.vector_load %arg10[%get3A_1184] {strides = array<i32>} : memref<1024xf32, #tpu.memory_space<vmem>>, vector<16xf32>,
        %get3A_1186 = vector.shape_cast %get3A_1185 : vector<16xf32> to vector<16xf32>
        %shift_right_arithmetic3A_1187 = arith.constant 7 : i32
        %shift_right_arithmetic3A_1188 = arith.shrsi %squeeze3A_1179, %shift_right_arithmetic3A_1187 : i32
        %shift_right_arithmetic3A_1189 = arith.constant 4 : i32
        %shift_right_arithmetic3A_1190 = arith.shrsi %squeeze3A_1179, %shift_right_arithmetic3A_1189 : i32
        %and3A_1191 = arith.constant 7 : i32
        %and3A_1192 = arith.andi %shift_right_arithmetic3A_1190, %and3A_1191 : i32
        %shift_left3A_1193 = arith.constant 4 : i32
        %shift_left3A_1194 = arith.shli %and3A_1192, %shift_left3A_1193 : i32
        %get3A_1195 = arith.constant 25 : i32
        %get3A_1196 = arith.index_cast %get3A_1195 : i32 to index
        %get3A_1197 = arith.index_cast %shift_right_arithmetic3A_1188 : i32 to index
        %get3A_1198 = arith.index_cast %shift_left3A_1194 : i32 to index
        %get3A_1199 = tpu.vector_load %arg12[%get3A_1196, %get3A_1197, %get3A_1198] {strides = array<i32>} : memref<32x8x128xf32, #tpu.memory_space<vmem>>, vector<1x1x16xf32>,
        %get3A_1200 = vector.shape_cast %get3A_1199 : vector<1x1x16xf32> to vector<16xf32>
        %get3A_1201 = arith.constant 0 : index
        %get3A_1202 = tpu.vector_load %arg13[%get3A_1201] {strides = array<i32>} : memref<16xf32, #tpu.memory_space<vmem>>, vector<16xf32>,
        %get3A_1203 = vector.shape_cast %get3A_1202 : vector<16xf32> to vector<16xf32>
        %and3A_1204 = arith.constant 15 : i32
        %and3A_1205 = arith.andi %squeeze3A_1177, %and3A_1204 : i32
        %eq3A_1206 = vector.broadcast %and3A_1205 : i32 to vector<16xi32>
        %eq3A_1207 = arith.cmpi eq, %iota3A, %eq3A_1206 : vector<16xi32>
        %select_n3A_1208 = arith.select %eq3A_1207, %get3A_1186, %broadcast_in_dim3A_65 : vector<16xi1>, vector<16xf32>
        %add3A_1209 = arith.addf %get3A_1203, %select_n3A_1208 : vector<16xf32>
        %and3A_1210 = arith.constant 15 : i32
        %and3A_1211 = arith.andi %squeeze3A_1179, %and3A_1210 : i32
        %eq3A_1212 = vector.broadcast %and3A_1211 : i32 to vector<16xi32>
        %eq3A_1213 = arith.cmpi eq, %iota3A, %eq3A_1212 : vector<16xi32>
        %select_n3A_1214 = arith.select %eq3A_1213, %get3A_1200, %broadcast_in_dim3A_65 : vector<16xi1>, vector<16xf32>
        %sub3A_1215 = arith.subf %add3A_1209, %select_n3A_1214 : vector<16xf32>
        %swap3A_1216 = arith.constant 0 : index
        %swap3A_1217 = tpu.vector_load %arg13[%swap3A_1216] {strides = array<i32>} : memref<16xf32, #tpu.memory_space<vmem>>, vector<16xf32>,
        %swap3A_1218 = vector.shape_cast %swap3A_1217 : vector<16xf32> to vector<16xf32>
        %swap3A_1219 = vector.shape_cast %sub3A_1215 : vector<16xf32> to vector<16xf32>
        tpu.vector_store %arg13[%swap3A_1216], %swap3A_1219 {strides = array<i32>} : memref<16xf32, #tpu.memory_space<vmem>>, vector<16xf32>,
        %slice3A_1220 = vector.extract_strided_slice %get3A_775 {offsets = [10], sizes = [1], strides = [1]} : vector<16xi32> to vector<1xi32>
        %squeeze3A_1221 = vector.extract %slice3A_1220[0] : i32 from vector<1xi32>
        %slice3A_1222 = vector.extract_strided_slice %get3A_779 {offsets = [10], sizes = [1], strides = [1]} : vector<16xi32> to vector<1xi32>
        %squeeze3A_1223 = vector.extract %slice3A_1222[0] : i32 from vector<1xi32>
        %shift_right_arithmetic3A_1224 = arith.constant 4 : i32
        %shift_right_arithmetic3A_1225 = arith.shrsi %squeeze3A_1221, %shift_right_arithmetic3A_1224 : i32
        %shift_left3A_1226 = arith.constant 4 : i32
        %shift_left3A_1227 = arith.shli %shift_right_arithmetic3A_1225, %shift_left3A_1226 : i32
        %get3A_1228 = arith.index_cast %shift_left3A_1227 : i32 to index
        %get3A_1229 = tpu.vector_load %arg10[%get3A_1228] {strides = array<i32>} : memref<1024xf32, #tpu.memory_space<vmem>>, vector<16xf32>,
        %get3A_1230 = vector.shape_cast %get3A_1229 : vector<16xf32> to vector<16xf32>
        %shift_right_arithmetic3A_1231 = arith.constant 7 : i32
        %shift_right_arithmetic3A_1232 = arith.shrsi %squeeze3A_1223, %shift_right_arithmetic3A_1231 : i32
        %shift_right_arithmetic3A_1233 = arith.constant 4 : i32
        %shift_right_arithmetic3A_1234 = arith.shrsi %squeeze3A_1223, %shift_right_arithmetic3A_1233 : i32
        %and3A_1235 = arith.constant 7 : i32
        %and3A_1236 = arith.andi %shift_right_arithmetic3A_1234, %and3A_1235 : i32
        %shift_left3A_1237 = arith.constant 4 : i32
        %shift_left3A_1238 = arith.shli %and3A_1236, %shift_left3A_1237 : i32
        %get3A_1239 = arith.constant 26 : i32
        %get3A_1240 = arith.index_cast %get3A_1239 : i32 to index
        %get3A_1241 = arith.index_cast %shift_right_arithmetic3A_1232 : i32 to index
        %get3A_1242 = arith.index_cast %shift_left3A_1238 : i32 to index
        %get3A_1243 = tpu.vector_load %arg12[%get3A_1240, %get3A_1241, %get3A_1242] {strides = array<i32>} : memref<32x8x128xf32, #tpu.memory_space<vmem>>, vector<1x1x16xf32>,
        %get3A_1244 = vector.shape_cast %get3A_1243 : vector<1x1x16xf32> to vector<16xf32>
        %get3A_1245 = arith.constant 0 : index
        %get3A_1246 = tpu.vector_load %arg13[%get3A_1245] {strides = array<i32>} : memref<16xf32, #tpu.memory_space<vmem>>, vector<16xf32>,
        %get3A_1247 = vector.shape_cast %get3A_1246 : vector<16xf32> to vector<16xf32>
        %and3A_1248 = arith.constant 15 : i32
        %and3A_1249 = arith.andi %squeeze3A_1221, %and3A_1248 : i32
        %eq3A_1250 = vector.broadcast %and3A_1249 : i32 to vector<16xi32>
        %eq3A_1251 = arith.cmpi eq, %iota3A, %eq3A_1250 : vector<16xi32>
        %select_n3A_1252 = arith.select %eq3A_1251, %get3A_1230, %broadcast_in_dim3A_65 : vector<16xi1>, vector<16xf32>
        %add3A_1253 = arith.addf %get3A_1247, %select_n3A_1252 : vector<16xf32>
        %and3A_1254 = arith.constant 15 : i32
        %and3A_1255 = arith.andi %squeeze3A_1223, %and3A_1254 : i32
        %eq3A_1256 = vector.broadcast %and3A_1255 : i32 to vector<16xi32>
        %eq3A_1257 = arith.cmpi eq, %iota3A, %eq3A_1256 : vector<16xi32>
        %select_n3A_1258 = arith.select %eq3A_1257, %get3A_1244, %broadcast_in_dim3A_65 : vector<16xi1>, vector<16xf32>
        %sub3A_1259 = arith.subf %add3A_1253, %select_n3A_1258 : vector<16xf32>
        %swap3A_1260 = arith.constant 0 : index
        %swap3A_1261 = tpu.vector_load %arg13[%swap3A_1260] {strides = array<i32>} : memref<16xf32, #tpu.memory_space<vmem>>, vector<16xf32>,
        %swap3A_1262 = vector.shape_cast %swap3A_1261 : vector<16xf32> to vector<16xf32>
        %swap3A_1263 = vector.shape_cast %sub3A_1259 : vector<16xf32> to vector<16xf32>
        tpu.vector_store %arg13[%swap3A_1260], %swap3A_1263 {strides = array<i32>} : memref<16xf32, #tpu.memory_space<vmem>>, vector<16xf32>,
        %slice3A_1264 = vector.extract_strided_slice %get3A_775 {offsets = [11], sizes = [1], strides = [1]} : vector<16xi32> to vector<1xi32>
        %squeeze3A_1265 = vector.extract %slice3A_1264[0] : i32 from vector<1xi32>
        %slice3A_1266 = vector.extract_strided_slice %get3A_779 {offsets = [11], sizes = [1], strides = [1]} : vector<16xi32> to vector<1xi32>
        %squeeze3A_1267 = vector.extract %slice3A_1266[0] : i32 from vector<1xi32>
        %shift_right_arithmetic3A_1268 = arith.constant 4 : i32
        %shift_right_arithmetic3A_1269 = arith.shrsi %squeeze3A_1265, %shift_right_arithmetic3A_1268 : i32
        %shift_left3A_1270 = arith.constant 4 : i32
        %shift_left3A_1271 = arith.shli %shift_right_arithmetic3A_1269, %shift_left3A_1270 : i32
        %get3A_1272 = arith.index_cast %shift_left3A_1271 : i32 to index
        %get3A_1273 = tpu.vector_load %arg10[%get3A_1272] {strides = array<i32>} : memref<1024xf32, #tpu.memory_space<vmem>>, vector<16xf32>,
        %get3A_1274 = vector.shape_cast %get3A_1273 : vector<16xf32> to vector<16xf32>
        %shift_right_arithmetic3A_1275 = arith.constant 7 : i32
        %shift_right_arithmetic3A_1276 = arith.shrsi %squeeze3A_1267, %shift_right_arithmetic3A_1275 : i32
        %shift_right_arithmetic3A_1277 = arith.constant 4 : i32
        %shift_right_arithmetic3A_1278 = arith.shrsi %squeeze3A_1267, %shift_right_arithmetic3A_1277 : i32
        %and3A_1279 = arith.constant 7 : i32
        %and3A_1280 = arith.andi %shift_right_arithmetic3A_1278, %and3A_1279 : i32
        %shift_left3A_1281 = arith.constant 4 : i32
        %shift_left3A_1282 = arith.shli %and3A_1280, %shift_left3A_1281 : i32
        %get3A_1283 = arith.constant 27 : i32
        %get3A_1284 = arith.index_cast %get3A_1283 : i32 to index
        %get3A_1285 = arith.index_cast %shift_right_arithmetic3A_1276 : i32 to index
        %get3A_1286 = arith.index_cast %shift_left3A_1282 : i32 to index
        %get3A_1287 = tpu.vector_load %arg12[%get3A_1284, %get3A_1285, %get3A_1286] {strides = array<i32>} : memref<32x8x128xf32, #tpu.memory_space<vmem>>, vector<1x1x16xf32>,
        %get3A_1288 = vector.shape_cast %get3A_1287 : vector<1x1x16xf32> to vector<16xf32>
        %get3A_1289 = arith.constant 0 : index
        %get3A_1290 = tpu.vector_load %arg13[%get3A_1289] {strides = array<i32>} : memref<16xf32, #tpu.memory_space<vmem>>, vector<16xf32>,
        %get3A_1291 = vector.shape_cast %get3A_1290 : vector<16xf32> to vector<16xf32>
        %and3A_1292 = arith.constant 15 : i32
        %and3A_1293 = arith.andi %squeeze3A_1265, %and3A_1292 : i32
        %eq3A_1294 = vector.broadcast %and3A_1293 : i32 to vector<16xi32>
        %eq3A_1295 = arith.cmpi eq, %iota3A, %eq3A_1294 : vector<16xi32>
        %select_n3A_1296 = arith.select %eq3A_1295, %get3A_1274, %broadcast_in_dim3A_65 : vector<16xi1>, vector<16xf32>
        %add3A_1297 = arith.addf %get3A_1291, %select_n3A_1296 : vector<16xf32>
        %and3A_1298 = arith.constant 15 : i32
        %and3A_1299 = arith.andi %squeeze3A_1267, %and3A_1298 : i32
        %eq3A_1300 = vector.broadcast %and3A_1299 : i32 to vector<16xi32>
        %eq3A_1301 = arith.cmpi eq, %iota3A, %eq3A_1300 : vector<16xi32>
        %select_n3A_1302 = arith.select %eq3A_1301, %get3A_1288, %broadcast_in_dim3A_65 : vector<16xi1>, vector<16xf32>
        %sub3A_1303 = arith.subf %add3A_1297, %select_n3A_1302 : vector<16xf32>
        %swap3A_1304 = arith.constant 0 : index
        %swap3A_1305 = tpu.vector_load %arg13[%swap3A_1304] {strides = array<i32>} : memref<16xf32, #tpu.memory_space<vmem>>, vector<16xf32>,
        %swap3A_1306 = vector.shape_cast %swap3A_1305 : vector<16xf32> to vector<16xf32>
        %swap3A_1307 = vector.shape_cast %sub3A_1303 : vector<16xf32> to vector<16xf32>
        tpu.vector_store %arg13[%swap3A_1304], %swap3A_1307 {strides = array<i32>} : memref<16xf32, #tpu.memory_space<vmem>>, vector<16xf32>,
        %slice3A_1308 = vector.extract_strided_slice %get3A_775 {offsets = [12], sizes = [1], strides = [1]} : vector<16xi32> to vector<1xi32>
        %squeeze3A_1309 = vector.extract %slice3A_1308[0] : i32 from vector<1xi32>
        %slice3A_1310 = vector.extract_strided_slice %get3A_779 {offsets = [12], sizes = [1], strides = [1]} : vector<16xi32> to vector<1xi32>
        %squeeze3A_1311 = vector.extract %slice3A_1310[0] : i32 from vector<1xi32>
        %shift_right_arithmetic3A_1312 = arith.constant 4 : i32
        %shift_right_arithmetic3A_1313 = arith.shrsi %squeeze3A_1309, %shift_right_arithmetic3A_1312 : i32
        %shift_left3A_1314 = arith.constant 4 : i32
        %shift_left3A_1315 = arith.shli %shift_right_arithmetic3A_1313, %shift_left3A_1314 : i32
        %get3A_1316 = arith.index_cast %shift_left3A_1315 : i32 to index
        %get3A_1317 = tpu.vector_load %arg10[%get3A_1316] {strides = array<i32>} : memref<1024xf32, #tpu.memory_space<vmem>>, vector<16xf32>,
        %get3A_1318 = vector.shape_cast %get3A_1317 : vector<16xf32> to vector<16xf32>
        %shift_right_arithmetic3A_1319 = arith.constant 7 : i32
        %shift_right_arithmetic3A_1320 = arith.shrsi %squeeze3A_1311, %shift_right_arithmetic3A_1319 : i32
        %shift_right_arithmetic3A_1321 = arith.constant 4 : i32
        %shift_right_arithmetic3A_1322 = arith.shrsi %squeeze3A_1311, %shift_right_arithmetic3A_1321 : i32
        %and3A_1323 = arith.constant 7 : i32
        %and3A_1324 = arith.andi %shift_right_arithmetic3A_1322, %and3A_1323 : i32
        %shift_left3A_1325 = arith.constant 4 : i32
        %shift_left3A_1326 = arith.shli %and3A_1324, %shift_left3A_1325 : i32
        %get3A_1327 = arith.constant 28 : i32
        %get3A_1328 = arith.index_cast %get3A_1327 : i32 to index
        %get3A_1329 = arith.index_cast %shift_right_arithmetic3A_1320 : i32 to index
        %get3A_1330 = arith.index_cast %shift_left3A_1326 : i32 to index
        %get3A_1331 = tpu.vector_load %arg12[%get3A_1328, %get3A_1329, %get3A_1330] {strides = array<i32>} : memref<32x8x128xf32, #tpu.memory_space<vmem>>, vector<1x1x16xf32>,
        %get3A_1332 = vector.shape_cast %get3A_1331 : vector<1x1x16xf32> to vector<16xf32>
        %get3A_1333 = arith.constant 0 : index
        %get3A_1334 = tpu.vector_load %arg13[%get3A_1333] {strides = array<i32>} : memref<16xf32, #tpu.memory_space<vmem>>, vector<16xf32>,
        %get3A_1335 = vector.shape_cast %get3A_1334 : vector<16xf32> to vector<16xf32>
        %and3A_1336 = arith.constant 15 : i32
        %and3A_1337 = arith.andi %squeeze3A_1309, %and3A_1336 : i32
        %eq3A_1338 = vector.broadcast %and3A_1337 : i32 to vector<16xi32>
        %eq3A_1339 = arith.cmpi eq, %iota3A, %eq3A_1338 : vector<16xi32>
        %select_n3A_1340 = arith.select %eq3A_1339, %get3A_1318, %broadcast_in_dim3A_65 : vector<16xi1>, vector<16xf32>
        %add3A_1341 = arith.addf %get3A_1335, %select_n3A_1340 : vector<16xf32>
        %and3A_1342 = arith.constant 15 : i32
        %and3A_1343 = arith.andi %squeeze3A_1311, %and3A_1342 : i32
        %eq3A_1344 = vector.broadcast %and3A_1343 : i32 to vector<16xi32>
        %eq3A_1345 = arith.cmpi eq, %iota3A, %eq3A_1344 : vector<16xi32>
        %select_n3A_1346 = arith.select %eq3A_1345, %get3A_1332, %broadcast_in_dim3A_65 : vector<16xi1>, vector<16xf32>
        %sub3A_1347 = arith.subf %add3A_1341, %select_n3A_1346 : vector<16xf32>
        %swap3A_1348 = arith.constant 0 : index
        %swap3A_1349 = tpu.vector_load %arg13[%swap3A_1348] {strides = array<i32>} : memref<16xf32, #tpu.memory_space<vmem>>, vector<16xf32>,
        %swap3A_1350 = vector.shape_cast %swap3A_1349 : vector<16xf32> to vector<16xf32>
        %swap3A_1351 = vector.shape_cast %sub3A_1347 : vector<16xf32> to vector<16xf32>
        tpu.vector_store %arg13[%swap3A_1348], %swap3A_1351 {strides = array<i32>} : memref<16xf32, #tpu.memory_space<vmem>>, vector<16xf32>,
        %slice3A_1352 = vector.extract_strided_slice %get3A_775 {offsets = [13], sizes = [1], strides = [1]} : vector<16xi32> to vector<1xi32>
        %squeeze3A_1353 = vector.extract %slice3A_1352[0] : i32 from vector<1xi32>
        %slice3A_1354 = vector.extract_strided_slice %get3A_779 {offsets = [13], sizes = [1], strides = [1]} : vector<16xi32> to vector<1xi32>
        %squeeze3A_1355 = vector.extract %slice3A_1354[0] : i32 from vector<1xi32>
        %shift_right_arithmetic3A_1356 = arith.constant 4 : i32
        %shift_right_arithmetic3A_1357 = arith.shrsi %squeeze3A_1353, %shift_right_arithmetic3A_1356 : i32
        %shift_left3A_1358 = arith.constant 4 : i32
        %shift_left3A_1359 = arith.shli %shift_right_arithmetic3A_1357, %shift_left3A_1358 : i32
        %get3A_1360 = arith.index_cast %shift_left3A_1359 : i32 to index
        %get3A_1361 = tpu.vector_load %arg10[%get3A_1360] {strides = array<i32>} : memref<1024xf32, #tpu.memory_space<vmem>>, vector<16xf32>,
        %get3A_1362 = vector.shape_cast %get3A_1361 : vector<16xf32> to vector<16xf32>
        %shift_right_arithmetic3A_1363 = arith.constant 7 : i32
        %shift_right_arithmetic3A_1364 = arith.shrsi %squeeze3A_1355, %shift_right_arithmetic3A_1363 : i32
        %shift_right_arithmetic3A_1365 = arith.constant 4 : i32
        %shift_right_arithmetic3A_1366 = arith.shrsi %squeeze3A_1355, %shift_right_arithmetic3A_1365 : i32
        %and3A_1367 = arith.constant 7 : i32
        %and3A_1368 = arith.andi %shift_right_arithmetic3A_1366, %and3A_1367 : i32
        %shift_left3A_1369 = arith.constant 4 : i32
        %shift_left3A_1370 = arith.shli %and3A_1368, %shift_left3A_1369 : i32
        %get3A_1371 = arith.constant 29 : i32
        %get3A_1372 = arith.index_cast %get3A_1371 : i32 to index
        %get3A_1373 = arith.index_cast %shift_right_arithmetic3A_1364 : i32 to index
        %get3A_1374 = arith.index_cast %shift_left3A_1370 : i32 to index
        %get3A_1375 = tpu.vector_load %arg12[%get3A_1372, %get3A_1373, %get3A_1374] {strides = array<i32>} : memref<32x8x128xf32, #tpu.memory_space<vmem>>, vector<1x1x16xf32>,
        %get3A_1376 = vector.shape_cast %get3A_1375 : vector<1x1x16xf32> to vector<16xf32>
        %get3A_1377 = arith.constant 0 : index
        %get3A_1378 = tpu.vector_load %arg13[%get3A_1377] {strides = array<i32>} : memref<16xf32, #tpu.memory_space<vmem>>, vector<16xf32>,
        %get3A_1379 = vector.shape_cast %get3A_1378 : vector<16xf32> to vector<16xf32>
        %and3A_1380 = arith.constant 15 : i32
        %and3A_1381 = arith.andi %squeeze3A_1353, %and3A_1380 : i32
        %eq3A_1382 = vector.broadcast %and3A_1381 : i32 to vector<16xi32>
        %eq3A_1383 = arith.cmpi eq, %iota3A, %eq3A_1382 : vector<16xi32>
        %select_n3A_1384 = arith.select %eq3A_1383, %get3A_1362, %broadcast_in_dim3A_65 : vector<16xi1>, vector<16xf32>
        %add3A_1385 = arith.addf %get3A_1379, %select_n3A_1384 : vector<16xf32>
        %and3A_1386 = arith.constant 15 : i32
        %and3A_1387 = arith.andi %squeeze3A_1355, %and3A_1386 : i32
        %eq3A_1388 = vector.broadcast %and3A_1387 : i32 to vector<16xi32>
        %eq3A_1389 = arith.cmpi eq, %iota3A, %eq3A_1388 : vector<16xi32>
        %select_n3A_1390 = arith.select %eq3A_1389, %get3A_1376, %broadcast_in_dim3A_65 : vector<16xi1>, vector<16xf32>
        %sub3A_1391 = arith.subf %add3A_1385, %select_n3A_1390 : vector<16xf32>
        %swap3A_1392 = arith.constant 0 : index
        %swap3A_1393 = tpu.vector_load %arg13[%swap3A_1392] {strides = array<i32>} : memref<16xf32, #tpu.memory_space<vmem>>, vector<16xf32>,
        %swap3A_1394 = vector.shape_cast %swap3A_1393 : vector<16xf32> to vector<16xf32>
        %swap3A_1395 = vector.shape_cast %sub3A_1391 : vector<16xf32> to vector<16xf32>
        tpu.vector_store %arg13[%swap3A_1392], %swap3A_1395 {strides = array<i32>} : memref<16xf32, #tpu.memory_space<vmem>>, vector<16xf32>,
        %slice3A_1396 = vector.extract_strided_slice %get3A_775 {offsets = [14], sizes = [1], strides = [1]} : vector<16xi32> to vector<1xi32>
        %squeeze3A_1397 = vector.extract %slice3A_1396[0] : i32 from vector<1xi32>
        %slice3A_1398 = vector.extract_strided_slice %get3A_779 {offsets = [14], sizes = [1], strides = [1]} : vector<16xi32> to vector<1xi32>
        %squeeze3A_1399 = vector.extract %slice3A_1398[0] : i32 from vector<1xi32>
        %shift_right_arithmetic3A_1400 = arith.constant 4 : i32
        %shift_right_arithmetic3A_1401 = arith.shrsi %squeeze3A_1397, %shift_right_arithmetic3A_1400 : i32
        %shift_left3A_1402 = arith.constant 4 : i32
        %shift_left3A_1403 = arith.shli %shift_right_arithmetic3A_1401, %shift_left3A_1402 : i32
        %get3A_1404 = arith.index_cast %shift_left3A_1403 : i32 to index
        %get3A_1405 = tpu.vector_load %arg10[%get3A_1404] {strides = array<i32>} : memref<1024xf32, #tpu.memory_space<vmem>>, vector<16xf32>,
        %get3A_1406 = vector.shape_cast %get3A_1405 : vector<16xf32> to vector<16xf32>
        %shift_right_arithmetic3A_1407 = arith.constant 7 : i32
        %shift_right_arithmetic3A_1408 = arith.shrsi %squeeze3A_1399, %shift_right_arithmetic3A_1407 : i32
        %shift_right_arithmetic3A_1409 = arith.constant 4 : i32
        %shift_right_arithmetic3A_1410 = arith.shrsi %squeeze3A_1399, %shift_right_arithmetic3A_1409 : i32
        %and3A_1411 = arith.constant 7 : i32
        %and3A_1412 = arith.andi %shift_right_arithmetic3A_1410, %and3A_1411 : i32
        %shift_left3A_1413 = arith.constant 4 : i32
        %shift_left3A_1414 = arith.shli %and3A_1412, %shift_left3A_1413 : i32
        %get3A_1415 = arith.constant 30 : i32
        %get3A_1416 = arith.index_cast %get3A_1415 : i32 to index
        %get3A_1417 = arith.index_cast %shift_right_arithmetic3A_1408 : i32 to index
        %get3A_1418 = arith.index_cast %shift_left3A_1414 : i32 to index
        %get3A_1419 = tpu.vector_load %arg12[%get3A_1416, %get3A_1417, %get3A_1418] {strides = array<i32>} : memref<32x8x128xf32, #tpu.memory_space<vmem>>, vector<1x1x16xf32>,
        %get3A_1420 = vector.shape_cast %get3A_1419 : vector<1x1x16xf32> to vector<16xf32>
        %get3A_1421 = arith.constant 0 : index
        %get3A_1422 = tpu.vector_load %arg13[%get3A_1421] {strides = array<i32>} : memref<16xf32, #tpu.memory_space<vmem>>, vector<16xf32>,
        %get3A_1423 = vector.shape_cast %get3A_1422 : vector<16xf32> to vector<16xf32>
        %and3A_1424 = arith.constant 15 : i32
        %and3A_1425 = arith.andi %squeeze3A_1397, %and3A_1424 : i32
        %eq3A_1426 = vector.broadcast %and3A_1425 : i32 to vector<16xi32>
        %eq3A_1427 = arith.cmpi eq, %iota3A, %eq3A_1426 : vector<16xi32>
        %select_n3A_1428 = arith.select %eq3A_1427, %get3A_1406, %broadcast_in_dim3A_65 : vector<16xi1>, vector<16xf32>
        %add3A_1429 = arith.addf %get3A_1423, %select_n3A_1428 : vector<16xf32>
        %and3A_1430 = arith.constant 15 : i32
        %and3A_1431 = arith.andi %squeeze3A_1399, %and3A_1430 : i32
        %eq3A_1432 = vector.broadcast %and3A_1431 : i32 to vector<16xi32>
        %eq3A_1433 = arith.cmpi eq, %iota3A, %eq3A_1432 : vector<16xi32>
        %select_n3A_1434 = arith.select %eq3A_1433, %get3A_1420, %broadcast_in_dim3A_65 : vector<16xi1>, vector<16xf32>
        %sub3A_1435 = arith.subf %add3A_1429, %select_n3A_1434 : vector<16xf32>
        %swap3A_1436 = arith.constant 0 : index
        %swap3A_1437 = tpu.vector_load %arg13[%swap3A_1436] {strides = array<i32>} : memref<16xf32, #tpu.memory_space<vmem>>, vector<16xf32>,
        %swap3A_1438 = vector.shape_cast %swap3A_1437 : vector<16xf32> to vector<16xf32>
        %swap3A_1439 = vector.shape_cast %sub3A_1435 : vector<16xf32> to vector<16xf32>
        tpu.vector_store %arg13[%swap3A_1436], %swap3A_1439 {strides = array<i32>} : memref<16xf32, #tpu.memory_space<vmem>>, vector<16xf32>,
        %slice3A_1440 = vector.extract_strided_slice %get3A_775 {offsets = [15], sizes = [1], strides = [1]} : vector<16xi32> to vector<1xi32>
        %squeeze3A_1441 = vector.extract %slice3A_1440[0] : i32 from vector<1xi32>
        %slice3A_1442 = vector.extract_strided_slice %get3A_779 {offsets = [15], sizes = [1], strides = [1]} : vector<16xi32> to vector<1xi32>
        %squeeze3A_1443 = vector.extract %slice3A_1442[0] : i32 from vector<1xi32>
        %shift_right_arithmetic3A_1444 = arith.constant 4 : i32
        %shift_right_arithmetic3A_1445 = arith.shrsi %squeeze3A_1441, %shift_right_arithmetic3A_1444 : i32
        %shift_left3A_1446 = arith.constant 4 : i32
        %shift_left3A_1447 = arith.shli %shift_right_arithmetic3A_1445, %shift_left3A_1446 : i32
        %get3A_1448 = arith.index_cast %shift_left3A_1447 : i32 to index
        %get3A_1449 = tpu.vector_load %arg10[%get3A_1448] {strides = array<i32>} : memref<1024xf32, #tpu.memory_space<vmem>>, vector<16xf32>,
        %get3A_1450 = vector.shape_cast %get3A_1449 : vector<16xf32> to vector<16xf32>
        %shift_right_arithmetic3A_1451 = arith.constant 7 : i32
        %shift_right_arithmetic3A_1452 = arith.shrsi %squeeze3A_1443, %shift_right_arithmetic3A_1451 : i32
        %shift_right_arithmetic3A_1453 = arith.constant 4 : i32
        %shift_right_arithmetic3A_1454 = arith.shrsi %squeeze3A_1443, %shift_right_arithmetic3A_1453 : i32
        %and3A_1455 = arith.constant 7 : i32
        %and3A_1456 = arith.andi %shift_right_arithmetic3A_1454, %and3A_1455 : i32
        %shift_left3A_1457 = arith.constant 4 : i32
        %shift_left3A_1458 = arith.shli %and3A_1456, %shift_left3A_1457 : i32
        %get3A_1459 = arith.constant 31 : i32
        %get3A_1460 = arith.index_cast %get3A_1459 : i32 to index
        %get3A_1461 = arith.index_cast %shift_right_arithmetic3A_1452 : i32 to index
        %get3A_1462 = arith.index_cast %shift_left3A_1458 : i32 to index
        %get3A_1463 = tpu.vector_load %arg12[%get3A_1460, %get3A_1461, %get3A_1462] {strides = array<i32>} : memref<32x8x128xf32, #tpu.memory_space<vmem>>, vector<1x1x16xf32>,
        %get3A_1464 = vector.shape_cast %get3A_1463 : vector<1x1x16xf32> to vector<16xf32>
        %get3A_1465 = arith.constant 0 : index
        %get3A_1466 = tpu.vector_load %arg13[%get3A_1465] {strides = array<i32>} : memref<16xf32, #tpu.memory_space<vmem>>, vector<16xf32>,
        %get3A_1467 = vector.shape_cast %get3A_1466 : vector<16xf32> to vector<16xf32>
        %and3A_1468 = arith.constant 15 : i32
        %and3A_1469 = arith.andi %squeeze3A_1441, %and3A_1468 : i32
        %eq3A_1470 = vector.broadcast %and3A_1469 : i32 to vector<16xi32>
        %eq3A_1471 = arith.cmpi eq, %iota3A, %eq3A_1470 : vector<16xi32>
        %select_n3A_1472 = arith.select %eq3A_1471, %get3A_1450, %broadcast_in_dim3A_65 : vector<16xi1>, vector<16xf32>
        %add3A_1473 = arith.addf %get3A_1467, %select_n3A_1472 : vector<16xf32>
        %and3A_1474 = arith.constant 15 : i32
        %and3A_1475 = arith.andi %squeeze3A_1443, %and3A_1474 : i32
        %eq3A_1476 = vector.broadcast %and3A_1475 : i32 to vector<16xi32>
        %eq3A_1477 = arith.cmpi eq, %iota3A, %eq3A_1476 : vector<16xi32>
        %select_n3A_1478 = arith.select %eq3A_1477, %get3A_1464, %broadcast_in_dim3A_65 : vector<16xi1>, vector<16xf32>
        %sub3A_1479 = arith.subf %add3A_1473, %select_n3A_1478 : vector<16xf32>
        %swap3A_1480 = arith.constant 0 : index
        %swap3A_1481 = tpu.vector_load %arg13[%swap3A_1480] {strides = array<i32>} : memref<16xf32, #tpu.memory_space<vmem>>, vector<16xf32>,
        %swap3A_1482 = vector.shape_cast %swap3A_1481 : vector<16xf32> to vector<16xf32>
        %swap3A_1483 = vector.shape_cast %sub3A_1479 : vector<16xf32> to vector<16xf32>
        tpu.vector_store %arg13[%swap3A_1480], %swap3A_1483 {strides = array<i32>} : memref<16xf32, #tpu.memory_space<vmem>>, vector<16xf32>,
        %mul3A_1484 = arith.constant 32 : i32
        %mul3A_1485 = arith.muli %scan3A_25, %mul3A_1484 : i32
        %add3A_1486 = arith.addi %mul3A_2, %mul3A_1485 : i32
        %dma_start3A_1487 = arith.constant 0 : i32
        %dma_start3A_1488 = arith.constant 0 : i32
        %dma_start3A_1489 = tpu.memref_slice %arg6[%add3A_1486, %dma_start3A_1487, %dma_start3A_1488] : memref<51200x8x128xf32, #tpu.memory_space<hbm>> -> memref<32x8x128xf32, #tpu.memory_space<hbm>>
        %dma_start3A_1490 = arith.constant 0 : i32
        %dma_start3A_1491 = arith.constant 0 : i32
        %dma_start3A_1492 = tpu.memref_slice %arg6[%add3A_1486, %dma_start3A_1490, %dma_start3A_1491] : memref<51200x8x128xf32, #tpu.memory_space<hbm>> -> memref<32x8x128xf32, #tpu.memory_space<hbm>>
        tpu.enqueue_dma source(%arg12 : memref<32x8x128xf32, #tpu.memory_space<vmem>>) target(%dma_start3A_1492 : memref<32x8x128xf32, #tpu.memory_space<hbm>>) target_semaphore(%arg17 : memref<!tpu.dma_semaphore, #tpu.memory_space<semaphore_mem>>)
      } else {
      }
      %scan3A_44 = arith.constant 0 : i32
      scf.yield %scan3A_44 : i32
    }
    %scan3A_19 = arith.constant 50 : i32
    %dma_wait3A = arith.constant 0 : i32
    %dma_wait3A_20 = arith.constant 0 : i32
    %dma_wait3A_21 = tpu.memref_slice %arg6[%mul3A_2, %dma_wait3A, %dma_wait3A_20] : memref<51200x8x128xf32, #tpu.memory_space<hbm>> -> memref<32x8x128xf32, #tpu.memory_space<hbm>>
    %dma_wait3A_22 = arith.constant 0 : i32
    %dma_wait3A_23 = arith.constant 0 : i32
    %dma_wait3A_24 = tpu.memref_slice %arg6[%mul3A_2, %dma_wait3A_22, %dma_wait3A_23] : memref<51200x8x128xf32, #tpu.memory_space<hbm>> -> memref<32x8x128xf32, #tpu.memory_space<hbm>>
    tpu.wait_dma2 semaphore(%arg17 : memref<!tpu.dma_semaphore, #tpu.memory_space<semaphore_mem>>) src(%arg12 : memref<32x8x128xf32, #tpu.memory_space<vmem>>) dst(%dma_wait3A_24 : memref<32x8x128xf32, #tpu.memory_space<hbm>>)
    "tpu.region"() ({
      %run_scoped3A = tpu.sem_alloc : memref<!tpu.dma_semaphore, #tpu.memory_space<semaphore_mem>>
      %dma_start3A_25 = arith.constant 0 : i32
      %dma_start3A_26 = tpu.memref_slice %arg7[%add3A, %dma_start3A_25] : memref<32x16xf32, #tpu.memory_space<hbm>> -> memref<1x16xf32, #tpu.memory_space<hbm>>
      %dma_start3A_27 = tpu.memref_squeeze %dma_start3A_26 : memref<1x16xf32, #tpu.memory_space<hbm>> -> memref<16xf32, #tpu.memory_space<hbm>>
      %dma_start3A_28 = arith.constant 0 : i32
      %dma_start3A_29 = tpu.memref_slice %arg7[%add3A, %dma_start3A_28] : memref<32x16xf32, #tpu.memory_space<hbm>> -> memref<1x16xf32, #tpu.memory_space<hbm>>
      %dma_start3A_30 = tpu.memref_squeeze %dma_start3A_29 : memref<1x16xf32, #tpu.memory_space<hbm>> -> memref<16xf32, #tpu.memory_space<hbm>>
      tpu.enqueue_dma source(%arg13 : memref<16xf32, #tpu.memory_space<vmem>>) target(%dma_start3A_30 : memref<16xf32, #tpu.memory_space<hbm>>) target_semaphore(%run_scoped3A : memref<!tpu.dma_semaphore, #tpu.memory_space<semaphore_mem>>)
      %dma_wait3A_31 = arith.constant 0 : i32
      %dma_wait3A_32 = tpu.memref_slice %arg7[%add3A, %dma_wait3A_31] : memref<32x16xf32, #tpu.memory_space<hbm>> -> memref<1x16xf32, #tpu.memory_space<hbm>>
      %dma_wait3A_33 = tpu.memref_squeeze %dma_wait3A_32 : memref<1x16xf32, #tpu.memory_space<hbm>> -> memref<16xf32, #tpu.memory_space<hbm>>
      %dma_wait3A_34 = arith.constant 0 : i32
      %dma_wait3A_35 = tpu.memref_slice %arg7[%add3A, %dma_wait3A_34] : memref<32x16xf32, #tpu.memory_space<hbm>> -> memref<1x16xf32, #tpu.memory_space<hbm>>
      %dma_wait3A_36 = tpu.memref_squeeze %dma_wait3A_35 : memref<1x16xf32, #tpu.memory_space<hbm>> -> memref<16xf32, #tpu.memory_space<hbm>>
      tpu.wait_dma2 semaphore(%run_scoped3A : memref<!tpu.dma_semaphore, #tpu.memory_space<semaphore_mem>>) src(%arg13 : memref<16xf32, #tpu.memory_space<vmem>>) dst(%dma_wait3A_36 : memref<16xf32, #tpu.memory_space<hbm>>)
      tpu.yield
    }) : () -> ()
    return
  }
}

module attributes {stable_mosaic.version = 14 : i64} {
  func.func @_lse_body(%arg0: memref<1000x1000xf32, #tpu.memory_space<vmem>>, %arg1: memref<1024x1xf32, #tpu.memory_space<vmem>>) attributes {dimension_semantics = [], scalar_prefetch = 0 : i64, scratch_operands = 0 : i64, tpu.core_type = #tpu.core_type<tc>} {
    %get3A = arith.constant 0 : index
    %get3A_0 = arith.constant 0 : index
    %get3A_1 = vector.load %arg0[%get3A, %get3A_0] : memref<1000x1000xf32, #tpu.memory_space<vmem>>, vector<1000x1000xf32>
    %reduce_max3A = arith.constant dense<0xFF800000> : vector<1000xf32>
    %reduce_max3A_2 = vector.multi_reduction <maximumf>, %get3A_1, %reduce_max3A [1] : vector<1000x1000xf32> to vector<1000xf32>
    %broadcast_in_dim3A = vector.shape_cast %reduce_max3A_2 : vector<1000xf32> to vector<1000x1xf32>
    %sub3A = vector.broadcast %broadcast_in_dim3A : vector<1000x1xf32> to vector<1000x1000xf32>
    %sub3A_3 = arith.subf %get3A_1, %sub3A : vector<1000x1000xf32>
    %exp3A = math.exp %sub3A_3 : vector<1000x1000xf32>
    %reduce_sum3A = arith.constant dense<0.000000e+00> : vector<1000xf32>
    %reduce_sum3A_4 = vector.multi_reduction <add>, %exp3A, %reduce_sum3A [1] : vector<1000x1000xf32> to vector<1000xf32>
    %broadcast_in_dim3A_5 = vector.shape_cast %reduce_sum3A_4 : vector<1000xf32> to vector<1000x1xf32>
    %squeeze3A = vector.shape_cast %broadcast_in_dim3A : vector<1000x1xf32> to vector<1000xf32>
    %squeeze3A_6 = vector.shape_cast %broadcast_in_dim3A_5 : vector<1000x1xf32> to vector<1000xf32>
    %log3A = math.log %squeeze3A_6 : vector<1000xf32>
    %add3A = arith.addf %squeeze3A, %log3A : vector<1000xf32>
    %broadcast_in_dim3A_7 = arith.constant 0.000000e+00 : f32
    %broadcast_in_dim3A_8 = vector.broadcast %broadcast_in_dim3A_7 : f32 to vector<24xf32>
    %concatenate3A = tpu.concatenate %add3A, %broadcast_in_dim3A_8 in 0 : vector<1000xf32>, vector<24xf32> -> vector<1024xf32>
    %broadcast_in_dim3A_9 = vector.shape_cast %concatenate3A : vector<1024xf32> to vector<1024x1xf32>
    %swap3A = arith.constant 0 : index
    %swap3A_10 = arith.constant 0 : index
    %swap3A_11 = vector.load %arg1[%swap3A, %swap3A_10] : memref<1024x1xf32, #tpu.memory_space<vmem>>, vector<1024x1xf32>
    tpu.vector_store %arg1[%swap3A, %swap3A_10], %broadcast_in_dim3A_9 {strides = array<i32>} : memref<1024x1xf32, #tpu.memory_space<vmem>>, vector<1024x1xf32>,
    return
  }
}

module attributes {stable_mosaic.version = 14 : i64} {
  func.func @_finalize_body(%arg0: memref<32x16xf32, #tpu.memory_space<vmem>>, %arg1: memref<1x1xf32, #tpu.memory_space<vmem>>) attributes {dimension_semantics = [], scalar_prefetch = 0 : i64, scratch_operands = 0 : i64, tpu.core_type = #tpu.core_type<tc>} {
    %get3A = arith.constant 0 : index
    %get3A_0 = arith.constant 0 : index
    %get3A_1 = vector.load %arg0[%get3A, %get3A_0] : memref<32x16xf32, #tpu.memory_space<vmem>>, vector<32x16xf32>
    %reduce_sum3A = vector.shape_cast %get3A_1 : vector<32x16xf32> to vector<1x32x16xf32>
    %reduce_sum3A_2 = arith.constant dense<0.000000e+00> : vector<1xf32>
    %reduce_sum3A_3 = vector.multi_reduction <add>, %reduce_sum3A, %reduce_sum3A_2 [1, 2] : vector<1x32x16xf32> to vector<1xf32>
    %reduce_sum3A_4 = vector.shape_cast %reduce_sum3A_3 : vector<1xf32> to vector<1x1x1xf32>
    %reduce_sum3A_5 = vector.extract %reduce_sum3A_4[0, 0, 0] : f32 from vector<1x1x1xf32>
    %reshape3A = vector.broadcast %reduce_sum3A_5 : f32 to vector<1x1xf32>
    %mul3A = arith.constant 1.95312496E-5 : f32
    %mul3A_6 = vector.broadcast %mul3A : f32 to vector<1x1xf32>
    %mul3A_7 = arith.mulf %reshape3A, %mul3A_6 : vector<1x1xf32>
    %swap3A = arith.constant 0 : index
    %swap3A_8 = arith.constant 0 : index
    %swap3A_9 = vector.load %arg1[%swap3A, %swap3A_8] : memref<1x1xf32, #tpu.memory_space<vmem>>, vector<1x1xf32>
    tpu.vector_store %arg1[%swap3A, %swap3A_8], %mul3A_7 {strides = array<i32>} : memref<1x1xf32, #tpu.memory_space<vmem>>, vector<1x1xf32>,
    return
  }
}

</mosaic_0001>

<sc_bundles>
// kernel: kernel.5.cloned.1.call-start
scs
__scs_entry_jumppad:
0x0: {  	(pc) =	sbr.rel $0x88, $3  }
0x1: {  	(tag) =	ssettag $0x0;
	lr =	simm.s32 $0x1  }
0x2: {  	[smem:$0x3F9E] =	sst lr;
	_ =	strace $0xD0000000  }
0x3: {  	_ = 	snop  }
0x4: {  	_ = 	snop  }
0x5: {  	_ = 	snop  }
0x6: {  	_ = 	snop  }
0x7: {  	_ = 	snop  }
__scs_overlays_trampoline_lowered:
0x8: {  	[smem:$0x3FAD] =	sst s0  }
0x9: {  	[smem:$0x3FAE] =	sst s1  }
0xa: {  	[smem:$0x3FAF] =	sst s2  }
0xb: {  	[smem:$0x3FB0] =	sst s3  }
0xc: {  	[smem:$0x3FB1] =	sst s4  }
0xd: {  	[smem:$0x3FB2] =	sst s5  }
0xe: {  	[smem:$0x3FB3] =	sst s6  }
0xf: {  	[smem:$0x3FB4] =	sst s7  }
0x10: {  	[smem:$0x3FB5] =	sst s8  }
0x11: {  	[smem:$0x3FB6] =	sst s9;
	s0 =	simm.s32 @!p0 $0x0  }
0x12: {  	s1 =	sld [smem:$0x3F9C];
	s0 =	simm.s32 @p0 $0x1  }
0x13: {  	[smem:$0x3FB7] =	sst s0;
	s0 =	simm.s32 @!p1 $0x0  }
0x14: {  	s2 =	sld [smem:$0x3F9B];
	s0 =	simm.s32 @p1 $0x1  }
0x15: {  	[smem:$0x3FB8] =	sst s0;
	s0 =	simm.s32 @!p2 $0x0  }
0x16: {  	s3 =	sld [smem:$0x3FDB];
	s0 =	simm.s32 @p2 $0x1  }
0x17: {  	s4 =	simm.s32 $0x1BF5;
	[smem:$0x3FBA] =	sst s0  }
0x18: {  	s0 =	sld [smem:$0x3F9D];
	_ =	swait.ge [sflag:s4], $0x0  }
0x19: {  	s7 =	sld [smem:$0x3F9E]  }
0x1a: {  	s8 =	sadd.s32 $0xFFFFE003, lr  }
0x1b: {  	s9 =	sadd.s32 $0xFFFFFEF7, lr;
	s5 =	simm.s32 $0xFFFFFFFF;
	p2 =	slt.u32 s8, $0xFFFFF086  }
0x1c: {  	p1 =	slt.u32 s9, $0xF7A;
	s5 =	simm.s32 @!p2 $0x0  }
0x1d: {  	s5 =	simm.s32 @p1 $0x1;
	p0 =	seq.s32 s7, s2  }
0x1e: {  	s7 =	smul.u32 @!p0 $0xF7A, s2;
	p2 =	seq.s32 @!p0 s5, $0x0  }
0x1f: {  	s9 =	smul.u32 $0xF7A, s1;
	s8 =	simm.s32 @!p0 $0x1BF5;
	p2 =	por !p2, p0  }
0x20: {  	[sflag:s8] =	ssyncset.s32 @!p0 $0xFFFFF086;
	s6 =	sadd.s32 @!p0 s3, s7;
	s7 =	simm.s32 @!p0 $0x108  }
0x21: {  	s3 =	sadd.s32 s3, s9;
	s6 =	sadd.s32 @!p0 $0x88, s6;
	s7 =	simm.s32 @p2 $0x1082  }
0x22: {  	[simem:s7], [sflag:s8] =	dma.local @!p0 [hbm:s6], $0xF7A  }
0x23: {  	s9 =	sor.u32 $0xD0000000, s2;
	s6 =	simm.s32 $0x108;
	_ =	swait.ge @!p0 [sflag:s8], $0x0  }
0x24: {  	s3 =	sadd.s32 $0x88, s3;
	s6 =	simm.s32 @!p1 $0x1082;
	[sflag:s4] =	ssyncset.s32 $0xFFFFF086  }
0x25: {  	[simem:s6], [sflag:s4] =	dma.local [hbm:s3], $0xF7A  }
0x26: {  	[smem:$0x3F9E] =	sst s1;
	(tag) =	ssettag s2;
	_ =	strace s9  }
0x27: {  	s1 =	sld [smem:$0x3FAE]  }
0x28: {  	s2 =	sld [smem:$0x3FAF]  }
0x29: {  	s4 =	sld [smem:$0x3FB1]  }
0x2a: {  	p0 =	seq.s32 s5, $0x0;
	s5 =	sld [smem:$0x3FB2]  }
0x2b: {  	s6 =	sld [smem:$0x3FB3]  }
0x2c: {  	s7 =	sld [smem:$0x3FB4]  }
0x2d: {  	s3 =	simm.s32 $0x108;
	s8 =	sld [smem:$0x3FB5]  }
0x2e: {  	s3 =	simm.s32 @!p0 $0x1082;
	s9 =	sld [smem:$0x3FB6]  }
0x2f: {  	lr =	sadd.s32 s0, s3;
	s0 =	sld [smem:$0x3FAD]  }
0x30: {  	s3 =	sld [smem:$0x3FB0]  }
0x31: {  	[smem:$0x3FB9] =	sst s10  }
0x32: {  	s10 =	sld [smem:$0x3FB7];
	_ =	sdelay $0x3  }
0x33: {  	p0 =	seq.s32 s10, $0x1;
	s10 =	sld [smem:$0x3FB9];
	_ =	sdelay $0x3  }
0x34: {  	[smem:$0x3FB9] =	sst s10  }
0x35: {  	s10 =	sld [smem:$0x3FB8];
	_ =	sdelay $0x3  }
0x36: {  	p1 =	seq.s32 s10, $0x1;
	s10 =	sld [smem:$0x3FB9];
	_ =	sdelay $0x3  }
0x37: {  	[smem:$0x3FB9] =	sst s10  }
0x38: {  	s10 =	sld [smem:$0x3FBA]  }
0x39: {  	_ = 	snop;
	(pc) =	sbr.ind lr, $3  }
0x3a: {  	_ = 	snop  }
0x3b: {  	_ = 	snop  }
0x3c: {  	p2 =	seq.s32 s10, $0x1;
	s10 =	sld [smem:$0x3FB9]  }
0x3d: {  	_ =	shalt  }
0x3e: {  	_ =	shalt  }
0x3f: {  	_ =	shalt  }
0x40: {  	_ =	shalt  }
0x41: {  	_ =	shalt  }
0x42: {  	_ =	shalt  }
0x43: {  	_ =	shalt  }
0x44: {  	_ =	shalt  }
0x45: {  	_ =	shalt  }
0x46: {  	_ =	shalt  }
0x47: {  	_ =	shalt  }
0x48: {  	_ =	shalt  }
0x49: {  	_ =	shalt  }
0x4a: {  	_ =	shalt  }
0x4b: {  	_ =	shalt  }
0x4c: {  	_ =	shalt  }
0x4d: {  	_ =	shalt  }
0x4e: {  	_ =	shalt  }
0x4f: {  	_ =	shalt  }
0x50: {  	_ =	shalt  }
0x51: {  	_ =	shalt  }
0x52: {  	_ =	shalt  }
0x53: {  	_ =	shalt  }
0x54: {  	_ =	shalt  }
0x55: {  	_ =	shalt  }
0x56: {  	_ =	shalt  }
0x57: {  	_ =	shalt  }
0x58: {  	_ =	shalt  }
0x59: {  	_ =	shalt  }
0x5a: {  	_ =	shalt  }
0x5b: {  	_ =	shalt  }
0x5c: {  	_ =	shalt  }
0x5d: {  	_ =	shalt  }
0x5e: {  	_ =	shalt  }
0x5f: {  	_ =	shalt  }
0x60: {  	_ =	shalt  }
0x61: {  	_ =	shalt  }
0x62: {  	_ =	shalt  }
0x63: {  	_ =	shalt  }
0x64: {  	_ =	shalt  }
0x65: {  	_ =	shalt  }
0x66: {  	_ =	shalt  }
0x67: {  	_ =	shalt  }
0x68: {  	_ =	shalt  }
0x69: {  	_ =	shalt  }
0x6a: {  	_ =	shalt  }
0x6b: {  	_ =	shalt  }
0x6c: {  	_ =	shalt  }
0x6d: {  	_ =	shalt  }
0x6e: {  	_ =	shalt  }
0x6f: {  	_ =	shalt  }
0x70: {  	_ =	shalt  }
0x71: {  	_ =	shalt  }
0x72: {  	_ =	shalt  }
0x73: {  	_ =	shalt  }
0x74: {  	_ =	shalt  }
0x75: {  	_ =	shalt  }
0x76: {  	_ =	shalt  }
0x77: {  	_ =	shalt  }
0x78: {  	_ =	shalt  }
0x79: {  	_ =	shalt  }
0x7a: {  	_ =	shalt  }
0x7b: {  	_ =	shalt  }
0x7c: {  	_ =	shalt  }
0x7d: {  	_ =	shalt  }
0x7e: {  	_ =	shalt  }
0x7f: {  	_ =	shalt  }
0x80: {  	_ =	shalt  }
0x81: {  	_ =	shalt  }
0x82: {  	_ =	shalt  }
0x83: {  	_ =	shalt  }
0x84: {  	_ =	shalt  }
0x85: {  	_ =	shalt  }
0x86: {  	_ =	shalt  }
0x87: {  	_ =	shalt  }
.Lfunc_end0:
.L_simem_size_0:
called_computation.1_lowered:
.L_overlay_start_0:
0x88: {  	s2 =	sld [smem:$0x3FD9]  }
0x89: {  	s3 =	sld [smem:$0x3FFE];
	_ =	sdelay $0x1  }
0x8a: {  	s1 =	srdreg.scid  }
0x8b: {  	s0 =	sand.u32 $0x1, s1  }
0x8c: {  	s14 =	sshll.u32 s0, $0xA;
	s2 =	sadd.s32 s3, s2  }
0x8d: {  	s2 =	sadd.s32 s2, s14  }
0x8e: {  	[smem:$0x3FC5] =	sst s2  }
0x8f: {  	_ = 	snop  }
0x90: {  	s2 =	sld [smem:$0x3FD0];
	_ =	sdelay $0x2  }
0x91: {  	s15 =	simm.s32 $0xA;
	s4 =	simm.s32 $0x10  }
0x92: {  	[smem:s4], [sflag:s15] =	dma.local [hbm:s2], $0x1  }
0x93: {  	_ =	swait.eq [sflag:s15], $0x1  }
0x94: {  	[sflag:s15] =	ssyncset.done $0x0  }
0x95: {  	[sflag:s15] =	ssyncadd.s32 $0xFFFFFFFF  }
0x96: {  	s16 =	sld [smem:$0x10];
	(tm) =	ssettm $0x1  }
0x97: {  	s17 =	sld [smem:$0x3FFB];
	_ =	sdelay $0x3  }
0x98: {  	_ =	strace s17  }
0x99: {  	s3 =	sld [smem:$0x3FFC];
	_ =	sdelay $0x3  }
0x9a: {  	_ =	strace s3  }
0x9b: {  	s3 =	sld [smem:$0x3FFD];
	_ =	sdelay $0x3  }
0x9c: {  	_ =	strace s3  }
0x9d: {  	_ =	strace $0x8FFFFFFF  }
0x9e: {  	s18 =	sld [smem:$0x3FDB];
	_ =	sdelay $0x1  }
0x9f: {  	s19 =	simm.s32 $_scs_section_size  }
0xa0: {  	s5 =	simm.s32 $_size__tile_overlayer_lowered;
	s6 =	simm.s32 $_tile_overlayer_lowered  }
0xa1: {  	s22 =	simm.s32 $0x1BFF;
	s21 =	sshll.u32 s6, $0x1;
	s3 =	sadd.s32 s19, s18  }
0xa2: {  	s7 =	simm.s32 $0x0;
	s20 =	sshll.u32 s5, $0x1;
	s5 =	sadd.s32 s21, s3  }
0xa3: {  	[timem:s7], [sflag:s22] =	dma.local [hbm:s5], s20  }
0xa4: {  	_ =	swait.ge [sflag:s22], s20  }
0xa5: {  	s4 =	ssub.s32 $0x0, s20;
	[sflag:s22] =	ssyncset.done $0x0  }
0xa6: {  	[sflag:s22] =	ssyncadd.s32 s4;
	_ =	sdelay $0x1  }
0xa7: {  	s23 =	simm.s32 $0x1B8B  }
0xa8: {  	_ =	swait.ge [sflag:s23], $0x1  }
0xa9: {  	[sflag:s23] =	ssyncset.done $0x0  }
0xaa: {  	s25 =	simm.s32 $0x1B8E;
	s24 =	sld [smem:$0x3FFE];
	[sflag:s23] =	ssyncadd.s32 $0xFFFFFFFF  }
0xab: {  	s26 =	simm.s32 $execute0_lowered;
	[smem:$0x3FD2] =	sst s25  }
0xac: {  	s5 =	sshll.u32 s26, $0x1;
	_ =	strace $0x80000046;
	[dreg:$0x1] =	wrdreg $0xFFFFFFFF  }
0xad: {  	s28 =	simm.s32 $_size_execute0_lowered;
	s3 =	sadd.s32 s3, s5;
	[dreg:$0x0] =	wrdreg $0x0  }
0xae: {  	s5 =	sshll.u32 s28, $0x1;
	[dreg:$0x2] =	wrdreg s3  }
0xaf: {  	[dreg:$0x3] =	wrdreg s5  }
0xb0: {  	[dreg:$0x4] =	wrdreg $0xC0  }
0xb1: {  	_ =	task [dreg:s7], $0x5FFFF  }
0xb2: {  	[dreg:$0x1] =	wrdreg $0xFFFFFFFF  }
0xb3: {  	[dreg:$0x0] =	wrdreg $0x60  }
0xb4: {  	[dreg:$0x2] =	wrdreg s16  }
0xb5: {  	[dreg:$0x3] =	wrdreg s24  }
0xb6: {  	[dreg:$0x4] =	wrdreg $0x9  }
0xb7: {  	_ =	task.clear_ibuf [dreg:s7], $0x5FFFF;
	_ =	strace $0x90000046  }
0xb8: {  	s29 =	simm.s32 $0x9;
	_ =	strace $0x80000048  }
0xb9: {  	_ =	swait.ge [sflag:s29], $0x1  }
0xba: {  	[sflag:s29] =	ssyncadd.s32 $0xFFFFFFFF  }
0xbb: {  	_ =	strace $0x90000048  }
0xbc: {  	_ =	sfence  }
0xbd: {  	s30 =	sld [smem:$0x0];
	_ =	sdelay $0x2  }
0xbe: {  	s31 =	sshll.u32 s1, $0xD;
	s1 =	sshrl.u32 s1, $0x2  }
0xbf: {  	s3 =	sand.u32 $0x4000, s31;
	s1 =	sadd.s32 s1, s30  }
0xc0: {  	s0 =	sor.u32 s3, s0;
	s1 =	sshll.u32 s1, $0x11  }
0xc1: {  	s0 =	sor.u32 s1, s0  }
0xc2: {  	s0 =	sadd.s32 $0x8F2B, s0  }
0xc3: {  	[sflag:s0] =	ssyncadd.remote.s32 $0x1  }
0xc4: {  	_ =	sfence.sel $0xFFFF  }
0xc5: {  	[dreg:$0x0] =	wrdreg $0xFFFFFFFF;
	(pc) =	sbr.abs _section_cstart, $3  }
0xc6: {  	[dreg:$0x1] =	wrdreg $0xFFFFFFFF  }
0xc7: {  	_ =	task.clear_ibuf [dreg:s7], $0x2FFFF;
	_ =	strace $0x9FFFFFFF  }
0xc8: {  	(tm) =	ssettm $0x7FFFFFFF  }
0xc9: {  	_ =	shalt  }
tec
execute0_lowered:
.L_overlay_start_1:
0x0: {  	(tag) =	ssettag $0x1  }
0x1: {  	s1 =	srdreg.scid;
	s2 =	rddreg [dreg:$0x0]  }
0x2: {  	s0 =	stileid.u32;
	s7 =	rddreg [dreg:$0x1];
	s3 =	simm.s32 $0x0  }
0x3: {  	s11 =	simm.s32 $0x1C00;
	s12 =	simm.s32 $0x3800;
	s13 =	simm.s32 $0x20  }
0x4: {  	s14 =	simm.s32 $0x3C00;
	s15 =	simm.s32 $0x4;
	s16 =	simm.s32 $0x13C00  }
0x5: {  	s17 =	simm.s32 $0x3;
	s18 =	simm.s32 $0x2;
	s19 =	simm.s32 $0xBC00  }
0x6: {  	s20 =	simm.s32 $0x0;
	s5 =	sand.u32 $0x1, s1;
	s1 =	rddreg [dreg:$0x2]  }
0x7: {  	s29 =	sshll.u32 s0, $0x1;
	s8 =	smul.u32 $0x320000, s0;
	[smem:$0x7FF] =	sst s3  }
0x8: {  	s6 =	sor.u32 s5, s29;
	s9 =	smul.u32 $0x190000, s5;
	_ =	strace $0x80000047  }
0x9: {  	s5 =	ssub.s32 $0x2, s5;
	s4 =	smul.u32 $0x380, s6;
	s6 =	sshll.u32 s6, $0x4  }
.Ltmp0:
0xa: {  	s31 =	sshrl.u32 s5, $0x1;
	s8 =	sadd.s32 s9, s8;
	(pc) =	sbr.rel .LBB2_1-.Ltmp0, $4  }
0xb: {  	s10 =	sadd.s32 s4, s7;
	s4 =	sadd.s32 $0xF000, s7;
	s8 =	sshrl.u32 s8, $0x3  }
0xc: {  	s30 =	sadd.s32 s8, s7;
	s7 =	sadd.s32 s6, s7;
	s8 =	ssub.s32 s5, s31  }
0xd: {  	s5 =	sadd.s32 $0x1000, s10;
	s6 =	sadd.s32 $0x8000, s10;
	s10 =	simm.s32 $0x5  }
0xe: {  	v0 =	vimm.f32 $0.0e+00;
	v1 =	vlaneseq.u32;
	s7 =	sadd.s32 $0x64F200, s7;
	s8 =	smax.u32 s8, $0x1;
	s9 =	sadd.s32 $0xF200, s30  }
.LBB2_5:
0xf: {  	_ =	swait.ge [sflag:s15], $0x8000;
	s20 =	sadd.s32 $0x1, s20  }
0x10: {  	[sflag:s15] =	ssyncset.done $0x0;
	p0 =	sne.s32 s20, s8  }
.Ltmp1:
0x11: {  	[sflag:s15] =	ssyncadd.s32 $0xFFFF8000;
	(pc) =	sbr.rel @!p0 .LBB2_6-.Ltmp1, $4  }
0x12: {  	[hbm4b:s7+s3] =	stream.linear.scatter [tilespmem:s16], [sflag:$0x5], $0x80, $0x38;
	[tilespmem:$0x13C80] =	vst v63  }
0x13: {  	_ =	swait.ge [sflag:s10], $0x80  }
0x14: {  	[sflag:s10] =	ssyncset.done $0x0  }
0x15: {  	[sflag:s10] =	ssyncadd.s32 $0xFFFFFF80  }
.LBB2_1:
0x16: {  	[tilespmem:s3], [sflag:$0x5] =	stream.linear.gather [hbm4b:s5+s3], $0x1900, $0x38;
	[tilespmem:$0x13C80] =	vst v63  }
0x17: {  	_ =	swait.ge [sflag:s10], $0x1900  }
0x18: {  	[sflag:s10] =	ssyncset.done $0x0  }
0x19: {  	[sflag:s10] =	ssyncadd.s32 $0xFFFFE700  }
0x1a: {  	[tilespmem:s11], [sflag:$0x5] =	stream.linear.gather [hbm4b:s6+s3], $0x1900, $0x38;
	[tilespmem:$0x13C80] =	vst v63  }
0x1b: {  	_ =	swait.ge [sflag:s10], $0x1900  }
0x1c: {  	[sflag:s10] =	ssyncset.done $0x0  }
0x1d: {  	[sflag:s10] =	ssyncadd.s32 $0xFFFFE700  }
0x1e: {  	[tilespmem:s12], [sflag:$0x5] =	stream.linear.gather [hbm4b:s4+s3], $0x400, $0x38;
	[tilespmem:$0x13C80] =	vst v63  }
.Ltmp2:
0x1f: {  	_ =	swait.ge [sflag:s10], $0x400;
	(pc) =	sbr.rel .LBB2_2-.Ltmp2, $4  }
0x20: {  	[sflag:s10] =	ssyncset.done $0x0  }
0x21: {  	[sflag:s10] =	ssyncadd.s32 $0xFFFFFC00  }
0x22: {  	s21 =	smov.u32 s9;
	s22 =	simm.s32 $0x0;
	s23 =	simm.s32 $0x0;
	[tilespmem:$0x13C00] =	vst v0  }
0x23: {  	[tilespmem:s14], [sflag:$0x1] =	stream.indirect.gather [hbm4b:s2+s13], $0x400, s3, s13, $0xb8;
	[tilespmem:$0x13C80] =	vst v63  }
.LBB2_4:
0x24: {  	s22 =	sadd.s32 $0x200, s22  }
0x25: {  	p0 =	sne.s32 s22, $0x6400  }
.Ltmp3:
0x26: {  	_ = 	snop;
	(pc) =	sbr.rel @!p0 .LBB2_5-.Ltmp3, $2  }
0x27: {  	_ =	sdelay $0x2  }
0x28: {  	s23 =	sadd.s32 $0x1, s23;
	s21 =	sadd.s32 $0x1000, s21  }
.LBB2_2:
0x29: {  	s24 =	sand.u32 $0x1, s23  }
0x2a: {  	p0 =	seq.s32 s24, $0x1  }
0x2b: {  	p1 =	seq.s32 @!p0 s22, $0x0  }
0x2c: {  	p1 =	por p1, p0  }
0x2d: {  	s25 =	simm.s32 @!p1 $0x4  }
0x2e: {  	_ =	swait.ge @!p1 [sflag:s25], $0x8000  }
0x2f: {  	[sflag:s25] =	ssyncset.done @!p1 $0x0  }
0x30: {  	[sflag:s25] =	ssyncadd.s32 @!p1 $0xFFFF8000;
	s25 =	sshra.s32 @!p0 s22, $0x2  }
0x31: {  	s28 =	simm.s32 @!p0 $0x20;
	s29 =	simm.s32 @!p0 $0xBC00;
	s26 =	sadd.s32 @!p0 $0x80, s25  }
0x32: {  	[tilespmem:s29], [sflag:$0x2] =	stream.indirect.gather @!p0 [hbm4b:s2+s28], $0x400, s26, s28, $0xb8;
	[tilespmem:$0x13C80] =	vst v63  }
0x33: {  	s26 =	simm.s32 @!p0 $0x1  }
0x34: {  	_ =	swait.ge @!p0 [sflag:s26], $0x8000  }
0x35: {  	[sflag:s26] =	ssyncset.done @!p0 $0x0  }
0x36: {  	[sflag:s26] =	ssyncadd.s32 @!p0 $0xFFFF8000  }
0x37: {  	v4 =	vld @!p0 [tilespmem:s25+$0x0];
	_ =	sdelay $0x1  }
0x38: {  	v3 =	vld @!p0 [tilespmem:s25+$0x1C00];
	_ =	sdelay $0x2  }
0x39: {  	(v2sf) =	vpush @!p0 v4, $0x0;
	_ =	sdelay $0x1  }
0x3a: {  	(v2sf) =	vpush @!p0 v3, $0x0;
	_ =	sdelay $0x8  }
0x3b: {  	(v2sf) =	vpush @!p0 v4, $0x1;
	_ =	sdelay $0x1  }
0x3c: {  	(v2sf) =	vpush @!p0 v3, $0x1;
	_ =	sdelay $0x1  }
0x3d: {  	s26 =	spop @!p0 (v2sf)  }
0x3e: {  	s28 =	sand.u32 @!p0 $0xFFFFFFF0, s26  }
0x3f: {  	s29 =	spop @!p0 (v2sf);
	v5 =	vld @!p0 [tilespmem:s28+$0x3800]  }
0x40: {  	v6 =	vld @!p0 [tilespmem:$0x13C00];
	s28 =	sand.u32 @!p0 $0xFFFFFFF0, s29  }
0x41: {  	s26 =	sand.u32 @!p0 $0xF, s26;
	v7 =	vld @!p0 [tilespmem:s28+$0x3C00]  }
0x42: {  	v2 =	vlaneseq.u32 @!p0;
	v8 =	vmov @!p0 s26  }
0x43: {  	s26 =	sand.u32 @!p0 $0xF, s29;
	vm0 =	veq.s32 @!p0 v8, v2  }
0x44: {  	(v2sf) =	vpush @!p0 v4, $0x2;
	v8 =	vmov @!p0 s26;
	v5 =	vnsel @!p0 vm0, $0x0, v5  }
0x45: {  	vm0 =	veq.s32 @!p0 v8, v2;
	v5 =	vadd.f32 @!p0 v5, v6  }
0x46: {  	(v2sf) =	vpush @!p0 v3, $0x2;
	v6 =	vnsel @!p0 vm0, $0x0, v7  }
0x47: {  	v5 =	vsub.f32 @!p0 v5, v6  }
0x48: {  	s26 =	spop @!p0 (v2sf)  }
0x49: {  	s28 =	sand.u32 @!p0 $0xFFFFFFF0, s26;
	[tilespmem:$0x13C00] =	vst @!p0 v5  }
0x4a: {  	s29 =	spop @!p0 (v2sf);
	v6 =	vld @!p0 [tilespmem:s28+$0x3800]  }
0x4b: {  	s28 =	sand.u32 @!p0 $0xFFFFFFF0, s29  }
0x4c: {  	s26 =	sand.u32 @!p0 $0xF, s26;
	v7 =	vld @!p0 [tilespmem:s28+$0x4000]  }
0x4d: {  	v8 =	vmov @!p0 s26  }
0x4e: {  	s26 =	sand.u32 @!p0 $0xF, s29;
	vm0 =	veq.s32 @!p0 v8, v2  }
0x4f: {  	(v2sf) =	vpush @!p0 v4, $0x3;
	v8 =	vmov @!p0 s26;
	v6 =	vnsel @!p0 vm0, $0x0, v6  }
0x50: {  	vm0 =	veq.s32 @!p0 v8, v2;
	v5 =	vadd.f32 @!p0 v5, v6  }
0x51: {  	(v2sf) =	vpush @!p0 v3, $0x3;
	v6 =	vnsel @!p0 vm0, $0x0, v7  }
0x52: {  	v5 =	vsub.f32 @!p0 v5, v6  }
0x53: {  	s26 =	spop @!p0 (v2sf)  }
0x54: {  	s28 =	sand.u32 @!p0 $0xFFFFFFF0, s26;
	[tilespmem:$0x13C00] =	vst @!p0 v5  }
0x55: {  	s29 =	spop @!p0 (v2sf);
	v6 =	vld @!p0 [tilespmem:s28+$0x3800]  }
0x56: {  	s28 =	sand.u32 @!p0 $0xFFFFFFF0, s29  }
0x57: {  	s26 =	sand.u32 @!p0 $0xF, s26;
	v7 =	vld @!p0 [tilespmem:s28+$0x4400]  }
0x58: {  	v8 =	vmov @!p0 s26  }
0x59: {  	s26 =	sand.u32 @!p0 $0xF, s29;
	vm0 =	veq.s32 @!p0 v8, v2  }
0x5a: {  	(v2sf) =	vpush @!p0 v4, $0x4;
	v8 =	vmov @!p0 s26;
	v6 =	vnsel @!p0 vm0, $0x0, v6  }
0x5b: {  	vm0 =	veq.s32 @!p0 v8, v2;
	v5 =	vadd.f32 @!p0 v6, v5  }
0x5c: {  	(v2sf) =	vpush @!p0 v3, $0x4;
	v6 =	vnsel @!p0 vm0, $0x0, v7  }
0x5d: {  	v5 =	vsub.f32 @!p0 v5, v6  }
0x5e: {  	s26 =	spop @!p0 (v2sf)  }
0x5f: {  	s28 =	sand.u32 @!p0 $0xFFFFFFF0, s26;
	[tilespmem:$0x13C00] =	vst @!p0 v5  }
0x60: {  	s29 =	spop @!p0 (v2sf);
	v6 =	vld @!p0 [tilespmem:s28+$0x3800]  }
0x61: {  	s28 =	sand.u32 @!p0 $0xFFFFFFF0, s29  }
0x62: {  	s26 =	sand.u32 @!p0 $0xF, s26;
	v7 =	vld @!p0 [tilespmem:s28+$0x4800]  }
0x63: {  	v8 =	vmov @!p0 s26  }
0x64: {  	s26 =	sand.u32 @!p0 $0xF, s29;
	vm0 =	veq.s32 @!p0 v8, v2  }
0x65: {  	(v2sf) =	vpush @!p0 v4, $0x5;
	v8 =	vmov @!p0 s26;
	v6 =	vnsel @!p0 vm0, $0x0, v6  }
0x66: {  	vm0 =	veq.s32 @!p0 v8, v2;
	v5 =	vadd.f32 @!p0 v6, v5  }
0x67: {  	(v2sf) =	vpush @!p0 v3, $0x5;
	v6 =	vnsel @!p0 vm0, $0x0, v7  }
0x68: {  	v5 =	vsub.f32 @!p0 v5, v6  }
0x69: {  	s26 =	spop @!p0 (v2sf)  }
0x6a: {  	s28 =	sand.u32 @!p0 $0xFFFFFFF0, s26;
	[tilespmem:$0x13C00] =	vst @!p0 v5  }
0x6b: {  	s29 =	spop @!p0 (v2sf);
	v6 =	vld @!p0 [tilespmem:s28+$0x3800]  }
0x6c: {  	s28 =	sand.u32 @!p0 $0xFFFFFFF0, s29  }
0x6d: {  	s26 =	sand.u32 @!p0 $0xF, s26;
	v7 =	vld @!p0 [tilespmem:s28+$0x4C00]  }
0x6e: {  	v8 =	vmov @!p0 s26  }
0x6f: {  	s26 =	sand.u32 @!p0 $0xF, s29;
	vm0 =	veq.s32 @!p0 v8, v2  }
0x70: {  	(v2sf) =	vpush @!p0 v4, $0x6;
	v8 =	vmov @!p0 s26;
	v6 =	vnsel @!p0 vm0, $0x0, v6  }
0x71: {  	vm0 =	veq.s32 @!p0 v8, v2;
	v5 =	vadd.f32 @!p0 v6, v5  }
0x72: {  	(v2sf) =	vpush @!p0 v3, $0x6;
	v6 =	vnsel @!p0 vm0, $0x0, v7  }
0x73: {  	v5 =	vsub.f32 @!p0 v5, v6  }
0x74: {  	s26 =	spop @!p0 (v2sf)  }
0x75: {  	s28 =	sand.u32 @!p0 $0xFFFFFFF0, s26;
	[tilespmem:$0x13C00] =	vst @!p0 v5  }
0x76: {  	s29 =	spop @!p0 (v2sf);
	v6 =	vld @!p0 [tilespmem:s28+$0x3800]  }
0x77: {  	s28 =	sand.u32 @!p0 $0xFFFFFFF0, s29  }
0x78: {  	s26 =	sand.u32 @!p0 $0xF, s26;
	v7 =	vld @!p0 [tilespmem:s28+$0x5000]  }
0x79: {  	v8 =	vmov @!p0 s26  }
0x7a: {  	s26 =	sand.u32 @!p0 $0xF, s29;
	vm0 =	veq.s32 @!p0 v8, v2  }
0x7b: {  	(v2sf) =	vpush @!p0 v4, $0x7;
	v8 =	vmov @!p0 s26;
	v6 =	vnsel @!p0 vm0, $0x0, v6  }
0x7c: {  	vm0 =	veq.s32 @!p0 v8, v2;
	v5 =	vadd.f32 @!p0 v6, v5  }
0x7d: {  	(v2sf) =	vpush @!p0 v3, $0x7;
	v6 =	vnsel @!p0 vm0, $0x0, v7  }
0x7e: {  	v5 =	vsub.f32 @!p0 v5, v6  }
0x7f: {  	s26 =	spop @!p0 (v2sf)  }
0x80: {  	s28 =	sand.u32 @!p0 $0xFFFFFFF0, s26;
	[tilespmem:$0x13C00] =	vst @!p0 v5  }
0x81: {  	s29 =	spop @!p0 (v2sf);
	v6 =	vld @!p0 [tilespmem:s28+$0x3800]  }
0x82: {  	s28 =	sand.u32 @!p0 $0xFFFFFFF0, s29  }
0x83: {  	s26 =	sand.u32 @!p0 $0xF, s26;
	v7 =	vld @!p0 [tilespmem:s28+$0x5400]  }
0x84: {  	v8 =	vmov @!p0 s26  }
0x85: {  	s26 =	sand.u32 @!p0 $0xF, s29;
	vm0 =	veq.s32 @!p0 v8, v2  }
0x86: {  	(v2sf) =	vpush @!p0 v4, $0x8;
	v8 =	vmov @!p0 s26;
	v6 =	vnsel @!p0 vm0, $0x0, v6  }
0x87: {  	vm0 =	veq.s32 @!p0 v8, v2;
	v5 =	vadd.f32 @!p0 v6, v5  }
0x88: {  	(v2sf) =	vpush @!p0 v3, $0x8;
	v6 =	vnsel @!p0 vm0, $0x0, v7  }
0x89: {  	v5 =	vsub.f32 @!p0 v5, v6  }
0x8a: {  	s26 =	spop @!p0 (v2sf)  }
0x8b: {  	s28 =	sand.u32 @!p0 $0xFFFFFFF0, s26;
	[tilespmem:$0x13C00] =	vst @!p0 v5  }
0x8c: {  	s29 =	spop @!p0 (v2sf);
	v6 =	vld @!p0 [tilespmem:s28+$0x3800]  }
0x8d: {  	s28 =	sand.u32 @!p0 $0xFFFFFFF0, s29  }
0x8e: {  	s26 =	sand.u32 @!p0 $0xF, s26;
	v7 =	vld @!p0 [tilespmem:s28+$0x5800]  }
0x8f: {  	v8 =	vmov @!p0 s26  }
0x90: {  	s26 =	sand.u32 @!p0 $0xF, s29;
	vm0 =	veq.s32 @!p0 v8, v2  }
0x91: {  	(v2sf) =	vpush @!p0 v4, $0x9;
	v8 =	vmov @!p0 s26;
	v6 =	vnsel @!p0 vm0, $0x0, v6  }
0x92: {  	vm0 =	veq.s32 @!p0 v8, v2;
	v5 =	vadd.f32 @!p0 v6, v5  }
0x93: {  	(v2sf) =	vpush @!p0 v3, $0x9;
	v6 =	vnsel @!p0 vm0, $0x0, v7  }
0x94: {  	v5 =	vsub.f32 @!p0 v5, v6  }
0x95: {  	s26 =	spop @!p0 (v2sf)  }
0x96: {  	s28 =	sand.u32 @!p0 $0xFFFFFFF0, s26;
	[tilespmem:$0x13C00] =	vst @!p0 v5  }
0x97: {  	s29 =	spop @!p0 (v2sf);
	v6 =	vld @!p0 [tilespmem:s28+$0x3800]  }
0x98: {  	s28 =	sand.u32 @!p0 $0xFFFFFFF0, s29  }
0x99: {  	s26 =	sand.u32 @!p0 $0xF, s26;
	v7 =	vld @!p0 [tilespmem:s28+$0x5C00]  }
0x9a: {  	v8 =	vmov @!p0 s26  }
0x9b: {  	s26 =	sand.u32 @!p0 $0xF, s29;
	vm0 =	veq.s32 @!p0 v8, v2  }
0x9c: {  	(v2sf) =	vpush @!p0 v4, $0xA;
	v8 =	vmov @!p0 s26;
	v6 =	vnsel @!p0 vm0, $0x0, v6  }
0x9d: {  	vm0 =	veq.s32 @!p0 v8, v2;
	v5 =	vadd.f32 @!p0 v6, v5  }
0x9e: {  	(v2sf) =	vpush @!p0 v3, $0xA;
	v6 =	vnsel @!p0 vm0, $0x0, v7  }
0x9f: {  	v5 =	vsub.f32 @!p0 v5, v6  }
0xa0: {  	s26 =	spop @!p0 (v2sf)  }
0xa1: {  	s28 =	sand.u32 @!p0 $0xFFFFFFF0, s26;
	[tilespmem:$0x13C00] =	vst @!p0 v5  }
0xa2: {  	s29 =	spop @!p0 (v2sf);
	v6 =	vld @!p0 [tilespmem:s28+$0x3800]  }
0xa3: {  	s28 =	sand.u32 @!p0 $0xFFFFFFF0, s29  }
0xa4: {  	s26 =	sand.u32 @!p0 $0xF, s26;
	v7 =	vld @!p0 [tilespmem:s28+$0x6000]  }
0xa5: {  	v8 =	vmov @!p0 s26  }
0xa6: {  	s26 =	sand.u32 @!p0 $0xF, s29;
	vm0 =	veq.s32 @!p0 v8, v2  }
0xa7: {  	(v2sf) =	vpush @!p0 v4, $0xB;
	v8 =	vmov @!p0 s26;
	v6 =	vnsel @!p0 vm0, $0x0, v6  }
0xa8: {  	vm0 =	veq.s32 @!p0 v8, v2;
	v5 =	vadd.f32 @!p0 v6, v5  }
0xa9: {  	(v2sf) =	vpush @!p0 v3, $0xB;
	v6 =	vnsel @!p0 vm0, $0x0, v7  }
0xaa: {  	v5 =	vsub.f32 @!p0 v5, v6  }
0xab: {  	s26 =	spop @!p0 (v2sf)  }
0xac: {  	s28 =	sand.u32 @!p0 $0xFFFFFFF0, s26;
	[tilespmem:$0x13C00] =	vst @!p0 v5  }
0xad: {  	s29 =	spop @!p0 (v2sf);
	v6 =	vld @!p0 [tilespmem:s28+$0x3800]  }
0xae: {  	s28 =	sand.u32 @!p0 $0xFFFFFFF0, s29  }
0xaf: {  	s26 =	sand.u32 @!p0 $0xF, s26;
	v7 =	vld @!p0 [tilespmem:s28+$0x6400]  }
0xb0: {  	v8 =	vmov @!p0 s26  }
0xb1: {  	s26 =	sand.u32 @!p0 $0xF, s29;
	vm0 =	veq.s32 @!p0 v8, v2  }
0xb2: {  	(v2sf) =	vpush @!p0 v4, $0xC;
	v8 =	vmov @!p0 s26;
	v6 =	vnsel @!p0 vm0, $0x0, v6  }
0xb3: {  	vm0 =	veq.s32 @!p0 v8, v2;
	v5 =	vadd.f32 @!p0 v6, v5  }
0xb4: {  	(v2sf) =	vpush @!p0 v3, $0xC;
	v6 =	vnsel @!p0 vm0, $0x0, v7  }
0xb5: {  	v5 =	vsub.f32 @!p0 v5, v6  }
0xb6: {  	s26 =	spop @!p0 (v2sf)  }
0xb7: {  	s28 =	sand.u32 @!p0 $0xFFFFFFF0, s26;
	[tilespmem:$0x13C00] =	vst @!p0 v5  }
0xb8: {  	s29 =	spop @!p0 (v2sf);
	v6 =	vld @!p0 [tilespmem:s28+$0x3800]  }
0xb9: {  	s28 =	sand.u32 @!p0 $0xFFFFFFF0, s29  }
0xba: {  	s26 =	sand.u32 @!p0 $0xF, s26;
	v7 =	vld @!p0 [tilespmem:s28+$0x6800]  }
0xbb: {  	v8 =	vmov @!p0 s26  }
0xbc: {  	s26 =	sand.u32 @!p0 $0xF, s29;
	vm0 =	veq.s32 @!p0 v8, v2  }
0xbd: {  	(v2sf) =	vpush @!p0 v4, $0xD;
	v8 =	vmov @!p0 s26;
	v6 =	vnsel @!p0 vm0, $0x0, v6  }
0xbe: {  	vm0 =	veq.s32 @!p0 v8, v2;
	v5 =	vadd.f32 @!p0 v6, v5  }
0xbf: {  	(v2sf) =	vpush @!p0 v3, $0xD;
	v6 =	vnsel @!p0 vm0, $0x0, v7  }
0xc0: {  	v5 =	vsub.f32 @!p0 v5, v6  }
0xc1: {  	s26 =	spop @!p0 (v2sf)  }
0xc2: {  	s28 =	sand.u32 @!p0 $0xFFFFFFF0, s26;
	[tilespmem:$0x13C00] =	vst @!p0 v5  }
0xc3: {  	s29 =	spop @!p0 (v2sf);
	v6 =	vld @!p0 [tilespmem:s28+$0x3800]  }
0xc4: {  	s28 =	sand.u32 @!p0 $0xFFFFFFF0, s29  }
0xc5: {  	s26 =	sand.u32 @!p0 $0xF, s26;
	v7 =	vld @!p0 [tilespmem:s28+$0x6C00]  }
0xc6: {  	v8 =	vmov @!p0 s26  }
0xc7: {  	s26 =	sand.u32 @!p0 $0xF, s29;
	vm0 =	veq.s32 @!p0 v8, v2  }
0xc8: {  	(v2sf) =	vpush @!p0 v4, $0xE;
	v8 =	vmov @!p0 s26;
	v6 =	vnsel @!p0 vm0, $0x0, v6  }
0xc9: {  	vm0 =	veq.s32 @!p0 v8, v2;
	v5 =	vadd.f32 @!p0 v6, v5  }
0xca: {  	(v2sf) =	vpush @!p0 v3, $0xE;
	v6 =	vnsel @!p0 vm0, $0x0, v7  }
0xcb: {  	v5 =	vsub.f32 @!p0 v5, v6  }
0xcc: {  	s26 =	spop @!p0 (v2sf)  }
0xcd: {  	s28 =	sand.u32 @!p0 $0xFFFFFFF0, s26;
	[tilespmem:$0x13C00] =	vst @!p0 v5  }
0xce: {  	s29 =	spop @!p0 (v2sf);
	v6 =	vld @!p0 [tilespmem:s28+$0x3800]  }
0xcf: {  	s28 =	sand.u32 @!p0 $0xFFFFFFF0, s29  }
0xd0: {  	s26 =	sand.u32 @!p0 $0xF, s26;
	v7 =	vld @!p0 [tilespmem:s28+$0x7000]  }
0xd1: {  	v8 =	vmov @!p0 s26  }
0xd2: {  	s26 =	sand.u32 @!p0 $0xF, s29;
	vm0 =	veq.s32 @!p0 v8, v2  }
0xd3: {  	(v2sf) =	vpush @!p0 v4, $0xF;
	v8 =	vmov @!p0 s26;
	v6 =	vnsel @!p0 vm0, $0x0, v6  }
0xd4: {  	vm0 =	veq.s32 @!p0 v8, v2;
	v4 =	vadd.f32 @!p0 v6, v5  }
0xd5: {  	(v2sf) =	vpush @!p0 v3, $0xF;
	v5 =	vnsel @!p0 vm0, $0x0, v7  }
0xd6: {  	v3 =	vsub.f32 @!p0 v4, v5  }
0xd7: {  	s26 =	spop @!p0 (v2sf)  }
0xd8: {  	s28 =	sand.u32 @!p0 $0xFFFFFFF0, s26;
	[tilespmem:$0x13C00] =	vst @!p0 v3  }
0xd9: {  	s29 =	spop @!p0 (v2sf);
	v4 =	vld @!p0 [tilespmem:s28+$0x3800]  }
0xda: {  	s28 =	sand.u32 @!p0 $0xFFFFFFF0, s29  }
0xdb: {  	s26 =	sand.u32 @!p0 $0xF, s26;
	v5 =	vld @!p0 [tilespmem:s28+$0x7400]  }
0xdc: {  	v6 =	vmov @!p0 s26  }
0xdd: {  	s26 =	sand.u32 @!p0 $0xF, s29;
	vm0 =	veq.s32 @!p0 v6, v2  }
0xde: {  	v6 =	vmov @!p0 s26;
	v4 =	vnsel @!p0 vm0, $0x0, v4  }
0xdf: {  	vm0 =	veq.s32 @!p0 v6, v2;
	v3 =	vadd.f32 @!p0 v4, v3  }
0xe0: {  	v4 =	vnsel @!p0 vm0, $0x0, v5  }
0xe1: {  	v3 =	vsub.f32 @!p0 v3, v4  }
0xe2: {  	s26 =	spop @!p0 (v2sf)  }
0xe3: {  	s28 =	sand.u32 @!p0 $0xFFFFFFF0, s26;
	[tilespmem:$0x13C00] =	vst @!p0 v3  }
0xe4: {  	s29 =	spop @!p0 (v2sf);
	v4 =	vld @!p0 [tilespmem:s28+$0x3800]  }
0xe5: {  	s28 =	sand.u32 @!p0 $0xFFFFFFF0, s29  }
0xe6: {  	s26 =	sand.u32 @!p0 $0xF, s26;
	v5 =	vld @!p0 [tilespmem:s28+$0x7800]  }
0xe7: {  	v6 =	vmov @!p0 s26  }
0xe8: {  	s26 =	sand.u32 @!p0 $0xF, s29;
	vm0 =	veq.s32 @!p0 v6, v2  }
0xe9: {  	v6 =	vmov @!p0 s26;
	v4 =	vnsel @!p0 vm0, $0x0, v4  }
0xea: {  	vm0 =	veq.s32 @!p0 v6, v2;
	v3 =	vadd.f32 @!p0 v4, v3  }
0xeb: {  	v4 =	vnsel @!p0 vm0, $0x0, v5  }
0xec: {  	v5 =	vsub.f32 @!p0 v3, v4;
	_ =	sdelay $0x1  }
0xed: {  	[tilespmem:$0x13C00] =	vst @!p0 v5  }
0xee: {  	v4 =	vld @!p0 [tilespmem:s25+$0x10];
	_ =	sdelay $0x1  }
0xef: {  	v3 =	vld @!p0 [tilespmem:s25+$0x1C10];
	_ =	sdelay $0x2  }
0xf0: {  	(v2sf) =	vpush @!p0 v4, $0x0;
	_ =	sdelay $0x1  }
0xf1: {  	(v2sf) =	vpush @!p0 v3, $0x0;
	_ =	sdelay $0x8  }
0xf2: {  	(v2sf) =	vpush @!p0 v4, $0x1;
	_ =	sdelay $0x1  }
0xf3: {  	(v2sf) =	vpush @!p0 v3, $0x1;
	_ =	sdelay $0x1  }
0xf4: {  	s25 =	spop @!p0 (v2sf)  }
0xf5: {  	s26 =	sand.u32 @!p0 $0xFFFFFFF0, s25  }
0xf6: {  	s28 =	spop @!p0 (v2sf);
	v6 =	vld @!p0 [tilespmem:s26+$0x3800]  }
0xf7: {  	s26 =	sand.u32 @!p0 $0xFFFFFFF0, s28  }
0xf8: {  	s25 =	sand.u32 @!p0 $0xF, s25;
	v7 =	vld @!p0 [tilespmem:s26+$0x7C00]  }
0xf9: {  	v8 =	vmov @!p0 s25  }
0xfa: {  	s25 =	sand.u32 @!p0 $0xF, s28;
	vm0 =	veq.s32 @!p0 v8, v2  }
0xfb: {  	(v2sf) =	vpush @!p0 v4, $0x2;
	v8 =	vmov @!p0 s25;
	v6 =	vnsel @!p0 vm0, $0x0, v6  }
0xfc: {  	vm0 =	veq.s32 @!p0 v8, v2;
	v5 =	vadd.f32 @!p0 v6, v5  }
0xfd: {  	(v2sf) =	vpush @!p0 v3, $0x2;
	v6 =	vnsel @!p0 vm0, $0x0, v7  }
0xfe: {  	v5 =	vsub.f32 @!p0 v5, v6  }
0xff: {  	s25 =	spop @!p0 (v2sf)  }
0x100: {  	s26 =	sand.u32 @!p0 $0xFFFFFFF0, s25;
	[tilespmem:$0x13C00] =	vst @!p0 v5  }
0x101: {  	s28 =	spop @!p0 (v2sf);
	v6 =	vld @!p0 [tilespmem:s26+$0x3800]  }
0x102: {  	s26 =	sand.u32 @!p0 $0xFFFFFFF0, s28  }
0x103: {  	s25 =	sand.u32 @!p0 $0xF, s25;
	v7 =	vld @!p0 [tilespmem:s26+$0x8000]  }
0x104: {  	v8 =	vmov @!p0 s25  }
0x105: {  	s25 =	sand.u32 @!p0 $0xF, s28;
	vm0 =	veq.s32 @!p0 v8, v2  }
0x106: {  	(v2sf) =	vpush @!p0 v4, $0x3;
	v8 =	vmov @!p0 s25;
	v6 =	vnsel @!p0 vm0, $0x0, v6  }
0x107: {  	vm0 =	veq.s32 @!p0 v8, v2;
	v5 =	vadd.f32 @!p0 v5, v6  }
0x108: {  	(v2sf) =	vpush @!p0 v3, $0x3;
	v6 =	vnsel @!p0 vm0, $0x0, v7  }
0x109: {  	v5 =	vsub.f32 @!p0 v5, v6  }
0x10a: {  	s25 =	spop @!p0 (v2sf)  }
0x10b: {  	s26 =	sand.u32 @!p0 $0xFFFFFFF0, s25;
	[tilespmem:$0x13C00] =	vst @!p0 v5  }
0x10c: {  	s28 =	spop @!p0 (v2sf);
	v6 =	vld @!p0 [tilespmem:s26+$0x3800]  }
0x10d: {  	s26 =	sand.u32 @!p0 $0xFFFFFFF0, s28  }
0x10e: {  	s25 =	sand.u32 @!p0 $0xF, s25;
	v7 =	vld @!p0 [tilespmem:s26+$0x8400]  }
0x10f: {  	v8 =	vmov @!p0 s25  }
0x110: {  	s25 =	sand.u32 @!p0 $0xF, s28;
	vm0 =	veq.s32 @!p0 v8, v2  }
0x111: {  	(v2sf) =	vpush @!p0 v4, $0x4;
	v8 =	vmov @!p0 s25;
	v6 =	vnsel @!p0 vm0, $0x0, v6  }
0x112: {  	vm0 =	veq.s32 @!p0 v8, v2;
	v5 =	vadd.f32 @!p0 v5, v6  }
0x113: {  	(v2sf) =	vpush @!p0 v3, $0x4;
	v6 =	vnsel @!p0 vm0, $0x0, v7  }
0x114: {  	v5 =	vsub.f32 @!p0 v5, v6  }
0x115: {  	s25 =	spop @!p0 (v2sf)  }
0x116: {  	s26 =	sand.u32 @!p0 $0xFFFFFFF0, s25;
	[tilespmem:$0x13C00] =	vst @!p0 v5  }
0x117: {  	s28 =	spop @!p0 (v2sf);
	v6 =	vld @!p0 [tilespmem:s26+$0x3800]  }
0x118: {  	s26 =	sand.u32 @!p0 $0xFFFFFFF0, s28  }
0x119: {  	s25 =	sand.u32 @!p0 $0xF, s25;
	v7 =	vld @!p0 [tilespmem:s26+$0x8800]  }
0x11a: {  	v8 =	vmov @!p0 s25  }
0x11b: {  	s25 =	sand.u32 @!p0 $0xF, s28;
	vm0 =	veq.s32 @!p0 v8, v2  }
0x11c: {  	(v2sf) =	vpush @!p0 v4, $0x5;
	v8 =	vmov @!p0 s25;
	v6 =	vnsel @!p0 vm0, $0x0, v6  }
0x11d: {  	vm0 =	veq.s32 @!p0 v8, v2;
	v5 =	vadd.f32 @!p0 v6, v5  }
0x11e: {  	(v2sf) =	vpush @!p0 v3, $0x5;
	v6 =	vnsel @!p0 vm0, $0x0, v7  }
0x11f: {  	v5 =	vsub.f32 @!p0 v5, v6  }
0x120: {  	s25 =	spop @!p0 (v2sf)  }
0x121: {  	s26 =	sand.u32 @!p0 $0xFFFFFFF0, s25;
	[tilespmem:$0x13C00] =	vst @!p0 v5  }
0x122: {  	s28 =	spop @!p0 (v2sf);
	v6 =	vld @!p0 [tilespmem:s26+$0x3800]  }
0x123: {  	s26 =	sand.u32 @!p0 $0xFFFFFFF0, s28  }
0x124: {  	s25 =	sand.u32 @!p0 $0xF, s25;
	v7 =	vld @!p0 [tilespmem:s26+$0x8C00]  }
0x125: {  	v8 =	vmov @!p0 s25  }
0x126: {  	s25 =	sand.u32 @!p0 $0xF, s28;
	vm0 =	veq.s32 @!p0 v8, v2  }
0x127: {  	(v2sf) =	vpush @!p0 v4, $0x6;
	v8 =	vmov @!p0 s25;
	v6 =	vnsel @!p0 vm0, $0x0, v6  }
0x128: {  	vm0 =	veq.s32 @!p0 v8, v2;
	v5 =	vadd.f32 @!p0 v6, v5  }
0x129: {  	(v2sf) =	vpush @!p0 v3, $0x6;
	v6 =	vnsel @!p0 vm0, $0x0, v7  }
0x12a: {  	v5 =	vsub.f32 @!p0 v5, v6  }
0x12b: {  	s25 =	spop @!p0 (v2sf)  }
0x12c: {  	s26 =	sand.u32 @!p0 $0xFFFFFFF0, s25;
	[tilespmem:$0x13C00] =	vst @!p0 v5  }
0x12d: {  	s28 =	spop @!p0 (v2sf);
	v6 =	vld @!p0 [tilespmem:s26+$0x3800]  }
0x12e: {  	s26 =	sand.u32 @!p0 $0xFFFFFFF0, s28  }
0x12f: {  	s25 =	sand.u32 @!p0 $0xF, s25;
	v7 =	vld @!p0 [tilespmem:s26+$0x9000]  }
0x130: {  	v8 =	vmov @!p0 s25  }
0x131: {  	s25 =	sand.u32 @!p0 $0xF, s28;
	vm0 =	veq.s32 @!p0 v8, v2  }
0x132: {  	(v2sf) =	vpush @!p0 v4, $0x7;
	v8 =	vmov @!p0 s25;
	v6 =	vnsel @!p0 vm0, $0x0, v6  }
0x133: {  	vm0 =	veq.s32 @!p0 v8, v2;
	v5 =	vadd.f32 @!p0 v6, v5  }
0x134: {  	(v2sf) =	vpush @!p0 v3, $0x7;
	v6 =	vnsel @!p0 vm0, $0x0, v7  }
0x135: {  	v5 =	vsub.f32 @!p0 v5, v6  }
0x136: {  	s25 =	spop @!p0 (v2sf)  }
0x137: {  	s26 =	sand.u32 @!p0 $0xFFFFFFF0, s25;
	[tilespmem:$0x13C00] =	vst @!p0 v5  }
0x138: {  	s28 =	spop @!p0 (v2sf);
	v6 =	vld @!p0 [tilespmem:s26+$0x3800]  }
0x139: {  	s26 =	sand.u32 @!p0 $0xFFFFFFF0, s28  }
0x13a: {  	s25 =	sand.u32 @!p0 $0xF, s25;
	v7 =	vld @!p0 [tilespmem:s26+$0x9400]  }
0x13b: {  	v8 =	vmov @!p0 s25  }
0x13c: {  	s25 =	sand.u32 @!p0 $0xF, s28;
	vm0 =	veq.s32 @!p0 v8, v2  }
0x13d: {  	(v2sf) =	vpush @!p0 v4, $0x8;
	v8 =	vmov @!p0 s25;
	v6 =	vnsel @!p0 vm0, $0x0, v6  }
0x13e: {  	vm0 =	veq.s32 @!p0 v8, v2;
	v5 =	vadd.f32 @!p0 v6, v5  }
0x13f: {  	(v2sf) =	vpush @!p0 v3, $0x8;
	v6 =	vnsel @!p0 vm0, $0x0, v7  }
0x140: {  	v5 =	vsub.f32 @!p0 v5, v6  }
0x141: {  	s25 =	spop @!p0 (v2sf)  }
0x142: {  	s26 =	sand.u32 @!p0 $0xFFFFFFF0, s25;
	[tilespmem:$0x13C00] =	vst @!p0 v5  }
0x143: {  	s28 =	spop @!p0 (v2sf);
	v6 =	vld @!p0 [tilespmem:s26+$0x3800]  }
0x144: {  	s26 =	sand.u32 @!p0 $0xFFFFFFF0, s28  }
0x145: {  	s25 =	sand.u32 @!p0 $0xF, s25;
	v7 =	vld @!p0 [tilespmem:s26+$0x9800]  }
0x146: {  	v8 =	vmov @!p0 s25  }
0x147: {  	s25 =	sand.u32 @!p0 $0xF, s28;
	vm0 =	veq.s32 @!p0 v8, v2  }
0x148: {  	(v2sf) =	vpush @!p0 v4, $0x9;
	v8 =	vmov @!p0 s25;
	v6 =	vnsel @!p0 vm0, $0x0, v6  }
0x149: {  	vm0 =	veq.s32 @!p0 v8, v2;
	v5 =	vadd.f32 @!p0 v6, v5  }
0x14a: {  	(v2sf) =	vpush @!p0 v3, $0x9;
	v6 =	vnsel @!p0 vm0, $0x0, v7  }
0x14b: {  	v5 =	vsub.f32 @!p0 v5, v6  }
0x14c: {  	s25 =	spop @!p0 (v2sf)  }
0x14d: {  	s26 =	sand.u32 @!p0 $0xFFFFFFF0, s25;
	[tilespmem:$0x13C00] =	vst @!p0 v5  }
0x14e: {  	s28 =	spop @!p0 (v2sf);
	v6 =	vld @!p0 [tilespmem:s26+$0x3800]  }
0x14f: {  	s26 =	sand.u32 @!p0 $0xFFFFFFF0, s28  }
0x150: {  	s25 =	sand.u32 @!p0 $0xF, s25;
	v7 =	vld @!p0 [tilespmem:s26+$0x9C00]  }
0x151: {  	v8 =	vmov @!p0 s25  }
0x152: {  	s25 =	sand.u32 @!p0 $0xF, s28;
	vm0 =	veq.s32 @!p0 v8, v2  }
0x153: {  	(v2sf) =	vpush @!p0 v4, $0xA;
	v8 =	vmov @!p0 s25;
	v6 =	vnsel @!p0 vm0, $0x0, v6  }
0x154: {  	vm0 =	veq.s32 @!p0 v8, v2;
	v5 =	vadd.f32 @!p0 v6, v5  }
0x155: {  	(v2sf) =	vpush @!p0 v3, $0xA;
	v6 =	vnsel @!p0 vm0, $0x0, v7  }
0x156: {  	v5 =	vsub.f32 @!p0 v5, v6  }
0x157: {  	s25 =	spop @!p0 (v2sf)  }
0x158: {  	s26 =	sand.u32 @!p0 $0xFFFFFFF0, s25;
	[tilespmem:$0x13C00] =	vst @!p0 v5  }
0x159: {  	s28 =	spop @!p0 (v2sf);
	v6 =	vld @!p0 [tilespmem:s26+$0x3800]  }
0x15a: {  	s26 =	sand.u32 @!p0 $0xFFFFFFF0, s28  }
0x15b: {  	s25 =	sand.u32 @!p0 $0xF, s25;
	v7 =	vld @!p0 [tilespmem:s26+$0xA000]  }
0x15c: {  	v8 =	vmov @!p0 s25  }
0x15d: {  	s25 =	sand.u32 @!p0 $0xF, s28;
	vm0 =	veq.s32 @!p0 v8, v2  }
0x15e: {  	(v2sf) =	vpush @!p0 v4, $0xB;
	v8 =	vmov @!p0 s25;
	v6 =	vnsel @!p0 vm0, $0x0, v6  }
0x15f: {  	vm0 =	veq.s32 @!p0 v8, v2;
	v5 =	vadd.f32 @!p0 v6, v5  }
0x160: {  	(v2sf) =	vpush @!p0 v3, $0xB;
	v6 =	vnsel @!p0 vm0, $0x0, v7  }
0x161: {  	v5 =	vsub.f32 @!p0 v5, v6  }
0x162: {  	s25 =	spop @!p0 (v2sf)  }
0x163: {  	s26 =	sand.u32 @!p0 $0xFFFFFFF0, s25;
	[tilespmem:$0x13C00] =	vst @!p0 v5  }
0x164: {  	s28 =	spop @!p0 (v2sf);
	v6 =	vld @!p0 [tilespmem:s26+$0x3800]  }
0x165: {  	s26 =	sand.u32 @!p0 $0xFFFFFFF0, s28  }
0x166: {  	s25 =	sand.u32 @!p0 $0xF, s25;
	v7 =	vld @!p0 [tilespmem:s26+$0xA400]  }
0x167: {  	v8 =	vmov @!p0 s25  }
0x168: {  	s25 =	sand.u32 @!p0 $0xF, s28;
	vm0 =	veq.s32 @!p0 v8, v2  }
0x169: {  	(v2sf) =	vpush @!p0 v4, $0xC;
	v8 =	vmov @!p0 s25;
	v6 =	vnsel @!p0 vm0, $0x0, v6  }
0x16a: {  	vm0 =	veq.s32 @!p0 v8, v2;
	v5 =	vadd.f32 @!p0 v6, v5  }
0x16b: {  	(v2sf) =	vpush @!p0 v3, $0xC;
	v6 =	vnsel @!p0 vm0, $0x0, v7  }
0x16c: {  	v5 =	vsub.f32 @!p0 v5, v6  }
0x16d: {  	s25 =	spop @!p0 (v2sf)  }
0x16e: {  	s26 =	sand.u32 @!p0 $0xFFFFFFF0, s25;
	[tilespmem:$0x13C00] =	vst @!p0 v5  }
0x16f: {  	s28 =	spop @!p0 (v2sf);
	v6 =	vld @!p0 [tilespmem:s26+$0x3800]  }
0x170: {  	s26 =	sand.u32 @!p0 $0xFFFFFFF0, s28  }
0x171: {  	s25 =	sand.u32 @!p0 $0xF, s25;
	v7 =	vld @!p0 [tilespmem:s26+$0xA800]  }
0x172: {  	v8 =	vmov @!p0 s25  }
0x173: {  	s25 =	sand.u32 @!p0 $0xF, s28;
	vm0 =	veq.s32 @!p0 v8, v2  }
0x174: {  	(v2sf) =	vpush @!p0 v4, $0xD;
	v8 =	vmov @!p0 s25;
	v6 =	vnsel @!p0 vm0, $0x0, v6  }
0x175: {  	vm0 =	veq.s32 @!p0 v8, v2;
	v5 =	vadd.f32 @!p0 v6, v5  }
0x176: {  	(v2sf) =	vpush @!p0 v3, $0xD;
	v6 =	vnsel @!p0 vm0, $0x0, v7  }
0x177: {  	v5 =	vsub.f32 @!p0 v5, v6  }
0x178: {  	s25 =	spop @!p0 (v2sf)  }
0x179: {  	s26 =	sand.u32 @!p0 $0xFFFFFFF0, s25;
	[tilespmem:$0x13C00] =	vst @!p0 v5  }
0x17a: {  	s28 =	spop @!p0 (v2sf);
	v6 =	vld @!p0 [tilespmem:s26+$0x3800]  }
0x17b: {  	s26 =	sand.u32 @!p0 $0xFFFFFFF0, s28  }
0x17c: {  	s25 =	sand.u32 @!p0 $0xF, s25;
	v7 =	vld @!p0 [tilespmem:s26+$0xAC00]  }
0x17d: {  	v8 =	vmov @!p0 s25  }
0x17e: {  	s25 =	sand.u32 @!p0 $0xF, s28;
	vm0 =	veq.s32 @!p0 v8, v2  }
0x17f: {  	(v2sf) =	vpush @!p0 v4, $0xE;
	v8 =	vmov @!p0 s25;
	v6 =	vnsel @!p0 vm0, $0x0, v6  }
0x180: {  	vm0 =	veq.s32 @!p0 v8, v2;
	v5 =	vadd.f32 @!p0 v6, v5  }
0x181: {  	(v2sf) =	vpush @!p0 v3, $0xE;
	v6 =	vnsel @!p0 vm0, $0x0, v7  }
0x182: {  	v5 =	vsub.f32 @!p0 v5, v6  }
0x183: {  	s25 =	spop @!p0 (v2sf)  }
0x184: {  	s26 =	sand.u32 @!p0 $0xFFFFFFF0, s25;
	[tilespmem:$0x13C00] =	vst @!p0 v5  }
0x185: {  	s28 =	spop @!p0 (v2sf);
	v6 =	vld @!p0 [tilespmem:s26+$0x3800]  }
0x186: {  	s26 =	sand.u32 @!p0 $0xFFFFFFF0, s28  }
0x187: {  	s25 =	sand.u32 @!p0 $0xF, s25;
	v7 =	vld @!p0 [tilespmem:s26+$0xB000]  }
0x188: {  	v8 =	vmov @!p0 s25  }
0x189: {  	s25 =	sand.u32 @!p0 $0xF, s28;
	vm0 =	veq.s32 @!p0 v8, v2  }
0x18a: {  	(v2sf) =	vpush @!p0 v4, $0xF;
	v8 =	vmov @!p0 s25;
	v6 =	vnsel @!p0 vm0, $0x0, v6  }
0x18b: {  	vm0 =	veq.s32 @!p0 v8, v2;
	v4 =	vadd.f32 @!p0 v6, v5  }
0x18c: {  	(v2sf) =	vpush @!p0 v3, $0xF;
	v5 =	vnsel @!p0 vm0, $0x0, v7  }
0x18d: {  	v3 =	vsub.f32 @!p0 v4, v5  }
0x18e: {  	s25 =	spop @!p0 (v2sf)  }
0x18f: {  	s26 =	sand.u32 @!p0 $0xFFFFFFF0, s25;
	[tilespmem:$0x13C00] =	vst @!p0 v3  }
0x190: {  	s28 =	spop @!p0 (v2sf);
	v4 =	vld @!p0 [tilespmem:s26+$0x3800]  }
0x191: {  	s26 =	sand.u32 @!p0 $0xFFFFFFF0, s28  }
0x192: {  	s25 =	sand.u32 @!p0 $0xF, s25;
	v5 =	vld @!p0 [tilespmem:s26+$0xB400]  }
0x193: {  	v6 =	vmov @!p0 s25  }
0x194: {  	s25 =	sand.u32 @!p0 $0xF, s28;
	vm0 =	veq.s32 @!p0 v6, v2  }
0x195: {  	v6 =	vmov @!p0 s25;
	v4 =	vnsel @!p0 vm0, $0x0, v4  }
0x196: {  	vm0 =	veq.s32 @!p0 v6, v2;
	v3 =	vadd.f32 @!p0 v4, v3  }
0x197: {  	v4 =	vnsel @!p0 vm0, $0x0, v5  }
0x198: {  	v3 =	vsub.f32 @!p0 v3, v4  }
0x199: {  	s25 =	spop @!p0 (v2sf)  }
0x19a: {  	s26 =	sand.u32 @!p0 $0xFFFFFFF0, s25;
	[tilespmem:$0x13C00] =	vst @!p0 v3  }
0x19b: {  	s28 =	spop @!p0 (v2sf);
	v4 =	vld @!p0 [tilespmem:s26+$0x3800]  }
0x19c: {  	s26 =	sand.u32 @!p0 $0xFFFFFFF0, s28  }
0x19d: {  	s25 =	sand.u32 @!p0 $0xF, s25;
	v5 =	vld @!p0 [tilespmem:s26+$0xB800]  }
0x19e: {  	v6 =	vmov @!p0 s25  }
0x19f: {  	s25 =	sand.u32 @!p0 $0xF, s28;
	vm0 =	veq.s32 @!p0 v6, v2  }
0x1a0: {  	v6 =	vmov @!p0 s25;
	v4 =	vnsel @!p0 vm0, $0x0, v4  }
0x1a1: {  	vm0 =	veq.s32 @!p0 v6, v2;
	v3 =	vadd.f32 @!p0 v4, v3  }
0x1a2: {  	v2 =	vnsel @!p0 vm0, $0x0, v5  }
0x1a3: {  	v2 =	vsub.f32 @!p0 v3, v2;
	_ =	sdelay $0x1  }
0x1a4: {  	p1 =	seq.s32 @!p0 s24, $0x0;
	s25 =	simm.s32 @!p0 $0x0;
	s26 =	simm.s32 @!p0 $0x3C00;
	[tilespmem:$0x13C00] =	vst @!p0 v2  }
0x1a5: {  	[hbm4b:s21+s25] =	stream.linear.scatter @!p0 [tilespmem:s26], [sflag:$0x3], $0x8000, $0x38;
	[tilespmem:$0x13C80] =	vst v63  }
0x1a6: {  	p0 =	por p0, !p1  }
.Ltmp4:
0x1a7: {  	_ = 	snop;
	(pc) =	sbr.rel @!p0 .LBB2_4-.Ltmp4, $1  }
0x1a8: {  	_ =	sdelay $0x3  }
0x1a9: {  	_ =	swait.ge [sflag:s17], $0x8000;
	p0 =	seq.s32 s22, $0x6200  }
0x1aa: {  	[sflag:s17] =	ssyncset.done $0x0;
	s24 =	sshra.s32 @!p0 s22, $0x2;
	s25 =	simm.s32 @!p0 $0x20  }
0x1ab: {  	s26 =	simm.s32 @!p0 $0x3C00;
	[sflag:s17] =	ssyncadd.s32 $0xFFFF8000;
	s24 =	sadd.s32 @!p0 $0x80, s24  }
0x1ac: {  	[tilespmem:s26], [sflag:$0x1] =	stream.indirect.gather @!p0 [hbm4b:s2+s25], $0x400, s24, s25, $0xb8;
	[tilespmem:$0x13C80] =	vst v63  }
0x1ad: {  	_ =	swait.ge [sflag:s18], $0x8000  }
0x1ae: {  	[sflag:s18] =	ssyncset.done $0x0  }
0x1af: {  	s24 =	sshra.s32 s22, $0x2;
	[sflag:s18] =	ssyncadd.s32 $0xFFFF8000  }
0x1b0: {  	v3 =	vld [tilespmem:s24+$0x0];
	_ =	sdelay $0x1  }
0x1b1: {  	v2 =	vld [tilespmem:s24+$0x1C00];
	_ =	sdelay $0x2  }
0x1b2: {  	(v2sf) =	vpush v3, $0x0;
	_ =	sdelay $0x1  }
0x1b3: {  	(v2sf) =	vpush v2, $0x0;
	_ =	sdelay $0x8  }
0x1b4: {  	(v2sf) =	vpush v3, $0x1;
	_ =	sdelay $0x1  }
0x1b5: {  	(v2sf) =	vpush v2, $0x1;
	_ =	sdelay $0x1  }
0x1b6: {  	s29 =	spop (v2sf)  }
0x1b7: {  	s30 =	sand.u32 $0xFFFFFFF0, s29  }
0x1b8: {  	s28 =	spop (v2sf);
	v4 =	vld [tilespmem:s30+$0x3800]  }
0x1b9: {  	v5 =	vld [tilespmem:$0x13C00];
	s31 =	sand.u32 $0xFFFFFFF0, s28  }
0x1ba: {  	s25 =	sand.u32 $0xF, s29;
	v6 =	vld [tilespmem:s31+$0xBC00]  }
0x1bb: {  	v7 =	vmov s25  }
0x1bc: {  	s28 =	sand.u32 $0xF, s28;
	vm0 =	veq.s32 v7, v1  }
0x1bd: {  	(v2sf) =	vpush v3, $0x2;
	v25 =	vmov s28;
	v4 =	vnsel vm0, $0x0, v4  }
0x1be: {  	vm13 =	veq.s32 v25, v1;
	v4 =	vadd.f32 v4, v5  }
0x1bf: {  	(v2sf) =	vpush v2, $0x2;
	v26 =	vnsel vm13, $0x0, v6  }
0x1c0: {  	v4 =	vsub.f32 v4, v26  }
0x1c1: {  	s25 =	spop (v2sf)  }
0x1c2: {  	s29 =	sand.u32 $0xFFFFFFF0, s25;
	[tilespmem:$0x13C00] =	vst v4  }
0x1c3: {  	s30 =	spop (v2sf);
	v27 =	vld [tilespmem:s29+$0x3800]  }
0x1c4: {  	s31 =	sand.u32 $0xFFFFFFF0, s30  }
0x1c5: {  	s25 =	sand.u32 $0xF, s25;
	v28 =	vld [tilespmem:s31+$0xC000]  }
0x1c6: {  	v29 =	vmov s25  }
0x1c7: {  	s28 =	sand.u32 $0xF, s30;
	vm14 =	veq.s32 v29, v1  }
0x1c8: {  	(v2sf) =	vpush v3, $0x3;
	v30 =	vmov s28;
	v5 =	vnsel vm14, $0x0, v27  }
0x1c9: {  	vm15 =	veq.s32 v30, v1;
	v4 =	vadd.f32 v4, v5  }
0x1ca: {  	(v2sf) =	vpush v2, $0x3;
	v31 =	vnsel vm15, $0x0, v28  }
0x1cb: {  	v4 =	vsub.f32 v4, v31  }
0x1cc: {  	s25 =	spop (v2sf)  }
0x1cd: {  	s29 =	sand.u32 $0xFFFFFFF0, s25;
	[tilespmem:$0x13C00] =	vst v4  }
0x1ce: {  	s30 =	spop (v2sf);
	v32 =	vld [tilespmem:s29+$0x3800]  }
0x1cf: {  	s31 =	sand.u32 $0xFFFFFFF0, s30  }
0x1d0: {  	s25 =	sand.u32 $0xF, s25;
	v33 =	vld [tilespmem:s31+$0xC400]  }
0x1d1: {  	v34 =	vmov s25  }
0x1d2: {  	s28 =	sand.u32 $0xF, s30;
	vm4 =	veq.s32 v34, v1  }
0x1d3: {  	(v2sf) =	vpush v3, $0x4;
	v35 =	vmov s28;
	v5 =	vnsel vm4, $0x0, v32  }
0x1d4: {  	vm5 =	veq.s32 v35, v1;
	v4 =	vadd.f32 v5, v4  }
0x1d5: {  	(v2sf) =	vpush v2, $0x4;
	v36 =	vnsel vm5, $0x0, v33  }
0x1d6: {  	v4 =	vsub.f32 v4, v36  }
0x1d7: {  	s25 =	spop (v2sf)  }
0x1d8: {  	s29 =	sand.u32 $0xFFFFFFF0, s25;
	[tilespmem:$0x13C00] =	vst v4  }
0x1d9: {  	s30 =	spop (v2sf);
	v37 =	vld [tilespmem:s29+$0x3800]  }
0x1da: {  	s31 =	sand.u32 $0xFFFFFFF0, s30  }
0x1db: {  	s25 =	sand.u32 $0xF, s25;
	v38 =	vld [tilespmem:s31+$0xC800]  }
0x1dc: {  	v39 =	vmov s25  }
0x1dd: {  	s28 =	sand.u32 $0xF, s30;
	vm6 =	veq.s32 v39, v1  }
0x1de: {  	(v2sf) =	vpush v3, $0x5;
	v40 =	vmov s28;
	v5 =	vnsel vm6, $0x0, v37  }
0x1df: {  	vm7 =	veq.s32 v40, v1;
	v4 =	vadd.f32 v5, v4  }
0x1e0: {  	(v2sf) =	vpush v2, $0x5;
	v41 =	vnsel vm7, $0x0, v38  }
0x1e1: {  	v4 =	vsub.f32 v4, v41  }
0x1e2: {  	s25 =	spop (v2sf)  }
0x1e3: {  	s29 =	sand.u32 $0xFFFFFFF0, s25;
	[tilespmem:$0x13C00] =	vst v4  }
0x1e4: {  	s30 =	spop (v2sf);
	v42 =	vld [tilespmem:s29+$0x3800]  }
0x1e5: {  	s31 =	sand.u32 $0xFFFFFFF0, s30  }
0x1e6: {  	s25 =	sand.u32 $0xF, s25;
	v43 =	vld [tilespmem:s31+$0xCC00]  }
0x1e7: {  	v44 =	vmov s25  }
0x1e8: {  	s28 =	sand.u32 $0xF, s30;
	vm8 =	veq.s32 v44, v1  }
0x1e9: {  	(v2sf) =	vpush v3, $0x6;
	v45 =	vmov s28;
	v5 =	vnsel vm8, $0x0, v42  }
0x1ea: {  	vm9 =	veq.s32 v45, v1;
	v4 =	vadd.f32 v5, v4  }
0x1eb: {  	(v2sf) =	vpush v2, $0x6;
	v46 =	vnsel vm9, $0x0, v43  }
0x1ec: {  	v4 =	vsub.f32 v4, v46  }
0x1ed: {  	s25 =	spop (v2sf)  }
0x1ee: {  	s29 =	sand.u32 $0xFFFFFFF0, s25;
	[tilespmem:$0x13C00] =	vst v4  }
0x1ef: {  	s30 =	spop (v2sf);
	v47 =	vld [tilespmem:s29+$0x3800]  }
0x1f0: {  	s31 =	sand.u32 $0xFFFFFFF0, s30  }
0x1f1: {  	s25 =	sand.u32 $0xF, s25;
	v48 =	vld [tilespmem:s31+$0xD000]  }
0x1f2: {  	v49 =	vmov s25  }
0x1f3: {  	s28 =	sand.u32 $0xF, s30;
	vm10 =	veq.s32 v49, v1  }
0x1f4: {  	(v2sf) =	vpush v3, $0x7;
	v50 =	vmov s28;
	v5 =	vnsel vm10, $0x0, v47  }
0x1f5: {  	vm11 =	veq.s32 v50, v1;
	v4 =	vadd.f32 v5, v4  }
0x1f6: {  	(v2sf) =	vpush v2, $0x7;
	v51 =	vnsel vm11, $0x0, v48  }
0x1f7: {  	v4 =	vsub.f32 v4, v51  }
0x1f8: {  	s25 =	spop (v2sf)  }
0x1f9: {  	s29 =	sand.u32 $0xFFFFFFF0, s25;
	[tilespmem:$0x13C00] =	vst v4  }
0x1fa: {  	s30 =	spop (v2sf);
	v52 =	vld [tilespmem:s29+$0x3800]  }
0x1fb: {  	s31 =	sand.u32 $0xFFFFFFF0, s30  }
0x1fc: {  	s25 =	sand.u32 $0xF, s25;
	v53 =	vld [tilespmem:s31+$0xD400]  }
0x1fd: {  	v54 =	vmov s25  }
0x1fe: {  	s28 =	sand.u32 $0xF, s30;
	vm12 =	veq.s32 v54, v1  }
0x1ff: {  	(v2sf) =	vpush v3, $0x8;
	v55 =	vmov s28;
	v5 =	vnsel vm12, $0x0, v52  }
0x200: {  	vm13 =	veq.s32 v55, v1;
	v4 =	vadd.f32 v5, v4  }
0x201: {  	(v2sf) =	vpush v2, $0x8;
	v56 =	vnsel vm13, $0x0, v53  }
0x202: {  	v4 =	vsub.f32 v4, v56  }
0x203: {  	s25 =	spop (v2sf)  }
0x204: {  	s29 =	sand.u32 $0xFFFFFFF0, s25;
	[tilespmem:$0x13C00] =	vst v4  }
0x205: {  	s30 =	spop (v2sf);
	v57 =	vld [tilespmem:s29+$0x3800]  }
0x206: {  	s31 =	sand.u32 $0xFFFFFFF0, s30  }
0x207: {  	s25 =	sand.u32 $0xF, s25;
	v58 =	vld [tilespmem:s31+$0xD800]  }
0x208: {  	v59 =	vmov s25  }
0x209: {  	s28 =	sand.u32 $0xF, s30;
	vm14 =	veq.s32 v59, v1  }
0x20a: {  	(v2sf) =	vpush v3, $0x9;
	v60 =	vmov s28;
	v5 =	vnsel vm14, $0x0, v57  }
0x20b: {  	vm15 =	veq.s32 v60, v1;
	v4 =	vadd.f32 v5, v4  }
0x20c: {  	(v2sf) =	vpush v2, $0x9;
	v61 =	vnsel vm15, $0x0, v58  }
0x20d: {  	v4 =	vsub.f32 v4, v61  }
0x20e: {  	s25 =	spop (v2sf)  }
0x20f: {  	s29 =	sand.u32 $0xFFFFFFF0, s25;
	[tilespmem:$0x13C00] =	vst v4  }
0x210: {  	s30 =	spop (v2sf);
	v62 =	vld [tilespmem:s29+$0x3800]  }
0x211: {  	s31 =	sand.u32 $0xFFFFFFF0, s30  }
0x212: {  	s25 =	sand.u32 $0xF, s25;
	v63 =	vld [tilespmem:s31+$0xDC00]  }
0x213: {  	v9 =	vmov s25  }
0x214: {  	s28 =	sand.u32 $0xF, s30;
	vm4 =	veq.s32 v9, v1  }
0x215: {  	(v2sf) =	vpush v3, $0xA;
	v10 =	vmov s28;
	v5 =	vnsel vm4, $0x0, v62  }
0x216: {  	vm5 =	veq.s32 v10, v1;
	v4 =	vadd.f32 v5, v4  }
0x217: {  	(v2sf) =	vpush v2, $0xA;
	v11 =	vnsel vm5, $0x0, v63  }
0x218: {  	v4 =	vsub.f32 v4, v11  }
0x219: {  	s25 =	spop (v2sf)  }
0x21a: {  	s29 =	sand.u32 $0xFFFFFFF0, s25;
	[tilespmem:$0x13C00] =	vst v4  }
0x21b: {  	s30 =	spop (v2sf);
	v12 =	vld [tilespmem:s29+$0x3800]  }
0x21c: {  	s31 =	sand.u32 $0xFFFFFFF0, s30  }
0x21d: {  	s25 =	sand.u32 $0xF, s25;
	v13 =	vld [tilespmem:s31+$0xE000]  }
0x21e: {  	v14 =	vmov s25  }
0x21f: {  	s28 =	sand.u32 $0xF, s30;
	vm6 =	veq.s32 v14, v1  }
0x220: {  	(v2sf) =	vpush v3, $0xB;
	v15 =	vmov s28;
	v5 =	vnsel vm6, $0x0, v12  }
0x221: {  	vm7 =	veq.s32 v15, v1;
	v4 =	vadd.f32 v5, v4  }
0x222: {  	(v2sf) =	vpush v2, $0xB;
	v16 =	vnsel vm7, $0x0, v13  }
0x223: {  	v4 =	vsub.f32 v4, v16  }
0x224: {  	s25 =	spop (v2sf)  }
0x225: {  	s29 =	sand.u32 $0xFFFFFFF0, s25;
	[tilespmem:$0x13C00] =	vst v4  }
0x226: {  	s30 =	spop (v2sf);
	v17 =	vld [tilespmem:s29+$0x3800]  }
0x227: {  	s31 =	sand.u32 $0xFFFFFFF0, s30  }
0x228: {  	s25 =	sand.u32 $0xF, s25;
	v18 =	vld [tilespmem:s31+$0xE400]  }
0x229: {  	v19 =	vmov s25  }
0x22a: {  	s28 =	sand.u32 $0xF, s30;
	vm8 =	veq.s32 v19, v1  }
0x22b: {  	(v2sf) =	vpush v3, $0xC;
	v20 =	vmov s28;
	v5 =	vnsel vm8, $0x0, v17  }
0x22c: {  	vm9 =	veq.s32 v20, v1;
	v4 =	vadd.f32 v5, v4  }
0x22d: {  	(v2sf) =	vpush v2, $0xC;
	v21 =	vnsel vm9, $0x0, v18  }
0x22e: {  	v4 =	vsub.f32 v4, v21  }
0x22f: {  	s25 =	spop (v2sf)  }
0x230: {  	s29 =	sand.u32 $0xFFFFFFF0, s25;
	[tilespmem:$0x13C00] =	vst v4  }
0x231: {  	s30 =	spop (v2sf);
	v22 =	vld [tilespmem:s29+$0x3800]  }
0x232: {  	s31 =	sand.u32 $0xFFFFFFF0, s30  }
0x233: {  	s25 =	sand.u32 $0xF, s25;
	v23 =	vld [tilespmem:s31+$0xE800]  }
0x234: {  	v24 =	vmov s25  }
0x235: {  	s28 =	sand.u32 $0xF, s30;
	vm10 =	veq.s32 v24, v1  }
0x236: {  	(v2sf) =	vpush v3, $0xD;
	v25 =	vmov s28;
	v5 =	vnsel vm10, $0x0, v22  }
0x237: {  	vm11 =	veq.s32 v25, v1;
	v4 =	vadd.f32 v5, v4  }
0x238: {  	(v2sf) =	vpush v2, $0xD;
	v26 =	vnsel vm11, $0x0, v23  }
0x239: {  	v4 =	vsub.f32 v4, v26  }
0x23a: {  	s25 =	spop (v2sf)  }
0x23b: {  	s29 =	sand.u32 $0xFFFFFFF0, s25;
	[tilespmem:$0x13C00] =	vst v4  }
0x23c: {  	s30 =	spop (v2sf);
	v27 =	vld [tilespmem:s29+$0x3800]  }
0x23d: {  	s31 =	sand.u32 $0xFFFFFFF0, s30  }
0x23e: {  	s25 =	sand.u32 $0xF, s25;
	v28 =	vld [tilespmem:s31+$0xEC00]  }
0x23f: {  	v29 =	vmov s25  }
0x240: {  	s28 =	sand.u32 $0xF, s30;
	vm12 =	veq.s32 v29, v1  }
0x241: {  	(v2sf) =	vpush v3, $0xE;
	v30 =	vmov s28;
	v5 =	vnsel vm12, $0x0, v27  }
0x242: {  	vm13 =	veq.s32 v30, v1;
	v4 =	vadd.f32 v5, v4  }
0x243: {  	(v2sf) =	vpush v2, $0xE;
	v31 =	vnsel vm13, $0x0, v28  }
0x244: {  	v4 =	vsub.f32 v4, v31  }
0x245: {  	s25 =	spop (v2sf)  }
0x246: {  	s29 =	sand.u32 $0xFFFFFFF0, s25;
	[tilespmem:$0x13C00] =	vst v4  }
0x247: {  	s30 =	spop (v2sf);
	v32 =	vld [tilespmem:s29+$0x3800]  }
0x248: {  	s31 =	sand.u32 $0xFFFFFFF0, s30  }
0x249: {  	s25 =	sand.u32 $0xF, s25;
	v33 =	vld [tilespmem:s31+$0xF000]  }
0x24a: {  	v34 =	vmov s25  }
0x24b: {  	s28 =	sand.u32 $0xF, s30;
	vm14 =	veq.s32 v34, v1  }
0x24c: {  	(v2sf) =	vpush v3, $0xF;
	v35 =	vmov s28;
	v5 =	vnsel vm14, $0x0, v32  }
0x24d: {  	vm15 =	veq.s32 v35, v1;
	v3 =	vadd.f32 v5, v4  }
0x24e: {  	(v2sf) =	vpush v2, $0xF;
	v36 =	vnsel vm15, $0x0, v33  }
0x24f: {  	v2 =	vsub.f32 v3, v36  }
0x250: {  	s25 =	spop (v2sf)  }
0x251: {  	s29 =	sand.u32 $0xFFFFFFF0, s25;
	[tilespmem:$0x13C00] =	vst v2  }
0x252: {  	s30 =	spop (v2sf);
	v3 =	vld [tilespmem:s29+$0x3800]  }
0x253: {  	s31 =	sand.u32 $0xFFFFFFF0, s30  }
0x254: {  	s25 =	sand.u32 $0xF, s25;
	v37 =	vld [tilespmem:s31+$0xF400]  }
0x255: {  	v38 =	vmov s25  }
0x256: {  	s28 =	sand.u32 $0xF, s30;
	vm4 =	veq.s32 v38, v1  }
0x257: {  	v39 =	vmov s28;
	v3 =	vnsel vm4, $0x0, v3  }
0x258: {  	vm5 =	veq.s32 v39, v1;
	v2 =	vadd.f32 v3, v2  }
0x259: {  	v3 =	vnsel vm5, $0x0, v37  }
0x25a: {  	v2 =	vsub.f32 v2, v3  }
0x25b: {  	s25 =	spop (v2sf)  }
0x25c: {  	s29 =	sand.u32 $0xFFFFFFF0, s25;
	[tilespmem:$0x13C00] =	vst v2  }
0x25d: {  	s30 =	spop (v2sf);
	v3 =	vld [tilespmem:s29+$0x3800]  }
0x25e: {  	s31 =	sand.u32 $0xFFFFFFF0, s30  }
0x25f: {  	s25 =	sand.u32 $0xF, s25;
	v40 =	vld [tilespmem:s31+$0xF800]  }
0x260: {  	v41 =	vmov s25  }
0x261: {  	s26 =	sand.u32 $0xF, s30;
	vm6 =	veq.s32 v41, v1  }
0x262: {  	v42 =	vmov s26;
	v3 =	vnsel vm6, $0x0, v3  }
0x263: {  	vm7 =	veq.s32 v42, v1;
	v2 =	vadd.f32 v3, v2  }
0x264: {  	v3 =	vnsel vm7, $0x0, v40  }
0x265: {  	v4 =	vsub.f32 v2, v3;
	_ =	sdelay $0x1  }
0x266: {  	[tilespmem:$0x13C00] =	vst v4  }
0x267: {  	v3 =	vld [tilespmem:s24+$0x10];
	_ =	sdelay $0x1  }
0x268: {  	v2 =	vld [tilespmem:s24+$0x1C10];
	_ =	sdelay $0x2  }
0x269: {  	(v2sf) =	vpush v3, $0x0;
	_ =	sdelay $0x1  }
0x26a: {  	(v2sf) =	vpush v2, $0x0;
	_ =	sdelay $0x8  }
0x26b: {  	(v2sf) =	vpush v3, $0x1;
	_ =	sdelay $0x1  }
0x26c: {  	(v2sf) =	vpush v2, $0x1;
	_ =	sdelay $0x1  }
0x26d: {  	s28 =	spop (v2sf)  }
0x26e: {  	s29 =	sand.u32 $0xFFFFFFF0, s28  }
0x26f: {  	s30 =	spop (v2sf);
	v43 =	vld [tilespmem:s29+$0x3800]  }
0x270: {  	s31 =	sand.u32 $0xFFFFFFF0, s30  }
0x271: {  	s24 =	sand.u32 $0xF, s28;
	v44 =	vld [tilespmem:s31+$0xFC00]  }
0x272: {  	v45 =	vmov s24  }
0x273: {  	s26 =	sand.u32 $0xF, s30;
	vm8 =	veq.s32 v45, v1  }
0x274: {  	(v2sf) =	vpush v3, $0x2;
	v46 =	vmov s26;
	v5 =	vnsel vm8, $0x0, v43  }
0x275: {  	vm9 =	veq.s32 v46, v1;
	v4 =	vadd.f32 v5, v4  }
0x276: {  	(v2sf) =	vpush v2, $0x2;
	v47 =	vnsel vm9, $0x0, v44  }
0x277: {  	v4 =	vsub.f32 v4, v47  }
0x278: {  	s28 =	spop (v2sf)  }
0x279: {  	s29 =	sand.u32 $0xFFFFFFF0, s28;
	[tilespmem:$0x13C00] =	vst v4  }
0x27a: {  	s30 =	spop (v2sf);
	v48 =	vld [tilespmem:s29+$0x3800]  }
0x27b: {  	s31 =	sand.u32 $0xFFFFFFF0, s30  }
0x27c: {  	s24 =	sand.u32 $0xF, s28;
	v49 =	vld [tilespmem:s31+$0x10000]  }
0x27d: {  	v50 =	vmov s24  }
0x27e: {  	s26 =	sand.u32 $0xF, s30;
	vm10 =	veq.s32 v50, v1  }
0x27f: {  	(v2sf) =	vpush v3, $0x3;
	v51 =	vmov s26;
	v5 =	vnsel vm10, $0x0, v48  }
0x280: {  	vm11 =	veq.s32 v51, v1;
	v4 =	vadd.f32 v4, v5  }
0x281: {  	(v2sf) =	vpush v2, $0x3;
	v52 =	vnsel vm11, $0x0, v49  }
0x282: {  	v4 =	vsub.f32 v4, v52  }
0x283: {  	s28 =	spop (v2sf)  }
0x284: {  	s29 =	sand.u32 $0xFFFFFFF0, s28;
	[tilespmem:$0x13C00] =	vst v4  }
0x285: {  	s30 =	spop (v2sf);
	v53 =	vld [tilespmem:s29+$0x3800]  }
0x286: {  	s31 =	sand.u32 $0xFFFFFFF0, s30  }
0x287: {  	s24 =	sand.u32 $0xF, s28;
	v54 =	vld [tilespmem:s31+$0x10400]  }
0x288: {  	v55 =	vmov s24  }
0x289: {  	s26 =	sand.u32 $0xF, s30;
	vm12 =	veq.s32 v55, v1  }
0x28a: {  	(v2sf) =	vpush v3, $0x4;
	v56 =	vmov s26;
	v5 =	vnsel vm12, $0x0, v53  }
0x28b: {  	vm13 =	veq.s32 v56, v1;
	v4 =	vadd.f32 v4, v5  }
0x28c: {  	(v2sf) =	vpush v2, $0x4;
	v57 =	vnsel vm13, $0x0, v54  }
0x28d: {  	v4 =	vsub.f32 v4, v57  }
0x28e: {  	s28 =	spop (v2sf)  }
0x28f: {  	s29 =	sand.u32 $0xFFFFFFF0, s28;
	[tilespmem:$0x13C00] =	vst v4  }
0x290: {  	s30 =	spop (v2sf);
	v58 =	vld [tilespmem:s29+$0x3800]  }
0x291: {  	s31 =	sand.u32 $0xFFFFFFF0, s30  }
0x292: {  	s24 =	sand.u32 $0xF, s28;
	v59 =	vld [tilespmem:s31+$0x10800]  }
0x293: {  	v60 =	vmov s24  }
0x294: {  	s26 =	sand.u32 $0xF, s30;
	vm14 =	veq.s32 v60, v1  }
0x295: {  	(v2sf) =	vpush v3, $0x5;
	v61 =	vmov s26;
	v5 =	vnsel vm14, $0x0, v58  }
0x296: {  	vm15 =	veq.s32 v61, v1;
	v4 =	vadd.f32 v5, v4  }
0x297: {  	(v2sf) =	vpush v2, $0x5;
	v62 =	vnsel vm15, $0x0, v59  }
0x298: {  	v4 =	vsub.f32 v4, v62  }
0x299: {  	s28 =	spop (v2sf)  }
0x29a: {  	s29 =	sand.u32 $0xFFFFFFF0, s28;
	[tilespmem:$0x13C00] =	vst v4  }
0x29b: {  	s30 =	spop (v2sf);
	v63 =	vld [tilespmem:s29+$0x3800]  }
0x29c: {  	s31 =	sand.u32 $0xFFFFFFF0, s30  }
0x29d: {  	s24 =	sand.u32 $0xF, s28;
	v9 =	vld [tilespmem:s31+$0x10C00]  }
0x29e: {  	v10 =	vmov s24  }
0x29f: {  	s26 =	sand.u32 $0xF, s30;
	vm4 =	veq.s32 v10, v1  }
0x2a0: {  	(v2sf) =	vpush v3, $0x6;
	v11 =	vmov s26;
	v5 =	vnsel vm4, $0x0, v63  }
0x2a1: {  	vm5 =	veq.s32 v11, v1;
	v4 =	vadd.f32 v5, v4  }
0x2a2: {  	(v2sf) =	vpush v2, $0x6;
	v12 =	vnsel vm5, $0x0, v9  }
0x2a3: {  	v4 =	vsub.f32 v4, v12  }
0x2a4: {  	s28 =	spop (v2sf)  }
0x2a5: {  	s29 =	sand.u32 $0xFFFFFFF0, s28;
	[tilespmem:$0x13C00] =	vst v4  }
0x2a6: {  	s30 =	spop (v2sf);
	v13 =	vld [tilespmem:s29+$0x3800]  }
0x2a7: {  	s31 =	sand.u32 $0xFFFFFFF0, s30  }
0x2a8: {  	s24 =	sand.u32 $0xF, s28;
	v14 =	vld [tilespmem:s31+$0x11000]  }
0x2a9: {  	v15 =	vmov s24  }
0x2aa: {  	s26 =	sand.u32 $0xF, s30;
	vm6 =	veq.s32 v15, v1  }
0x2ab: {  	(v2sf) =	vpush v3, $0x7;
	v16 =	vmov s26;
	v5 =	vnsel vm6, $0x0, v13  }
0x2ac: {  	vm7 =	veq.s32 v16, v1;
	v4 =	vadd.f32 v5, v4  }
0x2ad: {  	(v2sf) =	vpush v2, $0x7;
	v17 =	vnsel vm7, $0x0, v14  }
0x2ae: {  	v4 =	vsub.f32 v4, v17  }
0x2af: {  	s28 =	spop (v2sf)  }
0x2b0: {  	s29 =	sand.u32 $0xFFFFFFF0, s28;
	[tilespmem:$0x13C00] =	vst v4  }
0x2b1: {  	s30 =	spop (v2sf);
	v18 =	vld [tilespmem:s29+$0x3800]  }
0x2b2: {  	s31 =	sand.u32 $0xFFFFFFF0, s30  }
0x2b3: {  	s24 =	sand.u32 $0xF, s28;
	v19 =	vld [tilespmem:s31+$0x11400]  }
0x2b4: {  	v20 =	vmov s24  }
0x2b5: {  	s26 =	sand.u32 $0xF, s30;
	vm8 =	veq.s32 v20, v1  }
0x2b6: {  	(v2sf) =	vpush v3, $0x8;
	v21 =	vmov s26;
	v5 =	vnsel vm8, $0x0, v18  }
0x2b7: {  	vm9 =	veq.s32 v21, v1;
	v4 =	vadd.f32 v5, v4  }
0x2b8: {  	(v2sf) =	vpush v2, $0x8;
	v22 =	vnsel vm9, $0x0, v19  }
0x2b9: {  	v4 =	vsub.f32 v4, v22  }
0x2ba: {  	s28 =	spop (v2sf)  }
0x2bb: {  	s29 =	sand.u32 $0xFFFFFFF0, s28;
	[tilespmem:$0x13C00] =	vst v4  }
0x2bc: {  	s30 =	spop (v2sf);
	v23 =	vld [tilespmem:s29+$0x3800]  }
0x2bd: {  	s31 =	sand.u32 $0xFFFFFFF0, s30  }
0x2be: {  	s24 =	sand.u32 $0xF, s28;
	v24 =	vld [tilespmem:s31+$0x11800]  }
0x2bf: {  	v25 =	vmov s24  }
0x2c0: {  	s26 =	sand.u32 $0xF, s30;
	vm10 =	veq.s32 v25, v1  }
0x2c1: {  	(v2sf) =	vpush v3, $0x9;
	v26 =	vmov s26;
	v5 =	vnsel vm10, $0x0, v23  }
0x2c2: {  	vm11 =	veq.s32 v26, v1;
	v4 =	vadd.f32 v5, v4  }
0x2c3: {  	(v2sf) =	vpush v2, $0x9;
	v27 =	vnsel vm11, $0x0, v24  }
0x2c4: {  	v4 =	vsub.f32 v4, v27  }
0x2c5: {  	s28 =	spop (v2sf)  }
0x2c6: {  	s29 =	sand.u32 $0xFFFFFFF0, s28;
	[tilespmem:$0x13C00] =	vst v4  }
0x2c7: {  	s30 =	spop (v2sf);
	v28 =	vld [tilespmem:s29+$0x3800]  }
0x2c8: {  	s31 =	sand.u32 $0xFFFFFFF0, s30  }
0x2c9: {  	s24 =	sand.u32 $0xF, s28;
	v29 =	vld [tilespmem:s31+$0x11C00]  }
0x2ca: {  	v30 =	vmov s24  }
0x2cb: {  	s26 =	sand.u32 $0xF, s30;
	vm12 =	veq.s32 v30, v1  }
0x2cc: {  	(v2sf) =	vpush v3, $0xA;
	v31 =	vmov s26;
	v5 =	vnsel vm12, $0x0, v28  }
0x2cd: {  	vm13 =	veq.s32 v31, v1;
	v4 =	vadd.f32 v5, v4  }
0x2ce: {  	(v2sf) =	vpush v2, $0xA;
	v32 =	vnsel vm13, $0x0, v29  }
0x2cf: {  	v4 =	vsub.f32 v4, v32  }
0x2d0: {  	s28 =	spop (v2sf)  }
0x2d1: {  	s29 =	sand.u32 $0xFFFFFFF0, s28;
	[tilespmem:$0x13C00] =	vst v4  }
0x2d2: {  	s30 =	spop (v2sf);
	v33 =	vld [tilespmem:s29+$0x3800]  }
0x2d3: {  	s31 =	sand.u32 $0xFFFFFFF0, s30  }
0x2d4: {  	s24 =	sand.u32 $0xF, s28;
	v34 =	vld [tilespmem:s31+$0x12000]  }
0x2d5: {  	v35 =	vmov s24  }
0x2d6: {  	s26 =	sand.u32 $0xF, s30;
	vm14 =	veq.s32 v35, v1  }
0x2d7: {  	(v2sf) =	vpush v3, $0xB;
	v36 =	vmov s26;
	v5 =	vnsel vm14, $0x0, v33  }
0x2d8: {  	vm15 =	veq.s32 v36, v1;
	v4 =	vadd.f32 v5, v4  }
0x2d9: {  	(v2sf) =	vpush v2, $0xB;
	v37 =	vnsel vm15, $0x0, v34  }
0x2da: {  	v4 =	vsub.f32 v4, v37  }
0x2db: {  	s28 =	spop (v2sf)  }
0x2dc: {  	s29 =	sand.u32 $0xFFFFFFF0, s28;
	[tilespmem:$0x13C00] =	vst v4  }
0x2dd: {  	s30 =	spop (v2sf);
	v38 =	vld [tilespmem:s29+$0x3800]  }
0x2de: {  	s31 =	sand.u32 $0xFFFFFFF0, s30  }
0x2df: {  	s24 =	sand.u32 $0xF, s28;
	v39 =	vld [tilespmem:s31+$0x12400]  }
0x2e0: {  	v40 =	vmov s24  }
0x2e1: {  	s26 =	sand.u32 $0xF, s30;
	vm4 =	veq.s32 v40, v1  }
0x2e2: {  	(v2sf) =	vpush v3, $0xC;
	v41 =	vmov s26;
	v5 =	vnsel vm4, $0x0, v38  }
0x2e3: {  	vm5 =	veq.s32 v41, v1;
	v4 =	vadd.f32 v5, v4  }
0x2e4: {  	(v2sf) =	vpush v2, $0xC;
	v42 =	vnsel vm5, $0x0, v39  }
0x2e5: {  	v4 =	vsub.f32 v4, v42  }
0x2e6: {  	s28 =	spop (v2sf)  }
0x2e7: {  	s29 =	sand.u32 $0xFFFFFFF0, s28;
	[tilespmem:$0x13C00] =	vst v4  }
0x2e8: {  	s30 =	spop (v2sf);
	v43 =	vld [tilespmem:s29+$0x3800]  }
0x2e9: {  	s31 =	sand.u32 $0xFFFFFFF0, s30  }
0x2ea: {  	s24 =	sand.u32 $0xF, s28;
	v44 =	vld [tilespmem:s31+$0x12800]  }
0x2eb: {  	v45 =	vmov s24  }
0x2ec: {  	s26 =	sand.u32 $0xF, s30;
	vm6 =	veq.s32 v45, v1  }
0x2ed: {  	(v2sf) =	vpush v3, $0xD;
	v46 =	vmov s26;
	v5 =	vnsel vm6, $0x0, v43  }
0x2ee: {  	vm7 =	veq.s32 v46, v1;
	v4 =	vadd.f32 v5, v4  }
0x2ef: {  	(v2sf) =	vpush v2, $0xD;
	v47 =	vnsel vm7, $0x0, v44  }
0x2f0: {  	v4 =	vsub.f32 v4, v47  }
0x2f1: {  	s28 =	spop (v2sf)  }
0x2f2: {  	s29 =	sand.u32 $0xFFFFFFF0, s28;
	[tilespmem:$0x13C00] =	vst v4  }
0x2f3: {  	s30 =	spop (v2sf);
	v48 =	vld [tilespmem:s29+$0x3800]  }
0x2f4: {  	s31 =	sand.u32 $0xFFFFFFF0, s30  }
0x2f5: {  	s24 =	sand.u32 $0xF, s28;
	v49 =	vld [tilespmem:s31+$0x12C00]  }
0x2f6: {  	v50 =	vmov s24  }
0x2f7: {  	s26 =	sand.u32 $0xF, s30;
	vm8 =	veq.s32 v50, v1  }
0x2f8: {  	(v2sf) =	vpush v3, $0xE;
	v51 =	vmov s26;
	v5 =	vnsel vm8, $0x0, v48  }
0x2f9: {  	vm9 =	veq.s32 v51, v1;
	v4 =	vadd.f32 v5, v4  }
0x2fa: {  	(v2sf) =	vpush v2, $0xE;
	v52 =	vnsel vm9, $0x0, v49  }
0x2fb: {  	v4 =	vsub.f32 v4, v52  }
0x2fc: {  	s28 =	spop (v2sf)  }
0x2fd: {  	s29 =	sand.u32 $0xFFFFFFF0, s28;
	[tilespmem:$0x13C00] =	vst v4  }
0x2fe: {  	s30 =	spop (v2sf);
	v53 =	vld [tilespmem:s29+$0x3800]  }
0x2ff: {  	s31 =	sand.u32 $0xFFFFFFF0, s30  }
0x300: {  	s24 =	sand.u32 $0xF, s28;
	v54 =	vld [tilespmem:s31+$0x13000]  }
0x301: {  	v55 =	vmov s24  }
0x302: {  	s26 =	sand.u32 $0xF, s30;
	vm10 =	veq.s32 v55, v1  }
0x303: {  	(v2sf) =	vpush v3, $0xF;
	v56 =	vmov s26;
	v5 =	vnsel vm10, $0x0, v53  }
0x304: {  	vm11 =	veq.s32 v56, v1;
	v3 =	vadd.f32 v5, v4  }
0x305: {  	(v2sf) =	vpush v2, $0xF;
	v57 =	vnsel vm11, $0x0, v54  }
0x306: {  	v2 =	vsub.f32 v3, v57  }
0x307: {  	s28 =	spop (v2sf)  }
0x308: {  	s29 =	sand.u32 $0xFFFFFFF0, s28;
	[tilespmem:$0x13C00] =	vst v2  }
0x309: {  	s30 =	spop (v2sf);
	v3 =	vld [tilespmem:s29+$0x3800]  }
0x30a: {  	s31 =	sand.u32 $0xFFFFFFF0, s30  }
0x30b: {  	s24 =	sand.u32 $0xF, s28;
	v58 =	vld [tilespmem:s31+$0x13400]  }
0x30c: {  	v59 =	vmov s24  }
0x30d: {  	s25 =	sand.u32 $0xF, s30;
	vm12 =	veq.s32 v59, v1  }
0x30e: {  	v60 =	vmov s25;
	v3 =	vnsel vm12, $0x0, v3  }
0x30f: {  	vm13 =	veq.s32 v60, v1;
	v2 =	vadd.f32 v3, v2  }
0x310: {  	v3 =	vnsel vm13, $0x0, v58  }
0x311: {  	v2 =	vsub.f32 v2, v3  }
0x312: {  	s26 =	spop (v2sf)  }
0x313: {  	s28 =	sand.u32 $0xFFFFFFF0, s26;
	[tilespmem:$0x13C00] =	vst v2  }
0x314: {  	s29 =	spop (v2sf);
	v3 =	vld [tilespmem:s28+$0x3800]  }
0x315: {  	s30 =	sand.u32 $0xFFFFFFF0, s29  }
0x316: {  	s24 =	sand.u32 $0xF, s26;
	v61 =	vld [tilespmem:s30+$0x13800]  }
0x317: {  	v62 =	vmov s24  }
0x318: {  	vm14 =	veq.s32 v62, v1;
	s31 =	sand.u32 $0xF, s29  }
0x319: {  	v63 =	vmov s31;
	v3 =	vnsel vm14, $0x0, v3  }
0x31a: {  	vm15 =	veq.s32 v63, v1;
	v2 =	vadd.f32 v3, v2  }
.Ltmp5:
0x31b: {  	v3 =	vnsel vm15, $0x0, v61;
	(pc) =	sbr.rel .LBB2_4-.Ltmp5, $3  }
0x31c: {  	v2 =	vsub.f32 v2, v3;
	_ =	sdelay $0x1  }
0x31d: {  	[tilespmem:$0x13C00] =	vst v2  }
0x31e: {  	[hbm4b:s21+s3] =	stream.linear.scatter [tilespmem:s19], [sflag:$0x4], $0x8000, $0x38;
	[tilespmem:$0x13C80] =	vst v63  }
.LBB2_6:
0x31f: {  	_ =	sfence.sel $0x180000  }
0x320: {  	[bflag:$0x0] =	sbarrier.arrive $0xFFFF  }
0x321: {  	p0 =	sne.s32 s0, $0x0;
	_ =	strace $0x90000047  }
0x322: {  	s0 =	sadd.s32 @!p0 $0x100000, s1;
	[bflag:$0x2] =	sbarrier.arrive $0xFFFF  }
0x323: {  	[sflag:s0] =	ssyncadd.tile.s32 @!p0 $0x1;
	_ =	shalt  }
.Lfunc_end2:
_tile_overlayer_lowered:
.L_overlay_start_2:
0x324: {  	(tag) =	ssettag $0x2  }
0x325: {  	s0 =	rddreg [dreg:$0x0];
	s2 =	stileid.u32  }
0x326: {  	s1 =	rddreg [dreg:$0x1];
	p0 =	sne.s32 s2, $0x0  }
0x327: {  	s3 =	rddreg [dreg:$0x2];
	[bflag:$0x3] =	sbarrier.arrive $0xFFFF;
	s2 =	simm.s32 @!p0 $0x1C05  }
0x328: {  	[timem:s3], [sflag:s2] =	dma.local @!p0 [hbm:s0], s1  }
0x329: {  	s0 =	simm.s32 @!p0 $0x5  }
0x32a: {  	_ =	swait.ge @!p0 [sflag:s0], s1  }
0x32b: {  	s1 =	ssub.s32 @!p0 $0x0, s1;
	[sflag:s0] =	ssyncset.done @!p0 $0x0  }
0x32c: {  	[sflag:s0] =	ssyncadd.s32 @!p0 s1  }
0x32d: {  	[bflag:$0x3] =	sbarrier.arrive $0xFFFF  }
0x32e: {  	_ =	shalt  }

// kernel: sparse-core-data-format-call.cloned.1.call-start
scs
called_computation_lowered:
.L_overlay_start_0:
0x0: {  	s2 =	sld [smem:$0x3FD9]  }
0x1: {  	s3 =	sld [smem:$0x3FFE];
	_ =	sdelay $0x1  }
0x2: {  	s1 =	srdreg.scid  }
0x3: {  	s0 =	sand.u32 $0x1, s1  }
0x4: {  	s15 =	sshll.u32 s0, $0xA;
	s2 =	sadd.s32 s3, s2  }
0x5: {  	s2 =	sadd.s32 s2, s15  }
0x6: {  	[smem:$0x3FC5] =	sst s2  }
0x7: {  	_ = 	snop  }
0x8: {  	s2 =	sld [smem:$0x3FD0];
	_ =	sdelay $0x2  }
0x9: {  	s16 =	simm.s32 $0xA;
	s4 =	simm.s32 $0x10  }
0xa: {  	[smem:s4], [sflag:s16] =	dma.local [hbm:s2], $0x1  }
0xb: {  	_ =	swait.eq [sflag:s16], $0x1  }
0xc: {  	[sflag:s16] =	ssyncset.done $0x0  }
0xd: {  	[sflag:s16] =	ssyncadd.s32 $0xFFFFFFFF  }
0xe: {  	s17 =	sld [smem:$0x10];
	(tm) =	ssettm $0x1  }
0xf: {  	s18 =	sld [smem:$0x3FFB];
	_ =	sdelay $0x3  }
0x10: {  	_ =	strace s18  }
0x11: {  	s3 =	sld [smem:$0x3FFC];
	_ =	sdelay $0x3  }
0x12: {  	_ =	strace s3  }
0x13: {  	s3 =	sld [smem:$0x3FFD];
	_ =	sdelay $0x3  }
0x14: {  	_ =	strace s3  }
0x15: {  	_ =	strace $0x8FFFFFFF  }
0x16: {  	s19 =	sld [smem:$0x3FDB];
	_ =	sdelay $0x1  }
0x17: {  	s20 =	simm.s32 $_scs_section_size  }
0x18: {  	s5 =	simm.s32 $_size__tile_overlayer_lowered;
	s6 =	simm.s32 $_tile_overlayer_lowered  }
0x19: {  	s23 =	simm.s32 $0x1BFF;
	s22 =	sshll.u32 s6, $0x1;
	s3 =	sadd.s32 s20, s19  }
0x1a: {  	s7 =	simm.s32 $0x0;
	s21 =	sshll.u32 s5, $0x1;
	s5 =	sadd.s32 s22, s3  }
0x1b: {  	[timem:s7], [sflag:s23] =	dma.local [hbm:s5], s21  }
0x1c: {  	_ =	swait.ge [sflag:s23], s21  }
0x1d: {  	s4 =	ssub.s32 $0x0, s21;
	[sflag:s23] =	ssyncset.done $0x0  }
0x1e: {  	[sflag:s23] =	ssyncadd.s32 s4;
	_ =	sdelay $0x1  }
0x1f: {  	s24 =	simm.s32 $0x1B8B  }
0x20: {  	_ =	swait.ge [sflag:s24], $0x1  }
0x21: {  	[sflag:s24] =	ssyncset.done $0x0  }
0x22: {  	s26 =	simm.s32 $0x1B8E;
	s25 =	sld [smem:$0x3FFE];
	[sflag:s24] =	ssyncadd.s32 $0xFFFFFFFF  }
0x23: {  	s27 =	simm.s32 $execute0_lowered;
	[smem:$0x3FD2] =	sst s26  }
0x24: {  	s5 =	sshll.u32 s27, $0x1;
	_ =	strace $0x80000049;
	[dreg:$0x1] =	wrdreg $0xFFFFFFFF  }
0x25: {  	s28 =	simm.s32 $_size_execute0_lowered;
	s3 =	sadd.s32 s3, s5;
	[dreg:$0x0] =	wrdreg $0x0  }
0x26: {  	s5 =	sshll.u32 s28, $0x1;
	[dreg:$0x2] =	wrdreg s3  }
0x27: {  	[dreg:$0x3] =	wrdreg s5  }
0x28: {  	[dreg:$0x4] =	wrdreg $0xC0  }
0x29: {  	_ =	task [dreg:s7], $0x5FFFF  }
0x2a: {  	[dreg:$0x1] =	wrdreg $0xFFFFFFFF  }
0x2b: {  	[dreg:$0x0] =	wrdreg $0x60  }
0x2c: {  	[dreg:$0x2] =	wrdreg s25  }
0x2d: {  	[dreg:$0x3] =	wrdreg s17  }
0x2e: {  	[dreg:$0x4] =	wrdreg $0x9  }
0x2f: {  	_ =	task.clear_ibuf [dreg:s7], $0x5FFFF;
	_ =	strace $0x90000049  }
0x30: {  	s29 =	simm.s32 $0x9;
	_ =	strace $0x8000004B  }
0x31: {  	_ =	swait.ge [sflag:s29], $0x1  }
0x32: {  	[sflag:s29] =	ssyncadd.s32 $0xFFFFFFFF  }
0x33: {  	_ =	strace $0x9000004B  }
0x34: {  	_ =	sfence  }
0x35: {  	s30 =	sld [smem:$0x0];
	_ =	sdelay $0x2  }
0x36: {  	s31 =	sshll.u32 s1, $0xD;
	s1 =	sshrl.u32 s1, $0x2  }
0x37: {  	s3 =	sand.u32 $0x4000, s31;
	s1 =	sadd.s32 s1, s30  }
0x38: {  	s0 =	sor.u32 s3, s0;
	s1 =	sshll.u32 s1, $0x11  }
0x39: {  	s0 =	sor.u32 s1, s0  }
0x3a: {  	s0 =	sadd.s32 $0x8F2B, s0  }
0x3b: {  	[sflag:s0] =	ssyncadd.remote.s32 $0x1  }
0x3c: {  	_ =	sfence.sel $0xFFFF  }
0x3d: {  	[dreg:$0x0] =	wrdreg $0xFFFFFFFF;
	(pc) =	sbr.abs _section_cstart, $3  }
0x3e: {  	[dreg:$0x1] =	wrdreg $0xFFFFFFFF  }
0x3f: {  	_ =	task.clear_ibuf [dreg:s7], $0x2FFFF;
	_ =	strace $0x9FFFFFFF  }
0x40: {  	(tm) =	ssettm $0x7FFFFFFF  }
0x41: {  	_ =	shalt  }
tec
execute0_lowered:
.L_overlay_start_1:
0x0: {  	(tag) =	ssettag $0x1  }
0x1: {  	s4 =	rddreg [dreg:$0x0]  }
0x2: {  	s0 =	stileid.u32;
	s2 =	rddreg [dreg:$0x1]  }
0x3: {  	s7 =	srdreg.scid;
	s31 =	simm.s32 $0x2;
	s17 =	simm.s32 $0x0  }
0x4: {  	s9 =	simm.s32 $0x2000;
	s19 =	simm.s32 $0x0;
	s18 =	simm.s32 $0x0  }
0x5: {  	s10 =	simm.s32 $0x0;
	s11 =	simm.s32 $0x0;
	s1 =	sshll.u32 s0, $0x7  }
0x6: {  	s12 =	simm.s32 $0x0;
	s14 =	simm.s32 $0x0;
	s3 =	sand.u32 $0x380, s1  }
0x7: {  	s16 =	simm.s32 $0x0;
	s4 =	sadd.s32 $0x64F400, s4;
	s5 =	ssub.s32 $0x400, s3  }
0x8: {  	s8 =	sshll.u32 s0, $0x4;
	s7 =	sshll.u32 s7, $0x8;
	s6 =	sand.u32 $0x380, s5  }
0x9: {  	s1 =	rddreg [dreg:$0x2];
	p0 =	sne.s32 s6, $0x0;
	s6 =	simm.s32 $0x1  }
.Ltmp0:
0xa: {  	s5 =	sshrl.u32 s5, $0xA;
	s6 =	simm.s32 @!p0 $0x0;
	(pc) =	sbr.rel .LBB1_1-.Ltmp0, $4  }
0xb: {  	_ =	strace $0x8000004A;
	s7 =	sor.u32 s8, s7;
	s6 =	sadd.s32 s6, s5  }
0xc: {  	s7 =	sand.u32 $0x180, s7;
	s5 =	simm.s32 $0x1;
	s6 =	smul.u32 $0x64, s6  }
0xd: {  	s15 =	smov.u32 s3;
	s13 =	smov.u32 s7;
	[sflag:s5] =	ssyncpa.u1 $0x0  }
0xe: {  	p0 =	por $0x0, $0x0;
	[sflag:s31] =	ssyncpa.u1 $0x0;
	s8 =	sor.u32 $0x1, s6  }
.LBB1_4:
0xf: {  	s25 =	sshll.u32 s10, $0xA;
	s24 =	sshra.s32 s24, $0x2;
	s26 =	sshll.u32 s12, $0x3  }
0x10: {  	p1 =	sgt.s32 s11, $0x31;
	s27 =	smov.u32 s11;
	s28 =	sshra.s32 s11, $0x1F  }
0x11: {  	p2 =	sgt.s32 s12, $0x380;
	s31 =	sshra.s32 s12, $0x1F;
	s25 =	sand.u32 $0xFFFFE000, s25  }
0x12: {  	s26 =	sand.u32 $0xFFFFFC00, s26;
	s27 =	simm.s32 @!p1 $0x31;
	s28 =	sand.u32 s28, s11  }
0x13: {  	[tilespmem:s22+$0x2040 ss:$0x81] =	vst.msk $0xffff, v4;
	s23 =	sadd.s32 s24, s23;
	s29 =	sadd.s32 s26, s25;
	s25 =	ssub.s32 s27, s28  }
0x14: {  	[tilespmem:s22+$0x2850 ss:$0x81] =	vst.msk $0xffff, v3;
	s27 =	smov.u32 s12;
	s28 =	smov.u32 s10;
	s26 =	sand.u32 s31, s12  }
0x15: {  	[tilespmem:s22+$0x3060 ss:$0x81] =	vst.msk $0xffff, v2;
	s24 =	sshrl.u32 s29, $0xA;
	s30 =	sadd.s32 $0xFFFFFFCF, s25;
	s27 =	simm.s32 @!p2 $0x380  }
0x16: {  	v5 =	vld [tilespmem:s21+$0xFFFFFFD0];
	[tilespmem:s22+$0x0 ss:$0x81] =	vst.msk $0xffff, v1;
	p2 =	sgt.s32 s10, $0x368;
	s29 =	sshra.s32 s10, $0x1F;
	s22 =	ssub.s32 $0x32, s25  }
0x17: {  	v58 =	vld [tilespmem:s21+$0xFFFFFFE0];
	p1 =	sgt.s32 s30, $0x0;
	s28 =	simm.s32 @!p2 $0x368;
	s29 =	sand.u32 s29, s10  }
0x18: {  	v59 =	vld [tilespmem:s21+$0xFFFFFFF0];
	s26 =	ssub.s32 s27, s26;
	s27 =	smulhi.u32 $0x418938, s24;
	s28 =	ssub.s32 s28, s29  }
0x19: {  	v60 =	vld [tilespmem:s21+$0x0];
	s30 =	sadd.s32 $0xFFFFFC80, s26;
	s25 =	ssub.s32 $0x400, s26;
	s22 =	simm.s32 @p1 $0x0  }
0x1a: {  	v61 =	vld [tilespmem:s21+$0x10];
	[tilespmem:s23+$0x3870 ss:$0x81] =	vst.msk $0xffff, v0;
	s29 =	sand.u32 $0x78, s12;
	p2 =	sgt.s32 s30, $0x7F;
	s31 =	sadd.s32 $0xFFFFFC98, s28  }
0x1b: {  	v62 =	vld [tilespmem:s21+$0x20];
	[tilespmem:s23+$0x810 ss:$0x81] =	vst.msk $0xffff, v5;
	s27 =	smul.u32 $0x3E8, s27;
	s30 =	sshll.u32 s10, $0x7;
	s28 =	ssub.s32 $0x3E8, s28  }
0x1c: {  	v63 =	vld [tilespmem:s21+$0xFFFFFFC0];
	[tilespmem:s23+$0x1020 ss:$0x81] =	vst.msk $0xffff, v58;
	s25 =	simm.s32 @p2 $0x0;
	p1 =	sgt.s32 s31, $0x7F;
	s31 =	smul.u32 $0x1F400, s11  }
0x1d: {  	[tilespmem:s23+$0x1830 ss:$0x81] =	vst.msk $0xffff, v59;
	s21 =	sand.u32 $0x380, s30;
	s22 =	smul.u32 s25, s22;
	s28 =	simm.s32 @p1 $0x0  }
0x1e: {  	[tilespmem:s23+$0x2040 ss:$0x81] =	vst.msk $0xffff, v60;
	s21 =	sor.u32 s29, s21;
	s24 =	ssub.s32 s24, s27;
	s29 =	sand.u32 $0x7, s12  }
0x1f: {  	[tilespmem:s23+$0x2850 ss:$0x81] =	vst.msk $0xffff, v61;
	s21 =	sshrl.u32 s21, $0x3;
	s25 =	sadd.s32 s2, s31;
	s22 =	smul.u32 s28, s22  }
0x20: {  	[tilespmem:s23+$0x3060 ss:$0x81] =	vst.msk $0xffff, v62;
	s24 =	sshll.u32 s24, $0x7;
	s30 =	sshll.u32 s29, $0x12;
	s21 =	sadd.s32 s21, s25  }
0x21: {  	[tilespmem:s23+$0x0 ss:$0x81] =	vst.msk $0xffff, v63;
	s31 =	sor.u32 $0x400, s30;
	s21 =	sadd.s32 s24, s21;
	s22 =	sand.u32 $0x3FFFFFFF, s22  }
0x22: {  	[hbm4b:s21+s31] =	stream.strided.scatter [tilespmem:s20], [sflag:$0x2], s22, s9, s31, $0x20;
	[tilespmem:$0x10100] =	vst v63  }
.LBB1_5:
0x23: {  	p1 =	slt.u32 s16, $0x2  }
0x24: {  	p2 =	sgt.s32 @!p1 s19, $0x31  }
0x25: {  	s20 =	smov.u32 s19;
	s21 =	sshra.s32 @!p1 s19, $0x1F;
	p2 =	por !p2, p1  }
0x26: {  	s19 =	sand.u32 @!p1 s21, s19;
	s20 =	simm.s32 @p2 $0x31  }
0x27: {  	p3 =	sgt.s32 @!p1 s17, $0x368;
	s19 =	ssub.s32 @!p1 s20, s19  }
0x28: {  	p4 =	sgt.s32 @!p1 s18, $0x380;
	s22 =	sshra.s32 @!p1 s18, $0x1F;
	s20 =	sadd.s32 @!p1 $0xFFFFFFCF, s19  }
0x29: {  	s21 =	smov.u32 s17;
	p2 =	sgt.s32 @!p1 s20, $0x0;
	s20 =	sshra.s32 @!p1 s17, $0x1F  }
0x2a: {  	p4 =	por !p4, p1;
	s17 =	sand.u32 @!p1 s20, s17;
	s20 =	smov.u32 s18  }
0x2b: {  	p3 =	por !p3, p1;
	s18 =	sand.u32 @!p1 s22, s18;
	s20 =	simm.s32 @p4 $0x380  }
0x2c: {  	s21 =	simm.s32 @p3 $0x368;
	s19 =	ssub.s32 @!p1 $0x32, s19;
	s18 =	ssub.s32 @!p1 s20, s18  }
0x2d: {  	p2 =	por !p2, p1;
	s17 =	ssub.s32 @!p1 s21, s17;
	s21 =	sadd.s32 @!p1 $0xFFFFFC80, s18  }
0x2e: {  	s19 =	simm.s32 @!p2 $0x0;
	p3 =	sgt.s32 @!p1 s21, $0x7F  }
0x2f: {  	s20 =	sadd.s32 @!p1 $0xFFFFFC98, s17;
	s18 =	ssub.s32 @!p1 $0x400, s18;
	p3 =	por !p3, p1  }
0x30: {  	p2 =	sgt.s32 @!p1 s20, $0x7F;
	s20 =	sadd.s32 $0x200, s13;
	s18 =	simm.s32 @!p3 $0x0  }
0x31: {  	p3 =	sgt.s32 s20, $0x3E7;
	s18 =	smul.u32 @!p1 s18, s19;
	s19 =	simm.s32 $0x1  }
0x32: {  	s17 =	ssub.s32 @!p1 $0x3E8, s17;
	p2 =	por !p2, p1;
	s19 =	simm.s32 @!p3 $0x0  }
0x33: {  	s22 =	smov.u32 s15;
	s17 =	simm.s32 @!p2 $0x0;
	s21 =	sadd.s32 s19, s14  }
0x34: {  	s17 =	smul.u32 @!p1 s17, s18;
	s18 =	sadd.s32 $0x400, s15;
	p2 =	sgt.s32 s21, $0x31  }
0x35: {  	p0 =	por !p0, !p0;
	s23 =	simm.s32 @!p1 $0x2;
	s22 =	smov.u32 @p2 s18  }
0x36: {  	s20 =	smov.u32 @p3 s7;
	s21 =	simm.s32 @p2 $0x0;
	p2 =	sgt.s32 s22, $0x3FF  }
0x37: {  	s19 =	smov.u32 s11;
	s22 =	smov.u32 @p2 s3;
	p2 =	sne.s32 s16, s8  }
.Ltmp1:
0x38: {  	s11 =	smov.u32 s14;
	s17 =	sand.u32 @!p1 $0x3FFFFFFF, s17;
	(pc) =	sbr.rel @!p2 .LBB1_6-.Ltmp1, $4  }
0x39: {  	s18 =	smov.u32 s12;
	s12 =	smov.u32 s15;
	_ =	swait.ge @!p1 [sflag:s23], s17  }
0x3a: {  	s24 =	ssub.s32 @!p1 $0x0, s17;
	s17 =	smov.u32 s10;
	s10 =	smov.u32 s13  }
0x3b: {  	s13 =	smov.u32 s20;
	s14 =	smov.u32 s21;
	[sflag:s23] =	ssyncset.done @!p1 $0x0  }
0x3c: {  	s16 =	sadd.s32 $0x1, s16;
	[sflag:s23] =	ssyncadd.s32 @!p1 s24;
	s15 =	smov.u32 s22  }
.LBB1_1:
0x3d: {  	p1 =	sge.u32 s16, s6  }
0x3e: {  	s20 =	sshll.u32 @!p1 s14, $0xA  }
0x3f: {  	s21 =	sshll.u32 @!p1 s13, $0x3;
	s20 =	sand.u32 @!p1 $0xFFFFE000, s20  }
0x40: {  	s20 =	sadd.s32 @!p1 s20, s21  }
0x41: {  	s20 =	sshrl.u32 @!p1 s20, $0xA  }
0x42: {  	s21 =	smulhi.u32 @!p1 $0x4924925, s20  }
0x43: {  	s22 =	sshll.u32 @!p1 s14, $0x7;
	s24 =	smul.u32 @!p1 $0x1C00, s15  }
0x44: {  	s23 =	sand.u32 @!p1 $0x78, s13;
	s22 =	sand.u32 @!p1 $0x380, s22;
	s21 =	smul.u32 @!p1 $0x38, s21  }
0x45: {  	s31 =	sadd.s32 $0xFFFFFFFF, s16;
	s22 =	sor.u32 @!p1 s23, s22;
	s23 =	sadd.s32 @!p1 s4, s24  }
0x46: {  	s22 =	sshrl.u32 @!p1 s22, $0x3;
	s20 =	ssub.s32 @!p1 s20, s21;
	s21 =	sxor.u32 @!p1 $0xFFFFFFFF, s16  }
0x47: {  	s22 =	sadd.s32 @!p1 s22, s23;
	s23 =	sand.u32 @!p1 $0x7, s13;
	s21 =	sshll.u32 @!p1 s21, $0xE  }
0x48: {  	s23 =	sshll.u32 @!p1 s23, $0x12;
	s20 =	sshll.u32 @!p1 s20, $0x7;
	s21 =	sand.u32 @!p1 $0x4000, s21  }
0x49: {  	s20 =	sadd.s32 @!p1 s20, s22;
	s22 =	sor.u32 @!p1 $0x80, s23;
	s23 =	simm.s32 @!p1 $0xE000  }
0x4a: {  	[tilespmem:s21], [sflag:$0x1] =	stream.strided.gather @!p1 [hbm4b:s20+s22], $0x4000, s23, s22, $0x38;
	[tilespmem:$0x10100] =	vst v63  }
0x4b: {  	p1 =	sge.u32 s31, s6  }
.Ltmp2:
0x4c: {  	_ = 	snop;
	(pc) =	sbr.rel @p1 .LBB1_5-.Ltmp2, $1  }
0x4d: {  	_ =	sdelay $0x3  }
0x4e: {  	s20 =	simm.s32 $0x1  }
0x4f: {  	_ =	swait.ge [sflag:s5], $0x4000;
	s20 =	simm.s32 @!p0 $0x0  }
0x50: {  	[sflag:s5] =	ssyncset.done $0x0;
	s21 =	sshll.u32 s20, $0xE  }
0x51: {  	[sflag:s5] =	ssyncadd.s32 $0xFFFFC000;
	s21 =	sor.u32 $0x40, s21  }
0x52: {  	s20 =	smul.u32 $0x10200, s20;
	v0 =	vld [tilespmem:s21+$0x30]  }
0x53: {  	v1 =	vld [tilespmem:s21+$0xFFFFFFD0]  }
0x54: {  	s20 =	sshrl.u32 s20, $0x2;
	v5 =	vld [tilespmem:s21+$0xFFFFFFE0]  }
0x55: {  	v6 =	vld [tilespmem:s21+$0xFFFFFFF0];
	s23 =	sor.u32 $0x8000, s20  }
0x56: {  	s31 =	sand.u32 $0x1, s16;
	v4 =	vld [tilespmem:s21+$0x0];
	s22 =	sadd.s32 $0x0, s23  }
0x57: {  	v3 =	vld [tilespmem:s21+$0x10];
	s20 =	smul.u32 $0x10200, s31;
	[tilespmem:s22+$0x3870 ss:$0x81] =	vst.msk $0xffff, v0  }
0x58: {  	v2 =	vld [tilespmem:s21+$0x20];
	[tilespmem:s22+$0x810 ss:$0x81] =	vst.msk $0xffff, v1  }
0x59: {  	s20 =	sshrl.u32 s20, $0x2;
	v1 =	vld [tilespmem:s21+$0xFFFFFFC0];
	[tilespmem:s22+$0x1020 ss:$0x81] =	vst.msk $0xffff, v5;
	s21 =	sadd.s32 $0x80, s21  }
0x5a: {  	s24 =	simm.s32 $0x4;
	s25 =	simm.s32 $0x8;
	s20 =	sor.u32 $0x8000, s20;
	[tilespmem:s22+$0x1830 ss:$0x81] =	vst.msk $0xffff, v6;
	v0 =	vld [tilespmem:s21+$0x30]  }
.LBB1_3:
0x5b: {  	p1 =	sne.s32 s25, $0x1FC;
	v5 =	vld [tilespmem:s21+$0xFFFFFFD0];
	[tilespmem:s22+$0x2040 ss:$0x81] =	vst.msk $0xffff, v4  }
0x5c: {  	v6 =	vld [tilespmem:s21+$0xFFFFFFE0];
	[tilespmem:s22+$0x2850 ss:$0x81] =	vst.msk $0xffff, v3  }
0x5d: {  	s26 =	sshra.s32 s24, $0x2;
	s24 =	smov.u32 s25;
	v7 =	vld [tilespmem:s21+$0xFFFFFFF0];
	[tilespmem:s22+$0x3060 ss:$0x81] =	vst.msk $0xffff, v2  }
.Ltmp3:
0x5e: {  	v4 =	vld [tilespmem:s21+$0x0];
	[tilespmem:s22+$0x0 ss:$0x81] =	vst.msk $0xffff, v1;
	s22 =	sadd.s32 s26, s23;
	(pc) =	sbr.rel @p1 .LBB1_3-.Ltmp3, $4  }
0x5f: {  	v3 =	vld [tilespmem:s21+$0x10];
	[tilespmem:s22+$0x3870 ss:$0x81] =	vst.msk $0xffff, v0  }
0x60: {  	[tilespmem:s22+$0x810 ss:$0x81] =	vst.msk $0xffff, v5;
	v2 =	vld [tilespmem:s21+$0x20]  }
0x61: {  	v1 =	vld [tilespmem:s21+$0xFFFFFFC0];
	[tilespmem:s22+$0x1020 ss:$0x81] =	vst.msk $0xffff, v6;
	s21 =	sadd.s32 $0x80, s21  }
0x62: {  	s25 =	sadd.s32 $0x4, s25;
	v0 =	vld [tilespmem:s21+$0x30];
	[tilespmem:s22+$0x1830 ss:$0x81] =	vst.msk $0xffff, v7  }
.Ltmp4:
0x63: {  	_ = 	snop;
	(pc) =	sbr.rel .LBB1_4-.Ltmp4, $1  }
0x64: {  	_ =	sdelay $0x3  }
.LBB1_6:
0x65: {  	_ =	sfence.sel $0x180000  }
0x66: {  	s2 =	simm.s32 $0x1;
	[bflag:$0x0] =	sbarrier.arrive $0xFFFF  }
0x67: {  	s31 =	simm.s32 $0x2;
	[sflag:s2] =	ssyncpa.u1 $0x1  }
0x68: {  	[sflag:s31] =	ssyncpa.u1 $0x1  }
0x69: {  	p0 =	sne.s32 s0, $0x0;
	_ =	strace $0x9000004A  }
0x6a: {  	s0 =	sadd.s32 @!p0 $0x100000, s1;
	[bflag:$0x2] =	sbarrier.arrive $0xFFFF  }
0x6b: {  	[sflag:s0] =	ssyncadd.tile.s32 @!p0 $0x1;
	_ =	shalt  }
.Lfunc_end1:
_tile_overlayer_lowered:
.L_overlay_start_2:
0x6c: {  	(tag) =	ssettag $0x2  }
0x6d: {  	s0 =	rddreg [dreg:$0x0];
	s2 =	stileid.u32  }
0x6e: {  	s1 =	rddreg [dreg:$0x1];
	p0 =	sne.s32 s2, $0x0  }
0x6f: {  	s3 =	rddreg [dreg:$0x2];
	[bflag:$0x3] =	sbarrier.arrive $0xFFFF;
	s2 =	simm.s32 @!p0 $0x1C01  }
0x70: {  	[timem:s3], [sflag:s2] =	dma.local @!p0 [hbm:s0], s1  }
0x71: {  	s0 =	simm.s32 @!p0 $0x1  }
0x72: {  	_ =	swait.ge @!p0 [sflag:s0], s1  }
0x73: {  	s1 =	ssub.s32 @!p0 $0x0, s1;
	[sflag:s0] =	ssyncset.done @!p0 $0x0  }
0x74: {  	[sflag:s0] =	ssyncadd.s32 @!p0 s1  }
0x75: {  	[bflag:$0x3] =	sbarrier.arrive $0xFFFF  }
0x76: {  	_ =	shalt  }

</sc_bundles>
